<compile_context>
chip_gen: v7x
topology: tpu7x:2x2x1
jax: 0.10.2.dev20260603
libtpu: 0.0.44.dev20260713+nightly
codegen_flags: <defaults>
</compile_context>

<pallas_src>
import functools

import numpy as np
import jax
import jax.numpy as jnp
from jax import lax
from jax.experimental import pallas as pl
from jax.experimental.pallas import tpu as pltpu
from jax.experimental.pallas import tpu_sc as plsc

N = 10000
E = 320000
D_IN = 128
DH = 64
G = 64
K = 5000

NW = 32
C = 128
CH0 = 128
CH1 = 32
CPOOL = 16 * CH0 + 15 * CH1 + CH0
EPAD = CPOOL * C
NPAD = 10112
RPW = NPAD // 16
RING = 4
FIRE = 2
INT_MIN = np.int32(-(2 ** 31))


def _sc_body(val, srcr, dstr, zer, out, idx_s, idx_d, ring, acc,
             gsem, ssem, zer8=None, ones8=None, deg=None, ones_v=None,
             dacc=None, dsem=None):
    c = lax.axis_index("c")
    s = lax.axis_index("s")
    my_ch = jnp.where(c == 0, CH0, CH1)
    start = jnp.where(c == 0, s * CH0, 16 * CH0 + s * CH1)
    pltpu.sync_copy(srcr.at[pl.ds(start, CH0)], idx_s)
    pltpu.sync_copy(dstr.at[pl.ds(start, CH0)], idx_d)
    for b in range(FIRE):
        pltpu.async_copy(val.at[idx_s.at[b]], ring.at[b], gsem.at[b])
    pltpu.sync_copy(zer.at[pl.ds(s * RPW, RPW)], acc.at[pl.ds(s * RPW, RPW)])
    if dacc is not None:
        pltpu.sync_copy(zer8.at[pl.ds(s * RPW, RPW)], dacc.at[pl.ds(s * RPW, RPW)])
        pltpu.sync_copy(ones8, ones_v)
    plsc.subcore_barrier()

    @pl.loop(0, my_ch, step=RING)
    def _outer(jo):
        for b in range(RING):
            j = jo + b
            pltpu.make_async_copy(val.at[idx_s.at[j]], ring.at[b], gsem.at[b]).wait()
            pltpu.async_copy(ring.at[b], acc.at[idx_d.at[j]], ssem.at[b], add=True)
            if dacc is not None:
                pltpu.async_copy(ones_v, dacc.at[idx_d.at[j]], dsem.at[b], add=True)
            fj = j + FIRE
            bf = (b + FIRE) % RING

            @pl.when((fj >= RING) & (fj < my_ch))
            def _drain():
                pj = fj - RING
                pltpu.make_async_copy(ring.at[bf], acc.at[idx_d.at[pj]],
                                      ssem.at[bf]).wait()
                if dacc is not None:
                    pltpu.make_async_copy(ones_v, dacc.at[idx_d.at[pj]],
                                          dsem.at[bf]).wait()

            @pl.when(fj < my_ch)
            def _fire():
                pltpu.async_copy(val.at[idx_s.at[fj]], ring.at[bf], gsem.at[bf])

    for b in range(RING):
        q = my_ch - RING + b
        pltpu.make_async_copy(ring.at[b], acc.at[idx_d.at[q]], ssem.at[b]).wait()
        if dacc is not None:
            pltpu.make_async_copy(ones_v, dacc.at[idx_d.at[q]], dsem.at[b]).wait()

    plsc.subcore_barrier()
    pltpu.sync_copy(acc.at[pl.ds(s * RPW, RPW)], out.at[c, pl.ds(s * RPW, RPW)])
    if dacc is not None:
        pltpu.sync_copy(dacc.at[pl.ds(s * RPW, RPW)], deg.at[c, pl.ds(s * RPW, RPW)])


@functools.cache
def _make_sc_segsum(D, with_deg):
    mesh = plsc.VectorSubcoreMesh(core_axis_name="c", subcore_axis_name="s")
    out_type = jax.ShapeDtypeStruct((2, NPAD, D), jnp.float32)
    scratch = [
        pltpu.VMEM((CH0, C), jnp.int32),
        pltpu.VMEM((CH0, C), jnp.int32),
        pltpu.VMEM((RING, C, D), jnp.float32),
        pltpu.VMEM_SHARED((NPAD, D), jnp.float32),
        pltpu.SemaphoreType.DMA((RING,)),
        pltpu.SemaphoreType.DMA((RING,)),
    ]
    if with_deg:
        out_type = (out_type, jax.ShapeDtypeStruct((2, NPAD, 8), jnp.float32))
        scratch += [
            pltpu.VMEM((C, 8), jnp.float32),
            pltpu.VMEM_SHARED((NPAD, 8), jnp.float32),
            pltpu.SemaphoreType.DMA((RING,)),
        ]

        def body(val, srcr, dstr, zer, zer8, ones8, out, deg,
                 idx_s, idx_d, ring, acc, gsem, ssem, ones_v, dacc, dsem):
            _sc_body(val, srcr, dstr, zer, out, idx_s, idx_d,
                     ring, acc, gsem, ssem, zer8=zer8, ones8=ones8, deg=deg,
                     ones_v=ones_v, dacc=dacc, dsem=dsem)
    else:
        def body(val, srcr, dstr, zer, out, idx_s, idx_d, ring, acc, gsem, ssem):
            _sc_body(val, srcr, dstr, zer, out, idx_s, idx_d,
                     ring, acc, gsem, ssem)

    return pl.kernel(body, out_type=out_type, mesh=mesh, scratch_types=scratch,
                     compiler_params=pltpu.CompilerParams(use_tc_tiling_on_sc=False))


def _layer(a0, a1, d0, d1, w):
    def body(a0r, a1r, d0r, d1r, wr, o_ref):
        degc = jnp.maximum((d0r[...] + d1r[...])[:, 0:1], 1.0)
        agg = (a0r[...] + a1r[...]) / degc
        o_ref[...] = jnp.maximum(
            jnp.dot(agg, wr[...], preferred_element_type=jnp.float32), 0.0)

    return pl.pallas_call(
        body,
        out_shape=jax.ShapeDtypeStruct((NPAD, w.shape[1]), jnp.float32),
    )(a0, a1, d0, d1, w)


def _layer_cat(a0, a1, b0, b1, d0, d1, w):
    def body(a0r, a1r, b0r, b1r, d0r, d1r, wr, o_ref):
        degc = jnp.maximum((d0r[...] + d1r[...])[:, 0:1], 1.0)
        agg = jnp.concatenate(
            [(a0r[...] + a1r[...]) / degc, (b0r[...] + b1r[...]) / degc], axis=1)
        o_ref[...] = jnp.maximum(
            jnp.dot(agg, wr[...], preferred_element_type=jnp.float32), 0.0)

    return pl.pallas_call(
        body,
        out_shape=jax.ShapeDtypeStruct((NPAD, w.shape[1]), jnp.float32),
    )(a0, a1, b0, b1, d0, d1, w)


def _score_mm(a0, a1, d0, d1, wpad):
    def body(a0r, a1r, d0r, d1r, wr, o_ref):
        degc = jnp.maximum((d0r[...] + d1r[...])[:, 0:1], 1.0)
        agg = (a0r[...] + a1r[...]) / degc
        o_ref[...] = jnp.tanh(
            jnp.dot(agg, wr[...], preferred_element_type=jnp.float32))

    return pl.pallas_call(
        body,
        out_shape=jax.ShapeDtypeStruct((NPAD, 8), jnp.float32),
    )(a0, a1, d0, d1, wpad)


SRW = NPAD // 128


def _select(sc2d):
    def body(s_ref, w_ref):
        score = s_ref[...]
        row = lax.broadcasted_iota(jnp.int32, (SRW, 128), 0)
        col = lax.broadcasted_iota(jnp.int32, (SRW, 128), 1)
        idxm = row * 128 + col
        valid = idxm < N
        bits = lax.bitcast_convert_type(score, jnp.int32)
        skey = jnp.where(bits >= 0, bits, jnp.invert(bits) ^ INT_MIN)
        skey = jnp.where(valid, skey, INT_MIN)

        def sbody(t, pref):
            cand = pref | (jnp.int32(1) << (31 - t))
            cnt = jnp.sum((skey >= (cand ^ INT_MIN)).astype(jnp.int32))
            return jnp.where(cnt >= K, cand, pref)

        pref = lax.fori_loop(0, 32, sbody, jnp.int32(0))
        vs = pref ^ INT_MIN
        cgt = jnp.sum((skey > vs).astype(jnp.int32))
        m = K - cgt
        tie = skey == vs

        def s2body(t, ans):
            cand = ans | (jnp.int32(1) << (13 - t))
            cnt = jnp.sum((tie & (idxm < cand)).astype(jnp.int32))
            return jnp.where(cnt < m, cand, ans)

        ans = lax.fori_loop(0, 14, s2body, jnp.int32(0))
        sel = (skey > vs) | (tie & (idxm <= ans))
        w_ref[...] = jnp.where(sel, score, 0.0)

    return pl.pallas_call(
        body,
        out_shape=jax.ShapeDtypeStruct((SRW, 128), jnp.float32),
    )(sc2d)


def _readout(wcol, gi8, h2):
    def body(w_ref, gi_ref, h2_ref, o_ref):
        hm = h2_ref[...] * w_ref[...]
        giota = lax.broadcasted_iota(jnp.int32, (1, G), 1)
        oh = (gi_ref[...][:, 0:1] == giota).astype(jnp.float32)
        o_ref[...] = lax.dot_general(
            oh, hm, (((0,), (0,)), ((), ())),
            preferred_element_type=jnp.float32)

    return pl.pallas_call(
        body,
        out_shape=jax.ShapeDtypeStruct((G, DH), jnp.float32),
    )(wcol, gi8, h2)


def kernel(adjacency, graph_indicator, eeg, eye, au, W1, W2, w_score):
    src = adjacency[0]
    dst = adjacency[1]
    x = eeg.reshape(-1, D_IN)
    xa = x[:, :DH]
    xb = x[:, DH:]

    pad = EPAD - E
    srcr = jnp.concatenate([src, jnp.zeros((pad,), jnp.int32)]).reshape(CPOOL, C)
    dstr = jnp.concatenate([dst, jnp.full((pad,), N, jnp.int32)]).reshape(CPOOL, C)
    zer64 = jnp.zeros((NPAD, DH), jnp.float32)
    zer8 = jnp.zeros((NPAD, 8), jnp.float32)
    ones8 = jnp.ones((C, 8), jnp.float32)

    sum1a, degp = _make_sc_segsum(DH, True)(xa, srcr, dstr, zer64, zer8, ones8)
    sum1b = _make_sc_segsum(DH, False)(xb, srcr, dstr, zer64)
    h1 = _layer_cat(sum1a[0], sum1a[1], sum1b[0], sum1b[1],
                    degp[0], degp[1], W1)
    sum2 = _make_sc_segsum(DH, False)(h1, srcr, dstr, zer64)
    h2 = _layer(sum2[0], sum2[1], degp[0], degp[1], W2)
    sum3 = _make_sc_segsum(DH, False)(h2, srcr, dstr, zer64)
    wpad = jnp.pad(w_score, ((0, 0), (0, 7)))
    sc8 = _score_mm(sum3[0], sum3[1], degp[0], degp[1], wpad)
    w2d = _select(sc8[:, 0].reshape(SRW, 128))
    wcol = w2d.reshape(NPAD, 1)
    gip = jnp.pad(graph_indicator, (0, NPAD - N), constant_values=G)
    gi8 = jnp.broadcast_to(gip[:, None], (NPAD, 8))
    eeg_out = _readout(wcol, gi8, h2)
    return (eeg_out, eye, au)

# --- scband reference (transcript-rebuilt; emitter-appended) ---
"""Pipeline reference for scband-feature-extract-39324720562673 (READ-ONLY COPY).

The authoritative reference and input builder live on the scoring server;
editing this copy changes nothing except your own understanding.
"""

import jax, jax.numpy as jnp
import numpy as np

N = 10000
E = 320000
D_IN = 128
D_H = 64
TOK = 0.5
G = 64
D_EYE = 38
D_AU = 17


def setup_inputs(seed: int = 0) -> dict:
    key = jax.random.key(seed)
    k1, k2, k3, k4, k5, k6, k7, k8 = jax.random.split(key, 8)
    adjacency = jax.random.randint(k1, (2, E), 0, N, dtype=jnp.int32)
    graph_indicator = jnp.sort(jax.random.randint(k2, (N,), 0, G, dtype=jnp.int32))
    eeg = jax.random.normal(k3, (N, D_IN), dtype=jnp.float32)
    eye = jax.random.normal(k4, (G, D_EYE), dtype=jnp.float32)
    au = jax.random.normal(k5, (G, D_AU), dtype=jnp.float32)
    W1 = jax.random.normal(k6, (D_IN, D_H), dtype=jnp.float32) * 0.05
    W2 = jax.random.normal(k7, (D_H, D_H), dtype=jnp.float32) * 0.05
    w_score = jax.random.normal(k8, (D_H, 1), dtype=jnp.float32) * 0.05
    return {"adjacency": adjacency, "graph_indicator": graph_indicator,
            "eeg": eeg, "eye": eye, "au": au,
            "W1": W1, "W2": W2, "w_score": w_score}


def reference(adjacency, graph_indicator, eeg, eye, au, W1, W2, w_score):
    # FeatureExtract.forward: eeg -> view(-1, input_dim) -> FeatureGlobal (GCN + top-k pooling readout)
    src = adjacency[0]
    dst = adjacency[1]
    x = eeg.reshape(-1, D_IN)

    deg = jax.ops.segment_sum(jnp.ones((E,), dtype=jnp.float32), dst, num_segments=N)
    deg = jnp.clip(deg, 1.0, None)

    # GCN layer 1: mean-aggregate neighbor features, linear, relu
    agg1 = jax.ops.segment_sum(x[src], dst, num_segments=N) / deg[:, None]
    h1 = jax.nn.relu(agg1 @ W1)

    # GCN layer 2
    agg2 = jax.ops.segment_sum(h1[src], dst, num_segments=N) / deg[:, None]
    h2 = jax.nn.relu(agg2 @ W2)

    # importance scores via attention GCN layer (SAGPool-style)
    agg3 = jax.ops.segment_sum(h2[src], dst, num_segments=N) / deg[:, None]
    score = jnp.tanh(agg3 @ w_score)[:, 0]

    # top-k masking with ratio tok
    k = int(TOK * N)
    _vals, idx = jax.lax.top_k(score, k)
    mask = jnp.zeros((N,), dtype=jnp.float32).at[idx].set(1.0)
    h_masked = h2 * (score * mask)[:, None]

    # per-graph readout
    eeg_out = jax.ops.segment_sum(h_masked, graph_indicator, num_segments=G)

    # input_features = [eeg, eye, au] (pps is None and filtered out)
    return (eeg_out, eye, au)

if __name__ == "__main__":
    import jax
    _d = setup_inputs()
    print(jax.jit(kernel)(*tuple(_d.values())))

</pallas_src>

<mosaic_0001>
#map = affine_map<(d0, d1) -> (0, 0)>
#map1 = affine_map<(d0, d1) -> (0, 0, 0)>
module attributes {stable_mosaic.version = 14 : i64} {
  func.func @body(%arg0: i32, %arg1: i32, %arg2: memref<10112x64xf32, #tpu.memory_space<hbm>>, %arg3: memref<2656x128xi32, #tpu.memory_space<hbm>>, %arg4: memref<2656x128xi32, #tpu.memory_space<hbm>>, %arg5: memref<10112x64xf32, #tpu.memory_space<hbm>>, %arg6: memref<2x10112x64xf32, #tpu.memory_space<hbm>>, %arg7: memref<128x128xi32, #tpu.memory_space<vmem>>, %arg8: memref<128x128xi32, #tpu.memory_space<vmem>>, %arg9: memref<4x128x64xf32, #tpu.memory_space<vmem>>, %arg10: memref<10112x64xf32, #tpu.memory_space<vmem_shared>>, %arg11: memref<4x!tpu.dma_semaphore, #tpu.memory_space<semaphore_mem>>, %arg12: memref<4x!tpu.dma_semaphore, #tpu.memory_space<semaphore_mem>>) attributes {dimension_semantics = [#tpu.dimension_semantics<core_parallel>, #tpu.dimension_semantics<subcore_parallel>], iteration_bounds = array<i64: 2, 16>, scalar_prefetch = 0 : i64, scratch_operands = 6 : i64, tpu.core_type = #tpu.core_type<sc_vector_subcore>, window_params = [{transform_indices = #map}, {transform_indices = #map}, {transform_indices = #map}, {transform_indices = #map}, {transform_indices = #map1}]} {
    %eq3A = arith.constant 0 : i32
    %eq3A_0 = arith.cmpi eq, %arg0, %eq3A : i32
    %jit3A = arith.constant 128 : i32
    %jit3A_1 = arith.constant 32 : i32
    %select_n3A = arith.select %eq3A_0, %jit3A, %jit3A_1 : i32
    %eq3A_2 = arith.constant 0 : i32
    %eq3A_3 = arith.cmpi eq, %arg0, %eq3A_2 : i32
    %mul3A = arith.constant 128 : i32
    %mul3A_4 = arith.muli %arg1, %mul3A : i32
    %mul3A_5 = arith.constant 32 : i32
    %mul3A_6 = arith.muli %arg1, %mul3A_5 : i32
    %add3A = arith.constant 2048 : i32
    %add3A_7 = arith.addi %add3A, %mul3A_6 : i32
    %select_n3A_8 = arith.select %eq3A_3, %mul3A_4, %add3A_7 : i32
    "tpu.region"() ({
      %run_scoped3A = tpu.sem_alloc : memref<!tpu.dma_semaphore, #tpu.memory_space<semaphore_mem>>
      %dma_start3A_134 = arith.constant 0 : i32
      %dma_start3A_135 = tpu.memref_slice %arg3[%select_n3A_8, %dma_start3A_134] : memref<2656x128xi32, #tpu.memory_space<hbm>> -> memref<128x128xi32, #tpu.memory_space<hbm>>
      %dma_start3A_136 = arith.constant 0 : i32
      %dma_start3A_137 = tpu.memref_slice %arg3[%select_n3A_8, %dma_start3A_136] : memref<2656x128xi32, #tpu.memory_space<hbm>> -> memref<128x128xi32, #tpu.memory_space<hbm>>
      tpu.enqueue_dma source(%dma_start3A_137 : memref<128x128xi32, #tpu.memory_space<hbm>>) target(%arg7 : memref<128x128xi32, #tpu.memory_space<vmem>>) target_semaphore(%run_scoped3A : memref<!tpu.dma_semaphore, #tpu.memory_space<semaphore_mem>>)
      %dma_wait3A_138 = arith.constant 0 : i32
      %dma_wait3A_139 = tpu.memref_slice %arg3[%select_n3A_8, %dma_wait3A_138] : memref<2656x128xi32, #tpu.memory_space<hbm>> -> memref<128x128xi32, #tpu.memory_space<hbm>>
      %dma_wait3A_140 = arith.constant 0 : i32
      %dma_wait3A_141 = tpu.memref_slice %arg3[%select_n3A_8, %dma_wait3A_140] : memref<2656x128xi32, #tpu.memory_space<hbm>> -> memref<128x128xi32, #tpu.memory_space<hbm>>
      tpu.wait_dma2 semaphore(%run_scoped3A : memref<!tpu.dma_semaphore, #tpu.memory_space<semaphore_mem>>) src(%dma_wait3A_141 : memref<128x128xi32, #tpu.memory_space<hbm>>) dst(%arg7 : memref<128x128xi32, #tpu.memory_space<vmem>>)
      tpu.yield
    }) : () -> ()
    "tpu.region"() ({
      %run_scoped3A = tpu.sem_alloc : memref<!tpu.dma_semaphore, #tpu.memory_space<semaphore_mem>>
      %dma_start3A_134 = arith.constant 0 : i32
      %dma_start3A_135 = tpu.memref_slice %arg4[%select_n3A_8, %dma_start3A_134] : memref<2656x128xi32, #tpu.memory_space<hbm>> -> memref<128x128xi32, #tpu.memory_space<hbm>>
      %dma_start3A_136 = arith.constant 0 : i32
      %dma_start3A_137 = tpu.memref_slice %arg4[%select_n3A_8, %dma_start3A_136] : memref<2656x128xi32, #tpu.memory_space<hbm>> -> memref<128x128xi32, #tpu.memory_space<hbm>>
      tpu.enqueue_dma source(%dma_start3A_137 : memref<128x128xi32, #tpu.memory_space<hbm>>) target(%arg8 : memref<128x128xi32, #tpu.memory_space<vmem>>) target_semaphore(%run_scoped3A : memref<!tpu.dma_semaphore, #tpu.memory_space<semaphore_mem>>)
      %dma_wait3A_138 = arith.constant 0 : i32
      %dma_wait3A_139 = tpu.memref_slice %arg4[%select_n3A_8, %dma_wait3A_138] : memref<2656x128xi32, #tpu.memory_space<hbm>> -> memref<128x128xi32, #tpu.memory_space<hbm>>
      %dma_wait3A_140 = arith.constant 0 : i32
      %dma_wait3A_141 = tpu.memref_slice %arg4[%select_n3A_8, %dma_wait3A_140] : memref<2656x128xi32, #tpu.memory_space<hbm>> -> memref<128x128xi32, #tpu.memory_space<hbm>>
      tpu.wait_dma2 semaphore(%run_scoped3A : memref<!tpu.dma_semaphore, #tpu.memory_space<semaphore_mem>>) src(%dma_wait3A_141 : memref<128x128xi32, #tpu.memory_space<hbm>>) dst(%arg8 : memref<128x128xi32, #tpu.memory_space<vmem>>)
      tpu.yield
    }) : () -> ()
    %dma_start3A = arith.constant 0 : i32
    %dma_start3A_9 = arith.constant 0 : i32
    %dma_start3A_10 = arith.constant 0 : i32
    %dma_start3A_11 = arith.constant 0 : i32
    %dma_start3A_12 = arith.constant 0 : i32
    %dma_start3A_13 = tpu.memref_slice %arg9[%dma_start3A_9, %dma_start3A_11, %dma_start3A_12] : memref<4x128x64xf32, #tpu.memory_space<vmem>> -> memref<1x128x64xf32, #tpu.memory_space<vmem>>
    %dma_start3A_14 = tpu.memref_squeeze %dma_start3A_13 : memref<1x128x64xf32, #tpu.memory_space<vmem>> -> memref<128x64xf32, #tpu.memory_space<vmem>>
    %dma_start3A_15 = arith.constant 0 : i32
    %dma_start3A_16 = tpu.memref_slice %arg7[%dma_start3A, %dma_start3A_15] : memref<128x128xi32, #tpu.memory_space<vmem>> -> memref<1x128xi32, #tpu.memory_space<vmem>>
    %dma_start3A_17 = tpu.memref_squeeze %dma_start3A_16 : memref<1x128xi32, #tpu.memory_space<vmem>> -> memref<128xi32, #tpu.memory_space<vmem>>
    %dma_start3A_18 = arith.constant 0 : i32
    %dma_start3A_19 = arith.constant 0 : i32
    %dma_start3A_20 = tpu.memref_slice %arg2[%dma_start3A_18, %dma_start3A_19] : memref<10112x64xf32, #tpu.memory_space<hbm>> -> memref<10112x64xf32, #tpu.memory_space<hbm>>
    %dma_start3A_21 = tpu.memref_slice %arg11[%dma_start3A_10] : memref<4x!tpu.dma_semaphore, #tpu.memory_space<semaphore_mem>> -> memref<1x!tpu.dma_semaphore, #tpu.memory_space<semaphore_mem>>
    %dma_start3A_22 = tpu.memref_squeeze %dma_start3A_21 : memref<1x!tpu.dma_semaphore, #tpu.memory_space<semaphore_mem>> -> memref<!tpu.dma_semaphore, #tpu.memory_space<semaphore_mem>>
    tpu.enqueue_indirect_dma source(%dma_start3A_20 : memref<10112x64xf32, #tpu.memory_space<hbm>>) target(%dma_start3A_14 : memref<128x64xf32, #tpu.memory_space<vmem>>) offsets(%dma_start3A_17 : memref<128xi32, #tpu.memory_space<vmem>>) semaphore(%dma_start3A_22 : memref<!tpu.dma_semaphore, #tpu.memory_space<semaphore_mem>>)
    %dma_start3A_23 = arith.constant 1 : i32
    %dma_start3A_24 = arith.constant 1 : i32
    %dma_start3A_25 = arith.constant 1 : i32
    %dma_start3A_26 = arith.constant 0 : i32
    %dma_start3A_27 = arith.constant 0 : i32
    %dma_start3A_28 = tpu.memref_slice %arg9[%dma_start3A_24, %dma_start3A_26, %dma_start3A_27] : memref<4x128x64xf32, #tpu.memory_space<vmem>> -> memref<1x128x64xf32, #tpu.memory_space<vmem>>
    %dma_start3A_29 = tpu.memref_squeeze %dma_start3A_28 : memref<1x128x64xf32, #tpu.memory_space<vmem>> -> memref<128x64xf32, #tpu.memory_space<vmem>>
    %dma_start3A_30 = arith.constant 0 : i32
    %dma_start3A_31 = tpu.memref_slice %arg7[%dma_start3A_23, %dma_start3A_30] : memref<128x128xi32, #tpu.memory_space<vmem>> -> memref<1x128xi32, #tpu.memory_space<vmem>>
    %dma_start3A_32 = tpu.memref_squeeze %dma_start3A_31 : memref<1x128xi32, #tpu.memory_space<vmem>> -> memref<128xi32, #tpu.memory_space<vmem>>
    %dma_start3A_33 = arith.constant 0 : i32
    %dma_start3A_34 = arith.constant 0 : i32
    %dma_start3A_35 = tpu.memref_slice %arg2[%dma_start3A_33, %dma_start3A_34] : memref<10112x64xf32, #tpu.memory_space<hbm>> -> memref<10112x64xf32, #tpu.memory_space<hbm>>
    %dma_start3A_36 = tpu.memref_slice %arg11[%dma_start3A_25] : memref<4x!tpu.dma_semaphore, #tpu.memory_space<semaphore_mem>> -> memref<1x!tpu.dma_semaphore, #tpu.memory_space<semaphore_mem>>
    %dma_start3A_37 = tpu.memref_squeeze %dma_start3A_36 : memref<1x!tpu.dma_semaphore, #tpu.memory_space<semaphore_mem>> -> memref<!tpu.dma_semaphore, #tpu.memory_space<semaphore_mem>>
    tpu.enqueue_indirect_dma source(%dma_start3A_35 : memref<10112x64xf32, #tpu.memory_space<hbm>>) target(%dma_start3A_29 : memref<128x64xf32, #tpu.memory_space<vmem>>) offsets(%dma_start3A_32 : memref<128xi32, #tpu.memory_space<vmem>>) semaphore(%dma_start3A_37 : memref<!tpu.dma_semaphore, #tpu.memory_space<semaphore_mem>>)
    %mul3A_38 = arith.constant 632 : i32
    %mul3A_39 = arith.muli %arg1, %mul3A_38 : i32
    %mul3A_40 = arith.constant 632 : i32
    %mul3A_41 = arith.muli %arg1, %mul3A_40 : i32
    "tpu.region"() ({
      %run_scoped3A = tpu.sem_alloc : memref<!tpu.dma_semaphore, #tpu.memory_space<semaphore_mem>>
      %dma_start3A_134 = arith.constant 0 : i32
      %dma_start3A_135 = tpu.memref_slice %arg10[%mul3A_41, %dma_start3A_134] : memref<10112x64xf32, #tpu.memory_space<vmem_shared>> -> memref<632x64xf32, #tpu.memory_space<vmem_shared>>
      %dma_start3A_136 = arith.constant 0 : i32
      %dma_start3A_137 = tpu.memref_slice %arg5[%mul3A_39, %dma_start3A_136] : memref<10112x64xf32, #tpu.memory_space<hbm>> -> memref<632x64xf32, #tpu.memory_space<hbm>>
      tpu.enqueue_dma source(%dma_start3A_137 : memref<632x64xf32, #tpu.memory_space<hbm>>) target(%dma_start3A_135 : memref<632x64xf32, #tpu.memory_space<vmem_shared>>) target_semaphore(%run_scoped3A : memref<!tpu.dma_semaphore, #tpu.memory_space<semaphore_mem>>)
      %dma_wait3A_138 = arith.constant 0 : i32
      %dma_wait3A_139 = tpu.memref_slice %arg10[%mul3A_41, %dma_wait3A_138] : memref<10112x64xf32, #tpu.memory_space<vmem_shared>> -> memref<632x64xf32, #tpu.memory_space<vmem_shared>>
      %dma_wait3A_140 = arith.constant 0 : i32
      %dma_wait3A_141 = tpu.memref_slice %arg5[%mul3A_39, %dma_wait3A_140] : memref<10112x64xf32, #tpu.memory_space<hbm>> -> memref<632x64xf32, #tpu.memory_space<hbm>>
      tpu.wait_dma2 semaphore(%run_scoped3A : memref<!tpu.dma_semaphore, #tpu.memory_space<semaphore_mem>>) src(%dma_wait3A_141 : memref<632x64xf32, #tpu.memory_space<hbm>>) dst(%dma_wait3A_139 : memref<632x64xf32, #tpu.memory_space<vmem_shared>>)
      tpu.yield
    }) : () -> ()
    %barrier3A = arith.constant 0 : index
    tpu.barrier barrier_id(%barrier3A)
    %sub3A = arith.constant 0 : i32
    %sub3A_42 = arith.subi %select_n3A, %sub3A : i32
    %sub3A_43 = arith.constant 4 : i32
    %sub3A_44 = arith.constant 1 : i32
    %sub3A_45 = arith.subi %sub3A_43, %sub3A_44 : i32
    %add3A_46 = arith.addi %sub3A_42, %sub3A_45 : i32
    %div3A = arith.constant 4 : i32
    %div3A_47 = arith.divsi %add3A_46, %div3A : i32
    %while3A = arith.constant 4 : i32
    %while3A_48 = arith.constant 0 : i32
    %while3A_49 = arith.constant 0 : i32
    %while3A_50 = arith.subi %div3A_47, %while3A_49 : i32
    %while3A_51 = arith.addi %while3A_49, %while3A_50 : i32
    %while3A_52 = arith.constant 1 : i32
    %while3A_53 = arith.divsi %while3A_50, %while3A_52 : i32
    %while3A_54 = arith.muli %while3A_53, %while3A_52 : i32
    %while3A_55 = arith.addi %while3A_49, %while3A_54 : i32
    %while3A_56 = arith.constant 1 : i32
    scf.for %while3A_134 = %while3A_49 to %while3A_55 step %while3A_56  : i32 {
      %mul3A_135 = arith.muli %while3A_134, %while3A : i32
      %add3A_136 = arith.addi %while3A_48, %mul3A_135 : i32
      %add3A_137 = arith.constant 0 : i32
      %add3A_138 = arith.addi %add3A_136, %add3A_137 : i32
      %dma_wait3A_139 = arith.constant 0 : i32
      %dma_wait3A_140 = arith.constant 0 : i32
      %dma_wait3A_141 = arith.constant 0 : i32
      %dma_wait3A_142 = arith.constant 0 : i32
      %dma_wait3A_143 = tpu.memref_slice %arg9[%dma_wait3A_139, %dma_wait3A_141, %dma_wait3A_142] : memref<4x128x64xf32, #tpu.memory_space<vmem>> -> memref<1x128x64xf32, #tpu.memory_space<vmem>>
      %dma_wait3A_144 = tpu.memref_squeeze %dma_wait3A_143 : memref<1x128x64xf32, #tpu.memory_space<vmem>> -> memref<128x64xf32, #tpu.memory_space<vmem>>
      %dma_wait3A_145 = arith.constant 0 : i32
      %dma_wait3A_146 = tpu.memref_slice %arg7[%add3A_138, %dma_wait3A_145] : memref<128x128xi32, #tpu.memory_space<vmem>> -> memref<1x128xi32, #tpu.memory_space<vmem>>
      %dma_wait3A_147 = tpu.memref_squeeze %dma_wait3A_146 : memref<1x128xi32, #tpu.memory_space<vmem>> -> memref<128xi32, #tpu.memory_space<vmem>>
      %dma_wait3A_148 = arith.constant 0 : i32
      %dma_wait3A_149 = arith.constant 0 : i32
      %dma_wait3A_150 = tpu.memref_slice %arg2[%dma_wait3A_148, %dma_wait3A_149] : memref<10112x64xf32, #tpu.memory_space<hbm>> -> memref<10112x64xf32, #tpu.memory_space<hbm>>
      %dma_wait3A_151 = tpu.memref_slice %arg11[%dma_wait3A_140] : memref<4x!tpu.dma_semaphore, #tpu.memory_space<semaphore_mem>> -> memref<1x!tpu.dma_semaphore, #tpu.memory_space<semaphore_mem>>
      %dma_wait3A_152 = tpu.memref_squeeze %dma_wait3A_151 : memref<1x!tpu.dma_semaphore, #tpu.memory_space<semaphore_mem>> -> memref<!tpu.dma_semaphore, #tpu.memory_space<semaphore_mem>>
      tpu.wait_indirect_dma semaphore(%dma_wait3A_152 : memref<!tpu.dma_semaphore, #tpu.memory_space<semaphore_mem>>) src(%dma_wait3A_150 : memref<10112x64xf32, #tpu.memory_space<hbm>>) dst(%dma_wait3A_144 : memref<128x64xf32, #tpu.memory_space<vmem>>)
      %dma_start3A_153 = arith.constant 0 : i32
      %dma_start3A_154 = arith.constant 0 : i32
      %dma_start3A_155 = arith.constant 0 : i32
      %dma_start3A_156 = arith.constant 0 : i32
      %dma_start3A_157 = tpu.memref_slice %arg9[%dma_start3A_153, %dma_start3A_155, %dma_start3A_156] : memref<4x128x64xf32, #tpu.memory_space<vmem>> -> memref<1x128x64xf32, #tpu.memory_space<vmem>>
      %dma_start3A_158 = tpu.memref_squeeze %dma_start3A_157 : memref<1x128x64xf32, #tpu.memory_space<vmem>> -> memref<128x64xf32, #tpu.memory_space<vmem>>
      %dma_start3A_159 = arith.constant 0 : i32
      %dma_start3A_160 = tpu.memref_slice %arg8[%add3A_138, %dma_start3A_159] : memref<128x128xi32, #tpu.memory_space<vmem>> -> memref<1x128xi32, #tpu.memory_space<vmem>>
      %dma_start3A_161 = tpu.memref_squeeze %dma_start3A_160 : memref<1x128xi32, #tpu.memory_space<vmem>> -> memref<128xi32, #tpu.memory_space<vmem>>
      %dma_start3A_162 = arith.constant 0 : i32
      %dma_start3A_163 = arith.constant 0 : i32
      %dma_start3A_164 = tpu.memref_slice %arg10[%dma_start3A_162, %dma_start3A_163] : memref<10112x64xf32, #tpu.memory_space<vmem_shared>> -> memref<10112x64xf32, #tpu.memory_space<vmem_shared>>
      %dma_start3A_165 = tpu.memref_slice %arg12[%dma_start3A_154] : memref<4x!tpu.dma_semaphore, #tpu.memory_space<semaphore_mem>> -> memref<1x!tpu.dma_semaphore, #tpu.memory_space<semaphore_mem>>
      %dma_start3A_166 = tpu.memref_squeeze %dma_start3A_165 : memref<1x!tpu.dma_semaphore, #tpu.memory_space<semaphore_mem>> -> memref<!tpu.dma_semaphore, #tpu.memory_space<semaphore_mem>>
      tpu.enqueue_indirect_dma source(%dma_start3A_158 : memref<128x64xf32, #tpu.memory_space<vmem>>) target(%dma_start3A_164 : memref<10112x64xf32, #tpu.memory_space<vmem_shared>>) offsets(%dma_start3A_161 : memref<128xi32, #tpu.memory_space<vmem>>) semaphore(%dma_start3A_166 : memref<!tpu.dma_semaphore, #tpu.memory_space<semaphore_mem>>) {add = true}
      %add3A_167 = arith.constant 2 : i32
      %add3A_168 = arith.addi %add3A_138, %add3A_167 : i32
      %ge3A = arith.constant 4 : i32
      %ge3A_169 = arith.cmpi sge, %add3A_168, %ge3A : i32
      %lt3A = arith.cmpi slt, %add3A_168, %select_n3A : i32
      %and3A = arith.andi %ge3A_169, %lt3A : i1
      %convert_element_type3A = arith.extui %and3A : i1 to i32
      %cond3A = arith.constant 0 : i32
      %cond3A_170 = arith.cmpi ne, %convert_element_type3A, %cond3A : i32
      scf.if %cond3A_170 {
        %sub3A_304 = arith.constant 4 : i32
        %sub3A_305 = arith.subi %add3A_168, %sub3A_304 : i32
        %dma_wait3A_306 = arith.constant 2 : i32
        %dma_wait3A_307 = arith.constant 2 : i32
        %dma_wait3A_308 = arith.constant 0 : i32
        %dma_wait3A_309 = arith.constant 0 : i32
        %dma_wait3A_310 = tpu.memref_slice %arg9[%dma_wait3A_306, %dma_wait3A_308, %dma_wait3A_309] : memref<4x128x64xf32, #tpu.memory_space<vmem>> -> memref<1x128x64xf32, #tpu.memory_space<vmem>>
        %dma_wait3A_311 = tpu.memref_squeeze %dma_wait3A_310 : memref<1x128x64xf32, #tpu.memory_space<vmem>> -> memref<128x64xf32, #tpu.memory_space<vmem>>
        %dma_wait3A_312 = arith.constant 0 : i32
        %dma_wait3A_313 = tpu.memref_slice %arg8[%sub3A_305, %dma_wait3A_312] : memref<128x128xi32, #tpu.memory_space<vmem>> -> memref<1x128xi32, #tpu.memory_space<vmem>>
        %dma_wait3A_314 = tpu.memref_squeeze %dma_wait3A_313 : memref<1x128xi32, #tpu.memory_space<vmem>> -> memref<128xi32, #tpu.memory_space<vmem>>
        %dma_wait3A_315 = arith.constant 0 : i32
        %dma_wait3A_316 = arith.constant 0 : i32
        %dma_wait3A_317 = tpu.memref_slice %arg10[%dma_wait3A_315, %dma_wait3A_316] : memref<10112x64xf32, #tpu.memory_space<vmem_shared>> -> memref<10112x64xf32, #tpu.memory_space<vmem_shared>>
        %dma_wait3A_318 = tpu.memref_slice %arg12[%dma_wait3A_307] : memref<4x!tpu.dma_semaphore, #tpu.memory_space<semaphore_mem>> -> memref<1x!tpu.dma_semaphore, #tpu.memory_space<semaphore_mem>>
        %dma_wait3A_319 = tpu.memref_squeeze %dma_wait3A_318 : memref<1x!tpu.dma_semaphore, #tpu.memory_space<semaphore_mem>> -> memref<!tpu.dma_semaphore, #tpu.memory_space<semaphore_mem>>
        tpu.wait_indirect_dma semaphore(%dma_wait3A_319 : memref<!tpu.dma_semaphore, #tpu.memory_space<semaphore_mem>>) src(%dma_wait3A_311 : memref<128x64xf32, #tpu.memory_space<vmem>>) dst(%dma_wait3A_317 : memref<10112x64xf32, #tpu.memory_space<vmem_shared>>)
      } else {
      }
      %lt3A_171 = arith.cmpi slt, %add3A_168, %select_n3A : i32
      %convert_element_type3A_172 = arith.extui %lt3A_171 : i1 to i32
      %cond3A_173 = arith.constant 0 : i32
      %cond3A_174 = arith.cmpi ne, %convert_element_type3A_172, %cond3A_173 : i32
      scf.if %cond3A_174 {
        %dma_start3A_304 = arith.constant 2 : i32
        %dma_start3A_305 = arith.constant 2 : i32
        %dma_start3A_306 = arith.constant 0 : i32
        %dma_start3A_307 = arith.constant 0 : i32
        %dma_start3A_308 = tpu.memref_slice %arg9[%dma_start3A_304, %dma_start3A_306, %dma_start3A_307] : memref<4x128x64xf32, #tpu.memory_space<vmem>> -> memref<1x128x64xf32, #tpu.memory_space<vmem>>
        %dma_start3A_309 = tpu.memref_squeeze %dma_start3A_308 : memref<1x128x64xf32, #tpu.memory_space<vmem>> -> memref<128x64xf32, #tpu.memory_space<vmem>>
        %dma_start3A_310 = arith.constant 0 : i32
        %dma_start3A_311 = tpu.memref_slice %arg7[%add3A_168, %dma_start3A_310] : memref<128x128xi32, #tpu.memory_space<vmem>> -> memref<1x128xi32, #tpu.memory_space<vmem>>
        %dma_start3A_312 = tpu.memref_squeeze %dma_start3A_311 : memref<1x128xi32, #tpu.memory_space<vmem>> -> memref<128xi32, #tpu.memory_space<vmem>>
        %dma_start3A_313 = arith.constant 0 : i32
        %dma_start3A_314 = arith.constant 0 : i32
        %dma_start3A_315 = tpu.memref_slice %arg2[%dma_start3A_313, %dma_start3A_314] : memref<10112x64xf32, #tpu.memory_space<hbm>> -> memref<10112x64xf32, #tpu.memory_space<hbm>>
        %dma_start3A_316 = tpu.memref_slice %arg11[%dma_start3A_305] : memref<4x!tpu.dma_semaphore, #tpu.memory_space<semaphore_mem>> -> memref<1x!tpu.dma_semaphore, #tpu.memory_space<semaphore_mem>>
        %dma_start3A_317 = tpu.memref_squeeze %dma_start3A_316 : memref<1x!tpu.dma_semaphore, #tpu.memory_space<semaphore_mem>> -> memref<!tpu.dma_semaphore, #tpu.memory_space<semaphore_mem>>
        tpu.enqueue_indirect_dma source(%dma_start3A_315 : memref<10112x64xf32, #tpu.memory_space<hbm>>) target(%dma_start3A_309 : memref<128x64xf32, #tpu.memory_space<vmem>>) offsets(%dma_start3A_312 : memref<128xi32, #tpu.memory_space<vmem>>) semaphore(%dma_start3A_317 : memref<!tpu.dma_semaphore, #tpu.memory_space<semaphore_mem>>)
      } else {
      }
      %add3A_175 = arith.constant 1 : i32
      %add3A_176 = arith.addi %add3A_136, %add3A_175 : i32
      %dma_wait3A_177 = arith.constant 1 : i32
      %dma_wait3A_178 = arith.constant 1 : i32
      %dma_wait3A_179 = arith.constant 0 : i32
      %dma_wait3A_180 = arith.constant 0 : i32
      %dma_wait3A_181 = tpu.memref_slice %arg9[%dma_wait3A_177, %dma_wait3A_179, %dma_wait3A_180] : memref<4x128x64xf32, #tpu.memory_space<vmem>> -> memref<1x128x64xf32, #tpu.memory_space<vmem>>
      %dma_wait3A_182 = tpu.memref_squeeze %dma_wait3A_181 : memref<1x128x64xf32, #tpu.memory_space<vmem>> -> memref<128x64xf32, #tpu.memory_space<vmem>>
      %dma_wait3A_183 = arith.constant 0 : i32
      %dma_wait3A_184 = tpu.memref_slice %arg7[%add3A_176, %dma_wait3A_183] : memref<128x128xi32, #tpu.memory_space<vmem>> -> memref<1x128xi32, #tpu.memory_space<vmem>>
      %dma_wait3A_185 = tpu.memref_squeeze %dma_wait3A_184 : memref<1x128xi32, #tpu.memory_space<vmem>> -> memref<128xi32, #tpu.memory_space<vmem>>
      %dma_wait3A_186 = arith.constant 0 : i32
      %dma_wait3A_187 = arith.constant 0 : i32
      %dma_wait3A_188 = tpu.memref_slice %arg2[%dma_wait3A_186, %dma_wait3A_187] : memref<10112x64xf32, #tpu.memory_space<hbm>> -> memref<10112x64xf32, #tpu.memory_space<hbm>>
      %dma_wait3A_189 = tpu.memref_slice %arg11[%dma_wait3A_178] : memref<4x!tpu.dma_semaphore, #tpu.memory_space<semaphore_mem>> -> memref<1x!tpu.dma_semaphore, #tpu.memory_space<semaphore_mem>>
      %dma_wait3A_190 = tpu.memref_squeeze %dma_wait3A_189 : memref<1x!tpu.dma_semaphore, #tpu.memory_space<semaphore_mem>> -> memref<!tpu.dma_semaphore, #tpu.memory_space<semaphore_mem>>
      tpu.wait_indirect_dma semaphore(%dma_wait3A_190 : memref<!tpu.dma_semaphore, #tpu.memory_space<semaphore_mem>>) src(%dma_wait3A_188 : memref<10112x64xf32, #tpu.memory_space<hbm>>) dst(%dma_wait3A_182 : memref<128x64xf32, #tpu.memory_space<vmem>>)
      %dma_start3A_191 = arith.constant 1 : i32
      %dma_start3A_192 = arith.constant 1 : i32
      %dma_start3A_193 = arith.constant 0 : i32
      %dma_start3A_194 = arith.constant 0 : i32
      %dma_start3A_195 = tpu.memref_slice %arg9[%dma_start3A_191, %dma_start3A_193, %dma_start3A_194] : memref<4x128x64xf32, #tpu.memory_space<vmem>> -> memref<1x128x64xf32, #tpu.memory_space<vmem>>
      %dma_start3A_196 = tpu.memref_squeeze %dma_start3A_195 : memref<1x128x64xf32, #tpu.memory_space<vmem>> -> memref<128x64xf32, #tpu.memory_space<vmem>>
      %dma_start3A_197 = arith.constant 0 : i32
      %dma_start3A_198 = tpu.memref_slice %arg8[%add3A_176, %dma_start3A_197] : memref<128x128xi32, #tpu.memory_space<vmem>> -> memref<1x128xi32, #tpu.memory_space<vmem>>
      %dma_start3A_199 = tpu.memref_squeeze %dma_start3A_198 : memref<1x128xi32, #tpu.memory_space<vmem>> -> memref<128xi32, #tpu.memory_space<vmem>>
      %dma_start3A_200 = arith.constant 0 : i32
      %dma_start3A_201 = arith.constant 0 : i32
      %dma_start3A_202 = tpu.memref_slice %arg10[%dma_start3A_200, %dma_start3A_201] : memref<10112x64xf32, #tpu.memory_space<vmem_shared>> -> memref<10112x64xf32, #tpu.memory_space<vmem_shared>>
      %dma_start3A_203 = tpu.memref_slice %arg12[%dma_start3A_192] : memref<4x!tpu.dma_semaphore, #tpu.memory_space<semaphore_mem>> -> memref<1x!tpu.dma_semaphore, #tpu.memory_space<semaphore_mem>>
      %dma_start3A_204 = tpu.memref_squeeze %dma_start3A_203 : memref<1x!tpu.dma_semaphore, #tpu.memory_space<semaphore_mem>> -> memref<!tpu.dma_semaphore, #tpu.memory_space<semaphore_mem>>
      tpu.enqueue_indirect_dma source(%dma_start3A_196 : memref<128x64xf32, #tpu.memory_space<vmem>>) target(%dma_start3A_202 : memref<10112x64xf32, #tpu.memory_space<vmem_shared>>) offsets(%dma_start3A_199 : memref<128xi32, #tpu.memory_space<vmem>>) semaphore(%dma_start3A_204 : memref<!tpu.dma_semaphore, #tpu.memory_space<semaphore_mem>>) {add = true}
      %add3A_205 = arith.constant 2 : i32
      %add3A_206 = arith.addi %add3A_176, %add3A_205 : i32
      %ge3A_207 = arith.constant 4 : i32
      %ge3A_208 = arith.cmpi sge, %add3A_206, %ge3A_207 : i32
      %lt3A_209 = arith.cmpi slt, %add3A_206, %select_n3A : i32
      %and3A_210 = arith.andi %ge3A_208, %lt3A_209 : i1
      %convert_element_type3A_211 = arith.extui %and3A_210 : i1 to i32
      %cond3A_212 = arith.constant 0 : i32
      %cond3A_213 = arith.cmpi ne, %convert_element_type3A_211, %cond3A_212 : i32
      scf.if %cond3A_213 {
        %sub3A_304 = arith.constant 4 : i32
        %sub3A_305 = arith.subi %add3A_206, %sub3A_304 : i32
        %dma_wait3A_306 = arith.constant 3 : i32
        %dma_wait3A_307 = arith.constant 3 : i32
        %dma_wait3A_308 = arith.constant 0 : i32
        %dma_wait3A_309 = arith.constant 0 : i32
        %dma_wait3A_310 = tpu.memref_slice %arg9[%dma_wait3A_306, %dma_wait3A_308, %dma_wait3A_309] : memref<4x128x64xf32, #tpu.memory_space<vmem>> -> memref<1x128x64xf32, #tpu.memory_space<vmem>>
        %dma_wait3A_311 = tpu.memref_squeeze %dma_wait3A_310 : memref<1x128x64xf32, #tpu.memory_space<vmem>> -> memref<128x64xf32, #tpu.memory_space<vmem>>
        %dma_wait3A_312 = arith.constant 0 : i32
        %dma_wait3A_313 = tpu.memref_slice %arg8[%sub3A_305, %dma_wait3A_312] : memref<128x128xi32, #tpu.memory_space<vmem>> -> memref<1x128xi32, #tpu.memory_space<vmem>>
        %dma_wait3A_314 = tpu.memref_squeeze %dma_wait3A_313 : memref<1x128xi32, #tpu.memory_space<vmem>> -> memref<128xi32, #tpu.memory_space<vmem>>
        %dma_wait3A_315 = arith.constant 0 : i32
        %dma_wait3A_316 = arith.constant 0 : i32
        %dma_wait3A_317 = tpu.memref_slice %arg10[%dma_wait3A_315, %dma_wait3A_316] : memref<10112x64xf32, #tpu.memory_space<vmem_shared>> -> memref<10112x64xf32, #tpu.memory_space<vmem_shared>>
        %dma_wait3A_318 = tpu.memref_slice %arg12[%dma_wait3A_307] : memref<4x!tpu.dma_semaphore, #tpu.memory_space<semaphore_mem>> -> memref<1x!tpu.dma_semaphore, #tpu.memory_space<semaphore_mem>>
        %dma_wait3A_319 = tpu.memref_squeeze %dma_wait3A_318 : memref<1x!tpu.dma_semaphore, #tpu.memory_space<semaphore_mem>> -> memref<!tpu.dma_semaphore, #tpu.memory_space<semaphore_mem>>
        tpu.wait_indirect_dma semaphore(%dma_wait3A_319 : memref<!tpu.dma_semaphore, #tpu.memory_space<semaphore_mem>>) src(%dma_wait3A_311 : memref<128x64xf32, #tpu.memory_space<vmem>>) dst(%dma_wait3A_317 : memref<10112x64xf32, #tpu.memory_space<vmem_shared>>)
      } else {
      }
      %lt3A_214 = arith.cmpi slt, %add3A_206, %select_n3A : i32
      %convert_element_type3A_215 = arith.extui %lt3A_214 : i1 to i32
      %cond3A_216 = arith.constant 0 : i32
      %cond3A_217 = arith.cmpi ne, %convert_element_type3A_215, %cond3A_216 : i32
      scf.if %cond3A_217 {
        %dma_start3A_304 = arith.constant 3 : i32
        %dma_start3A_305 = arith.constant 3 : i32
        %dma_start3A_306 = arith.constant 0 : i32
        %dma_start3A_307 = arith.constant 0 : i32
        %dma_start3A_308 = tpu.memref_slice %arg9[%dma_start3A_304, %dma_start3A_306, %dma_start3A_307] : memref<4x128x64xf32, #tpu.memory_space<vmem>> -> memref<1x128x64xf32, #tpu.memory_space<vmem>>
        %dma_start3A_309 = tpu.memref_squeeze %dma_start3A_308 : memref<1x128x64xf32, #tpu.memory_space<vmem>> -> memref<128x64xf32, #tpu.memory_space<vmem>>
        %dma_start3A_310 = arith.constant 0 : i32
        %dma_start3A_311 = tpu.memref_slice %arg7[%add3A_206, %dma_start3A_310] : memref<128x128xi32, #tpu.memory_space<vmem>> -> memref<1x128xi32, #tpu.memory_space<vmem>>
        %dma_start3A_312 = tpu.memref_squeeze %dma_start3A_311 : memref<1x128xi32, #tpu.memory_space<vmem>> -> memref<128xi32, #tpu.memory_space<vmem>>
        %dma_start3A_313 = arith.constant 0 : i32
        %dma_start3A_314 = arith.constant 0 : i32
        %dma_start3A_315 = tpu.memref_slice %arg2[%dma_start3A_313, %dma_start3A_314] : memref<10112x64xf32, #tpu.memory_space<hbm>> -> memref<10112x64xf32, #tpu.memory_space<hbm>>
        %dma_start3A_316 = tpu.memref_slice %arg11[%dma_start3A_305] : memref<4x!tpu.dma_semaphore, #tpu.memory_space<semaphore_mem>> -> memref<1x!tpu.dma_semaphore, #tpu.memory_space<semaphore_mem>>
        %dma_start3A_317 = tpu.memref_squeeze %dma_start3A_316 : memref<1x!tpu.dma_semaphore, #tpu.memory_space<semaphore_mem>> -> memref<!tpu.dma_semaphore, #tpu.memory_space<semaphore_mem>>
        tpu.enqueue_indirect_dma source(%dma_start3A_315 : memref<10112x64xf32, #tpu.memory_space<hbm>>) target(%dma_start3A_309 : memref<128x64xf32, #tpu.memory_space<vmem>>) offsets(%dma_start3A_312 : memref<128xi32, #tpu.memory_space<vmem>>) semaphore(%dma_start3A_317 : memref<!tpu.dma_semaphore, #tpu.memory_space<semaphore_mem>>)
      } else {
      }
      %add3A_218 = arith.constant 2 : i32
      %add3A_219 = arith.addi %add3A_136, %add3A_218 : i32
      %dma_wait3A_220 = arith.constant 2 : i32
      %dma_wait3A_221 = arith.constant 2 : i32
      %dma_wait3A_222 = arith.constant 0 : i32
      %dma_wait3A_223 = arith.constant 0 : i32
      %dma_wait3A_224 = tpu.memref_slice %arg9[%dma_wait3A_220, %dma_wait3A_222, %dma_wait3A_223] : memref<4x128x64xf32, #tpu.memory_space<vmem>> -> memref<1x128x64xf32, #tpu.memory_space<vmem>>
      %dma_wait3A_225 = tpu.memref_squeeze %dma_wait3A_224 : memref<1x128x64xf32, #tpu.memory_space<vmem>> -> memref<128x64xf32, #tpu.memory_space<vmem>>
      %dma_wait3A_226 = arith.constant 0 : i32
      %dma_wait3A_227 = tpu.memref_slice %arg7[%add3A_219, %dma_wait3A_226] : memref<128x128xi32, #tpu.memory_space<vmem>> -> memref<1x128xi32, #tpu.memory_space<vmem>>
      %dma_wait3A_228 = tpu.memref_squeeze %dma_wait3A_227 : memref<1x128xi32, #tpu.memory_space<vmem>> -> memref<128xi32, #tpu.memory_space<vmem>>
      %dma_wait3A_229 = arith.constant 0 : i32
      %dma_wait3A_230 = arith.constant 0 : i32
      %dma_wait3A_231 = tpu.memref_slice %arg2[%dma_wait3A_229, %dma_wait3A_230] : memref<10112x64xf32, #tpu.memory_space<hbm>> -> memref<10112x64xf32, #tpu.memory_space<hbm>>
      %dma_wait3A_232 = tpu.memref_slice %arg11[%dma_wait3A_221] : memref<4x!tpu.dma_semaphore, #tpu.memory_space<semaphore_mem>> -> memref<1x!tpu.dma_semaphore, #tpu.memory_space<semaphore_mem>>
      %dma_wait3A_233 = tpu.memref_squeeze %dma_wait3A_232 : memref<1x!tpu.dma_semaphore, #tpu.memory_space<semaphore_mem>> -> memref<!tpu.dma_semaphore, #tpu.memory_space<semaphore_mem>>
      tpu.wait_indirect_dma semaphore(%dma_wait3A_233 : memref<!tpu.dma_semaphore, #tpu.memory_space<semaphore_mem>>) src(%dma_wait3A_231 : memref<10112x64xf32, #tpu.memory_space<hbm>>) dst(%dma_wait3A_225 : memref<128x64xf32, #tpu.memory_space<vmem>>)
      %dma_start3A_234 = arith.constant 2 : i32
      %dma_start3A_235 = arith.constant 2 : i32
      %dma_start3A_236 = arith.constant 0 : i32
      %dma_start3A_237 = arith.constant 0 : i32
      %dma_start3A_238 = tpu.memref_slice %arg9[%dma_start3A_234, %dma_start3A_236, %dma_start3A_237] : memref<4x128x64xf32, #tpu.memory_space<vmem>> -> memref<1x128x64xf32, #tpu.memory_space<vmem>>
      %dma_start3A_239 = tpu.memref_squeeze %dma_start3A_238 : memref<1x128x64xf32, #tpu.memory_space<vmem>> -> memref<128x64xf32, #tpu.memory_space<vmem>>
      %dma_start3A_240 = arith.constant 0 : i32
      %dma_start3A_241 = tpu.memref_slice %arg8[%add3A_219, %dma_start3A_240] : memref<128x128xi32, #tpu.memory_space<vmem>> -> memref<1x128xi32, #tpu.memory_space<vmem>>
      %dma_start3A_242 = tpu.memref_squeeze %dma_start3A_241 : memref<1x128xi32, #tpu.memory_space<vmem>> -> memref<128xi32, #tpu.memory_space<vmem>>
      %dma_start3A_243 = arith.constant 0 : i32
      %dma_start3A_244 = arith.constant 0 : i32
      %dma_start3A_245 = tpu.memref_slice %arg10[%dma_start3A_243, %dma_start3A_244] : memref<10112x64xf32, #tpu.memory_space<vmem_shared>> -> memref<10112x64xf32, #tpu.memory_space<vmem_shared>>
      %dma_start3A_246 = tpu.memref_slice %arg12[%dma_start3A_235] : memref<4x!tpu.dma_semaphore, #tpu.memory_space<semaphore_mem>> -> memref<1x!tpu.dma_semaphore, #tpu.memory_space<semaphore_mem>>
      %dma_start3A_247 = tpu.memref_squeeze %dma_start3A_246 : memref<1x!tpu.dma_semaphore, #tpu.memory_space<semaphore_mem>> -> memref<!tpu.dma_semaphore, #tpu.memory_space<semaphore_mem>>
      tpu.enqueue_indirect_dma source(%dma_start3A_239 : memref<128x64xf32, #tpu.memory_space<vmem>>) target(%dma_start3A_245 : memref<10112x64xf32, #tpu.memory_space<vmem_shared>>) offsets(%dma_start3A_242 : memref<128xi32, #tpu.memory_space<vmem>>) semaphore(%dma_start3A_247 : memref<!tpu.dma_semaphore, #tpu.memory_space<semaphore_mem>>) {add = true}
      %add3A_248 = arith.constant 2 : i32
      %add3A_249 = arith.addi %add3A_219, %add3A_248 : i32
      %ge3A_250 = arith.constant 4 : i32
      %ge3A_251 = arith.cmpi sge, %add3A_249, %ge3A_250 : i32
      %lt3A_252 = arith.cmpi slt, %add3A_249, %select_n3A : i32
      %and3A_253 = arith.andi %ge3A_251, %lt3A_252 : i1
      %convert_element_type3A_254 = arith.extui %and3A_253 : i1 to i32
      %cond3A_255 = arith.constant 0 : i32
      %cond3A_256 = arith.cmpi ne, %convert_element_type3A_254, %cond3A_255 : i32
      scf.if %cond3A_256 {
        %sub3A_304 = arith.constant 4 : i32
        %sub3A_305 = arith.subi %add3A_249, %sub3A_304 : i32
        %dma_wait3A_306 = arith.constant 0 : i32
        %dma_wait3A_307 = arith.constant 0 : i32
        %dma_wait3A_308 = arith.constant 0 : i32
        %dma_wait3A_309 = arith.constant 0 : i32
        %dma_wait3A_310 = tpu.memref_slice %arg9[%dma_wait3A_306, %dma_wait3A_308, %dma_wait3A_309] : memref<4x128x64xf32, #tpu.memory_space<vmem>> -> memref<1x128x64xf32, #tpu.memory_space<vmem>>
        %dma_wait3A_311 = tpu.memref_squeeze %dma_wait3A_310 : memref<1x128x64xf32, #tpu.memory_space<vmem>> -> memref<128x64xf32, #tpu.memory_space<vmem>>
        %dma_wait3A_312 = arith.constant 0 : i32
        %dma_wait3A_313 = tpu.memref_slice %arg8[%sub3A_305, %dma_wait3A_312] : memref<128x128xi32, #tpu.memory_space<vmem>> -> memref<1x128xi32, #tpu.memory_space<vmem>>
        %dma_wait3A_314 = tpu.memref_squeeze %dma_wait3A_313 : memref<1x128xi32, #tpu.memory_space<vmem>> -> memref<128xi32, #tpu.memory_space<vmem>>
        %dma_wait3A_315 = arith.constant 0 : i32
        %dma_wait3A_316 = arith.constant 0 : i32
        %dma_wait3A_317 = tpu.memref_slice %arg10[%dma_wait3A_315, %dma_wait3A_316] : memref<10112x64xf32, #tpu.memory_space<vmem_shared>> -> memref<10112x64xf32, #tpu.memory_space<vmem_shared>>
        %dma_wait3A_318 = tpu.memref_slice %arg12[%dma_wait3A_307] : memref<4x!tpu.dma_semaphore, #tpu.memory_space<semaphore_mem>> -> memref<1x!tpu.dma_semaphore, #tpu.memory_space<semaphore_mem>>
        %dma_wait3A_319 = tpu.memref_squeeze %dma_wait3A_318 : memref<1x!tpu.dma_semaphore, #tpu.memory_space<semaphore_mem>> -> memref<!tpu.dma_semaphore, #tpu.memory_space<semaphore_mem>>
        tpu.wait_indirect_dma semaphore(%dma_wait3A_319 : memref<!tpu.dma_semaphore, #tpu.memory_space<semaphore_mem>>) src(%dma_wait3A_311 : memref<128x64xf32, #tpu.memory_space<vmem>>) dst(%dma_wait3A_317 : memref<10112x64xf32, #tpu.memory_space<vmem_shared>>)
      } else {
      }
      %lt3A_257 = arith.cmpi slt, %add3A_249, %select_n3A : i32
      %convert_element_type3A_258 = arith.extui %lt3A_257 : i1 to i32
      %cond3A_259 = arith.constant 0 : i32
      %cond3A_260 = arith.cmpi ne, %convert_element_type3A_258, %cond3A_259 : i32
      scf.if %cond3A_260 {
        %dma_start3A_304 = arith.constant 0 : i32
        %dma_start3A_305 = arith.constant 0 : i32
        %dma_start3A_306 = arith.constant 0 : i32
        %dma_start3A_307 = arith.constant 0 : i32
        %dma_start3A_308 = tpu.memref_slice %arg9[%dma_start3A_304, %dma_start3A_306, %dma_start3A_307] : memref<4x128x64xf32, #tpu.memory_space<vmem>> -> memref<1x128x64xf32, #tpu.memory_space<vmem>>
        %dma_start3A_309 = tpu.memref_squeeze %dma_start3A_308 : memref<1x128x64xf32, #tpu.memory_space<vmem>> -> memref<128x64xf32, #tpu.memory_space<vmem>>
        %dma_start3A_310 = arith.constant 0 : i32
        %dma_start3A_311 = tpu.memref_slice %arg7[%add3A_249, %dma_start3A_310] : memref<128x128xi32, #tpu.memory_space<vmem>> -> memref<1x128xi32, #tpu.memory_space<vmem>>
        %dma_start3A_312 = tpu.memref_squeeze %dma_start3A_311 : memref<1x128xi32, #tpu.memory_space<vmem>> -> memref<128xi32, #tpu.memory_space<vmem>>
        %dma_start3A_313 = arith.constant 0 : i32
        %dma_start3A_314 = arith.constant 0 : i32
        %dma_start3A_315 = tpu.memref_slice %arg2[%dma_start3A_313, %dma_start3A_314] : memref<10112x64xf32, #tpu.memory_space<hbm>> -> memref<10112x64xf32, #tpu.memory_space<hbm>>
        %dma_start3A_316 = tpu.memref_slice %arg11[%dma_start3A_305] : memref<4x!tpu.dma_semaphore, #tpu.memory_space<semaphore_mem>> -> memref<1x!tpu.dma_semaphore, #tpu.memory_space<semaphore_mem>>
        %dma_start3A_317 = tpu.memref_squeeze %dma_start3A_316 : memref<1x!tpu.dma_semaphore, #tpu.memory_space<semaphore_mem>> -> memref<!tpu.dma_semaphore, #tpu.memory_space<semaphore_mem>>
        tpu.enqueue_indirect_dma source(%dma_start3A_315 : memref<10112x64xf32, #tpu.memory_space<hbm>>) target(%dma_start3A_309 : memref<128x64xf32, #tpu.memory_space<vmem>>) offsets(%dma_start3A_312 : memref<128xi32, #tpu.memory_space<vmem>>) semaphore(%dma_start3A_317 : memref<!tpu.dma_semaphore, #tpu.memory_space<semaphore_mem>>)
      } else {
      }
      %add3A_261 = arith.constant 3 : i32
      %add3A_262 = arith.addi %add3A_136, %add3A_261 : i32
      %dma_wait3A_263 = arith.constant 3 : i32
      %dma_wait3A_264 = arith.constant 3 : i32
      %dma_wait3A_265 = arith.constant 0 : i32
      %dma_wait3A_266 = arith.constant 0 : i32
      %dma_wait3A_267 = tpu.memref_slice %arg9[%dma_wait3A_263, %dma_wait3A_265, %dma_wait3A_266] : memref<4x128x64xf32, #tpu.memory_space<vmem>> -> memref<1x128x64xf32, #tpu.memory_space<vmem>>
      %dma_wait3A_268 = tpu.memref_squeeze %dma_wait3A_267 : memref<1x128x64xf32, #tpu.memory_space<vmem>> -> memref<128x64xf32, #tpu.memory_space<vmem>>
      %dma_wait3A_269 = arith.constant 0 : i32
      %dma_wait3A_270 = tpu.memref_slice %arg7[%add3A_262, %dma_wait3A_269] : memref<128x128xi32, #tpu.memory_space<vmem>> -> memref<1x128xi32, #tpu.memory_space<vmem>>
      %dma_wait3A_271 = tpu.memref_squeeze %dma_wait3A_270 : memref<1x128xi32, #tpu.memory_space<vmem>> -> memref<128xi32, #tpu.memory_space<vmem>>
      %dma_wait3A_272 = arith.constant 0 : i32
      %dma_wait3A_273 = arith.constant 0 : i32
      %dma_wait3A_274 = tpu.memref_slice %arg2[%dma_wait3A_272, %dma_wait3A_273] : memref<10112x64xf32, #tpu.memory_space<hbm>> -> memref<10112x64xf32, #tpu.memory_space<hbm>>
      %dma_wait3A_275 = tpu.memref_slice %arg11[%dma_wait3A_264] : memref<4x!tpu.dma_semaphore, #tpu.memory_space<semaphore_mem>> -> memref<1x!tpu.dma_semaphore, #tpu.memory_space<semaphore_mem>>
      %dma_wait3A_276 = tpu.memref_squeeze %dma_wait3A_275 : memref<1x!tpu.dma_semaphore, #tpu.memory_space<semaphore_mem>> -> memref<!tpu.dma_semaphore, #tpu.memory_space<semaphore_mem>>
      tpu.wait_indirect_dma semaphore(%dma_wait3A_276 : memref<!tpu.dma_semaphore, #tpu.memory_space<semaphore_mem>>) src(%dma_wait3A_274 : memref<10112x64xf32, #tpu.memory_space<hbm>>) dst(%dma_wait3A_268 : memref<128x64xf32, #tpu.memory_space<vmem>>)
      %dma_start3A_277 = arith.constant 3 : i32
      %dma_start3A_278 = arith.constant 3 : i32
      %dma_start3A_279 = arith.constant 0 : i32
      %dma_start3A_280 = arith.constant 0 : i32
      %dma_start3A_281 = tpu.memref_slice %arg9[%dma_start3A_277, %dma_start3A_279, %dma_start3A_280] : memref<4x128x64xf32, #tpu.memory_space<vmem>> -> memref<1x128x64xf32, #tpu.memory_space<vmem>>
      %dma_start3A_282 = tpu.memref_squeeze %dma_start3A_281 : memref<1x128x64xf32, #tpu.memory_space<vmem>> -> memref<128x64xf32, #tpu.memory_space<vmem>>
      %dma_start3A_283 = arith.constant 0 : i32
      %dma_start3A_284 = tpu.memref_slice %arg8[%add3A_262, %dma_start3A_283] : memref<128x128xi32, #tpu.memory_space<vmem>> -> memref<1x128xi32, #tpu.memory_space<vmem>>
      %dma_start3A_285 = tpu.memref_squeeze %dma_start3A_284 : memref<1x128xi32, #tpu.memory_space<vmem>> -> memref<128xi32, #tpu.memory_space<vmem>>
      %dma_start3A_286 = arith.constant 0 : i32
      %dma_start3A_287 = arith.constant 0 : i32
      %dma_start3A_288 = tpu.memref_slice %arg10[%dma_start3A_286, %dma_start3A_287] : memref<10112x64xf32, #tpu.memory_space<vmem_shared>> -> memref<10112x64xf32, #tpu.memory_space<vmem_shared>>
      %dma_start3A_289 = tpu.memref_slice %arg12[%dma_start3A_278] : memref<4x!tpu.dma_semaphore, #tpu.memory_space<semaphore_mem>> -> memref<1x!tpu.dma_semaphore, #tpu.memory_space<semaphore_mem>>
      %dma_start3A_290 = tpu.memref_squeeze %dma_start3A_289 : memref<1x!tpu.dma_semaphore, #tpu.memory_space<semaphore_mem>> -> memref<!tpu.dma_semaphore, #tpu.memory_space<semaphore_mem>>
      tpu.enqueue_indirect_dma source(%dma_start3A_282 : memref<128x64xf32, #tpu.memory_space<vmem>>) target(%dma_start3A_288 : memref<10112x64xf32, #tpu.memory_space<vmem_shared>>) offsets(%dma_start3A_285 : memref<128xi32, #tpu.memory_space<vmem>>) semaphore(%dma_start3A_290 : memref<!tpu.dma_semaphore, #tpu.memory_space<semaphore_mem>>) {add = true}
      %add3A_291 = arith.constant 2 : i32
      %add3A_292 = arith.addi %add3A_262, %add3A_291 : i32
      %ge3A_293 = arith.constant 4 : i32
      %ge3A_294 = arith.cmpi sge, %add3A_292, %ge3A_293 : i32
      %lt3A_295 = arith.cmpi slt, %add3A_292, %select_n3A : i32
      %and3A_296 = arith.andi %ge3A_294, %lt3A_295 : i1
      %convert_element_type3A_297 = arith.extui %and3A_296 : i1 to i32
      %cond3A_298 = arith.constant 0 : i32
      %cond3A_299 = arith.cmpi ne, %convert_element_type3A_297, %cond3A_298 : i32
      scf.if %cond3A_299 {
        %sub3A_304 = arith.constant 4 : i32
        %sub3A_305 = arith.subi %add3A_292, %sub3A_304 : i32
        %dma_wait3A_306 = arith.constant 1 : i32
        %dma_wait3A_307 = arith.constant 1 : i32
        %dma_wait3A_308 = arith.constant 0 : i32
        %dma_wait3A_309 = arith.constant 0 : i32
        %dma_wait3A_310 = tpu.memref_slice %arg9[%dma_wait3A_306, %dma_wait3A_308, %dma_wait3A_309] : memref<4x128x64xf32, #tpu.memory_space<vmem>> -> memref<1x128x64xf32, #tpu.memory_space<vmem>>
        %dma_wait3A_311 = tpu.memref_squeeze %dma_wait3A_310 : memref<1x128x64xf32, #tpu.memory_space<vmem>> -> memref<128x64xf32, #tpu.memory_space<vmem>>
        %dma_wait3A_312 = arith.constant 0 : i32
        %dma_wait3A_313 = tpu.memref_slice %arg8[%sub3A_305, %dma_wait3A_312] : memref<128x128xi32, #tpu.memory_space<vmem>> -> memref<1x128xi32, #tpu.memory_space<vmem>>
        %dma_wait3A_314 = tpu.memref_squeeze %dma_wait3A_313 : memref<1x128xi32, #tpu.memory_space<vmem>> -> memref<128xi32, #tpu.memory_space<vmem>>
        %dma_wait3A_315 = arith.constant 0 : i32
        %dma_wait3A_316 = arith.constant 0 : i32
        %dma_wait3A_317 = tpu.memref_slice %arg10[%dma_wait3A_315, %dma_wait3A_316] : memref<10112x64xf32, #tpu.memory_space<vmem_shared>> -> memref<10112x64xf32, #tpu.memory_space<vmem_shared>>
        %dma_wait3A_318 = tpu.memref_slice %arg12[%dma_wait3A_307] : memref<4x!tpu.dma_semaphore, #tpu.memory_space<semaphore_mem>> -> memref<1x!tpu.dma_semaphore, #tpu.memory_space<semaphore_mem>>
        %dma_wait3A_319 = tpu.memref_squeeze %dma_wait3A_318 : memref<1x!tpu.dma_semaphore, #tpu.memory_space<semaphore_mem>> -> memref<!tpu.dma_semaphore, #tpu.memory_space<semaphore_mem>>
        tpu.wait_indirect_dma semaphore(%dma_wait3A_319 : memref<!tpu.dma_semaphore, #tpu.memory_space<semaphore_mem>>) src(%dma_wait3A_311 : memref<128x64xf32, #tpu.memory_space<vmem>>) dst(%dma_wait3A_317 : memref<10112x64xf32, #tpu.memory_space<vmem_shared>>)
      } else {
      }
      %lt3A_300 = arith.cmpi slt, %add3A_292, %select_n3A : i32
      %convert_element_type3A_301 = arith.extui %lt3A_300 : i1 to i32
      %cond3A_302 = arith.constant 0 : i32
      %cond3A_303 = arith.cmpi ne, %convert_element_type3A_301, %cond3A_302 : i32
      scf.if %cond3A_303 {
        %dma_start3A_304 = arith.constant 1 : i32
        %dma_start3A_305 = arith.constant 1 : i32
        %dma_start3A_306 = arith.constant 0 : i32
        %dma_start3A_307 = arith.constant 0 : i32
        %dma_start3A_308 = tpu.memref_slice %arg9[%dma_start3A_304, %dma_start3A_306, %dma_start3A_307] : memref<4x128x64xf32, #tpu.memory_space<vmem>> -> memref<1x128x64xf32, #tpu.memory_space<vmem>>
        %dma_start3A_309 = tpu.memref_squeeze %dma_start3A_308 : memref<1x128x64xf32, #tpu.memory_space<vmem>> -> memref<128x64xf32, #tpu.memory_space<vmem>>
        %dma_start3A_310 = arith.constant 0 : i32
        %dma_start3A_311 = tpu.memref_slice %arg7[%add3A_292, %dma_start3A_310] : memref<128x128xi32, #tpu.memory_space<vmem>> -> memref<1x128xi32, #tpu.memory_space<vmem>>
        %dma_start3A_312 = tpu.memref_squeeze %dma_start3A_311 : memref<1x128xi32, #tpu.memory_space<vmem>> -> memref<128xi32, #tpu.memory_space<vmem>>
        %dma_start3A_313 = arith.constant 0 : i32
        %dma_start3A_314 = arith.constant 0 : i32
        %dma_start3A_315 = tpu.memref_slice %arg2[%dma_start3A_313, %dma_start3A_314] : memref<10112x64xf32, #tpu.memory_space<hbm>> -> memref<10112x64xf32, #tpu.memory_space<hbm>>
        %dma_start3A_316 = tpu.memref_slice %arg11[%dma_start3A_305] : memref<4x!tpu.dma_semaphore, #tpu.memory_space<semaphore_mem>> -> memref<1x!tpu.dma_semaphore, #tpu.memory_space<semaphore_mem>>
        %dma_start3A_317 = tpu.memref_squeeze %dma_start3A_316 : memref<1x!tpu.dma_semaphore, #tpu.memory_space<semaphore_mem>> -> memref<!tpu.dma_semaphore, #tpu.memory_space<semaphore_mem>>
        tpu.enqueue_indirect_dma source(%dma_start3A_315 : memref<10112x64xf32, #tpu.memory_space<hbm>>) target(%dma_start3A_309 : memref<128x64xf32, #tpu.memory_space<vmem>>) offsets(%dma_start3A_312 : memref<128xi32, #tpu.memory_space<vmem>>) semaphore(%dma_start3A_317 : memref<!tpu.dma_semaphore, #tpu.memory_space<semaphore_mem>>)
      } else {
      }
    }
    %while3A_57 = arith.constant 1 : i32
    scf.for %while3A_134 = %while3A_55 to %while3A_51 step %while3A_57  : i32 {
      %mul3A_135 = arith.muli %while3A_134, %while3A : i32
      %add3A_136 = arith.addi %while3A_48, %mul3A_135 : i32
      %add3A_137 = arith.constant 0 : i32
      %add3A_138 = arith.addi %add3A_136, %add3A_137 : i32
      %dma_wait3A_139 = arith.constant 0 : i32
      %dma_wait3A_140 = arith.constant 0 : i32
      %dma_wait3A_141 = arith.constant 0 : i32
      %dma_wait3A_142 = arith.constant 0 : i32
      %dma_wait3A_143 = tpu.memref_slice %arg9[%dma_wait3A_139, %dma_wait3A_141, %dma_wait3A_142] : memref<4x128x64xf32, #tpu.memory_space<vmem>> -> memref<1x128x64xf32, #tpu.memory_space<vmem>>
      %dma_wait3A_144 = tpu.memref_squeeze %dma_wait3A_143 : memref<1x128x64xf32, #tpu.memory_space<vmem>> -> memref<128x64xf32, #tpu.memory_space<vmem>>
      %dma_wait3A_145 = arith.constant 0 : i32
      %dma_wait3A_146 = tpu.memref_slice %arg7[%add3A_138, %dma_wait3A_145] : memref<128x128xi32, #tpu.memory_space<vmem>> -> memref<1x128xi32, #tpu.memory_space<vmem>>
      %dma_wait3A_147 = tpu.memref_squeeze %dma_wait3A_146 : memref<1x128xi32, #tpu.memory_space<vmem>> -> memref<128xi32, #tpu.memory_space<vmem>>
      %dma_wait3A_148 = arith.constant 0 : i32
      %dma_wait3A_149 = arith.constant 0 : i32
      %dma_wait3A_150 = tpu.memref_slice %arg2[%dma_wait3A_148, %dma_wait3A_149] : memref<10112x64xf32, #tpu.memory_space<hbm>> -> memref<10112x64xf32, #tpu.memory_space<hbm>>
      %dma_wait3A_151 = tpu.memref_slice %arg11[%dma_wait3A_140] : memref<4x!tpu.dma_semaphore, #tpu.memory_space<semaphore_mem>> -> memref<1x!tpu.dma_semaphore, #tpu.memory_space<semaphore_mem>>
      %dma_wait3A_152 = tpu.memref_squeeze %dma_wait3A_151 : memref<1x!tpu.dma_semaphore, #tpu.memory_space<semaphore_mem>> -> memref<!tpu.dma_semaphore, #tpu.memory_space<semaphore_mem>>
      tpu.wait_indirect_dma semaphore(%dma_wait3A_152 : memref<!tpu.dma_semaphore, #tpu.memory_space<semaphore_mem>>) src(%dma_wait3A_150 : memref<10112x64xf32, #tpu.memory_space<hbm>>) dst(%dma_wait3A_144 : memref<128x64xf32, #tpu.memory_space<vmem>>)
      %dma_start3A_153 = arith.constant 0 : i32
      %dma_start3A_154 = arith.constant 0 : i32
      %dma_start3A_155 = arith.constant 0 : i32
      %dma_start3A_156 = arith.constant 0 : i32
      %dma_start3A_157 = tpu.memref_slice %arg9[%dma_start3A_153, %dma_start3A_155, %dma_start3A_156] : memref<4x128x64xf32, #tpu.memory_space<vmem>> -> memref<1x128x64xf32, #tpu.memory_space<vmem>>
      %dma_start3A_158 = tpu.memref_squeeze %dma_start3A_157 : memref<1x128x64xf32, #tpu.memory_space<vmem>> -> memref<128x64xf32, #tpu.memory_space<vmem>>
      %dma_start3A_159 = arith.constant 0 : i32
      %dma_start3A_160 = tpu.memref_slice %arg8[%add3A_138, %dma_start3A_159] : memref<128x128xi32, #tpu.memory_space<vmem>> -> memref<1x128xi32, #tpu.memory_space<vmem>>
      %dma_start3A_161 = tpu.memref_squeeze %dma_start3A_160 : memref<1x128xi32, #tpu.memory_space<vmem>> -> memref<128xi32, #tpu.memory_space<vmem>>
      %dma_start3A_162 = arith.constant 0 : i32
      %dma_start3A_163 = arith.constant 0 : i32
      %dma_start3A_164 = tpu.memref_slice %arg10[%dma_start3A_162, %dma_start3A_163] : memref<10112x64xf32, #tpu.memory_space<vmem_shared>> -> memref<10112x64xf32, #tpu.memory_space<vmem_shared>>
      %dma_start3A_165 = tpu.memref_slice %arg12[%dma_start3A_154] : memref<4x!tpu.dma_semaphore, #tpu.memory_space<semaphore_mem>> -> memref<1x!tpu.dma_semaphore, #tpu.memory_space<semaphore_mem>>
      %dma_start3A_166 = tpu.memref_squeeze %dma_start3A_165 : memref<1x!tpu.dma_semaphore, #tpu.memory_space<semaphore_mem>> -> memref<!tpu.dma_semaphore, #tpu.memory_space<semaphore_mem>>
      tpu.enqueue_indirect_dma source(%dma_start3A_158 : memref<128x64xf32, #tpu.memory_space<vmem>>) target(%dma_start3A_164 : memref<10112x64xf32, #tpu.memory_space<vmem_shared>>) offsets(%dma_start3A_161 : memref<128xi32, #tpu.memory_space<vmem>>) semaphore(%dma_start3A_166 : memref<!tpu.dma_semaphore, #tpu.memory_space<semaphore_mem>>) {add = true}
      %add3A_167 = arith.constant 2 : i32
      %add3A_168 = arith.addi %add3A_138, %add3A_167 : i32
      %ge3A = arith.constant 4 : i32
      %ge3A_169 = arith.cmpi sge, %add3A_168, %ge3A : i32
      %lt3A = arith.cmpi slt, %add3A_168, %select_n3A : i32
      %and3A = arith.andi %ge3A_169, %lt3A : i1
      %convert_element_type3A = arith.extui %and3A : i1 to i32
      %cond3A = arith.constant 0 : i32
      %cond3A_170 = arith.cmpi ne, %convert_element_type3A, %cond3A : i32
      scf.if %cond3A_170 {
        %sub3A_304 = arith.constant 4 : i32
        %sub3A_305 = arith.subi %add3A_168, %sub3A_304 : i32
        %dma_wait3A_306 = arith.constant 2 : i32
        %dma_wait3A_307 = arith.constant 2 : i32
        %dma_wait3A_308 = arith.constant 0 : i32
        %dma_wait3A_309 = arith.constant 0 : i32
        %dma_wait3A_310 = tpu.memref_slice %arg9[%dma_wait3A_306, %dma_wait3A_308, %dma_wait3A_309] : memref<4x128x64xf32, #tpu.memory_space<vmem>> -> memref<1x128x64xf32, #tpu.memory_space<vmem>>
        %dma_wait3A_311 = tpu.memref_squeeze %dma_wait3A_310 : memref<1x128x64xf32, #tpu.memory_space<vmem>> -> memref<128x64xf32, #tpu.memory_space<vmem>>
        %dma_wait3A_312 = arith.constant 0 : i32
        %dma_wait3A_313 = tpu.memref_slice %arg8[%sub3A_305, %dma_wait3A_312] : memref<128x128xi32, #tpu.memory_space<vmem>> -> memref<1x128xi32, #tpu.memory_space<vmem>>
        %dma_wait3A_314 = tpu.memref_squeeze %dma_wait3A_313 : memref<1x128xi32, #tpu.memory_space<vmem>> -> memref<128xi32, #tpu.memory_space<vmem>>
        %dma_wait3A_315 = arith.constant 0 : i32
        %dma_wait3A_316 = arith.constant 0 : i32
        %dma_wait3A_317 = tpu.memref_slice %arg10[%dma_wait3A_315, %dma_wait3A_316] : memref<10112x64xf32, #tpu.memory_space<vmem_shared>> -> memref<10112x64xf32, #tpu.memory_space<vmem_shared>>
        %dma_wait3A_318 = tpu.memref_slice %arg12[%dma_wait3A_307] : memref<4x!tpu.dma_semaphore, #tpu.memory_space<semaphore_mem>> -> memref<1x!tpu.dma_semaphore, #tpu.memory_space<semaphore_mem>>
        %dma_wait3A_319 = tpu.memref_squeeze %dma_wait3A_318 : memref<1x!tpu.dma_semaphore, #tpu.memory_space<semaphore_mem>> -> memref<!tpu.dma_semaphore, #tpu.memory_space<semaphore_mem>>
        tpu.wait_indirect_dma semaphore(%dma_wait3A_319 : memref<!tpu.dma_semaphore, #tpu.memory_space<semaphore_mem>>) src(%dma_wait3A_311 : memref<128x64xf32, #tpu.memory_space<vmem>>) dst(%dma_wait3A_317 : memref<10112x64xf32, #tpu.memory_space<vmem_shared>>)
      } else {
      }
      %lt3A_171 = arith.cmpi slt, %add3A_168, %select_n3A : i32
      %convert_element_type3A_172 = arith.extui %lt3A_171 : i1 to i32
      %cond3A_173 = arith.constant 0 : i32
      %cond3A_174 = arith.cmpi ne, %convert_element_type3A_172, %cond3A_173 : i32
      scf.if %cond3A_174 {
        %dma_start3A_304 = arith.constant 2 : i32
        %dma_start3A_305 = arith.constant 2 : i32
        %dma_start3A_306 = arith.constant 0 : i32
        %dma_start3A_307 = arith.constant 0 : i32
        %dma_start3A_308 = tpu.memref_slice %arg9[%dma_start3A_304, %dma_start3A_306, %dma_start3A_307] : memref<4x128x64xf32, #tpu.memory_space<vmem>> -> memref<1x128x64xf32, #tpu.memory_space<vmem>>
        %dma_start3A_309 = tpu.memref_squeeze %dma_start3A_308 : memref<1x128x64xf32, #tpu.memory_space<vmem>> -> memref<128x64xf32, #tpu.memory_space<vmem>>
        %dma_start3A_310 = arith.constant 0 : i32
        %dma_start3A_311 = tpu.memref_slice %arg7[%add3A_168, %dma_start3A_310] : memref<128x128xi32, #tpu.memory_space<vmem>> -> memref<1x128xi32, #tpu.memory_space<vmem>>
        %dma_start3A_312 = tpu.memref_squeeze %dma_start3A_311 : memref<1x128xi32, #tpu.memory_space<vmem>> -> memref<128xi32, #tpu.memory_space<vmem>>
        %dma_start3A_313 = arith.constant 0 : i32
        %dma_start3A_314 = arith.constant 0 : i32
        %dma_start3A_315 = tpu.memref_slice %arg2[%dma_start3A_313, %dma_start3A_314] : memref<10112x64xf32, #tpu.memory_space<hbm>> -> memref<10112x64xf32, #tpu.memory_space<hbm>>
        %dma_start3A_316 = tpu.memref_slice %arg11[%dma_start3A_305] : memref<4x!tpu.dma_semaphore, #tpu.memory_space<semaphore_mem>> -> memref<1x!tpu.dma_semaphore, #tpu.memory_space<semaphore_mem>>
        %dma_start3A_317 = tpu.memref_squeeze %dma_start3A_316 : memref<1x!tpu.dma_semaphore, #tpu.memory_space<semaphore_mem>> -> memref<!tpu.dma_semaphore, #tpu.memory_space<semaphore_mem>>
        tpu.enqueue_indirect_dma source(%dma_start3A_315 : memref<10112x64xf32, #tpu.memory_space<hbm>>) target(%dma_start3A_309 : memref<128x64xf32, #tpu.memory_space<vmem>>) offsets(%dma_start3A_312 : memref<128xi32, #tpu.memory_space<vmem>>) semaphore(%dma_start3A_317 : memref<!tpu.dma_semaphore, #tpu.memory_space<semaphore_mem>>)
      } else {
      }
      %add3A_175 = arith.constant 1 : i32
      %add3A_176 = arith.addi %add3A_136, %add3A_175 : i32
      %dma_wait3A_177 = arith.constant 1 : i32
      %dma_wait3A_178 = arith.constant 1 : i32
      %dma_wait3A_179 = arith.constant 0 : i32
      %dma_wait3A_180 = arith.constant 0 : i32
      %dma_wait3A_181 = tpu.memref_slice %arg9[%dma_wait3A_177, %dma_wait3A_179, %dma_wait3A_180] : memref<4x128x64xf32, #tpu.memory_space<vmem>> -> memref<1x128x64xf32, #tpu.memory_space<vmem>>
      %dma_wait3A_182 = tpu.memref_squeeze %dma_wait3A_181 : memref<1x128x64xf32, #tpu.memory_space<vmem>> -> memref<128x64xf32, #tpu.memory_space<vmem>>
      %dma_wait3A_183 = arith.constant 0 : i32
      %dma_wait3A_184 = tpu.memref_slice %arg7[%add3A_176, %dma_wait3A_183] : memref<128x128xi32, #tpu.memory_space<vmem>> -> memref<1x128xi32, #tpu.memory_space<vmem>>
      %dma_wait3A_185 = tpu.memref_squeeze %dma_wait3A_184 : memref<1x128xi32, #tpu.memory_space<vmem>> -> memref<128xi32, #tpu.memory_space<vmem>>
      %dma_wait3A_186 = arith.constant 0 : i32
      %dma_wait3A_187 = arith.constant 0 : i32
      %dma_wait3A_188 = tpu.memref_slice %arg2[%dma_wait3A_186, %dma_wait3A_187] : memref<10112x64xf32, #tpu.memory_space<hbm>> -> memref<10112x64xf32, #tpu.memory_space<hbm>>
      %dma_wait3A_189 = tpu.memref_slice %arg11[%dma_wait3A_178] : memref<4x!tpu.dma_semaphore, #tpu.memory_space<semaphore_mem>> -> memref<1x!tpu.dma_semaphore, #tpu.memory_space<semaphore_mem>>
      %dma_wait3A_190 = tpu.memref_squeeze %dma_wait3A_189 : memref<1x!tpu.dma_semaphore, #tpu.memory_space<semaphore_mem>> -> memref<!tpu.dma_semaphore, #tpu.memory_space<semaphore_mem>>
      tpu.wait_indirect_dma semaphore(%dma_wait3A_190 : memref<!tpu.dma_semaphore, #tpu.memory_space<semaphore_mem>>) src(%dma_wait3A_188 : memref<10112x64xf32, #tpu.memory_space<hbm>>) dst(%dma_wait3A_182 : memref<128x64xf32, #tpu.memory_space<vmem>>)
      %dma_start3A_191 = arith.constant 1 : i32
      %dma_start3A_192 = arith.constant 1 : i32
      %dma_start3A_193 = arith.constant 0 : i32
      %dma_start3A_194 = arith.constant 0 : i32
      %dma_start3A_195 = tpu.memref_slice %arg9[%dma_start3A_191, %dma_start3A_193, %dma_start3A_194] : memref<4x128x64xf32, #tpu.memory_space<vmem>> -> memref<1x128x64xf32, #tpu.memory_space<vmem>>
      %dma_start3A_196 = tpu.memref_squeeze %dma_start3A_195 : memref<1x128x64xf32, #tpu.memory_space<vmem>> -> memref<128x64xf32, #tpu.memory_space<vmem>>
      %dma_start3A_197 = arith.constant 0 : i32
      %dma_start3A_198 = tpu.memref_slice %arg8[%add3A_176, %dma_start3A_197] : memref<128x128xi32, #tpu.memory_space<vmem>> -> memref<1x128xi32, #tpu.memory_space<vmem>>
      %dma_start3A_199 = tpu.memref_squeeze %dma_start3A_198 : memref<1x128xi32, #tpu.memory_space<vmem>> -> memref<128xi32, #tpu.memory_space<vmem>>
      %dma_start3A_200 = arith.constant 0 : i32
      %dma_start3A_201 = arith.constant 0 : i32
      %dma_start3A_202 = tpu.memref_slice %arg10[%dma_start3A_200, %dma_start3A_201] : memref<10112x64xf32, #tpu.memory_space<vmem_shared>> -> memref<10112x64xf32, #tpu.memory_space<vmem_shared>>
      %dma_start3A_203 = tpu.memref_slice %arg12[%dma_start3A_192] : memref<4x!tpu.dma_semaphore, #tpu.memory_space<semaphore_mem>> -> memref<1x!tpu.dma_semaphore, #tpu.memory_space<semaphore_mem>>
      %dma_start3A_204 = tpu.memref_squeeze %dma_start3A_203 : memref<1x!tpu.dma_semaphore, #tpu.memory_space<semaphore_mem>> -> memref<!tpu.dma_semaphore, #tpu.memory_space<semaphore_mem>>
      tpu.enqueue_indirect_dma source(%dma_start3A_196 : memref<128x64xf32, #tpu.memory_space<vmem>>) target(%dma_start3A_202 : memref<10112x64xf32, #tpu.memory_space<vmem_shared>>) offsets(%dma_start3A_199 : memref<128xi32, #tpu.memory_space<vmem>>) semaphore(%dma_start3A_204 : memref<!tpu.dma_semaphore, #tpu.memory_space<semaphore_mem>>) {add = true}
      %add3A_205 = arith.constant 2 : i32
      %add3A_206 = arith.addi %add3A_176, %add3A_205 : i32
      %ge3A_207 = arith.constant 4 : i32
      %ge3A_208 = arith.cmpi sge, %add3A_206, %ge3A_207 : i32
      %lt3A_209 = arith.cmpi slt, %add3A_206, %select_n3A : i32
      %and3A_210 = arith.andi %ge3A_208, %lt3A_209 : i1
      %convert_element_type3A_211 = arith.extui %and3A_210 : i1 to i32
      %cond3A_212 = arith.constant 0 : i32
      %cond3A_213 = arith.cmpi ne, %convert_element_type3A_211, %cond3A_212 : i32
      scf.if %cond3A_213 {
        %sub3A_304 = arith.constant 4 : i32
        %sub3A_305 = arith.subi %add3A_206, %sub3A_304 : i32
        %dma_wait3A_306 = arith.constant 3 : i32
        %dma_wait3A_307 = arith.constant 3 : i32
        %dma_wait3A_308 = arith.constant 0 : i32
        %dma_wait3A_309 = arith.constant 0 : i32
        %dma_wait3A_310 = tpu.memref_slice %arg9[%dma_wait3A_306, %dma_wait3A_308, %dma_wait3A_309] : memref<4x128x64xf32, #tpu.memory_space<vmem>> -> memref<1x128x64xf32, #tpu.memory_space<vmem>>
        %dma_wait3A_311 = tpu.memref_squeeze %dma_wait3A_310 : memref<1x128x64xf32, #tpu.memory_space<vmem>> -> memref<128x64xf32, #tpu.memory_space<vmem>>
        %dma_wait3A_312 = arith.constant 0 : i32
        %dma_wait3A_313 = tpu.memref_slice %arg8[%sub3A_305, %dma_wait3A_312] : memref<128x128xi32, #tpu.memory_space<vmem>> -> memref<1x128xi32, #tpu.memory_space<vmem>>
        %dma_wait3A_314 = tpu.memref_squeeze %dma_wait3A_313 : memref<1x128xi32, #tpu.memory_space<vmem>> -> memref<128xi32, #tpu.memory_space<vmem>>
        %dma_wait3A_315 = arith.constant 0 : i32
        %dma_wait3A_316 = arith.constant 0 : i32
        %dma_wait3A_317 = tpu.memref_slice %arg10[%dma_wait3A_315, %dma_wait3A_316] : memref<10112x64xf32, #tpu.memory_space<vmem_shared>> -> memref<10112x64xf32, #tpu.memory_space<vmem_shared>>
        %dma_wait3A_318 = tpu.memref_slice %arg12[%dma_wait3A_307] : memref<4x!tpu.dma_semaphore, #tpu.memory_space<semaphore_mem>> -> memref<1x!tpu.dma_semaphore, #tpu.memory_space<semaphore_mem>>
        %dma_wait3A_319 = tpu.memref_squeeze %dma_wait3A_318 : memref<1x!tpu.dma_semaphore, #tpu.memory_space<semaphore_mem>> -> memref<!tpu.dma_semaphore, #tpu.memory_space<semaphore_mem>>
        tpu.wait_indirect_dma semaphore(%dma_wait3A_319 : memref<!tpu.dma_semaphore, #tpu.memory_space<semaphore_mem>>) src(%dma_wait3A_311 : memref<128x64xf32, #tpu.memory_space<vmem>>) dst(%dma_wait3A_317 : memref<10112x64xf32, #tpu.memory_space<vmem_shared>>)
      } else {
      }
      %lt3A_214 = arith.cmpi slt, %add3A_206, %select_n3A : i32
      %convert_element_type3A_215 = arith.extui %lt3A_214 : i1 to i32
      %cond3A_216 = arith.constant 0 : i32
      %cond3A_217 = arith.cmpi ne, %convert_element_type3A_215, %cond3A_216 : i32
      scf.if %cond3A_217 {
        %dma_start3A_304 = arith.constant 3 : i32
        %dma_start3A_305 = arith.constant 3 : i32
        %dma_start3A_306 = arith.constant 0 : i32
        %dma_start3A_307 = arith.constant 0 : i32
        %dma_start3A_308 = tpu.memref_slice %arg9[%dma_start3A_304, %dma_start3A_306, %dma_start3A_307] : memref<4x128x64xf32, #tpu.memory_space<vmem>> -> memref<1x128x64xf32, #tpu.memory_space<vmem>>
        %dma_start3A_309 = tpu.memref_squeeze %dma_start3A_308 : memref<1x128x64xf32, #tpu.memory_space<vmem>> -> memref<128x64xf32, #tpu.memory_space<vmem>>
        %dma_start3A_310 = arith.constant 0 : i32
        %dma_start3A_311 = tpu.memref_slice %arg7[%add3A_206, %dma_start3A_310] : memref<128x128xi32, #tpu.memory_space<vmem>> -> memref<1x128xi32, #tpu.memory_space<vmem>>
        %dma_start3A_312 = tpu.memref_squeeze %dma_start3A_311 : memref<1x128xi32, #tpu.memory_space<vmem>> -> memref<128xi32, #tpu.memory_space<vmem>>
        %dma_start3A_313 = arith.constant 0 : i32
        %dma_start3A_314 = arith.constant 0 : i32
        %dma_start3A_315 = tpu.memref_slice %arg2[%dma_start3A_313, %dma_start3A_314] : memref<10112x64xf32, #tpu.memory_space<hbm>> -> memref<10112x64xf32, #tpu.memory_space<hbm>>
        %dma_start3A_316 = tpu.memref_slice %arg11[%dma_start3A_305] : memref<4x!tpu.dma_semaphore, #tpu.memory_space<semaphore_mem>> -> memref<1x!tpu.dma_semaphore, #tpu.memory_space<semaphore_mem>>
        %dma_start3A_317 = tpu.memref_squeeze %dma_start3A_316 : memref<1x!tpu.dma_semaphore, #tpu.memory_space<semaphore_mem>> -> memref<!tpu.dma_semaphore, #tpu.memory_space<semaphore_mem>>
        tpu.enqueue_indirect_dma source(%dma_start3A_315 : memref<10112x64xf32, #tpu.memory_space<hbm>>) target(%dma_start3A_309 : memref<128x64xf32, #tpu.memory_space<vmem>>) offsets(%dma_start3A_312 : memref<128xi32, #tpu.memory_space<vmem>>) semaphore(%dma_start3A_317 : memref<!tpu.dma_semaphore, #tpu.memory_space<semaphore_mem>>)
      } else {
      }
      %add3A_218 = arith.constant 2 : i32
      %add3A_219 = arith.addi %add3A_136, %add3A_218 : i32
      %dma_wait3A_220 = arith.constant 2 : i32
      %dma_wait3A_221 = arith.constant 2 : i32
      %dma_wait3A_222 = arith.constant 0 : i32
      %dma_wait3A_223 = arith.constant 0 : i32
      %dma_wait3A_224 = tpu.memref_slice %arg9[%dma_wait3A_220, %dma_wait3A_222, %dma_wait3A_223] : memref<4x128x64xf32, #tpu.memory_space<vmem>> -> memref<1x128x64xf32, #tpu.memory_space<vmem>>
      %dma_wait3A_225 = tpu.memref_squeeze %dma_wait3A_224 : memref<1x128x64xf32, #tpu.memory_space<vmem>> -> memref<128x64xf32, #tpu.memory_space<vmem>>
      %dma_wait3A_226 = arith.constant 0 : i32
      %dma_wait3A_227 = tpu.memref_slice %arg7[%add3A_219, %dma_wait3A_226] : memref<128x128xi32, #tpu.memory_space<vmem>> -> memref<1x128xi32, #tpu.memory_space<vmem>>
      %dma_wait3A_228 = tpu.memref_squeeze %dma_wait3A_227 : memref<1x128xi32, #tpu.memory_space<vmem>> -> memref<128xi32, #tpu.memory_space<vmem>>
      %dma_wait3A_229 = arith.constant 0 : i32
      %dma_wait3A_230 = arith.constant 0 : i32
      %dma_wait3A_231 = tpu.memref_slice %arg2[%dma_wait3A_229, %dma_wait3A_230] : memref<10112x64xf32, #tpu.memory_space<hbm>> -> memref<10112x64xf32, #tpu.memory_space<hbm>>
      %dma_wait3A_232 = tpu.memref_slice %arg11[%dma_wait3A_221] : memref<4x!tpu.dma_semaphore, #tpu.memory_space<semaphore_mem>> -> memref<1x!tpu.dma_semaphore, #tpu.memory_space<semaphore_mem>>
      %dma_wait3A_233 = tpu.memref_squeeze %dma_wait3A_232 : memref<1x!tpu.dma_semaphore, #tpu.memory_space<semaphore_mem>> -> memref<!tpu.dma_semaphore, #tpu.memory_space<semaphore_mem>>
      tpu.wait_indirect_dma semaphore(%dma_wait3A_233 : memref<!tpu.dma_semaphore, #tpu.memory_space<semaphore_mem>>) src(%dma_wait3A_231 : memref<10112x64xf32, #tpu.memory_space<hbm>>) dst(%dma_wait3A_225 : memref<128x64xf32, #tpu.memory_space<vmem>>)
      %dma_start3A_234 = arith.constant 2 : i32
      %dma_start3A_235 = arith.constant 2 : i32
      %dma_start3A_236 = arith.constant 0 : i32
      %dma_start3A_237 = arith.constant 0 : i32
      %dma_start3A_238 = tpu.memref_slice %arg9[%dma_start3A_234, %dma_start3A_236, %dma_start3A_237] : memref<4x128x64xf32, #tpu.memory_space<vmem>> -> memref<1x128x64xf32, #tpu.memory_space<vmem>>
      %dma_start3A_239 = tpu.memref_squeeze %dma_start3A_238 : memref<1x128x64xf32, #tpu.memory_space<vmem>> -> memref<128x64xf32, #tpu.memory_space<vmem>>
      %dma_start3A_240 = arith.constant 0 : i32
      %dma_start3A_241 = tpu.memref_slice %arg8[%add3A_219, %dma_start3A_240] : memref<128x128xi32, #tpu.memory_space<vmem>> -> memref<1x128xi32, #tpu.memory_space<vmem>>
      %dma_start3A_242 = tpu.memref_squeeze %dma_start3A_241 : memref<1x128xi32, #tpu.memory_space<vmem>> -> memref<128xi32, #tpu.memory_space<vmem>>
      %dma_start3A_243 = arith.constant 0 : i32
      %dma_start3A_244 = arith.constant 0 : i32
      %dma_start3A_245 = tpu.memref_slice %arg10[%dma_start3A_243, %dma_start3A_244] : memref<10112x64xf32, #tpu.memory_space<vmem_shared>> -> memref<10112x64xf32, #tpu.memory_space<vmem_shared>>
      %dma_start3A_246 = tpu.memref_slice %arg12[%dma_start3A_235] : memref<4x!tpu.dma_semaphore, #tpu.memory_space<semaphore_mem>> -> memref<1x!tpu.dma_semaphore, #tpu.memory_space<semaphore_mem>>
      %dma_start3A_247 = tpu.memref_squeeze %dma_start3A_246 : memref<1x!tpu.dma_semaphore, #tpu.memory_space<semaphore_mem>> -> memref<!tpu.dma_semaphore, #tpu.memory_space<semaphore_mem>>
      tpu.enqueue_indirect_dma source(%dma_start3A_239 : memref<128x64xf32, #tpu.memory_space<vmem>>) target(%dma_start3A_245 : memref<10112x64xf32, #tpu.memory_space<vmem_shared>>) offsets(%dma_start3A_242 : memref<128xi32, #tpu.memory_space<vmem>>) semaphore(%dma_start3A_247 : memref<!tpu.dma_semaphore, #tpu.memory_space<semaphore_mem>>) {add = true}
      %add3A_248 = arith.constant 2 : i32
      %add3A_249 = arith.addi %add3A_219, %add3A_248 : i32
      %ge3A_250 = arith.constant 4 : i32
      %ge3A_251 = arith.cmpi sge, %add3A_249, %ge3A_250 : i32
      %lt3A_252 = arith.cmpi slt, %add3A_249, %select_n3A : i32
      %and3A_253 = arith.andi %ge3A_251, %lt3A_252 : i1
      %convert_element_type3A_254 = arith.extui %and3A_253 : i1 to i32
      %cond3A_255 = arith.constant 0 : i32
      %cond3A_256 = arith.cmpi ne, %convert_element_type3A_254, %cond3A_255 : i32
      scf.if %cond3A_256 {
        %sub3A_304 = arith.constant 4 : i32
        %sub3A_305 = arith.subi %add3A_249, %sub3A_304 : i32
        %dma_wait3A_306 = arith.constant 0 : i32
        %dma_wait3A_307 = arith.constant 0 : i32
        %dma_wait3A_308 = arith.constant 0 : i32
        %dma_wait3A_309 = arith.constant 0 : i32
        %dma_wait3A_310 = tpu.memref_slice %arg9[%dma_wait3A_306, %dma_wait3A_308, %dma_wait3A_309] : memref<4x128x64xf32, #tpu.memory_space<vmem>> -> memref<1x128x64xf32, #tpu.memory_space<vmem>>
        %dma_wait3A_311 = tpu.memref_squeeze %dma_wait3A_310 : memref<1x128x64xf32, #tpu.memory_space<vmem>> -> memref<128x64xf32, #tpu.memory_space<vmem>>
        %dma_wait3A_312 = arith.constant 0 : i32
        %dma_wait3A_313 = tpu.memref_slice %arg8[%sub3A_305, %dma_wait3A_312] : memref<128x128xi32, #tpu.memory_space<vmem>> -> memref<1x128xi32, #tpu.memory_space<vmem>>
        %dma_wait3A_314 = tpu.memref_squeeze %dma_wait3A_313 : memref<1x128xi32, #tpu.memory_space<vmem>> -> memref<128xi32, #tpu.memory_space<vmem>>
        %dma_wait3A_315 = arith.constant 0 : i32
        %dma_wait3A_316 = arith.constant 0 : i32
        %dma_wait3A_317 = tpu.memref_slice %arg10[%dma_wait3A_315, %dma_wait3A_316] : memref<10112x64xf32, #tpu.memory_space<vmem_shared>> -> memref<10112x64xf32, #tpu.memory_space<vmem_shared>>
        %dma_wait3A_318 = tpu.memref_slice %arg12[%dma_wait3A_307] : memref<4x!tpu.dma_semaphore, #tpu.memory_space<semaphore_mem>> -> memref<1x!tpu.dma_semaphore, #tpu.memory_space<semaphore_mem>>
        %dma_wait3A_319 = tpu.memref_squeeze %dma_wait3A_318 : memref<1x!tpu.dma_semaphore, #tpu.memory_space<semaphore_mem>> -> memref<!tpu.dma_semaphore, #tpu.memory_space<semaphore_mem>>
        tpu.wait_indirect_dma semaphore(%dma_wait3A_319 : memref<!tpu.dma_semaphore, #tpu.memory_space<semaphore_mem>>) src(%dma_wait3A_311 : memref<128x64xf32, #tpu.memory_space<vmem>>) dst(%dma_wait3A_317 : memref<10112x64xf32, #tpu.memory_space<vmem_shared>>)
      } else {
      }
      %lt3A_257 = arith.cmpi slt, %add3A_249, %select_n3A : i32
      %convert_element_type3A_258 = arith.extui %lt3A_257 : i1 to i32
      %cond3A_259 = arith.constant 0 : i32
      %cond3A_260 = arith.cmpi ne, %convert_element_type3A_258, %cond3A_259 : i32
      scf.if %cond3A_260 {
        %dma_start3A_304 = arith.constant 0 : i32
        %dma_start3A_305 = arith.constant 0 : i32
        %dma_start3A_306 = arith.constant 0 : i32
        %dma_start3A_307 = arith.constant 0 : i32
        %dma_start3A_308 = tpu.memref_slice %arg9[%dma_start3A_304, %dma_start3A_306, %dma_start3A_307] : memref<4x128x64xf32, #tpu.memory_space<vmem>> -> memref<1x128x64xf32, #tpu.memory_space<vmem>>
        %dma_start3A_309 = tpu.memref_squeeze %dma_start3A_308 : memref<1x128x64xf32, #tpu.memory_space<vmem>> -> memref<128x64xf32, #tpu.memory_space<vmem>>
        %dma_start3A_310 = arith.constant 0 : i32
        %dma_start3A_311 = tpu.memref_slice %arg7[%add3A_249, %dma_start3A_310] : memref<128x128xi32, #tpu.memory_space<vmem>> -> memref<1x128xi32, #tpu.memory_space<vmem>>
        %dma_start3A_312 = tpu.memref_squeeze %dma_start3A_311 : memref<1x128xi32, #tpu.memory_space<vmem>> -> memref<128xi32, #tpu.memory_space<vmem>>
        %dma_start3A_313 = arith.constant 0 : i32
        %dma_start3A_314 = arith.constant 0 : i32
        %dma_start3A_315 = tpu.memref_slice %arg2[%dma_start3A_313, %dma_start3A_314] : memref<10112x64xf32, #tpu.memory_space<hbm>> -> memref<10112x64xf32, #tpu.memory_space<hbm>>
        %dma_start3A_316 = tpu.memref_slice %arg11[%dma_start3A_305] : memref<4x!tpu.dma_semaphore, #tpu.memory_space<semaphore_mem>> -> memref<1x!tpu.dma_semaphore, #tpu.memory_space<semaphore_mem>>
        %dma_start3A_317 = tpu.memref_squeeze %dma_start3A_316 : memref<1x!tpu.dma_semaphore, #tpu.memory_space<semaphore_mem>> -> memref<!tpu.dma_semaphore, #tpu.memory_space<semaphore_mem>>
        tpu.enqueue_indirect_dma source(%dma_start3A_315 : memref<10112x64xf32, #tpu.memory_space<hbm>>) target(%dma_start3A_309 : memref<128x64xf32, #tpu.memory_space<vmem>>) offsets(%dma_start3A_312 : memref<128xi32, #tpu.memory_space<vmem>>) semaphore(%dma_start3A_317 : memref<!tpu.dma_semaphore, #tpu.memory_space<semaphore_mem>>)
      } else {
      }
      %add3A_261 = arith.constant 3 : i32
      %add3A_262 = arith.addi %add3A_136, %add3A_261 : i32
      %dma_wait3A_263 = arith.constant 3 : i32
      %dma_wait3A_264 = arith.constant 3 : i32
      %dma_wait3A_265 = arith.constant 0 : i32
      %dma_wait3A_266 = arith.constant 0 : i32
      %dma_wait3A_267 = tpu.memref_slice %arg9[%dma_wait3A_263, %dma_wait3A_265, %dma_wait3A_266] : memref<4x128x64xf32, #tpu.memory_space<vmem>> -> memref<1x128x64xf32, #tpu.memory_space<vmem>>
      %dma_wait3A_268 = tpu.memref_squeeze %dma_wait3A_267 : memref<1x128x64xf32, #tpu.memory_space<vmem>> -> memref<128x64xf32, #tpu.memory_space<vmem>>
      %dma_wait3A_269 = arith.constant 0 : i32
      %dma_wait3A_270 = tpu.memref_slice %arg7[%add3A_262, %dma_wait3A_269] : memref<128x128xi32, #tpu.memory_space<vmem>> -> memref<1x128xi32, #tpu.memory_space<vmem>>
      %dma_wait3A_271 = tpu.memref_squeeze %dma_wait3A_270 : memref<1x128xi32, #tpu.memory_space<vmem>> -> memref<128xi32, #tpu.memory_space<vmem>>
      %dma_wait3A_272 = arith.constant 0 : i32
      %dma_wait3A_273 = arith.constant 0 : i32
      %dma_wait3A_274 = tpu.memref_slice %arg2[%dma_wait3A_272, %dma_wait3A_273] : memref<10112x64xf32, #tpu.memory_space<hbm>> -> memref<10112x64xf32, #tpu.memory_space<hbm>>
      %dma_wait3A_275 = tpu.memref_slice %arg11[%dma_wait3A_264] : memref<4x!tpu.dma_semaphore, #tpu.memory_space<semaphore_mem>> -> memref<1x!tpu.dma_semaphore, #tpu.memory_space<semaphore_mem>>
      %dma_wait3A_276 = tpu.memref_squeeze %dma_wait3A_275 : memref<1x!tpu.dma_semaphore, #tpu.memory_space<semaphore_mem>> -> memref<!tpu.dma_semaphore, #tpu.memory_space<semaphore_mem>>
      tpu.wait_indirect_dma semaphore(%dma_wait3A_276 : memref<!tpu.dma_semaphore, #tpu.memory_space<semaphore_mem>>) src(%dma_wait3A_274 : memref<10112x64xf32, #tpu.memory_space<hbm>>) dst(%dma_wait3A_268 : memref<128x64xf32, #tpu.memory_space<vmem>>)
      %dma_start3A_277 = arith.constant 3 : i32
      %dma_start3A_278 = arith.constant 3 : i32
      %dma_start3A_279 = arith.constant 0 : i32
      %dma_start3A_280 = arith.constant 0 : i32
      %dma_start3A_281 = tpu.memref_slice %arg9[%dma_start3A_277, %dma_start3A_279, %dma_start3A_280] : memref<4x128x64xf32, #tpu.memory_space<vmem>> -> memref<1x128x64xf32, #tpu.memory_space<vmem>>
      %dma_start3A_282 = tpu.memref_squeeze %dma_start3A_281 : memref<1x128x64xf32, #tpu.memory_space<vmem>> -> memref<128x64xf32, #tpu.memory_space<vmem>>
      %dma_start3A_283 = arith.constant 0 : i32
      %dma_start3A_284 = tpu.memref_slice %arg8[%add3A_262, %dma_start3A_283] : memref<128x128xi32, #tpu.memory_space<vmem>> -> memref<1x128xi32, #tpu.memory_space<vmem>>
      %dma_start3A_285 = tpu.memref_squeeze %dma_start3A_284 : memref<1x128xi32, #tpu.memory_space<vmem>> -> memref<128xi32, #tpu.memory_space<vmem>>
      %dma_start3A_286 = arith.constant 0 : i32
      %dma_start3A_287 = arith.constant 0 : i32
      %dma_start3A_288 = tpu.memref_slice %arg10[%dma_start3A_286, %dma_start3A_287] : memref<10112x64xf32, #tpu.memory_space<vmem_shared>> -> memref<10112x64xf32, #tpu.memory_space<vmem_shared>>
      %dma_start3A_289 = tpu.memref_slice %arg12[%dma_start3A_278] : memref<4x!tpu.dma_semaphore, #tpu.memory_space<semaphore_mem>> -> memref<1x!tpu.dma_semaphore, #tpu.memory_space<semaphore_mem>>
      %dma_start3A_290 = tpu.memref_squeeze %dma_start3A_289 : memref<1x!tpu.dma_semaphore, #tpu.memory_space<semaphore_mem>> -> memref<!tpu.dma_semaphore, #tpu.memory_space<semaphore_mem>>
      tpu.enqueue_indirect_dma source(%dma_start3A_282 : memref<128x64xf32, #tpu.memory_space<vmem>>) target(%dma_start3A_288 : memref<10112x64xf32, #tpu.memory_space<vmem_shared>>) offsets(%dma_start3A_285 : memref<128xi32, #tpu.memory_space<vmem>>) semaphore(%dma_start3A_290 : memref<!tpu.dma_semaphore, #tpu.memory_space<semaphore_mem>>) {add = true}
      %add3A_291 = arith.constant 2 : i32
      %add3A_292 = arith.addi %add3A_262, %add3A_291 : i32
      %ge3A_293 = arith.constant 4 : i32
      %ge3A_294 = arith.cmpi sge, %add3A_292, %ge3A_293 : i32
      %lt3A_295 = arith.cmpi slt, %add3A_292, %select_n3A : i32
      %and3A_296 = arith.andi %ge3A_294, %lt3A_295 : i1
      %convert_element_type3A_297 = arith.extui %and3A_296 : i1 to i32
      %cond3A_298 = arith.constant 0 : i32
      %cond3A_299 = arith.cmpi ne, %convert_element_type3A_297, %cond3A_298 : i32
      scf.if %cond3A_299 {
        %sub3A_304 = arith.constant 4 : i32
        %sub3A_305 = arith.subi %add3A_292, %sub3A_304 : i32
        %dma_wait3A_306 = arith.constant 1 : i32
        %dma_wait3A_307 = arith.constant 1 : i32
        %dma_wait3A_308 = arith.constant 0 : i32
        %dma_wait3A_309 = arith.constant 0 : i32
        %dma_wait3A_310 = tpu.memref_slice %arg9[%dma_wait3A_306, %dma_wait3A_308, %dma_wait3A_309] : memref<4x128x64xf32, #tpu.memory_space<vmem>> -> memref<1x128x64xf32, #tpu.memory_space<vmem>>
        %dma_wait3A_311 = tpu.memref_squeeze %dma_wait3A_310 : memref<1x128x64xf32, #tpu.memory_space<vmem>> -> memref<128x64xf32, #tpu.memory_space<vmem>>
        %dma_wait3A_312 = arith.constant 0 : i32
        %dma_wait3A_313 = tpu.memref_slice %arg8[%sub3A_305, %dma_wait3A_312] : memref<128x128xi32, #tpu.memory_space<vmem>> -> memref<1x128xi32, #tpu.memory_space<vmem>>
        %dma_wait3A_314 = tpu.memref_squeeze %dma_wait3A_313 : memref<1x128xi32, #tpu.memory_space<vmem>> -> memref<128xi32, #tpu.memory_space<vmem>>
        %dma_wait3A_315 = arith.constant 0 : i32
        %dma_wait3A_316 = arith.constant 0 : i32
        %dma_wait3A_317 = tpu.memref_slice %arg10[%dma_wait3A_315, %dma_wait3A_316] : memref<10112x64xf32, #tpu.memory_space<vmem_shared>> -> memref<10112x64xf32, #tpu.memory_space<vmem_shared>>
        %dma_wait3A_318 = tpu.memref_slice %arg12[%dma_wait3A_307] : memref<4x!tpu.dma_semaphore, #tpu.memory_space<semaphore_mem>> -> memref<1x!tpu.dma_semaphore, #tpu.memory_space<semaphore_mem>>
        %dma_wait3A_319 = tpu.memref_squeeze %dma_wait3A_318 : memref<1x!tpu.dma_semaphore, #tpu.memory_space<semaphore_mem>> -> memref<!tpu.dma_semaphore, #tpu.memory_space<semaphore_mem>>
        tpu.wait_indirect_dma semaphore(%dma_wait3A_319 : memref<!tpu.dma_semaphore, #tpu.memory_space<semaphore_mem>>) src(%dma_wait3A_311 : memref<128x64xf32, #tpu.memory_space<vmem>>) dst(%dma_wait3A_317 : memref<10112x64xf32, #tpu.memory_space<vmem_shared>>)
      } else {
      }
      %lt3A_300 = arith.cmpi slt, %add3A_292, %select_n3A : i32
      %convert_element_type3A_301 = arith.extui %lt3A_300 : i1 to i32
      %cond3A_302 = arith.constant 0 : i32
      %cond3A_303 = arith.cmpi ne, %convert_element_type3A_301, %cond3A_302 : i32
      scf.if %cond3A_303 {
        %dma_start3A_304 = arith.constant 1 : i32
        %dma_start3A_305 = arith.constant 1 : i32
        %dma_start3A_306 = arith.constant 0 : i32
        %dma_start3A_307 = arith.constant 0 : i32
        %dma_start3A_308 = tpu.memref_slice %arg9[%dma_start3A_304, %dma_start3A_306, %dma_start3A_307] : memref<4x128x64xf32, #tpu.memory_space<vmem>> -> memref<1x128x64xf32, #tpu.memory_space<vmem>>
        %dma_start3A_309 = tpu.memref_squeeze %dma_start3A_308 : memref<1x128x64xf32, #tpu.memory_space<vmem>> -> memref<128x64xf32, #tpu.memory_space<vmem>>
        %dma_start3A_310 = arith.constant 0 : i32
        %dma_start3A_311 = tpu.memref_slice %arg7[%add3A_292, %dma_start3A_310] : memref<128x128xi32, #tpu.memory_space<vmem>> -> memref<1x128xi32, #tpu.memory_space<vmem>>
        %dma_start3A_312 = tpu.memref_squeeze %dma_start3A_311 : memref<1x128xi32, #tpu.memory_space<vmem>> -> memref<128xi32, #tpu.memory_space<vmem>>
        %dma_start3A_313 = arith.constant 0 : i32
        %dma_start3A_314 = arith.constant 0 : i32
        %dma_start3A_315 = tpu.memref_slice %arg2[%dma_start3A_313, %dma_start3A_314] : memref<10112x64xf32, #tpu.memory_space<hbm>> -> memref<10112x64xf32, #tpu.memory_space<hbm>>
        %dma_start3A_316 = tpu.memref_slice %arg11[%dma_start3A_305] : memref<4x!tpu.dma_semaphore, #tpu.memory_space<semaphore_mem>> -> memref<1x!tpu.dma_semaphore, #tpu.memory_space<semaphore_mem>>
        %dma_start3A_317 = tpu.memref_squeeze %dma_start3A_316 : memref<1x!tpu.dma_semaphore, #tpu.memory_space<semaphore_mem>> -> memref<!tpu.dma_semaphore, #tpu.memory_space<semaphore_mem>>
        tpu.enqueue_indirect_dma source(%dma_start3A_315 : memref<10112x64xf32, #tpu.memory_space<hbm>>) target(%dma_start3A_309 : memref<128x64xf32, #tpu.memory_space<vmem>>) offsets(%dma_start3A_312 : memref<128xi32, #tpu.memory_space<vmem>>) semaphore(%dma_start3A_317 : memref<!tpu.dma_semaphore, #tpu.memory_space<semaphore_mem>>)
      } else {
      }
    }
    %sub3A_58 = arith.constant 4 : i32
    %sub3A_59 = arith.subi %select_n3A, %sub3A_58 : i32
    %add3A_60 = arith.constant 0 : i32
    %add3A_61 = arith.addi %sub3A_59, %add3A_60 : i32
    %dma_wait3A = arith.constant 0 : i32
    %dma_wait3A_62 = arith.constant 0 : i32
    %dma_wait3A_63 = arith.constant 0 : i32
    %dma_wait3A_64 = arith.constant 0 : i32
    %dma_wait3A_65 = tpu.memref_slice %arg9[%dma_wait3A, %dma_wait3A_63, %dma_wait3A_64] : memref<4x128x64xf32, #tpu.memory_space<vmem>> -> memref<1x128x64xf32, #tpu.memory_space<vmem>>
    %dma_wait3A_66 = tpu.memref_squeeze %dma_wait3A_65 : memref<1x128x64xf32, #tpu.memory_space<vmem>> -> memref<128x64xf32, #tpu.memory_space<vmem>>
    %dma_wait3A_67 = arith.constant 0 : i32
    %dma_wait3A_68 = tpu.memref_slice %arg8[%add3A_61, %dma_wait3A_67] : memref<128x128xi32, #tpu.memory_space<vmem>> -> memref<1x128xi32, #tpu.memory_space<vmem>>
    %dma_wait3A_69 = tpu.memref_squeeze %dma_wait3A_68 : memref<1x128xi32, #tpu.memory_space<vmem>> -> memref<128xi32, #tpu.memory_space<vmem>>
    %dma_wait3A_70 = arith.constant 0 : i32
    %dma_wait3A_71 = arith.constant 0 : i32
    %dma_wait3A_72 = tpu.memref_slice %arg10[%dma_wait3A_70, %dma_wait3A_71] : memref<10112x64xf32, #tpu.memory_space<vmem_shared>> -> memref<10112x64xf32, #tpu.memory_space<vmem_shared>>
    %dma_wait3A_73 = tpu.memref_slice %arg12[%dma_wait3A_62] : memref<4x!tpu.dma_semaphore, #tpu.memory_space<semaphore_mem>> -> memref<1x!tpu.dma_semaphore, #tpu.memory_space<semaphore_mem>>
    %dma_wait3A_74 = tpu.memref_squeeze %dma_wait3A_73 : memref<1x!tpu.dma_semaphore, #tpu.memory_space<semaphore_mem>> -> memref<!tpu.dma_semaphore, #tpu.memory_space<semaphore_mem>>
    tpu.wait_indirect_dma semaphore(%dma_wait3A_74 : memref<!tpu.dma_semaphore, #tpu.memory_space<semaphore_mem>>) src(%dma_wait3A_66 : memref<128x64xf32, #tpu.memory_space<vmem>>) dst(%dma_wait3A_72 : memref<10112x64xf32, #tpu.memory_space<vmem_shared>>)
    %sub3A_75 = arith.constant 4 : i32
    %sub3A_76 = arith.subi %select_n3A, %sub3A_75 : i32
    %add3A_77 = arith.constant 1 : i32
    %add3A_78 = arith.addi %sub3A_76, %add3A_77 : i32
    %dma_wait3A_79 = arith.constant 1 : i32
    %dma_wait3A_80 = arith.constant 1 : i32
    %dma_wait3A_81 = arith.constant 0 : i32
    %dma_wait3A_82 = arith.constant 0 : i32
    %dma_wait3A_83 = tpu.memref_slice %arg9[%dma_wait3A_79, %dma_wait3A_81, %dma_wait3A_82] : memref<4x128x64xf32, #tpu.memory_space<vmem>> -> memref<1x128x64xf32, #tpu.memory_space<vmem>>
    %dma_wait3A_84 = tpu.memref_squeeze %dma_wait3A_83 : memref<1x128x64xf32, #tpu.memory_space<vmem>> -> memref<128x64xf32, #tpu.memory_space<vmem>>
    %dma_wait3A_85 = arith.constant 0 : i32
    %dma_wait3A_86 = tpu.memref_slice %arg8[%add3A_78, %dma_wait3A_85] : memref<128x128xi32, #tpu.memory_space<vmem>> -> memref<1x128xi32, #tpu.memory_space<vmem>>
    %dma_wait3A_87 = tpu.memref_squeeze %dma_wait3A_86 : memref<1x128xi32, #tpu.memory_space<vmem>> -> memref<128xi32, #tpu.memory_space<vmem>>
    %dma_wait3A_88 = arith.constant 0 : i32
    %dma_wait3A_89 = arith.constant 0 : i32
    %dma_wait3A_90 = tpu.memref_slice %arg10[%dma_wait3A_88, %dma_wait3A_89] : memref<10112x64xf32, #tpu.memory_space<vmem_shared>> -> memref<10112x64xf32, #tpu.memory_space<vmem_shared>>
    %dma_wait3A_91 = tpu.memref_slice %arg12[%dma_wait3A_80] : memref<4x!tpu.dma_semaphore, #tpu.memory_space<semaphore_mem>> -> memref<1x!tpu.dma_semaphore, #tpu.memory_space<semaphore_mem>>
    %dma_wait3A_92 = tpu.memref_squeeze %dma_wait3A_91 : memref<1x!tpu.dma_semaphore, #tpu.memory_space<semaphore_mem>> -> memref<!tpu.dma_semaphore, #tpu.memory_space<semaphore_mem>>
    tpu.wait_indirect_dma semaphore(%dma_wait3A_92 : memref<!tpu.dma_semaphore, #tpu.memory_space<semaphore_mem>>) src(%dma_wait3A_84 : memref<128x64xf32, #tpu.memory_space<vmem>>) dst(%dma_wait3A_90 : memref<10112x64xf32, #tpu.memory_space<vmem_shared>>)
    %sub3A_93 = arith.constant 4 : i32
    %sub3A_94 = arith.subi %select_n3A, %sub3A_93 : i32
    %add3A_95 = arith.constant 2 : i32
    %add3A_96 = arith.addi %sub3A_94, %add3A_95 : i32
    %dma_wait3A_97 = arith.constant 2 : i32
    %dma_wait3A_98 = arith.constant 2 : i32
    %dma_wait3A_99 = arith.constant 0 : i32
    %dma_wait3A_100 = arith.constant 0 : i32
    %dma_wait3A_101 = tpu.memref_slice %arg9[%dma_wait3A_97, %dma_wait3A_99, %dma_wait3A_100] : memref<4x128x64xf32, #tpu.memory_space<vmem>> -> memref<1x128x64xf32, #tpu.memory_space<vmem>>
    %dma_wait3A_102 = tpu.memref_squeeze %dma_wait3A_101 : memref<1x128x64xf32, #tpu.memory_space<vmem>> -> memref<128x64xf32, #tpu.memory_space<vmem>>
    %dma_wait3A_103 = arith.constant 0 : i32
    %dma_wait3A_104 = tpu.memref_slice %arg8[%add3A_96, %dma_wait3A_103] : memref<128x128xi32, #tpu.memory_space<vmem>> -> memref<1x128xi32, #tpu.memory_space<vmem>>
    %dma_wait3A_105 = tpu.memref_squeeze %dma_wait3A_104 : memref<1x128xi32, #tpu.memory_space<vmem>> -> memref<128xi32, #tpu.memory_space<vmem>>
    %dma_wait3A_106 = arith.constant 0 : i32
    %dma_wait3A_107 = arith.constant 0 : i32
    %dma_wait3A_108 = tpu.memref_slice %arg10[%dma_wait3A_106, %dma_wait3A_107] : memref<10112x64xf32, #tpu.memory_space<vmem_shared>> -> memref<10112x64xf32, #tpu.memory_space<vmem_shared>>
    %dma_wait3A_109 = tpu.memref_slice %arg12[%dma_wait3A_98] : memref<4x!tpu.dma_semaphore, #tpu.memory_space<semaphore_mem>> -> memref<1x!tpu.dma_semaphore, #tpu.memory_space<semaphore_mem>>
    %dma_wait3A_110 = tpu.memref_squeeze %dma_wait3A_109 : memref<1x!tpu.dma_semaphore, #tpu.memory_space<semaphore_mem>> -> memref<!tpu.dma_semaphore, #tpu.memory_space<semaphore_mem>>
    tpu.wait_indirect_dma semaphore(%dma_wait3A_110 : memref<!tpu.dma_semaphore, #tpu.memory_space<semaphore_mem>>) src(%dma_wait3A_102 : memref<128x64xf32, #tpu.memory_space<vmem>>) dst(%dma_wait3A_108 : memref<10112x64xf32, #tpu.memory_space<vmem_shared>>)
    %sub3A_111 = arith.constant 4 : i32
    %sub3A_112 = arith.subi %select_n3A, %sub3A_111 : i32
    %add3A_113 = arith.constant 3 : i32
    %add3A_114 = arith.addi %sub3A_112, %add3A_113 : i32
    %dma_wait3A_115 = arith.constant 3 : i32
    %dma_wait3A_116 = arith.constant 3 : i32
    %dma_wait3A_117 = arith.constant 0 : i32
    %dma_wait3A_118 = arith.constant 0 : i32
    %dma_wait3A_119 = tpu.memref_slice %arg9[%dma_wait3A_115, %dma_wait3A_117, %dma_wait3A_118] : memref<4x128x64xf32, #tpu.memory_space<vmem>> -> memref<1x128x64xf32, #tpu.memory_space<vmem>>
    %dma_wait3A_120 = tpu.memref_squeeze %dma_wait3A_119 : memref<1x128x64xf32, #tpu.memory_space<vmem>> -> memref<128x64xf32, #tpu.memory_space<vmem>>
    %dma_wait3A_121 = arith.constant 0 : i32
    %dma_wait3A_122 = tpu.memref_slice %arg8[%add3A_114, %dma_wait3A_121] : memref<128x128xi32, #tpu.memory_space<vmem>> -> memref<1x128xi32, #tpu.memory_space<vmem>>
    %dma_wait3A_123 = tpu.memref_squeeze %dma_wait3A_122 : memref<1x128xi32, #tpu.memory_space<vmem>> -> memref<128xi32, #tpu.memory_space<vmem>>
    %dma_wait3A_124 = arith.constant 0 : i32
    %dma_wait3A_125 = arith.constant 0 : i32
    %dma_wait3A_126 = tpu.memref_slice %arg10[%dma_wait3A_124, %dma_wait3A_125] : memref<10112x64xf32, #tpu.memory_space<vmem_shared>> -> memref<10112x64xf32, #tpu.memory_space<vmem_shared>>
    %dma_wait3A_127 = tpu.memref_slice %arg12[%dma_wait3A_116] : memref<4x!tpu.dma_semaphore, #tpu.memory_space<semaphore_mem>> -> memref<1x!tpu.dma_semaphore, #tpu.memory_space<semaphore_mem>>
    %dma_wait3A_128 = tpu.memref_squeeze %dma_wait3A_127 : memref<1x!tpu.dma_semaphore, #tpu.memory_space<semaphore_mem>> -> memref<!tpu.dma_semaphore, #tpu.memory_space<semaphore_mem>>
    tpu.wait_indirect_dma semaphore(%dma_wait3A_128 : memref<!tpu.dma_semaphore, #tpu.memory_space<semaphore_mem>>) src(%dma_wait3A_120 : memref<128x64xf32, #tpu.memory_space<vmem>>) dst(%dma_wait3A_126 : memref<10112x64xf32, #tpu.memory_space<vmem_shared>>)
    %barrier3A_129 = arith.constant 0 : index
    tpu.barrier barrier_id(%barrier3A_129)
    %mul3A_130 = arith.constant 632 : i32
    %mul3A_131 = arith.muli %arg1, %mul3A_130 : i32
    %mul3A_132 = arith.constant 632 : i32
    %mul3A_133 = arith.muli %arg1, %mul3A_132 : i32
    "tpu.region"() ({
      %run_scoped3A = tpu.sem_alloc : memref<!tpu.dma_semaphore, #tpu.memory_space<semaphore_mem>>
      %dma_start3A_134 = arith.constant 0 : i32
      %dma_start3A_135 = tpu.memref_slice %arg6[%arg0, %mul3A_133, %dma_start3A_134] : memref<2x10112x64xf32, #tpu.memory_space<hbm>> -> memref<1x632x64xf32, #tpu.memory_space<hbm>>
      %dma_start3A_136 = tpu.memref_squeeze %dma_start3A_135 : memref<1x632x64xf32, #tpu.memory_space<hbm>> -> memref<632x64xf32, #tpu.memory_space<hbm>>
      %dma_start3A_137 = arith.constant 0 : i32
      %dma_start3A_138 = tpu.memref_slice %arg10[%mul3A_131, %dma_start3A_137] : memref<10112x64xf32, #tpu.memory_space<vmem_shared>> -> memref<632x64xf32, #tpu.memory_space<vmem_shared>>
      tpu.enqueue_dma source(%dma_start3A_138 : memref<632x64xf32, #tpu.memory_space<vmem_shared>>) target(%dma_start3A_136 : memref<632x64xf32, #tpu.memory_space<hbm>>) target_semaphore(%run_scoped3A : memref<!tpu.dma_semaphore, #tpu.memory_space<semaphore_mem>>)
      %dma_wait3A_139 = arith.constant 0 : i32
      %dma_wait3A_140 = tpu.memref_slice %arg6[%arg0, %mul3A_133, %dma_wait3A_139] : memref<2x10112x64xf32, #tpu.memory_space<hbm>> -> memref<1x632x64xf32, #tpu.memory_space<hbm>>
      %dma_wait3A_141 = tpu.memref_squeeze %dma_wait3A_140 : memref<1x632x64xf32, #tpu.memory_space<hbm>> -> memref<632x64xf32, #tpu.memory_space<hbm>>
      %dma_wait3A_142 = arith.constant 0 : i32
      %dma_wait3A_143 = tpu.memref_slice %arg10[%mul3A_131, %dma_wait3A_142] : memref<10112x64xf32, #tpu.memory_space<vmem_shared>> -> memref<632x64xf32, #tpu.memory_space<vmem_shared>>
      tpu.wait_dma2 semaphore(%run_scoped3A : memref<!tpu.dma_semaphore, #tpu.memory_space<semaphore_mem>>) src(%dma_wait3A_143 : memref<632x64xf32, #tpu.memory_space<vmem_shared>>) dst(%dma_wait3A_141 : memref<632x64xf32, #tpu.memory_space<hbm>>)
      tpu.yield
    }) : () -> ()
    return
  }
}

#map = affine_map<(d0, d1) -> (0, 0)>
#map1 = affine_map<(d0, d1) -> (0, 0, 0)>
module attributes {stable_mosaic.version = 14 : i64} {
  func.func @body(%arg0: i32, %arg1: i32, %arg2: memref<10112x64xf32, #tpu.memory_space<hbm>>, %arg3: memref<2656x128xi32, #tpu.memory_space<hbm>>, %arg4: memref<2656x128xi32, #tpu.memory_space<hbm>>, %arg5: memref<10112x64xf32, #tpu.memory_space<hbm>>, %arg6: memref<2x10112x64xf32, #tpu.memory_space<hbm>>, %arg7: memref<128x128xi32, #tpu.memory_space<vmem>>, %arg8: memref<128x128xi32, #tpu.memory_space<vmem>>, %arg9: memref<4x128x64xf32, #tpu.memory_space<vmem>>, %arg10: memref<10112x64xf32, #tpu.memory_space<vmem_shared>>, %arg11: memref<4x!tpu.dma_semaphore, #tpu.memory_space<semaphore_mem>>, %arg12: memref<4x!tpu.dma_semaphore, #tpu.memory_space<semaphore_mem>>) attributes {dimension_semantics = [#tpu.dimension_semantics<core_parallel>, #tpu.dimension_semantics<subcore_parallel>], iteration_bounds = array<i64: 2, 16>, scalar_prefetch = 0 : i64, scratch_operands = 6 : i64, tpu.core_type = #tpu.core_type<sc_vector_subcore>, window_params = [{transform_indices = #map}, {transform_indices = #map}, {transform_indices = #map}, {transform_indices = #map}, {transform_indices = #map1}]} {
    %eq3A = arith.constant 0 : i32
    %eq3A_0 = arith.cmpi eq, %arg0, %eq3A : i32
    %jit3A = arith.constant 128 : i32
    %jit3A_1 = arith.constant 32 : i32
    %select_n3A = arith.select %eq3A_0, %jit3A, %jit3A_1 : i32
    %eq3A_2 = arith.constant 0 : i32
    %eq3A_3 = arith.cmpi eq, %arg0, %eq3A_2 : i32
    %mul3A = arith.constant 128 : i32
    %mul3A_4 = arith.muli %arg1, %mul3A : i32
    %mul3A_5 = arith.constant 32 : i32
    %mul3A_6 = arith.muli %arg1, %mul3A_5 : i32
    %add3A = arith.constant 2048 : i32
    %add3A_7 = arith.addi %add3A, %mul3A_6 : i32
    %select_n3A_8 = arith.select %eq3A_3, %mul3A_4, %add3A_7 : i32
    "tpu.region"() ({
      %run_scoped3A = tpu.sem_alloc : memref<!tpu.dma_semaphore, #tpu.memory_space<semaphore_mem>>
      %dma_start3A_134 = arith.constant 0 : i32
      %dma_start3A_135 = tpu.memref_slice %arg3[%select_n3A_8, %dma_start3A_134] : memref<2656x128xi32, #tpu.memory_space<hbm>> -> memref<128x128xi32, #tpu.memory_space<hbm>>
      %dma_start3A_136 = arith.constant 0 : i32
      %dma_start3A_137 = tpu.memref_slice %arg3[%select_n3A_8, %dma_start3A_136] : memref<2656x128xi32, #tpu.memory_space<hbm>> -> memref<128x128xi32, #tpu.memory_space<hbm>>
      tpu.enqueue_dma source(%dma_start3A_137 : memref<128x128xi32, #tpu.memory_space<hbm>>) target(%arg7 : memref<128x128xi32, #tpu.memory_space<vmem>>) target_semaphore(%run_scoped3A : memref<!tpu.dma_semaphore, #tpu.memory_space<semaphore_mem>>)
      %dma_wait3A_138 = arith.constant 0 : i32
      %dma_wait3A_139 = tpu.memref_slice %arg3[%select_n3A_8, %dma_wait3A_138] : memref<2656x128xi32, #tpu.memory_space<hbm>> -> memref<128x128xi32, #tpu.memory_space<hbm>>
      %dma_wait3A_140 = arith.constant 0 : i32
      %dma_wait3A_141 = tpu.memref_slice %arg3[%select_n3A_8, %dma_wait3A_140] : memref<2656x128xi32, #tpu.memory_space<hbm>> -> memref<128x128xi32, #tpu.memory_space<hbm>>
      tpu.wait_dma2 semaphore(%run_scoped3A : memref<!tpu.dma_semaphore, #tpu.memory_space<semaphore_mem>>) src(%dma_wait3A_141 : memref<128x128xi32, #tpu.memory_space<hbm>>) dst(%arg7 : memref<128x128xi32, #tpu.memory_space<vmem>>)
      tpu.yield
    }) : () -> ()
    "tpu.region"() ({
      %run_scoped3A = tpu.sem_alloc : memref<!tpu.dma_semaphore, #tpu.memory_space<semaphore_mem>>
      %dma_start3A_134 = arith.constant 0 : i32
      %dma_start3A_135 = tpu.memref_slice %arg4[%select_n3A_8, %dma_start3A_134] : memref<2656x128xi32, #tpu.memory_space<hbm>> -> memref<128x128xi32, #tpu.memory_space<hbm>>
      %dma_start3A_136 = arith.constant 0 : i32
      %dma_start3A_137 = tpu.memref_slice %arg4[%select_n3A_8, %dma_start3A_136] : memref<2656x128xi32, #tpu.memory_space<hbm>> -> memref<128x128xi32, #tpu.memory_space<hbm>>
      tpu.enqueue_dma source(%dma_start3A_137 : memref<128x128xi32, #tpu.memory_space<hbm>>) target(%arg8 : memref<128x128xi32, #tpu.memory_space<vmem>>) target_semaphore(%run_scoped3A : memref<!tpu.dma_semaphore, #tpu.memory_space<semaphore_mem>>)
      %dma_wait3A_138 = arith.constant 0 : i32
      %dma_wait3A_139 = tpu.memref_slice %arg4[%select_n3A_8, %dma_wait3A_138] : memref<2656x128xi32, #tpu.memory_space<hbm>> -> memref<128x128xi32, #tpu.memory_space<hbm>>
      %dma_wait3A_140 = arith.constant 0 : i32
      %dma_wait3A_141 = tpu.memref_slice %arg4[%select_n3A_8, %dma_wait3A_140] : memref<2656x128xi32, #tpu.memory_space<hbm>> -> memref<128x128xi32, #tpu.memory_space<hbm>>
      tpu.wait_dma2 semaphore(%run_scoped3A : memref<!tpu.dma_semaphore, #tpu.memory_space<semaphore_mem>>) src(%dma_wait3A_141 : memref<128x128xi32, #tpu.memory_space<hbm>>) dst(%arg8 : memref<128x128xi32, #tpu.memory_space<vmem>>)
      tpu.yield
    }) : () -> ()
    %dma_start3A = arith.constant 0 : i32
    %dma_start3A_9 = arith.constant 0 : i32
    %dma_start3A_10 = arith.constant 0 : i32
    %dma_start3A_11 = arith.constant 0 : i32
    %dma_start3A_12 = arith.constant 0 : i32
    %dma_start3A_13 = tpu.memref_slice %arg9[%dma_start3A_9, %dma_start3A_11, %dma_start3A_12] : memref<4x128x64xf32, #tpu.memory_space<vmem>> -> memref<1x128x64xf32, #tpu.memory_space<vmem>>
    %dma_start3A_14 = tpu.memref_squeeze %dma_start3A_13 : memref<1x128x64xf32, #tpu.memory_space<vmem>> -> memref<128x64xf32, #tpu.memory_space<vmem>>
    %dma_start3A_15 = arith.constant 0 : i32
    %dma_start3A_16 = tpu.memref_slice %arg7[%dma_start3A, %dma_start3A_15] : memref<128x128xi32, #tpu.memory_space<vmem>> -> memref<1x128xi32, #tpu.memory_space<vmem>>
    %dma_start3A_17 = tpu.memref_squeeze %dma_start3A_16 : memref<1x128xi32, #tpu.memory_space<vmem>> -> memref<128xi32, #tpu.memory_space<vmem>>
    %dma_start3A_18 = arith.constant 0 : i32
    %dma_start3A_19 = arith.constant 0 : i32
    %dma_start3A_20 = tpu.memref_slice %arg2[%dma_start3A_18, %dma_start3A_19] : memref<10112x64xf32, #tpu.memory_space<hbm>> -> memref<10112x64xf32, #tpu.memory_space<hbm>>
    %dma_start3A_21 = tpu.memref_slice %arg11[%dma_start3A_10] : memref<4x!tpu.dma_semaphore, #tpu.memory_space<semaphore_mem>> -> memref<1x!tpu.dma_semaphore, #tpu.memory_space<semaphore_mem>>
    %dma_start3A_22 = tpu.memref_squeeze %dma_start3A_21 : memref<1x!tpu.dma_semaphore, #tpu.memory_space<semaphore_mem>> -> memref<!tpu.dma_semaphore, #tpu.memory_space<semaphore_mem>>
    tpu.enqueue_indirect_dma source(%dma_start3A_20 : memref<10112x64xf32, #tpu.memory_space<hbm>>) target(%dma_start3A_14 : memref<128x64xf32, #tpu.memory_space<vmem>>) offsets(%dma_start3A_17 : memref<128xi32, #tpu.memory_space<vmem>>) semaphore(%dma_start3A_22 : memref<!tpu.dma_semaphore, #tpu.memory_space<semaphore_mem>>)
    %dma_start3A_23 = arith.constant 1 : i32
    %dma_start3A_24 = arith.constant 1 : i32
    %dma_start3A_25 = arith.constant 1 : i32
    %dma_start3A_26 = arith.constant 0 : i32
    %dma_start3A_27 = arith.constant 0 : i32
    %dma_start3A_28 = tpu.memref_slice %arg9[%dma_start3A_24, %dma_start3A_26, %dma_start3A_27] : memref<4x128x64xf32, #tpu.memory_space<vmem>> -> memref<1x128x64xf32, #tpu.memory_space<vmem>>
    %dma_start3A_29 = tpu.memref_squeeze %dma_start3A_28 : memref<1x128x64xf32, #tpu.memory_space<vmem>> -> memref<128x64xf32, #tpu.memory_space<vmem>>
    %dma_start3A_30 = arith.constant 0 : i32
    %dma_start3A_31 = tpu.memref_slice %arg7[%dma_start3A_23, %dma_start3A_30] : memref<128x128xi32, #tpu.memory_space<vmem>> -> memref<1x128xi32, #tpu.memory_space<vmem>>
    %dma_start3A_32 = tpu.memref_squeeze %dma_start3A_31 : memref<1x128xi32, #tpu.memory_space<vmem>> -> memref<128xi32, #tpu.memory_space<vmem>>
    %dma_start3A_33 = arith.constant 0 : i32
    %dma_start3A_34 = arith.constant 0 : i32
    %dma_start3A_35 = tpu.memref_slice %arg2[%dma_start3A_33, %dma_start3A_34] : memref<10112x64xf32, #tpu.memory_space<hbm>> -> memref<10112x64xf32, #tpu.memory_space<hbm>>
    %dma_start3A_36 = tpu.memref_slice %arg11[%dma_start3A_25] : memref<4x!tpu.dma_semaphore, #tpu.memory_space<semaphore_mem>> -> memref<1x!tpu.dma_semaphore, #tpu.memory_space<semaphore_mem>>
    %dma_start3A_37 = tpu.memref_squeeze %dma_start3A_36 : memref<1x!tpu.dma_semaphore, #tpu.memory_space<semaphore_mem>> -> memref<!tpu.dma_semaphore, #tpu.memory_space<semaphore_mem>>
    tpu.enqueue_indirect_dma source(%dma_start3A_35 : memref<10112x64xf32, #tpu.memory_space<hbm>>) target(%dma_start3A_29 : memref<128x64xf32, #tpu.memory_space<vmem>>) offsets(%dma_start3A_32 : memref<128xi32, #tpu.memory_space<vmem>>) semaphore(%dma_start3A_37 : memref<!tpu.dma_semaphore, #tpu.memory_space<semaphore_mem>>)
    %mul3A_38 = arith.constant 632 : i32
    %mul3A_39 = arith.muli %arg1, %mul3A_38 : i32
    %mul3A_40 = arith.constant 632 : i32
    %mul3A_41 = arith.muli %arg1, %mul3A_40 : i32
    "tpu.region"() ({
      %run_scoped3A = tpu.sem_alloc : memref<!tpu.dma_semaphore, #tpu.memory_space<semaphore_mem>>
      %dma_start3A_134 = arith.constant 0 : i32
      %dma_start3A_135 = tpu.memref_slice %arg10[%mul3A_41, %dma_start3A_134] : memref<10112x64xf32, #tpu.memory_space<vmem_shared>> -> memref<632x64xf32, #tpu.memory_space<vmem_shared>>
      %dma_start3A_136 = arith.constant 0 : i32
      %dma_start3A_137 = tpu.memref_slice %arg5[%mul3A_39, %dma_start3A_136] : memref<10112x64xf32, #tpu.memory_space<hbm>> -> memref<632x64xf32, #tpu.memory_space<hbm>>
      tpu.enqueue_dma source(%dma_start3A_137 : memref<632x64xf32, #tpu.memory_space<hbm>>) target(%dma_start3A_135 : memref<632x64xf32, #tpu.memory_space<vmem_shared>>) target_semaphore(%run_scoped3A : memref<!tpu.dma_semaphore, #tpu.memory_space<semaphore_mem>>)
      %dma_wait3A_138 = arith.constant 0 : i32
      %dma_wait3A_139 = tpu.memref_slice %arg10[%mul3A_41, %dma_wait3A_138] : memref<10112x64xf32, #tpu.memory_space<vmem_shared>> -> memref<632x64xf32, #tpu.memory_space<vmem_shared>>
      %dma_wait3A_140 = arith.constant 0 : i32
      %dma_wait3A_141 = tpu.memref_slice %arg5[%mul3A_39, %dma_wait3A_140] : memref<10112x64xf32, #tpu.memory_space<hbm>> -> memref<632x64xf32, #tpu.memory_space<hbm>>
      tpu.wait_dma2 semaphore(%run_scoped3A : memref<!tpu.dma_semaphore, #tpu.memory_space<semaphore_mem>>) src(%dma_wait3A_141 : memref<632x64xf32, #tpu.memory_space<hbm>>) dst(%dma_wait3A_139 : memref<632x64xf32, #tpu.memory_space<vmem_shared>>)
      tpu.yield
    }) : () -> ()
    %barrier3A = arith.constant 0 : index
    tpu.barrier barrier_id(%barrier3A)
    %sub3A = arith.constant 0 : i32
    %sub3A_42 = arith.subi %select_n3A, %sub3A : i32
    %sub3A_43 = arith.constant 4 : i32
    %sub3A_44 = arith.constant 1 : i32
    %sub3A_45 = arith.subi %sub3A_43, %sub3A_44 : i32
    %add3A_46 = arith.addi %sub3A_42, %sub3A_45 : i32
    %div3A = arith.constant 4 : i32
    %div3A_47 = arith.divsi %add3A_46, %div3A : i32
    %while3A = arith.constant 4 : i32
    %while3A_48 = arith.constant 0 : i32
    %while3A_49 = arith.constant 0 : i32
    %while3A_50 = arith.subi %div3A_47, %while3A_49 : i32
    %while3A_51 = arith.addi %while3A_49, %while3A_50 : i32
    %while3A_52 = arith.constant 1 : i32
    %while3A_53 = arith.divsi %while3A_50, %while3A_52 : i32
    %while3A_54 = arith.muli %while3A_53, %while3A_52 : i32
    %while3A_55 = arith.addi %while3A_49, %while3A_54 : i32
    %while3A_56 = arith.constant 1 : i32
    scf.for %while3A_134 = %while3A_49 to %while3A_55 step %while3A_56  : i32 {
      %mul3A_135 = arith.muli %while3A_134, %while3A : i32
      %add3A_136 = arith.addi %while3A_48, %mul3A_135 : i32
      %add3A_137 = arith.constant 0 : i32
      %add3A_138 = arith.addi %add3A_136, %add3A_137 : i32
      %dma_wait3A_139 = arith.constant 0 : i32
      %dma_wait3A_140 = arith.constant 0 : i32
      %dma_wait3A_141 = arith.constant 0 : i32
      %dma_wait3A_142 = arith.constant 0 : i32
      %dma_wait3A_143 = tpu.memref_slice %arg9[%dma_wait3A_139, %dma_wait3A_141, %dma_wait3A_142] : memref<4x128x64xf32, #tpu.memory_space<vmem>> -> memref<1x128x64xf32, #tpu.memory_space<vmem>>
      %dma_wait3A_144 = tpu.memref_squeeze %dma_wait3A_143 : memref<1x128x64xf32, #tpu.memory_space<vmem>> -> memref<128x64xf32, #tpu.memory_space<vmem>>
      %dma_wait3A_145 = arith.constant 0 : i32
      %dma_wait3A_146 = tpu.memref_slice %arg7[%add3A_138, %dma_wait3A_145] : memref<128x128xi32, #tpu.memory_space<vmem>> -> memref<1x128xi32, #tpu.memory_space<vmem>>
      %dma_wait3A_147 = tpu.memref_squeeze %dma_wait3A_146 : memref<1x128xi32, #tpu.memory_space<vmem>> -> memref<128xi32, #tpu.memory_space<vmem>>
      %dma_wait3A_148 = arith.constant 0 : i32
      %dma_wait3A_149 = arith.constant 0 : i32
      %dma_wait3A_150 = tpu.memref_slice %arg2[%dma_wait3A_148, %dma_wait3A_149] : memref<10112x64xf32, #tpu.memory_space<hbm>> -> memref<10112x64xf32, #tpu.memory_space<hbm>>
      %dma_wait3A_151 = tpu.memref_slice %arg11[%dma_wait3A_140] : memref<4x!tpu.dma_semaphore, #tpu.memory_space<semaphore_mem>> -> memref<1x!tpu.dma_semaphore, #tpu.memory_space<semaphore_mem>>
      %dma_wait3A_152 = tpu.memref_squeeze %dma_wait3A_151 : memref<1x!tpu.dma_semaphore, #tpu.memory_space<semaphore_mem>> -> memref<!tpu.dma_semaphore, #tpu.memory_space<semaphore_mem>>
      tpu.wait_indirect_dma semaphore(%dma_wait3A_152 : memref<!tpu.dma_semaphore, #tpu.memory_space<semaphore_mem>>) src(%dma_wait3A_150 : memref<10112x64xf32, #tpu.memory_space<hbm>>) dst(%dma_wait3A_144 : memref<128x64xf32, #tpu.memory_space<vmem>>)
      %dma_start3A_153 = arith.constant 0 : i32
      %dma_start3A_154 = arith.constant 0 : i32
      %dma_start3A_155 = arith.constant 0 : i32
      %dma_start3A_156 = arith.constant 0 : i32
      %dma_start3A_157 = tpu.memref_slice %arg9[%dma_start3A_153, %dma_start3A_155, %dma_start3A_156] : memref<4x128x64xf32, #tpu.memory_space<vmem>> -> memref<1x128x64xf32, #tpu.memory_space<vmem>>
      %dma_start3A_158 = tpu.memref_squeeze %dma_start3A_157 : memref<1x128x64xf32, #tpu.memory_space<vmem>> -> memref<128x64xf32, #tpu.memory_space<vmem>>
      %dma_start3A_159 = arith.constant 0 : i32
      %dma_start3A_160 = tpu.memref_slice %arg8[%add3A_138, %dma_start3A_159] : memref<128x128xi32, #tpu.memory_space<vmem>> -> memref<1x128xi32, #tpu.memory_space<vmem>>
      %dma_start3A_161 = tpu.memref_squeeze %dma_start3A_160 : memref<1x128xi32, #tpu.memory_space<vmem>> -> memref<128xi32, #tpu.memory_space<vmem>>
      %dma_start3A_162 = arith.constant 0 : i32
      %dma_start3A_163 = arith.constant 0 : i32
      %dma_start3A_164 = tpu.memref_slice %arg10[%dma_start3A_162, %dma_start3A_163] : memref<10112x64xf32, #tpu.memory_space<vmem_shared>> -> memref<10112x64xf32, #tpu.memory_space<vmem_shared>>
      %dma_start3A_165 = tpu.memref_slice %arg12[%dma_start3A_154] : memref<4x!tpu.dma_semaphore, #tpu.memory_space<semaphore_mem>> -> memref<1x!tpu.dma_semaphore, #tpu.memory_space<semaphore_mem>>
      %dma_start3A_166 = tpu.memref_squeeze %dma_start3A_165 : memref<1x!tpu.dma_semaphore, #tpu.memory_space<semaphore_mem>> -> memref<!tpu.dma_semaphore, #tpu.memory_space<semaphore_mem>>
      tpu.enqueue_indirect_dma source(%dma_start3A_158 : memref<128x64xf32, #tpu.memory_space<vmem>>) target(%dma_start3A_164 : memref<10112x64xf32, #tpu.memory_space<vmem_shared>>) offsets(%dma_start3A_161 : memref<128xi32, #tpu.memory_space<vmem>>) semaphore(%dma_start3A_166 : memref<!tpu.dma_semaphore, #tpu.memory_space<semaphore_mem>>) {add = true}
      %add3A_167 = arith.constant 2 : i32
      %add3A_168 = arith.addi %add3A_138, %add3A_167 : i32
      %ge3A = arith.constant 4 : i32
      %ge3A_169 = arith.cmpi sge, %add3A_168, %ge3A : i32
      %lt3A = arith.cmpi slt, %add3A_168, %select_n3A : i32
      %and3A = arith.andi %ge3A_169, %lt3A : i1
      %convert_element_type3A = arith.extui %and3A : i1 to i32
      %cond3A = arith.constant 0 : i32
      %cond3A_170 = arith.cmpi ne, %convert_element_type3A, %cond3A : i32
      scf.if %cond3A_170 {
        %sub3A_304 = arith.constant 4 : i32
        %sub3A_305 = arith.subi %add3A_168, %sub3A_304 : i32
        %dma_wait3A_306 = arith.constant 2 : i32
        %dma_wait3A_307 = arith.constant 2 : i32
        %dma_wait3A_308 = arith.constant 0 : i32
        %dma_wait3A_309 = arith.constant 0 : i32
        %dma_wait3A_310 = tpu.memref_slice %arg9[%dma_wait3A_306, %dma_wait3A_308, %dma_wait3A_309] : memref<4x128x64xf32, #tpu.memory_space<vmem>> -> memref<1x128x64xf32, #tpu.memory_space<vmem>>
        %dma_wait3A_311 = tpu.memref_squeeze %dma_wait3A_310 : memref<1x128x64xf32, #tpu.memory_space<vmem>> -> memref<128x64xf32, #tpu.memory_space<vmem>>
        %dma_wait3A_312 = arith.constant 0 : i32
        %dma_wait3A_313 = tpu.memref_slice %arg8[%sub3A_305, %dma_wait3A_312] : memref<128x128xi32, #tpu.memory_space<vmem>> -> memref<1x128xi32, #tpu.memory_space<vmem>>
        %dma_wait3A_314 = tpu.memref_squeeze %dma_wait3A_313 : memref<1x128xi32, #tpu.memory_space<vmem>> -> memref<128xi32, #tpu.memory_space<vmem>>
        %dma_wait3A_315 = arith.constant 0 : i32
        %dma_wait3A_316 = arith.constant 0 : i32
        %dma_wait3A_317 = tpu.memref_slice %arg10[%dma_wait3A_315, %dma_wait3A_316] : memref<10112x64xf32, #tpu.memory_space<vmem_shared>> -> memref<10112x64xf32, #tpu.memory_space<vmem_shared>>
        %dma_wait3A_318 = tpu.memref_slice %arg12[%dma_wait3A_307] : memref<4x!tpu.dma_semaphore, #tpu.memory_space<semaphore_mem>> -> memref<1x!tpu.dma_semaphore, #tpu.memory_space<semaphore_mem>>
        %dma_wait3A_319 = tpu.memref_squeeze %dma_wait3A_318 : memref<1x!tpu.dma_semaphore, #tpu.memory_space<semaphore_mem>> -> memref<!tpu.dma_semaphore, #tpu.memory_space<semaphore_mem>>
        tpu.wait_indirect_dma semaphore(%dma_wait3A_319 : memref<!tpu.dma_semaphore, #tpu.memory_space<semaphore_mem>>) src(%dma_wait3A_311 : memref<128x64xf32, #tpu.memory_space<vmem>>) dst(%dma_wait3A_317 : memref<10112x64xf32, #tpu.memory_space<vmem_shared>>)
      } else {
      }
      %lt3A_171 = arith.cmpi slt, %add3A_168, %select_n3A : i32
      %convert_element_type3A_172 = arith.extui %lt3A_171 : i1 to i32
      %cond3A_173 = arith.constant 0 : i32
      %cond3A_174 = arith.cmpi ne, %convert_element_type3A_172, %cond3A_173 : i32
      scf.if %cond3A_174 {
        %dma_start3A_304 = arith.constant 2 : i32
        %dma_start3A_305 = arith.constant 2 : i32
        %dma_start3A_306 = arith.constant 0 : i32
        %dma_start3A_307 = arith.constant 0 : i32
        %dma_start3A_308 = tpu.memref_slice %arg9[%dma_start3A_304, %dma_start3A_306, %dma_start3A_307] : memref<4x128x64xf32, #tpu.memory_space<vmem>> -> memref<1x128x64xf32, #tpu.memory_space<vmem>>
        %dma_start3A_309 = tpu.memref_squeeze %dma_start3A_308 : memref<1x128x64xf32, #tpu.memory_space<vmem>> -> memref<128x64xf32, #tpu.memory_space<vmem>>
        %dma_start3A_310 = arith.constant 0 : i32
        %dma_start3A_311 = tpu.memref_slice %arg7[%add3A_168, %dma_start3A_310] : memref<128x128xi32, #tpu.memory_space<vmem>> -> memref<1x128xi32, #tpu.memory_space<vmem>>
        %dma_start3A_312 = tpu.memref_squeeze %dma_start3A_311 : memref<1x128xi32, #tpu.memory_space<vmem>> -> memref<128xi32, #tpu.memory_space<vmem>>
        %dma_start3A_313 = arith.constant 0 : i32
        %dma_start3A_314 = arith.constant 0 : i32
        %dma_start3A_315 = tpu.memref_slice %arg2[%dma_start3A_313, %dma_start3A_314] : memref<10112x64xf32, #tpu.memory_space<hbm>> -> memref<10112x64xf32, #tpu.memory_space<hbm>>
        %dma_start3A_316 = tpu.memref_slice %arg11[%dma_start3A_305] : memref<4x!tpu.dma_semaphore, #tpu.memory_space<semaphore_mem>> -> memref<1x!tpu.dma_semaphore, #tpu.memory_space<semaphore_mem>>
        %dma_start3A_317 = tpu.memref_squeeze %dma_start3A_316 : memref<1x!tpu.dma_semaphore, #tpu.memory_space<semaphore_mem>> -> memref<!tpu.dma_semaphore, #tpu.memory_space<semaphore_mem>>
        tpu.enqueue_indirect_dma source(%dma_start3A_315 : memref<10112x64xf32, #tpu.memory_space<hbm>>) target(%dma_start3A_309 : memref<128x64xf32, #tpu.memory_space<vmem>>) offsets(%dma_start3A_312 : memref<128xi32, #tpu.memory_space<vmem>>) semaphore(%dma_start3A_317 : memref<!tpu.dma_semaphore, #tpu.memory_space<semaphore_mem>>)
      } else {
      }
      %add3A_175 = arith.constant 1 : i32
      %add3A_176 = arith.addi %add3A_136, %add3A_175 : i32
      %dma_wait3A_177 = arith.constant 1 : i32
      %dma_wait3A_178 = arith.constant 1 : i32
      %dma_wait3A_179 = arith.constant 0 : i32
      %dma_wait3A_180 = arith.constant 0 : i32
      %dma_wait3A_181 = tpu.memref_slice %arg9[%dma_wait3A_177, %dma_wait3A_179, %dma_wait3A_180] : memref<4x128x64xf32, #tpu.memory_space<vmem>> -> memref<1x128x64xf32, #tpu.memory_space<vmem>>
      %dma_wait3A_182 = tpu.memref_squeeze %dma_wait3A_181 : memref<1x128x64xf32, #tpu.memory_space<vmem>> -> memref<128x64xf32, #tpu.memory_space<vmem>>
      %dma_wait3A_183 = arith.constant 0 : i32
      %dma_wait3A_184 = tpu.memref_slice %arg7[%add3A_176, %dma_wait3A_183] : memref<128x128xi32, #tpu.memory_space<vmem>> -> memref<1x128xi32, #tpu.memory_space<vmem>>
      %dma_wait3A_185 = tpu.memref_squeeze %dma_wait3A_184 : memref<1x128xi32, #tpu.memory_space<vmem>> -> memref<128xi32, #tpu.memory_space<vmem>>
      %dma_wait3A_186 = arith.constant 0 : i32
      %dma_wait3A_187 = arith.constant 0 : i32
      %dma_wait3A_188 = tpu.memref_slice %arg2[%dma_wait3A_186, %dma_wait3A_187] : memref<10112x64xf32, #tpu.memory_space<hbm>> -> memref<10112x64xf32, #tpu.memory_space<hbm>>
      %dma_wait3A_189 = tpu.memref_slice %arg11[%dma_wait3A_178] : memref<4x!tpu.dma_semaphore, #tpu.memory_space<semaphore_mem>> -> memref<1x!tpu.dma_semaphore, #tpu.memory_space<semaphore_mem>>
      %dma_wait3A_190 = tpu.memref_squeeze %dma_wait3A_189 : memref<1x!tpu.dma_semaphore, #tpu.memory_space<semaphore_mem>> -> memref<!tpu.dma_semaphore, #tpu.memory_space<semaphore_mem>>
      tpu.wait_indirect_dma semaphore(%dma_wait3A_190 : memref<!tpu.dma_semaphore, #tpu.memory_space<semaphore_mem>>) src(%dma_wait3A_188 : memref<10112x64xf32, #tpu.memory_space<hbm>>) dst(%dma_wait3A_182 : memref<128x64xf32, #tpu.memory_space<vmem>>)
      %dma_start3A_191 = arith.constant 1 : i32
      %dma_start3A_192 = arith.constant 1 : i32
      %dma_start3A_193 = arith.constant 0 : i32
      %dma_start3A_194 = arith.constant 0 : i32
      %dma_start3A_195 = tpu.memref_slice %arg9[%dma_start3A_191, %dma_start3A_193, %dma_start3A_194] : memref<4x128x64xf32, #tpu.memory_space<vmem>> -> memref<1x128x64xf32, #tpu.memory_space<vmem>>
      %dma_start3A_196 = tpu.memref_squeeze %dma_start3A_195 : memref<1x128x64xf32, #tpu.memory_space<vmem>> -> memref<128x64xf32, #tpu.memory_space<vmem>>
      %dma_start3A_197 = arith.constant 0 : i32
      %dma_start3A_198 = tpu.memref_slice %arg8[%add3A_176, %dma_start3A_197] : memref<128x128xi32, #tpu.memory_space<vmem>> -> memref<1x128xi32, #tpu.memory_space<vmem>>
      %dma_start3A_199 = tpu.memref_squeeze %dma_start3A_198 : memref<1x128xi32, #tpu.memory_space<vmem>> -> memref<128xi32, #tpu.memory_space<vmem>>
      %dma_start3A_200 = arith.constant 0 : i32
      %dma_start3A_201 = arith.constant 0 : i32
      %dma_start3A_202 = tpu.memref_slice %arg10[%dma_start3A_200, %dma_start3A_201] : memref<10112x64xf32, #tpu.memory_space<vmem_shared>> -> memref<10112x64xf32, #tpu.memory_space<vmem_shared>>
      %dma_start3A_203 = tpu.memref_slice %arg12[%dma_start3A_192] : memref<4x!tpu.dma_semaphore, #tpu.memory_space<semaphore_mem>> -> memref<1x!tpu.dma_semaphore, #tpu.memory_space<semaphore_mem>>
      %dma_start3A_204 = tpu.memref_squeeze %dma_start3A_203 : memref<1x!tpu.dma_semaphore, #tpu.memory_space<semaphore_mem>> -> memref<!tpu.dma_semaphore, #tpu.memory_space<semaphore_mem>>
      tpu.enqueue_indirect_dma source(%dma_start3A_196 : memref<128x64xf32, #tpu.memory_space<vmem>>) target(%dma_start3A_202 : memref<10112x64xf32, #tpu.memory_space<vmem_shared>>) offsets(%dma_start3A_199 : memref<128xi32, #tpu.memory_space<vmem>>) semaphore(%dma_start3A_204 : memref<!tpu.dma_semaphore, #tpu.memory_space<semaphore_mem>>) {add = true}
      %add3A_205 = arith.constant 2 : i32
      %add3A_206 = arith.addi %add3A_176, %add3A_205 : i32
      %ge3A_207 = arith.constant 4 : i32
      %ge3A_208 = arith.cmpi sge, %add3A_206, %ge3A_207 : i32
      %lt3A_209 = arith.cmpi slt, %add3A_206, %select_n3A : i32
      %and3A_210 = arith.andi %ge3A_208, %lt3A_209 : i1
      %convert_element_type3A_211 = arith.extui %and3A_210 : i1 to i32
      %cond3A_212 = arith.constant 0 : i32
      %cond3A_213 = arith.cmpi ne, %convert_element_type3A_211, %cond3A_212 : i32
      scf.if %cond3A_213 {
        %sub3A_304 = arith.constant 4 : i32
        %sub3A_305 = arith.subi %add3A_206, %sub3A_304 : i32
        %dma_wait3A_306 = arith.constant 3 : i32
        %dma_wait3A_307 = arith.constant 3 : i32
        %dma_wait3A_308 = arith.constant 0 : i32
        %dma_wait3A_309 = arith.constant 0 : i32
        %dma_wait3A_310 = tpu.memref_slice %arg9[%dma_wait3A_306, %dma_wait3A_308, %dma_wait3A_309] : memref<4x128x64xf32, #tpu.memory_space<vmem>> -> memref<1x128x64xf32, #tpu.memory_space<vmem>>
        %dma_wait3A_311 = tpu.memref_squeeze %dma_wait3A_310 : memref<1x128x64xf32, #tpu.memory_space<vmem>> -> memref<128x64xf32, #tpu.memory_space<vmem>>
        %dma_wait3A_312 = arith.constant 0 : i32
        %dma_wait3A_313 = tpu.memref_slice %arg8[%sub3A_305, %dma_wait3A_312] : memref<128x128xi32, #tpu.memory_space<vmem>> -> memref<1x128xi32, #tpu.memory_space<vmem>>
        %dma_wait3A_314 = tpu.memref_squeeze %dma_wait3A_313 : memref<1x128xi32, #tpu.memory_space<vmem>> -> memref<128xi32, #tpu.memory_space<vmem>>
        %dma_wait3A_315 = arith.constant 0 : i32
        %dma_wait3A_316 = arith.constant 0 : i32
        %dma_wait3A_317 = tpu.memref_slice %arg10[%dma_wait3A_315, %dma_wait3A_316] : memref<10112x64xf32, #tpu.memory_space<vmem_shared>> -> memref<10112x64xf32, #tpu.memory_space<vmem_shared>>
        %dma_wait3A_318 = tpu.memref_slice %arg12[%dma_wait3A_307] : memref<4x!tpu.dma_semaphore, #tpu.memory_space<semaphore_mem>> -> memref<1x!tpu.dma_semaphore, #tpu.memory_space<semaphore_mem>>
        %dma_wait3A_319 = tpu.memref_squeeze %dma_wait3A_318 : memref<1x!tpu.dma_semaphore, #tpu.memory_space<semaphore_mem>> -> memref<!tpu.dma_semaphore, #tpu.memory_space<semaphore_mem>>
        tpu.wait_indirect_dma semaphore(%dma_wait3A_319 : memref<!tpu.dma_semaphore, #tpu.memory_space<semaphore_mem>>) src(%dma_wait3A_311 : memref<128x64xf32, #tpu.memory_space<vmem>>) dst(%dma_wait3A_317 : memref<10112x64xf32, #tpu.memory_space<vmem_shared>>)
      } else {
      }
      %lt3A_214 = arith.cmpi slt, %add3A_206, %select_n3A : i32
      %convert_element_type3A_215 = arith.extui %lt3A_214 : i1 to i32
      %cond3A_216 = arith.constant 0 : i32
      %cond3A_217 = arith.cmpi ne, %convert_element_type3A_215, %cond3A_216 : i32
      scf.if %cond3A_217 {
        %dma_start3A_304 = arith.constant 3 : i32
        %dma_start3A_305 = arith.constant 3 : i32
        %dma_start3A_306 = arith.constant 0 : i32
        %dma_start3A_307 = arith.constant 0 : i32
        %dma_start3A_308 = tpu.memref_slice %arg9[%dma_start3A_304, %dma_start3A_306, %dma_start3A_307] : memref<4x128x64xf32, #tpu.memory_space<vmem>> -> memref<1x128x64xf32, #tpu.memory_space<vmem>>
        %dma_start3A_309 = tpu.memref_squeeze %dma_start3A_308 : memref<1x128x64xf32, #tpu.memory_space<vmem>> -> memref<128x64xf32, #tpu.memory_space<vmem>>
        %dma_start3A_310 = arith.constant 0 : i32
        %dma_start3A_311 = tpu.memref_slice %arg7[%add3A_206, %dma_start3A_310] : memref<128x128xi32, #tpu.memory_space<vmem>> -> memref<1x128xi32, #tpu.memory_space<vmem>>
        %dma_start3A_312 = tpu.memref_squeeze %dma_start3A_311 : memref<1x128xi32, #tpu.memory_space<vmem>> -> memref<128xi32, #tpu.memory_space<vmem>>
        %dma_start3A_313 = arith.constant 0 : i32
        %dma_start3A_314 = arith.constant 0 : i32
        %dma_start3A_315 = tpu.memref_slice %arg2[%dma_start3A_313, %dma_start3A_314] : memref<10112x64xf32, #tpu.memory_space<hbm>> -> memref<10112x64xf32, #tpu.memory_space<hbm>>
        %dma_start3A_316 = tpu.memref_slice %arg11[%dma_start3A_305] : memref<4x!tpu.dma_semaphore, #tpu.memory_space<semaphore_mem>> -> memref<1x!tpu.dma_semaphore, #tpu.memory_space<semaphore_mem>>
        %dma_start3A_317 = tpu.memref_squeeze %dma_start3A_316 : memref<1x!tpu.dma_semaphore, #tpu.memory_space<semaphore_mem>> -> memref<!tpu.dma_semaphore, #tpu.memory_space<semaphore_mem>>
        tpu.enqueue_indirect_dma source(%dma_start3A_315 : memref<10112x64xf32, #tpu.memory_space<hbm>>) target(%dma_start3A_309 : memref<128x64xf32, #tpu.memory_space<vmem>>) offsets(%dma_start3A_312 : memref<128xi32, #tpu.memory_space<vmem>>) semaphore(%dma_start3A_317 : memref<!tpu.dma_semaphore, #tpu.memory_space<semaphore_mem>>)
      } else {
      }
      %add3A_218 = arith.constant 2 : i32
      %add3A_219 = arith.addi %add3A_136, %add3A_218 : i32
      %dma_wait3A_220 = arith.constant 2 : i32
      %dma_wait3A_221 = arith.constant 2 : i32
      %dma_wait3A_222 = arith.constant 0 : i32
      %dma_wait3A_223 = arith.constant 0 : i32
      %dma_wait3A_224 = tpu.memref_slice %arg9[%dma_wait3A_220, %dma_wait3A_222, %dma_wait3A_223] : memref<4x128x64xf32, #tpu.memory_space<vmem>> -> memref<1x128x64xf32, #tpu.memory_space<vmem>>
      %dma_wait3A_225 = tpu.memref_squeeze %dma_wait3A_224 : memref<1x128x64xf32, #tpu.memory_space<vmem>> -> memref<128x64xf32, #tpu.memory_space<vmem>>
      %dma_wait3A_226 = arith.constant 0 : i32
      %dma_wait3A_227 = tpu.memref_slice %arg7[%add3A_219, %dma_wait3A_226] : memref<128x128xi32, #tpu.memory_space<vmem>> -> memref<1x128xi32, #tpu.memory_space<vmem>>
      %dma_wait3A_228 = tpu.memref_squeeze %dma_wait3A_227 : memref<1x128xi32, #tpu.memory_space<vmem>> -> memref<128xi32, #tpu.memory_space<vmem>>
      %dma_wait3A_229 = arith.constant 0 : i32
      %dma_wait3A_230 = arith.constant 0 : i32
      %dma_wait3A_231 = tpu.memref_slice %arg2[%dma_wait3A_229, %dma_wait3A_230] : memref<10112x64xf32, #tpu.memory_space<hbm>> -> memref<10112x64xf32, #tpu.memory_space<hbm>>
      %dma_wait3A_232 = tpu.memref_slice %arg11[%dma_wait3A_221] : memref<4x!tpu.dma_semaphore, #tpu.memory_space<semaphore_mem>> -> memref<1x!tpu.dma_semaphore, #tpu.memory_space<semaphore_mem>>
      %dma_wait3A_233 = tpu.memref_squeeze %dma_wait3A_232 : memref<1x!tpu.dma_semaphore, #tpu.memory_space<semaphore_mem>> -> memref<!tpu.dma_semaphore, #tpu.memory_space<semaphore_mem>>
      tpu.wait_indirect_dma semaphore(%dma_wait3A_233 : memref<!tpu.dma_semaphore, #tpu.memory_space<semaphore_mem>>) src(%dma_wait3A_231 : memref<10112x64xf32, #tpu.memory_space<hbm>>) dst(%dma_wait3A_225 : memref<128x64xf32, #tpu.memory_space<vmem>>)
      %dma_start3A_234 = arith.constant 2 : i32
      %dma_start3A_235 = arith.constant 2 : i32
      %dma_start3A_236 = arith.constant 0 : i32
      %dma_start3A_237 = arith.constant 0 : i32
      %dma_start3A_238 = tpu.memref_slice %arg9[%dma_start3A_234, %dma_start3A_236, %dma_start3A_237] : memref<4x128x64xf32, #tpu.memory_space<vmem>> -> memref<1x128x64xf32, #tpu.memory_space<vmem>>
      %dma_start3A_239 = tpu.memref_squeeze %dma_start3A_238 : memref<1x128x64xf32, #tpu.memory_space<vmem>> -> memref<128x64xf32, #tpu.memory_space<vmem>>
      %dma_start3A_240 = arith.constant 0 : i32
      %dma_start3A_241 = tpu.memref_slice %arg8[%add3A_219, %dma_start3A_240] : memref<128x128xi32, #tpu.memory_space<vmem>> -> memref<1x128xi32, #tpu.memory_space<vmem>>
      %dma_start3A_242 = tpu.memref_squeeze %dma_start3A_241 : memref<1x128xi32, #tpu.memory_space<vmem>> -> memref<128xi32, #tpu.memory_space<vmem>>
      %dma_start3A_243 = arith.constant 0 : i32
      %dma_start3A_244 = arith.constant 0 : i32
      %dma_start3A_245 = tpu.memref_slice %arg10[%dma_start3A_243, %dma_start3A_244] : memref<10112x64xf32, #tpu.memory_space<vmem_shared>> -> memref<10112x64xf32, #tpu.memory_space<vmem_shared>>
      %dma_start3A_246 = tpu.memref_slice %arg12[%dma_start3A_235] : memref<4x!tpu.dma_semaphore, #tpu.memory_space<semaphore_mem>> -> memref<1x!tpu.dma_semaphore, #tpu.memory_space<semaphore_mem>>
      %dma_start3A_247 = tpu.memref_squeeze %dma_start3A_246 : memref<1x!tpu.dma_semaphore, #tpu.memory_space<semaphore_mem>> -> memref<!tpu.dma_semaphore, #tpu.memory_space<semaphore_mem>>
      tpu.enqueue_indirect_dma source(%dma_start3A_239 : memref<128x64xf32, #tpu.memory_space<vmem>>) target(%dma_start3A_245 : memref<10112x64xf32, #tpu.memory_space<vmem_shared>>) offsets(%dma_start3A_242 : memref<128xi32, #tpu.memory_space<vmem>>) semaphore(%dma_start3A_247 : memref<!tpu.dma_semaphore, #tpu.memory_space<semaphore_mem>>) {add = true}
      %add3A_248 = arith.constant 2 : i32
      %add3A_249 = arith.addi %add3A_219, %add3A_248 : i32
      %ge3A_250 = arith.constant 4 : i32
      %ge3A_251 = arith.cmpi sge, %add3A_249, %ge3A_250 : i32
      %lt3A_252 = arith.cmpi slt, %add3A_249, %select_n3A : i32
      %and3A_253 = arith.andi %ge3A_251, %lt3A_252 : i1
      %convert_element_type3A_254 = arith.extui %and3A_253 : i1 to i32
      %cond3A_255 = arith.constant 0 : i32
      %cond3A_256 = arith.cmpi ne, %convert_element_type3A_254, %cond3A_255 : i32
      scf.if %cond3A_256 {
        %sub3A_304 = arith.constant 4 : i32
        %sub3A_305 = arith.subi %add3A_249, %sub3A_304 : i32
        %dma_wait3A_306 = arith.constant 0 : i32
        %dma_wait3A_307 = arith.constant 0 : i32
        %dma_wait3A_308 = arith.constant 0 : i32
        %dma_wait3A_309 = arith.constant 0 : i32
        %dma_wait3A_310 = tpu.memref_slice %arg9[%dma_wait3A_306, %dma_wait3A_308, %dma_wait3A_309] : memref<4x128x64xf32, #tpu.memory_space<vmem>> -> memref<1x128x64xf32, #tpu.memory_space<vmem>>
        %dma_wait3A_311 = tpu.memref_squeeze %dma_wait3A_310 : memref<1x128x64xf32, #tpu.memory_space<vmem>> -> memref<128x64xf32, #tpu.memory_space<vmem>>
        %dma_wait3A_312 = arith.constant 0 : i32
        %dma_wait3A_313 = tpu.memref_slice %arg8[%sub3A_305, %dma_wait3A_312] : memref<128x128xi32, #tpu.memory_space<vmem>> -> memref<1x128xi32, #tpu.memory_space<vmem>>
        %dma_wait3A_314 = tpu.memref_squeeze %dma_wait3A_313 : memref<1x128xi32, #tpu.memory_space<vmem>> -> memref<128xi32, #tpu.memory_space<vmem>>
        %dma_wait3A_315 = arith.constant 0 : i32
        %dma_wait3A_316 = arith.constant 0 : i32
        %dma_wait3A_317 = tpu.memref_slice %arg10[%dma_wait3A_315, %dma_wait3A_316] : memref<10112x64xf32, #tpu.memory_space<vmem_shared>> -> memref<10112x64xf32, #tpu.memory_space<vmem_shared>>
        %dma_wait3A_318 = tpu.memref_slice %arg12[%dma_wait3A_307] : memref<4x!tpu.dma_semaphore, #tpu.memory_space<semaphore_mem>> -> memref<1x!tpu.dma_semaphore, #tpu.memory_space<semaphore_mem>>
        %dma_wait3A_319 = tpu.memref_squeeze %dma_wait3A_318 : memref<1x!tpu.dma_semaphore, #tpu.memory_space<semaphore_mem>> -> memref<!tpu.dma_semaphore, #tpu.memory_space<semaphore_mem>>
        tpu.wait_indirect_dma semaphore(%dma_wait3A_319 : memref<!tpu.dma_semaphore, #tpu.memory_space<semaphore_mem>>) src(%dma_wait3A_311 : memref<128x64xf32, #tpu.memory_space<vmem>>) dst(%dma_wait3A_317 : memref<10112x64xf32, #tpu.memory_space<vmem_shared>>)
      } else {
      }
      %lt3A_257 = arith.cmpi slt, %add3A_249, %select_n3A : i32
      %convert_element_type3A_258 = arith.extui %lt3A_257 : i1 to i32
      %cond3A_259 = arith.constant 0 : i32
      %cond3A_260 = arith.cmpi ne, %convert_element_type3A_258, %cond3A_259 : i32
      scf.if %cond3A_260 {
        %dma_start3A_304 = arith.constant 0 : i32
        %dma_start3A_305 = arith.constant 0 : i32
        %dma_start3A_306 = arith.constant 0 : i32
        %dma_start3A_307 = arith.constant 0 : i32
        %dma_start3A_308 = tpu.memref_slice %arg9[%dma_start3A_304, %dma_start3A_306, %dma_start3A_307] : memref<4x128x64xf32, #tpu.memory_space<vmem>> -> memref<1x128x64xf32, #tpu.memory_space<vmem>>
        %dma_start3A_309 = tpu.memref_squeeze %dma_start3A_308 : memref<1x128x64xf32, #tpu.memory_space<vmem>> -> memref<128x64xf32, #tpu.memory_space<vmem>>
        %dma_start3A_310 = arith.constant 0 : i32
        %dma_start3A_311 = tpu.memref_slice %arg7[%add3A_249, %dma_start3A_310] : memref<128x128xi32, #tpu.memory_space<vmem>> -> memref<1x128xi32, #tpu.memory_space<vmem>>
        %dma_start3A_312 = tpu.memref_squeeze %dma_start3A_311 : memref<1x128xi32, #tpu.memory_space<vmem>> -> memref<128xi32, #tpu.memory_space<vmem>>
        %dma_start3A_313 = arith.constant 0 : i32
        %dma_start3A_314 = arith.constant 0 : i32
        %dma_start3A_315 = tpu.memref_slice %arg2[%dma_start3A_313, %dma_start3A_314] : memref<10112x64xf32, #tpu.memory_space<hbm>> -> memref<10112x64xf32, #tpu.memory_space<hbm>>
        %dma_start3A_316 = tpu.memref_slice %arg11[%dma_start3A_305] : memref<4x!tpu.dma_semaphore, #tpu.memory_space<semaphore_mem>> -> memref<1x!tpu.dma_semaphore, #tpu.memory_space<semaphore_mem>>
        %dma_start3A_317 = tpu.memref_squeeze %dma_start3A_316 : memref<1x!tpu.dma_semaphore, #tpu.memory_space<semaphore_mem>> -> memref<!tpu.dma_semaphore, #tpu.memory_space<semaphore_mem>>
        tpu.enqueue_indirect_dma source(%dma_start3A_315 : memref<10112x64xf32, #tpu.memory_space<hbm>>) target(%dma_start3A_309 : memref<128x64xf32, #tpu.memory_space<vmem>>) offsets(%dma_start3A_312 : memref<128xi32, #tpu.memory_space<vmem>>) semaphore(%dma_start3A_317 : memref<!tpu.dma_semaphore, #tpu.memory_space<semaphore_mem>>)
      } else {
      }
      %add3A_261 = arith.constant 3 : i32
      %add3A_262 = arith.addi %add3A_136, %add3A_261 : i32
      %dma_wait3A_263 = arith.constant 3 : i32
      %dma_wait3A_264 = arith.constant 3 : i32
      %dma_wait3A_265 = arith.constant 0 : i32
      %dma_wait3A_266 = arith.constant 0 : i32
      %dma_wait3A_267 = tpu.memref_slice %arg9[%dma_wait3A_263, %dma_wait3A_265, %dma_wait3A_266] : memref<4x128x64xf32, #tpu.memory_space<vmem>> -> memref<1x128x64xf32, #tpu.memory_space<vmem>>
      %dma_wait3A_268 = tpu.memref_squeeze %dma_wait3A_267 : memref<1x128x64xf32, #tpu.memory_space<vmem>> -> memref<128x64xf32, #tpu.memory_space<vmem>>
      %dma_wait3A_269 = arith.constant 0 : i32
      %dma_wait3A_270 = tpu.memref_slice %arg7[%add3A_262, %dma_wait3A_269] : memref<128x128xi32, #tpu.memory_space<vmem>> -> memref<1x128xi32, #tpu.memory_space<vmem>>
      %dma_wait3A_271 = tpu.memref_squeeze %dma_wait3A_270 : memref<1x128xi32, #tpu.memory_space<vmem>> -> memref<128xi32, #tpu.memory_space<vmem>>
      %dma_wait3A_272 = arith.constant 0 : i32
      %dma_wait3A_273 = arith.constant 0 : i32
      %dma_wait3A_274 = tpu.memref_slice %arg2[%dma_wait3A_272, %dma_wait3A_273] : memref<10112x64xf32, #tpu.memory_space<hbm>> -> memref<10112x64xf32, #tpu.memory_space<hbm>>
      %dma_wait3A_275 = tpu.memref_slice %arg11[%dma_wait3A_264] : memref<4x!tpu.dma_semaphore, #tpu.memory_space<semaphore_mem>> -> memref<1x!tpu.dma_semaphore, #tpu.memory_space<semaphore_mem>>
      %dma_wait3A_276 = tpu.memref_squeeze %dma_wait3A_275 : memref<1x!tpu.dma_semaphore, #tpu.memory_space<semaphore_mem>> -> memref<!tpu.dma_semaphore, #tpu.memory_space<semaphore_mem>>
      tpu.wait_indirect_dma semaphore(%dma_wait3A_276 : memref<!tpu.dma_semaphore, #tpu.memory_space<semaphore_mem>>) src(%dma_wait3A_274 : memref<10112x64xf32, #tpu.memory_space<hbm>>) dst(%dma_wait3A_268 : memref<128x64xf32, #tpu.memory_space<vmem>>)
      %dma_start3A_277 = arith.constant 3 : i32
      %dma_start3A_278 = arith.constant 3 : i32
      %dma_start3A_279 = arith.constant 0 : i32
      %dma_start3A_280 = arith.constant 0 : i32
      %dma_start3A_281 = tpu.memref_slice %arg9[%dma_start3A_277, %dma_start3A_279, %dma_start3A_280] : memref<4x128x64xf32, #tpu.memory_space<vmem>> -> memref<1x128x64xf32, #tpu.memory_space<vmem>>
      %dma_start3A_282 = tpu.memref_squeeze %dma_start3A_281 : memref<1x128x64xf32, #tpu.memory_space<vmem>> -> memref<128x64xf32, #tpu.memory_space<vmem>>
      %dma_start3A_283 = arith.constant 0 : i32
      %dma_start3A_284 = tpu.memref_slice %arg8[%add3A_262, %dma_start3A_283] : memref<128x128xi32, #tpu.memory_space<vmem>> -> memref<1x128xi32, #tpu.memory_space<vmem>>
      %dma_start3A_285 = tpu.memref_squeeze %dma_start3A_284 : memref<1x128xi32, #tpu.memory_space<vmem>> -> memref<128xi32, #tpu.memory_space<vmem>>
      %dma_start3A_286 = arith.constant 0 : i32
      %dma_start3A_287 = arith.constant 0 : i32
      %dma_start3A_288 = tpu.memref_slice %arg10[%dma_start3A_286, %dma_start3A_287] : memref<10112x64xf32, #tpu.memory_space<vmem_shared>> -> memref<10112x64xf32, #tpu.memory_space<vmem_shared>>
      %dma_start3A_289 = tpu.memref_slice %arg12[%dma_start3A_278] : memref<4x!tpu.dma_semaphore, #tpu.memory_space<semaphore_mem>> -> memref<1x!tpu.dma_semaphore, #tpu.memory_space<semaphore_mem>>
      %dma_start3A_290 = tpu.memref_squeeze %dma_start3A_289 : memref<1x!tpu.dma_semaphore, #tpu.memory_space<semaphore_mem>> -> memref<!tpu.dma_semaphore, #tpu.memory_space<semaphore_mem>>
      tpu.enqueue_indirect_dma source(%dma_start3A_282 : memref<128x64xf32, #tpu.memory_space<vmem>>) target(%dma_start3A_288 : memref<10112x64xf32, #tpu.memory_space<vmem_shared>>) offsets(%dma_start3A_285 : memref<128xi32, #tpu.memory_space<vmem>>) semaphore(%dma_start3A_290 : memref<!tpu.dma_semaphore, #tpu.memory_space<semaphore_mem>>) {add = true}
      %add3A_291 = arith.constant 2 : i32
      %add3A_292 = arith.addi %add3A_262, %add3A_291 : i32
      %ge3A_293 = arith.constant 4 : i32
      %ge3A_294 = arith.cmpi sge, %add3A_292, %ge3A_293 : i32
      %lt3A_295 = arith.cmpi slt, %add3A_292, %select_n3A : i32
      %and3A_296 = arith.andi %ge3A_294, %lt3A_295 : i1
      %convert_element_type3A_297 = arith.extui %and3A_296 : i1 to i32
      %cond3A_298 = arith.constant 0 : i32
      %cond3A_299 = arith.cmpi ne, %convert_element_type3A_297, %cond3A_298 : i32
      scf.if %cond3A_299 {
        %sub3A_304 = arith.constant 4 : i32
        %sub3A_305 = arith.subi %add3A_292, %sub3A_304 : i32
        %dma_wait3A_306 = arith.constant 1 : i32
        %dma_wait3A_307 = arith.constant 1 : i32
        %dma_wait3A_308 = arith.constant 0 : i32
        %dma_wait3A_309 = arith.constant 0 : i32
        %dma_wait3A_310 = tpu.memref_slice %arg9[%dma_wait3A_306, %dma_wait3A_308, %dma_wait3A_309] : memref<4x128x64xf32, #tpu.memory_space<vmem>> -> memref<1x128x64xf32, #tpu.memory_space<vmem>>
        %dma_wait3A_311 = tpu.memref_squeeze %dma_wait3A_310 : memref<1x128x64xf32, #tpu.memory_space<vmem>> -> memref<128x64xf32, #tpu.memory_space<vmem>>
        %dma_wait3A_312 = arith.constant 0 : i32
        %dma_wait3A_313 = tpu.memref_slice %arg8[%sub3A_305, %dma_wait3A_312] : memref<128x128xi32, #tpu.memory_space<vmem>> -> memref<1x128xi32, #tpu.memory_space<vmem>>
        %dma_wait3A_314 = tpu.memref_squeeze %dma_wait3A_313 : memref<1x128xi32, #tpu.memory_space<vmem>> -> memref<128xi32, #tpu.memory_space<vmem>>
        %dma_wait3A_315 = arith.constant 0 : i32
        %dma_wait3A_316 = arith.constant 0 : i32
        %dma_wait3A_317 = tpu.memref_slice %arg10[%dma_wait3A_315, %dma_wait3A_316] : memref<10112x64xf32, #tpu.memory_space<vmem_shared>> -> memref<10112x64xf32, #tpu.memory_space<vmem_shared>>
        %dma_wait3A_318 = tpu.memref_slice %arg12[%dma_wait3A_307] : memref<4x!tpu.dma_semaphore, #tpu.memory_space<semaphore_mem>> -> memref<1x!tpu.dma_semaphore, #tpu.memory_space<semaphore_mem>>
        %dma_wait3A_319 = tpu.memref_squeeze %dma_wait3A_318 : memref<1x!tpu.dma_semaphore, #tpu.memory_space<semaphore_mem>> -> memref<!tpu.dma_semaphore, #tpu.memory_space<semaphore_mem>>
        tpu.wait_indirect_dma semaphore(%dma_wait3A_319 : memref<!tpu.dma_semaphore, #tpu.memory_space<semaphore_mem>>) src(%dma_wait3A_311 : memref<128x64xf32, #tpu.memory_space<vmem>>) dst(%dma_wait3A_317 : memref<10112x64xf32, #tpu.memory_space<vmem_shared>>)
      } else {
      }
      %lt3A_300 = arith.cmpi slt, %add3A_292, %select_n3A : i32
      %convert_element_type3A_301 = arith.extui %lt3A_300 : i1 to i32
      %cond3A_302 = arith.constant 0 : i32
      %cond3A_303 = arith.cmpi ne, %convert_element_type3A_301, %cond3A_302 : i32
      scf.if %cond3A_303 {
        %dma_start3A_304 = arith.constant 1 : i32
        %dma_start3A_305 = arith.constant 1 : i32
        %dma_start3A_306 = arith.constant 0 : i32
        %dma_start3A_307 = arith.constant 0 : i32
        %dma_start3A_308 = tpu.memref_slice %arg9[%dma_start3A_304, %dma_start3A_306, %dma_start3A_307] : memref<4x128x64xf32, #tpu.memory_space<vmem>> -> memref<1x128x64xf32, #tpu.memory_space<vmem>>
        %dma_start3A_309 = tpu.memref_squeeze %dma_start3A_308 : memref<1x128x64xf32, #tpu.memory_space<vmem>> -> memref<128x64xf32, #tpu.memory_space<vmem>>
        %dma_start3A_310 = arith.constant 0 : i32
        %dma_start3A_311 = tpu.memref_slice %arg7[%add3A_292, %dma_start3A_310] : memref<128x128xi32, #tpu.memory_space<vmem>> -> memref<1x128xi32, #tpu.memory_space<vmem>>
        %dma_start3A_312 = tpu.memref_squeeze %dma_start3A_311 : memref<1x128xi32, #tpu.memory_space<vmem>> -> memref<128xi32, #tpu.memory_space<vmem>>
        %dma_start3A_313 = arith.constant 0 : i32
        %dma_start3A_314 = arith.constant 0 : i32
        %dma_start3A_315 = tpu.memref_slice %arg2[%dma_start3A_313, %dma_start3A_314] : memref<10112x64xf32, #tpu.memory_space<hbm>> -> memref<10112x64xf32, #tpu.memory_space<hbm>>
        %dma_start3A_316 = tpu.memref_slice %arg11[%dma_start3A_305] : memref<4x!tpu.dma_semaphore, #tpu.memory_space<semaphore_mem>> -> memref<1x!tpu.dma_semaphore, #tpu.memory_space<semaphore_mem>>
        %dma_start3A_317 = tpu.memref_squeeze %dma_start3A_316 : memref<1x!tpu.dma_semaphore, #tpu.memory_space<semaphore_mem>> -> memref<!tpu.dma_semaphore, #tpu.memory_space<semaphore_mem>>
        tpu.enqueue_indirect_dma source(%dma_start3A_315 : memref<10112x64xf32, #tpu.memory_space<hbm>>) target(%dma_start3A_309 : memref<128x64xf32, #tpu.memory_space<vmem>>) offsets(%dma_start3A_312 : memref<128xi32, #tpu.memory_space<vmem>>) semaphore(%dma_start3A_317 : memref<!tpu.dma_semaphore, #tpu.memory_space<semaphore_mem>>)
      } else {
      }
    }
    %while3A_57 = arith.constant 1 : i32
    scf.for %while3A_134 = %while3A_55 to %while3A_51 step %while3A_57  : i32 {
      %mul3A_135 = arith.muli %while3A_134, %while3A : i32
      %add3A_136 = arith.addi %while3A_48, %mul3A_135 : i32
      %add3A_137 = arith.constant 0 : i32
      %add3A_138 = arith.addi %add3A_136, %add3A_137 : i32
      %dma_wait3A_139 = arith.constant 0 : i32
      %dma_wait3A_140 = arith.constant 0 : i32
      %dma_wait3A_141 = arith.constant 0 : i32
      %dma_wait3A_142 = arith.constant 0 : i32
      %dma_wait3A_143 = tpu.memref_slice %arg9[%dma_wait3A_139, %dma_wait3A_141, %dma_wait3A_142] : memref<4x128x64xf32, #tpu.memory_space<vmem>> -> memref<1x128x64xf32, #tpu.memory_space<vmem>>
      %dma_wait3A_144 = tpu.memref_squeeze %dma_wait3A_143 : memref<1x128x64xf32, #tpu.memory_space<vmem>> -> memref<128x64xf32, #tpu.memory_space<vmem>>
      %dma_wait3A_145 = arith.constant 0 : i32
      %dma_wait3A_146 = tpu.memref_slice %arg7[%add3A_138, %dma_wait3A_145] : memref<128x128xi32, #tpu.memory_space<vmem>> -> memref<1x128xi32, #tpu.memory_space<vmem>>
      %dma_wait3A_147 = tpu.memref_squeeze %dma_wait3A_146 : memref<1x128xi32, #tpu.memory_space<vmem>> -> memref<128xi32, #tpu.memory_space<vmem>>
      %dma_wait3A_148 = arith.constant 0 : i32
      %dma_wait3A_149 = arith.constant 0 : i32
      %dma_wait3A_150 = tpu.memref_slice %arg2[%dma_wait3A_148, %dma_wait3A_149] : memref<10112x64xf32, #tpu.memory_space<hbm>> -> memref<10112x64xf32, #tpu.memory_space<hbm>>
      %dma_wait3A_151 = tpu.memref_slice %arg11[%dma_wait3A_140] : memref<4x!tpu.dma_semaphore, #tpu.memory_space<semaphore_mem>> -> memref<1x!tpu.dma_semaphore, #tpu.memory_space<semaphore_mem>>
      %dma_wait3A_152 = tpu.memref_squeeze %dma_wait3A_151 : memref<1x!tpu.dma_semaphore, #tpu.memory_space<semaphore_mem>> -> memref<!tpu.dma_semaphore, #tpu.memory_space<semaphore_mem>>
      tpu.wait_indirect_dma semaphore(%dma_wait3A_152 : memref<!tpu.dma_semaphore, #tpu.memory_space<semaphore_mem>>) src(%dma_wait3A_150 : memref<10112x64xf32, #tpu.memory_space<hbm>>) dst(%dma_wait3A_144 : memref<128x64xf32, #tpu.memory_space<vmem>>)
      %dma_start3A_153 = arith.constant 0 : i32
      %dma_start3A_154 = arith.constant 0 : i32
      %dma_start3A_155 = arith.constant 0 : i32
      %dma_start3A_156 = arith.constant 0 : i32
      %dma_start3A_157 = tpu.memref_slice %arg9[%dma_start3A_153, %dma_start3A_155, %dma_start3A_156] : memref<4x128x64xf32, #tpu.memory_space<vmem>> -> memref<1x128x64xf32, #tpu.memory_space<vmem>>
      %dma_start3A_158 = tpu.memref_squeeze %dma_start3A_157 : memref<1x128x64xf32, #tpu.memory_space<vmem>> -> memref<128x64xf32, #tpu.memory_space<vmem>>
      %dma_start3A_159 = arith.constant 0 : i32
      %dma_start3A_160 = tpu.memref_slice %arg8[%add3A_138, %dma_start3A_159] : memref<128x128xi32, #tpu.memory_space<vmem>> -> memref<1x128xi32, #tpu.memory_space<vmem>>
      %dma_start3A_161 = tpu.memref_squeeze %dma_start3A_160 : memref<1x128xi32, #tpu.memory_space<vmem>> -> memref<128xi32, #tpu.memory_space<vmem>>
      %dma_start3A_162 = arith.constant 0 : i32
      %dma_start3A_163 = arith.constant 0 : i32
      %dma_start3A_164 = tpu.memref_slice %arg10[%dma_start3A_162, %dma_start3A_163] : memref<10112x64xf32, #tpu.memory_space<vmem_shared>> -> memref<10112x64xf32, #tpu.memory_space<vmem_shared>>
      %dma_start3A_165 = tpu.memref_slice %arg12[%dma_start3A_154] : memref<4x!tpu.dma_semaphore, #tpu.memory_space<semaphore_mem>> -> memref<1x!tpu.dma_semaphore, #tpu.memory_space<semaphore_mem>>
      %dma_start3A_166 = tpu.memref_squeeze %dma_start3A_165 : memref<1x!tpu.dma_semaphore, #tpu.memory_space<semaphore_mem>> -> memref<!tpu.dma_semaphore, #tpu.memory_space<semaphore_mem>>
      tpu.enqueue_indirect_dma source(%dma_start3A_158 : memref<128x64xf32, #tpu.memory_space<vmem>>) target(%dma_start3A_164 : memref<10112x64xf32, #tpu.memory_space<vmem_shared>>) offsets(%dma_start3A_161 : memref<128xi32, #tpu.memory_space<vmem>>) semaphore(%dma_start3A_166 : memref<!tpu.dma_semaphore, #tpu.memory_space<semaphore_mem>>) {add = true}
      %add3A_167 = arith.constant 2 : i32
      %add3A_168 = arith.addi %add3A_138, %add3A_167 : i32
      %ge3A = arith.constant 4 : i32
      %ge3A_169 = arith.cmpi sge, %add3A_168, %ge3A : i32
      %lt3A = arith.cmpi slt, %add3A_168, %select_n3A : i32
      %and3A = arith.andi %ge3A_169, %lt3A : i1
      %convert_element_type3A = arith.extui %and3A : i1 to i32
      %cond3A = arith.constant 0 : i32
      %cond3A_170 = arith.cmpi ne, %convert_element_type3A, %cond3A : i32
      scf.if %cond3A_170 {
        %sub3A_304 = arith.constant 4 : i32
        %sub3A_305 = arith.subi %add3A_168, %sub3A_304 : i32
        %dma_wait3A_306 = arith.constant 2 : i32
        %dma_wait3A_307 = arith.constant 2 : i32
        %dma_wait3A_308 = arith.constant 0 : i32
        %dma_wait3A_309 = arith.constant 0 : i32
        %dma_wait3A_310 = tpu.memref_slice %arg9[%dma_wait3A_306, %dma_wait3A_308, %dma_wait3A_309] : memref<4x128x64xf32, #tpu.memory_space<vmem>> -> memref<1x128x64xf32, #tpu.memory_space<vmem>>
        %dma_wait3A_311 = tpu.memref_squeeze %dma_wait3A_310 : memref<1x128x64xf32, #tpu.memory_space<vmem>> -> memref<128x64xf32, #tpu.memory_space<vmem>>
        %dma_wait3A_312 = arith.constant 0 : i32
        %dma_wait3A_313 = tpu.memref_slice %arg8[%sub3A_305, %dma_wait3A_312] : memref<128x128xi32, #tpu.memory_space<vmem>> -> memref<1x128xi32, #tpu.memory_space<vmem>>
        %dma_wait3A_314 = tpu.memref_squeeze %dma_wait3A_313 : memref<1x128xi32, #tpu.memory_space<vmem>> -> memref<128xi32, #tpu.memory_space<vmem>>
        %dma_wait3A_315 = arith.constant 0 : i32
        %dma_wait3A_316 = arith.constant 0 : i32
        %dma_wait3A_317 = tpu.memref_slice %arg10[%dma_wait3A_315, %dma_wait3A_316] : memref<10112x64xf32, #tpu.memory_space<vmem_shared>> -> memref<10112x64xf32, #tpu.memory_space<vmem_shared>>
        %dma_wait3A_318 = tpu.memref_slice %arg12[%dma_wait3A_307] : memref<4x!tpu.dma_semaphore, #tpu.memory_space<semaphore_mem>> -> memref<1x!tpu.dma_semaphore, #tpu.memory_space<semaphore_mem>>
        %dma_wait3A_319 = tpu.memref_squeeze %dma_wait3A_318 : memref<1x!tpu.dma_semaphore, #tpu.memory_space<semaphore_mem>> -> memref<!tpu.dma_semaphore, #tpu.memory_space<semaphore_mem>>
        tpu.wait_indirect_dma semaphore(%dma_wait3A_319 : memref<!tpu.dma_semaphore, #tpu.memory_space<semaphore_mem>>) src(%dma_wait3A_311 : memref<128x64xf32, #tpu.memory_space<vmem>>) dst(%dma_wait3A_317 : memref<10112x64xf32, #tpu.memory_space<vmem_shared>>)
      } else {
      }
      %lt3A_171 = arith.cmpi slt, %add3A_168, %select_n3A : i32
      %convert_element_type3A_172 = arith.extui %lt3A_171 : i1 to i32
      %cond3A_173 = arith.constant 0 : i32
      %cond3A_174 = arith.cmpi ne, %convert_element_type3A_172, %cond3A_173 : i32
      scf.if %cond3A_174 {
        %dma_start3A_304 = arith.constant 2 : i32
        %dma_start3A_305 = arith.constant 2 : i32
        %dma_start3A_306 = arith.constant 0 : i32
        %dma_start3A_307 = arith.constant 0 : i32
        %dma_start3A_308 = tpu.memref_slice %arg9[%dma_start3A_304, %dma_start3A_306, %dma_start3A_307] : memref<4x128x64xf32, #tpu.memory_space<vmem>> -> memref<1x128x64xf32, #tpu.memory_space<vmem>>
        %dma_start3A_309 = tpu.memref_squeeze %dma_start3A_308 : memref<1x128x64xf32, #tpu.memory_space<vmem>> -> memref<128x64xf32, #tpu.memory_space<vmem>>
        %dma_start3A_310 = arith.constant 0 : i32
        %dma_start3A_311 = tpu.memref_slice %arg7[%add3A_168, %dma_start3A_310] : memref<128x128xi32, #tpu.memory_space<vmem>> -> memref<1x128xi32, #tpu.memory_space<vmem>>
        %dma_start3A_312 = tpu.memref_squeeze %dma_start3A_311 : memref<1x128xi32, #tpu.memory_space<vmem>> -> memref<128xi32, #tpu.memory_space<vmem>>
        %dma_start3A_313 = arith.constant 0 : i32
        %dma_start3A_314 = arith.constant 0 : i32
        %dma_start3A_315 = tpu.memref_slice %arg2[%dma_start3A_313, %dma_start3A_314] : memref<10112x64xf32, #tpu.memory_space<hbm>> -> memref<10112x64xf32, #tpu.memory_space<hbm>>
        %dma_start3A_316 = tpu.memref_slice %arg11[%dma_start3A_305] : memref<4x!tpu.dma_semaphore, #tpu.memory_space<semaphore_mem>> -> memref<1x!tpu.dma_semaphore, #tpu.memory_space<semaphore_mem>>
        %dma_start3A_317 = tpu.memref_squeeze %dma_start3A_316 : memref<1x!tpu.dma_semaphore, #tpu.memory_space<semaphore_mem>> -> memref<!tpu.dma_semaphore, #tpu.memory_space<semaphore_mem>>
        tpu.enqueue_indirect_dma source(%dma_start3A_315 : memref<10112x64xf32, #tpu.memory_space<hbm>>) target(%dma_start3A_309 : memref<128x64xf32, #tpu.memory_space<vmem>>) offsets(%dma_start3A_312 : memref<128xi32, #tpu.memory_space<vmem>>) semaphore(%dma_start3A_317 : memref<!tpu.dma_semaphore, #tpu.memory_space<semaphore_mem>>)
      } else {
      }
      %add3A_175 = arith.constant 1 : i32
      %add3A_176 = arith.addi %add3A_136, %add3A_175 : i32
      %dma_wait3A_177 = arith.constant 1 : i32
      %dma_wait3A_178 = arith.constant 1 : i32
      %dma_wait3A_179 = arith.constant 0 : i32
      %dma_wait3A_180 = arith.constant 0 : i32
      %dma_wait3A_181 = tpu.memref_slice %arg9[%dma_wait3A_177, %dma_wait3A_179, %dma_wait3A_180] : memref<4x128x64xf32, #tpu.memory_space<vmem>> -> memref<1x128x64xf32, #tpu.memory_space<vmem>>
      %dma_wait3A_182 = tpu.memref_squeeze %dma_wait3A_181 : memref<1x128x64xf32, #tpu.memory_space<vmem>> -> memref<128x64xf32, #tpu.memory_space<vmem>>
      %dma_wait3A_183 = arith.constant 0 : i32
      %dma_wait3A_184 = tpu.memref_slice %arg7[%add3A_176, %dma_wait3A_183] : memref<128x128xi32, #tpu.memory_space<vmem>> -> memref<1x128xi32, #tpu.memory_space<vmem>>
      %dma_wait3A_185 = tpu.memref_squeeze %dma_wait3A_184 : memref<1x128xi32, #tpu.memory_space<vmem>> -> memref<128xi32, #tpu.memory_space<vmem>>
      %dma_wait3A_186 = arith.constant 0 : i32
      %dma_wait3A_187 = arith.constant 0 : i32
      %dma_wait3A_188 = tpu.memref_slice %arg2[%dma_wait3A_186, %dma_wait3A_187] : memref<10112x64xf32, #tpu.memory_space<hbm>> -> memref<10112x64xf32, #tpu.memory_space<hbm>>
      %dma_wait3A_189 = tpu.memref_slice %arg11[%dma_wait3A_178] : memref<4x!tpu.dma_semaphore, #tpu.memory_space<semaphore_mem>> -> memref<1x!tpu.dma_semaphore, #tpu.memory_space<semaphore_mem>>
      %dma_wait3A_190 = tpu.memref_squeeze %dma_wait3A_189 : memref<1x!tpu.dma_semaphore, #tpu.memory_space<semaphore_mem>> -> memref<!tpu.dma_semaphore, #tpu.memory_space<semaphore_mem>>
      tpu.wait_indirect_dma semaphore(%dma_wait3A_190 : memref<!tpu.dma_semaphore, #tpu.memory_space<semaphore_mem>>) src(%dma_wait3A_188 : memref<10112x64xf32, #tpu.memory_space<hbm>>) dst(%dma_wait3A_182 : memref<128x64xf32, #tpu.memory_space<vmem>>)
      %dma_start3A_191 = arith.constant 1 : i32
      %dma_start3A_192 = arith.constant 1 : i32
      %dma_start3A_193 = arith.constant 0 : i32
      %dma_start3A_194 = arith.constant 0 : i32
      %dma_start3A_195 = tpu.memref_slice %arg9[%dma_start3A_191, %dma_start3A_193, %dma_start3A_194] : memref<4x128x64xf32, #tpu.memory_space<vmem>> -> memref<1x128x64xf32, #tpu.memory_space<vmem>>
      %dma_start3A_196 = tpu.memref_squeeze %dma_start3A_195 : memref<1x128x64xf32, #tpu.memory_space<vmem>> -> memref<128x64xf32, #tpu.memory_space<vmem>>
      %dma_start3A_197 = arith.constant 0 : i32
      %dma_start3A_198 = tpu.memref_slice %arg8[%add3A_176, %dma_start3A_197] : memref<128x128xi32, #tpu.memory_space<vmem>> -> memref<1x128xi32, #tpu.memory_space<vmem>>
      %dma_start3A_199 = tpu.memref_squeeze %dma_start3A_198 : memref<1x128xi32, #tpu.memory_space<vmem>> -> memref<128xi32, #tpu.memory_space<vmem>>
      %dma_start3A_200 = arith.constant 0 : i32
      %dma_start3A_201 = arith.constant 0 : i32
      %dma_start3A_202 = tpu.memref_slice %arg10[%dma_start3A_200, %dma_start3A_201] : memref<10112x64xf32, #tpu.memory_space<vmem_shared>> -> memref<10112x64xf32, #tpu.memory_space<vmem_shared>>
      %dma_start3A_203 = tpu.memref_slice %arg12[%dma_start3A_192] : memref<4x!tpu.dma_semaphore, #tpu.memory_space<semaphore_mem>> -> memref<1x!tpu.dma_semaphore, #tpu.memory_space<semaphore_mem>>
      %dma_start3A_204 = tpu.memref_squeeze %dma_start3A_203 : memref<1x!tpu.dma_semaphore, #tpu.memory_space<semaphore_mem>> -> memref<!tpu.dma_semaphore, #tpu.memory_space<semaphore_mem>>
      tpu.enqueue_indirect_dma source(%dma_start3A_196 : memref<128x64xf32, #tpu.memory_space<vmem>>) target(%dma_start3A_202 : memref<10112x64xf32, #tpu.memory_space<vmem_shared>>) offsets(%dma_start3A_199 : memref<128xi32, #tpu.memory_space<vmem>>) semaphore(%dma_start3A_204 : memref<!tpu.dma_semaphore, #tpu.memory_space<semaphore_mem>>) {add = true}
      %add3A_205 = arith.constant 2 : i32
      %add3A_206 = arith.addi %add3A_176, %add3A_205 : i32
      %ge3A_207 = arith.constant 4 : i32
      %ge3A_208 = arith.cmpi sge, %add3A_206, %ge3A_207 : i32
      %lt3A_209 = arith.cmpi slt, %add3A_206, %select_n3A : i32
      %and3A_210 = arith.andi %ge3A_208, %lt3A_209 : i1
      %convert_element_type3A_211 = arith.extui %and3A_210 : i1 to i32
      %cond3A_212 = arith.constant 0 : i32
      %cond3A_213 = arith.cmpi ne, %convert_element_type3A_211, %cond3A_212 : i32
      scf.if %cond3A_213 {
        %sub3A_304 = arith.constant 4 : i32
        %sub3A_305 = arith.subi %add3A_206, %sub3A_304 : i32
        %dma_wait3A_306 = arith.constant 3 : i32
        %dma_wait3A_307 = arith.constant 3 : i32
        %dma_wait3A_308 = arith.constant 0 : i32
        %dma_wait3A_309 = arith.constant 0 : i32
        %dma_wait3A_310 = tpu.memref_slice %arg9[%dma_wait3A_306, %dma_wait3A_308, %dma_wait3A_309] : memref<4x128x64xf32, #tpu.memory_space<vmem>> -> memref<1x128x64xf32, #tpu.memory_space<vmem>>
        %dma_wait3A_311 = tpu.memref_squeeze %dma_wait3A_310 : memref<1x128x64xf32, #tpu.memory_space<vmem>> -> memref<128x64xf32, #tpu.memory_space<vmem>>
        %dma_wait3A_312 = arith.constant 0 : i32
        %dma_wait3A_313 = tpu.memref_slice %arg8[%sub3A_305, %dma_wait3A_312] : memref<128x128xi32, #tpu.memory_space<vmem>> -> memref<1x128xi32, #tpu.memory_space<vmem>>
        %dma_wait3A_314 = tpu.memref_squeeze %dma_wait3A_313 : memref<1x128xi32, #tpu.memory_space<vmem>> -> memref<128xi32, #tpu.memory_space<vmem>>
        %dma_wait3A_315 = arith.constant 0 : i32
        %dma_wait3A_316 = arith.constant 0 : i32
        %dma_wait3A_317 = tpu.memref_slice %arg10[%dma_wait3A_315, %dma_wait3A_316] : memref<10112x64xf32, #tpu.memory_space<vmem_shared>> -> memref<10112x64xf32, #tpu.memory_space<vmem_shared>>
        %dma_wait3A_318 = tpu.memref_slice %arg12[%dma_wait3A_307] : memref<4x!tpu.dma_semaphore, #tpu.memory_space<semaphore_mem>> -> memref<1x!tpu.dma_semaphore, #tpu.memory_space<semaphore_mem>>
        %dma_wait3A_319 = tpu.memref_squeeze %dma_wait3A_318 : memref<1x!tpu.dma_semaphore, #tpu.memory_space<semaphore_mem>> -> memref<!tpu.dma_semaphore, #tpu.memory_space<semaphore_mem>>
        tpu.wait_indirect_dma semaphore(%dma_wait3A_319 : memref<!tpu.dma_semaphore, #tpu.memory_space<semaphore_mem>>) src(%dma_wait3A_311 : memref<128x64xf32, #tpu.memory_space<vmem>>) dst(%dma_wait3A_317 : memref<10112x64xf32, #tpu.memory_space<vmem_shared>>)
      } else {
      }
      %lt3A_214 = arith.cmpi slt, %add3A_206, %select_n3A : i32
      %convert_element_type3A_215 = arith.extui %lt3A_214 : i1 to i32
      %cond3A_216 = arith.constant 0 : i32
      %cond3A_217 = arith.cmpi ne, %convert_element_type3A_215, %cond3A_216 : i32
      scf.if %cond3A_217 {
        %dma_start3A_304 = arith.constant 3 : i32
        %dma_start3A_305 = arith.constant 3 : i32
        %dma_start3A_306 = arith.constant 0 : i32
        %dma_start3A_307 = arith.constant 0 : i32
        %dma_start3A_308 = tpu.memref_slice %arg9[%dma_start3A_304, %dma_start3A_306, %dma_start3A_307] : memref<4x128x64xf32, #tpu.memory_space<vmem>> -> memref<1x128x64xf32, #tpu.memory_space<vmem>>
        %dma_start3A_309 = tpu.memref_squeeze %dma_start3A_308 : memref<1x128x64xf32, #tpu.memory_space<vmem>> -> memref<128x64xf32, #tpu.memory_space<vmem>>
        %dma_start3A_310 = arith.constant 0 : i32
        %dma_start3A_311 = tpu.memref_slice %arg7[%add3A_206, %dma_start3A_310] : memref<128x128xi32, #tpu.memory_space<vmem>> -> memref<1x128xi32, #tpu.memory_space<vmem>>
        %dma_start3A_312 = tpu.memref_squeeze %dma_start3A_311 : memref<1x128xi32, #tpu.memory_space<vmem>> -> memref<128xi32, #tpu.memory_space<vmem>>
        %dma_start3A_313 = arith.constant 0 : i32
        %dma_start3A_314 = arith.constant 0 : i32
        %dma_start3A_315 = tpu.memref_slice %arg2[%dma_start3A_313, %dma_start3A_314] : memref<10112x64xf32, #tpu.memory_space<hbm>> -> memref<10112x64xf32, #tpu.memory_space<hbm>>
        %dma_start3A_316 = tpu.memref_slice %arg11[%dma_start3A_305] : memref<4x!tpu.dma_semaphore, #tpu.memory_space<semaphore_mem>> -> memref<1x!tpu.dma_semaphore, #tpu.memory_space<semaphore_mem>>
        %dma_start3A_317 = tpu.memref_squeeze %dma_start3A_316 : memref<1x!tpu.dma_semaphore, #tpu.memory_space<semaphore_mem>> -> memref<!tpu.dma_semaphore, #tpu.memory_space<semaphore_mem>>
        tpu.enqueue_indirect_dma source(%dma_start3A_315 : memref<10112x64xf32, #tpu.memory_space<hbm>>) target(%dma_start3A_309 : memref<128x64xf32, #tpu.memory_space<vmem>>) offsets(%dma_start3A_312 : memref<128xi32, #tpu.memory_space<vmem>>) semaphore(%dma_start3A_317 : memref<!tpu.dma_semaphore, #tpu.memory_space<semaphore_mem>>)
      } else {
      }
      %add3A_218 = arith.constant 2 : i32
      %add3A_219 = arith.addi %add3A_136, %add3A_218 : i32
      %dma_wait3A_220 = arith.constant 2 : i32
      %dma_wait3A_221 = arith.constant 2 : i32
      %dma_wait3A_222 = arith.constant 0 : i32
      %dma_wait3A_223 = arith.constant 0 : i32
      %dma_wait3A_224 = tpu.memref_slice %arg9[%dma_wait3A_220, %dma_wait3A_222, %dma_wait3A_223] : memref<4x128x64xf32, #tpu.memory_space<vmem>> -> memref<1x128x64xf32, #tpu.memory_space<vmem>>
      %dma_wait3A_225 = tpu.memref_squeeze %dma_wait3A_224 : memref<1x128x64xf32, #tpu.memory_space<vmem>> -> memref<128x64xf32, #tpu.memory_space<vmem>>
      %dma_wait3A_226 = arith.constant 0 : i32
      %dma_wait3A_227 = tpu.memref_slice %arg7[%add3A_219, %dma_wait3A_226] : memref<128x128xi32, #tpu.memory_space<vmem>> -> memref<1x128xi32, #tpu.memory_space<vmem>>
      %dma_wait3A_228 = tpu.memref_squeeze %dma_wait3A_227 : memref<1x128xi32, #tpu.memory_space<vmem>> -> memref<128xi32, #tpu.memory_space<vmem>>
      %dma_wait3A_229 = arith.constant 0 : i32
      %dma_wait3A_230 = arith.constant 0 : i32
      %dma_wait3A_231 = tpu.memref_slice %arg2[%dma_wait3A_229, %dma_wait3A_230] : memref<10112x64xf32, #tpu.memory_space<hbm>> -> memref<10112x64xf32, #tpu.memory_space<hbm>>
      %dma_wait3A_232 = tpu.memref_slice %arg11[%dma_wait3A_221] : memref<4x!tpu.dma_semaphore, #tpu.memory_space<semaphore_mem>> -> memref<1x!tpu.dma_semaphore, #tpu.memory_space<semaphore_mem>>
      %dma_wait3A_233 = tpu.memref_squeeze %dma_wait3A_232 : memref<1x!tpu.dma_semaphore, #tpu.memory_space<semaphore_mem>> -> memref<!tpu.dma_semaphore, #tpu.memory_space<semaphore_mem>>
      tpu.wait_indirect_dma semaphore(%dma_wait3A_233 : memref<!tpu.dma_semaphore, #tpu.memory_space<semaphore_mem>>) src(%dma_wait3A_231 : memref<10112x64xf32, #tpu.memory_space<hbm>>) dst(%dma_wait3A_225 : memref<128x64xf32, #tpu.memory_space<vmem>>)
      %dma_start3A_234 = arith.constant 2 : i32
      %dma_start3A_235 = arith.constant 2 : i32
      %dma_start3A_236 = arith.constant 0 : i32
      %dma_start3A_237 = arith.constant 0 : i32
      %dma_start3A_238 = tpu.memref_slice %arg9[%dma_start3A_234, %dma_start3A_236, %dma_start3A_237] : memref<4x128x64xf32, #tpu.memory_space<vmem>> -> memref<1x128x64xf32, #tpu.memory_space<vmem>>
      %dma_start3A_239 = tpu.memref_squeeze %dma_start3A_238 : memref<1x128x64xf32, #tpu.memory_space<vmem>> -> memref<128x64xf32, #tpu.memory_space<vmem>>
      %dma_start3A_240 = arith.constant 0 : i32
      %dma_start3A_241 = tpu.memref_slice %arg8[%add3A_219, %dma_start3A_240] : memref<128x128xi32, #tpu.memory_space<vmem>> -> memref<1x128xi32, #tpu.memory_space<vmem>>
      %dma_start3A_242 = tpu.memref_squeeze %dma_start3A_241 : memref<1x128xi32, #tpu.memory_space<vmem>> -> memref<128xi32, #tpu.memory_space<vmem>>
      %dma_start3A_243 = arith.constant 0 : i32
      %dma_start3A_244 = arith.constant 0 : i32
      %dma_start3A_245 = tpu.memref_slice %arg10[%dma_start3A_243, %dma_start3A_244] : memref<10112x64xf32, #tpu.memory_space<vmem_shared>> -> memref<10112x64xf32, #tpu.memory_space<vmem_shared>>
      %dma_start3A_246 = tpu.memref_slice %arg12[%dma_start3A_235] : memref<4x!tpu.dma_semaphore, #tpu.memory_space<semaphore_mem>> -> memref<1x!tpu.dma_semaphore, #tpu.memory_space<semaphore_mem>>
      %dma_start3A_247 = tpu.memref_squeeze %dma_start3A_246 : memref<1x!tpu.dma_semaphore, #tpu.memory_space<semaphore_mem>> -> memref<!tpu.dma_semaphore, #tpu.memory_space<semaphore_mem>>
      tpu.enqueue_indirect_dma source(%dma_start3A_239 : memref<128x64xf32, #tpu.memory_space<vmem>>) target(%dma_start3A_245 : memref<10112x64xf32, #tpu.memory_space<vmem_shared>>) offsets(%dma_start3A_242 : memref<128xi32, #tpu.memory_space<vmem>>) semaphore(%dma_start3A_247 : memref<!tpu.dma_semaphore, #tpu.memory_space<semaphore_mem>>) {add = true}
      %add3A_248 = arith.constant 2 : i32
      %add3A_249 = arith.addi %add3A_219, %add3A_248 : i32
      %ge3A_250 = arith.constant 4 : i32
      %ge3A_251 = arith.cmpi sge, %add3A_249, %ge3A_250 : i32
      %lt3A_252 = arith.cmpi slt, %add3A_249, %select_n3A : i32
      %and3A_253 = arith.andi %ge3A_251, %lt3A_252 : i1
      %convert_element_type3A_254 = arith.extui %and3A_253 : i1 to i32
      %cond3A_255 = arith.constant 0 : i32
      %cond3A_256 = arith.cmpi ne, %convert_element_type3A_254, %cond3A_255 : i32
      scf.if %cond3A_256 {
        %sub3A_304 = arith.constant 4 : i32
        %sub3A_305 = arith.subi %add3A_249, %sub3A_304 : i32
        %dma_wait3A_306 = arith.constant 0 : i32
        %dma_wait3A_307 = arith.constant 0 : i32
        %dma_wait3A_308 = arith.constant 0 : i32
        %dma_wait3A_309 = arith.constant 0 : i32
        %dma_wait3A_310 = tpu.memref_slice %arg9[%dma_wait3A_306, %dma_wait3A_308, %dma_wait3A_309] : memref<4x128x64xf32, #tpu.memory_space<vmem>> -> memref<1x128x64xf32, #tpu.memory_space<vmem>>
        %dma_wait3A_311 = tpu.memref_squeeze %dma_wait3A_310 : memref<1x128x64xf32, #tpu.memory_space<vmem>> -> memref<128x64xf32, #tpu.memory_space<vmem>>
        %dma_wait3A_312 = arith.constant 0 : i32
        %dma_wait3A_313 = tpu.memref_slice %arg8[%sub3A_305, %dma_wait3A_312] : memref<128x128xi32, #tpu.memory_space<vmem>> -> memref<1x128xi32, #tpu.memory_space<vmem>>
        %dma_wait3A_314 = tpu.memref_squeeze %dma_wait3A_313 : memref<1x128xi32, #tpu.memory_space<vmem>> -> memref<128xi32, #tpu.memory_space<vmem>>
        %dma_wait3A_315 = arith.constant 0 : i32
        %dma_wait3A_316 = arith.constant 0 : i32
        %dma_wait3A_317 = tpu.memref_slice %arg10[%dma_wait3A_315, %dma_wait3A_316] : memref<10112x64xf32, #tpu.memory_space<vmem_shared>> -> memref<10112x64xf32, #tpu.memory_space<vmem_shared>>
        %dma_wait3A_318 = tpu.memref_slice %arg12[%dma_wait3A_307] : memref<4x!tpu.dma_semaphore, #tpu.memory_space<semaphore_mem>> -> memref<1x!tpu.dma_semaphore, #tpu.memory_space<semaphore_mem>>
        %dma_wait3A_319 = tpu.memref_squeeze %dma_wait3A_318 : memref<1x!tpu.dma_semaphore, #tpu.memory_space<semaphore_mem>> -> memref<!tpu.dma_semaphore, #tpu.memory_space<semaphore_mem>>
        tpu.wait_indirect_dma semaphore(%dma_wait3A_319 : memref<!tpu.dma_semaphore, #tpu.memory_space<semaphore_mem>>) src(%dma_wait3A_311 : memref<128x64xf32, #tpu.memory_space<vmem>>) dst(%dma_wait3A_317 : memref<10112x64xf32, #tpu.memory_space<vmem_shared>>)
      } else {
      }
      %lt3A_257 = arith.cmpi slt, %add3A_249, %select_n3A : i32
      %convert_element_type3A_258 = arith.extui %lt3A_257 : i1 to i32
      %cond3A_259 = arith.constant 0 : i32
      %cond3A_260 = arith.cmpi ne, %convert_element_type3A_258, %cond3A_259 : i32
      scf.if %cond3A_260 {
        %dma_start3A_304 = arith.constant 0 : i32
        %dma_start3A_305 = arith.constant 0 : i32
        %dma_start3A_306 = arith.constant 0 : i32
        %dma_start3A_307 = arith.constant 0 : i32
        %dma_start3A_308 = tpu.memref_slice %arg9[%dma_start3A_304, %dma_start3A_306, %dma_start3A_307] : memref<4x128x64xf32, #tpu.memory_space<vmem>> -> memref<1x128x64xf32, #tpu.memory_space<vmem>>
        %dma_start3A_309 = tpu.memref_squeeze %dma_start3A_308 : memref<1x128x64xf32, #tpu.memory_space<vmem>> -> memref<128x64xf32, #tpu.memory_space<vmem>>
        %dma_start3A_310 = arith.constant 0 : i32
        %dma_start3A_311 = tpu.memref_slice %arg7[%add3A_249, %dma_start3A_310] : memref<128x128xi32, #tpu.memory_space<vmem>> -> memref<1x128xi32, #tpu.memory_space<vmem>>
        %dma_start3A_312 = tpu.memref_squeeze %dma_start3A_311 : memref<1x128xi32, #tpu.memory_space<vmem>> -> memref<128xi32, #tpu.memory_space<vmem>>
        %dma_start3A_313 = arith.constant 0 : i32
        %dma_start3A_314 = arith.constant 0 : i32
        %dma_start3A_315 = tpu.memref_slice %arg2[%dma_start3A_313, %dma_start3A_314] : memref<10112x64xf32, #tpu.memory_space<hbm>> -> memref<10112x64xf32, #tpu.memory_space<hbm>>
        %dma_start3A_316 = tpu.memref_slice %arg11[%dma_start3A_305] : memref<4x!tpu.dma_semaphore, #tpu.memory_space<semaphore_mem>> -> memref<1x!tpu.dma_semaphore, #tpu.memory_space<semaphore_mem>>
        %dma_start3A_317 = tpu.memref_squeeze %dma_start3A_316 : memref<1x!tpu.dma_semaphore, #tpu.memory_space<semaphore_mem>> -> memref<!tpu.dma_semaphore, #tpu.memory_space<semaphore_mem>>
        tpu.enqueue_indirect_dma source(%dma_start3A_315 : memref<10112x64xf32, #tpu.memory_space<hbm>>) target(%dma_start3A_309 : memref<128x64xf32, #tpu.memory_space<vmem>>) offsets(%dma_start3A_312 : memref<128xi32, #tpu.memory_space<vmem>>) semaphore(%dma_start3A_317 : memref<!tpu.dma_semaphore, #tpu.memory_space<semaphore_mem>>)
      } else {
      }
      %add3A_261 = arith.constant 3 : i32
      %add3A_262 = arith.addi %add3A_136, %add3A_261 : i32
      %dma_wait3A_263 = arith.constant 3 : i32
      %dma_wait3A_264 = arith.constant 3 : i32
      %dma_wait3A_265 = arith.constant 0 : i32
      %dma_wait3A_266 = arith.constant 0 : i32
      %dma_wait3A_267 = tpu.memref_slice %arg9[%dma_wait3A_263, %dma_wait3A_265, %dma_wait3A_266] : memref<4x128x64xf32, #tpu.memory_space<vmem>> -> memref<1x128x64xf32, #tpu.memory_space<vmem>>
      %dma_wait3A_268 = tpu.memref_squeeze %dma_wait3A_267 : memref<1x128x64xf32, #tpu.memory_space<vmem>> -> memref<128x64xf32, #tpu.memory_space<vmem>>
      %dma_wait3A_269 = arith.constant 0 : i32
      %dma_wait3A_270 = tpu.memref_slice %arg7[%add3A_262, %dma_wait3A_269] : memref<128x128xi32, #tpu.memory_space<vmem>> -> memref<1x128xi32, #tpu.memory_space<vmem>>
      %dma_wait3A_271 = tpu.memref_squeeze %dma_wait3A_270 : memref<1x128xi32, #tpu.memory_space<vmem>> -> memref<128xi32, #tpu.memory_space<vmem>>
      %dma_wait3A_272 = arith.constant 0 : i32
      %dma_wait3A_273 = arith.constant 0 : i32
      %dma_wait3A_274 = tpu.memref_slice %arg2[%dma_wait3A_272, %dma_wait3A_273] : memref<10112x64xf32, #tpu.memory_space<hbm>> -> memref<10112x64xf32, #tpu.memory_space<hbm>>
      %dma_wait3A_275 = tpu.memref_slice %arg11[%dma_wait3A_264] : memref<4x!tpu.dma_semaphore, #tpu.memory_space<semaphore_mem>> -> memref<1x!tpu.dma_semaphore, #tpu.memory_space<semaphore_mem>>
      %dma_wait3A_276 = tpu.memref_squeeze %dma_wait3A_275 : memref<1x!tpu.dma_semaphore, #tpu.memory_space<semaphore_mem>> -> memref<!tpu.dma_semaphore, #tpu.memory_space<semaphore_mem>>
      tpu.wait_indirect_dma semaphore(%dma_wait3A_276 : memref<!tpu.dma_semaphore, #tpu.memory_space<semaphore_mem>>) src(%dma_wait3A_274 : memref<10112x64xf32, #tpu.memory_space<hbm>>) dst(%dma_wait3A_268 : memref<128x64xf32, #tpu.memory_space<vmem>>)
      %dma_start3A_277 = arith.constant 3 : i32
      %dma_start3A_278 = arith.constant 3 : i32
      %dma_start3A_279 = arith.constant 0 : i32
      %dma_start3A_280 = arith.constant 0 : i32
      %dma_start3A_281 = tpu.memref_slice %arg9[%dma_start3A_277, %dma_start3A_279, %dma_start3A_280] : memref<4x128x64xf32, #tpu.memory_space<vmem>> -> memref<1x128x64xf32, #tpu.memory_space<vmem>>
      %dma_start3A_282 = tpu.memref_squeeze %dma_start3A_281 : memref<1x128x64xf32, #tpu.memory_space<vmem>> -> memref<128x64xf32, #tpu.memory_space<vmem>>
      %dma_start3A_283 = arith.constant 0 : i32
      %dma_start3A_284 = tpu.memref_slice %arg8[%add3A_262, %dma_start3A_283] : memref<128x128xi32, #tpu.memory_space<vmem>> -> memref<1x128xi32, #tpu.memory_space<vmem>>
      %dma_start3A_285 = tpu.memref_squeeze %dma_start3A_284 : memref<1x128xi32, #tpu.memory_space<vmem>> -> memref<128xi32, #tpu.memory_space<vmem>>
      %dma_start3A_286 = arith.constant 0 : i32
      %dma_start3A_287 = arith.constant 0 : i32
      %dma_start3A_288 = tpu.memref_slice %arg10[%dma_start3A_286, %dma_start3A_287] : memref<10112x64xf32, #tpu.memory_space<vmem_shared>> -> memref<10112x64xf32, #tpu.memory_space<vmem_shared>>
      %dma_start3A_289 = tpu.memref_slice %arg12[%dma_start3A_278] : memref<4x!tpu.dma_semaphore, #tpu.memory_space<semaphore_mem>> -> memref<1x!tpu.dma_semaphore, #tpu.memory_space<semaphore_mem>>
      %dma_start3A_290 = tpu.memref_squeeze %dma_start3A_289 : memref<1x!tpu.dma_semaphore, #tpu.memory_space<semaphore_mem>> -> memref<!tpu.dma_semaphore, #tpu.memory_space<semaphore_mem>>
      tpu.enqueue_indirect_dma source(%dma_start3A_282 : memref<128x64xf32, #tpu.memory_space<vmem>>) target(%dma_start3A_288 : memref<10112x64xf32, #tpu.memory_space<vmem_shared>>) offsets(%dma_start3A_285 : memref<128xi32, #tpu.memory_space<vmem>>) semaphore(%dma_start3A_290 : memref<!tpu.dma_semaphore, #tpu.memory_space<semaphore_mem>>) {add = true}
      %add3A_291 = arith.constant 2 : i32
      %add3A_292 = arith.addi %add3A_262, %add3A_291 : i32
      %ge3A_293 = arith.constant 4 : i32
      %ge3A_294 = arith.cmpi sge, %add3A_292, %ge3A_293 : i32
      %lt3A_295 = arith.cmpi slt, %add3A_292, %select_n3A : i32
      %and3A_296 = arith.andi %ge3A_294, %lt3A_295 : i1
      %convert_element_type3A_297 = arith.extui %and3A_296 : i1 to i32
      %cond3A_298 = arith.constant 0 : i32
      %cond3A_299 = arith.cmpi ne, %convert_element_type3A_297, %cond3A_298 : i32
      scf.if %cond3A_299 {
        %sub3A_304 = arith.constant 4 : i32
        %sub3A_305 = arith.subi %add3A_292, %sub3A_304 : i32
        %dma_wait3A_306 = arith.constant 1 : i32
        %dma_wait3A_307 = arith.constant 1 : i32
        %dma_wait3A_308 = arith.constant 0 : i32
        %dma_wait3A_309 = arith.constant 0 : i32
        %dma_wait3A_310 = tpu.memref_slice %arg9[%dma_wait3A_306, %dma_wait3A_308, %dma_wait3A_309] : memref<4x128x64xf32, #tpu.memory_space<vmem>> -> memref<1x128x64xf32, #tpu.memory_space<vmem>>
        %dma_wait3A_311 = tpu.memref_squeeze %dma_wait3A_310 : memref<1x128x64xf32, #tpu.memory_space<vmem>> -> memref<128x64xf32, #tpu.memory_space<vmem>>
        %dma_wait3A_312 = arith.constant 0 : i32
        %dma_wait3A_313 = tpu.memref_slice %arg8[%sub3A_305, %dma_wait3A_312] : memref<128x128xi32, #tpu.memory_space<vmem>> -> memref<1x128xi32, #tpu.memory_space<vmem>>
        %dma_wait3A_314 = tpu.memref_squeeze %dma_wait3A_313 : memref<1x128xi32, #tpu.memory_space<vmem>> -> memref<128xi32, #tpu.memory_space<vmem>>
        %dma_wait3A_315 = arith.constant 0 : i32
        %dma_wait3A_316 = arith.constant 0 : i32
        %dma_wait3A_317 = tpu.memref_slice %arg10[%dma_wait3A_315, %dma_wait3A_316] : memref<10112x64xf32, #tpu.memory_space<vmem_shared>> -> memref<10112x64xf32, #tpu.memory_space<vmem_shared>>
        %dma_wait3A_318 = tpu.memref_slice %arg12[%dma_wait3A_307] : memref<4x!tpu.dma_semaphore, #tpu.memory_space<semaphore_mem>> -> memref<1x!tpu.dma_semaphore, #tpu.memory_space<semaphore_mem>>
        %dma_wait3A_319 = tpu.memref_squeeze %dma_wait3A_318 : memref<1x!tpu.dma_semaphore, #tpu.memory_space<semaphore_mem>> -> memref<!tpu.dma_semaphore, #tpu.memory_space<semaphore_mem>>
        tpu.wait_indirect_dma semaphore(%dma_wait3A_319 : memref<!tpu.dma_semaphore, #tpu.memory_space<semaphore_mem>>) src(%dma_wait3A_311 : memref<128x64xf32, #tpu.memory_space<vmem>>) dst(%dma_wait3A_317 : memref<10112x64xf32, #tpu.memory_space<vmem_shared>>)
      } else {
      }
      %lt3A_300 = arith.cmpi slt, %add3A_292, %select_n3A : i32
      %convert_element_type3A_301 = arith.extui %lt3A_300 : i1 to i32
      %cond3A_302 = arith.constant 0 : i32
      %cond3A_303 = arith.cmpi ne, %convert_element_type3A_301, %cond3A_302 : i32
      scf.if %cond3A_303 {
        %dma_start3A_304 = arith.constant 1 : i32
        %dma_start3A_305 = arith.constant 1 : i32
        %dma_start3A_306 = arith.constant 0 : i32
        %dma_start3A_307 = arith.constant 0 : i32
        %dma_start3A_308 = tpu.memref_slice %arg9[%dma_start3A_304, %dma_start3A_306, %dma_start3A_307] : memref<4x128x64xf32, #tpu.memory_space<vmem>> -> memref<1x128x64xf32, #tpu.memory_space<vmem>>
        %dma_start3A_309 = tpu.memref_squeeze %dma_start3A_308 : memref<1x128x64xf32, #tpu.memory_space<vmem>> -> memref<128x64xf32, #tpu.memory_space<vmem>>
        %dma_start3A_310 = arith.constant 0 : i32
        %dma_start3A_311 = tpu.memref_slice %arg7[%add3A_292, %dma_start3A_310] : memref<128x128xi32, #tpu.memory_space<vmem>> -> memref<1x128xi32, #tpu.memory_space<vmem>>
        %dma_start3A_312 = tpu.memref_squeeze %dma_start3A_311 : memref<1x128xi32, #tpu.memory_space<vmem>> -> memref<128xi32, #tpu.memory_space<vmem>>
        %dma_start3A_313 = arith.constant 0 : i32
        %dma_start3A_314 = arith.constant 0 : i32
        %dma_start3A_315 = tpu.memref_slice %arg2[%dma_start3A_313, %dma_start3A_314] : memref<10112x64xf32, #tpu.memory_space<hbm>> -> memref<10112x64xf32, #tpu.memory_space<hbm>>
        %dma_start3A_316 = tpu.memref_slice %arg11[%dma_start3A_305] : memref<4x!tpu.dma_semaphore, #tpu.memory_space<semaphore_mem>> -> memref<1x!tpu.dma_semaphore, #tpu.memory_space<semaphore_mem>>
        %dma_start3A_317 = tpu.memref_squeeze %dma_start3A_316 : memref<1x!tpu.dma_semaphore, #tpu.memory_space<semaphore_mem>> -> memref<!tpu.dma_semaphore, #tpu.memory_space<semaphore_mem>>
        tpu.enqueue_indirect_dma source(%dma_start3A_315 : memref<10112x64xf32, #tpu.memory_space<hbm>>) target(%dma_start3A_309 : memref<128x64xf32, #tpu.memory_space<vmem>>) offsets(%dma_start3A_312 : memref<128xi32, #tpu.memory_space<vmem>>) semaphore(%dma_start3A_317 : memref<!tpu.dma_semaphore, #tpu.memory_space<semaphore_mem>>)
      } else {
      }
    }
    %sub3A_58 = arith.constant 4 : i32
    %sub3A_59 = arith.subi %select_n3A, %sub3A_58 : i32
    %add3A_60 = arith.constant 0 : i32
    %add3A_61 = arith.addi %sub3A_59, %add3A_60 : i32
    %dma_wait3A = arith.constant 0 : i32
    %dma_wait3A_62 = arith.constant 0 : i32
    %dma_wait3A_63 = arith.constant 0 : i32
    %dma_wait3A_64 = arith.constant 0 : i32
    %dma_wait3A_65 = tpu.memref_slice %arg9[%dma_wait3A, %dma_wait3A_63, %dma_wait3A_64] : memref<4x128x64xf32, #tpu.memory_space<vmem>> -> memref<1x128x64xf32, #tpu.memory_space<vmem>>
    %dma_wait3A_66 = tpu.memref_squeeze %dma_wait3A_65 : memref<1x128x64xf32, #tpu.memory_space<vmem>> -> memref<128x64xf32, #tpu.memory_space<vmem>>
    %dma_wait3A_67 = arith.constant 0 : i32
    %dma_wait3A_68 = tpu.memref_slice %arg8[%add3A_61, %dma_wait3A_67] : memref<128x128xi32, #tpu.memory_space<vmem>> -> memref<1x128xi32, #tpu.memory_space<vmem>>
    %dma_wait3A_69 = tpu.memref_squeeze %dma_wait3A_68 : memref<1x128xi32, #tpu.memory_space<vmem>> -> memref<128xi32, #tpu.memory_space<vmem>>
    %dma_wait3A_70 = arith.constant 0 : i32
    %dma_wait3A_71 = arith.constant 0 : i32
    %dma_wait3A_72 = tpu.memref_slice %arg10[%dma_wait3A_70, %dma_wait3A_71] : memref<10112x64xf32, #tpu.memory_space<vmem_shared>> -> memref<10112x64xf32, #tpu.memory_space<vmem_shared>>
    %dma_wait3A_73 = tpu.memref_slice %arg12[%dma_wait3A_62] : memref<4x!tpu.dma_semaphore, #tpu.memory_space<semaphore_mem>> -> memref<1x!tpu.dma_semaphore, #tpu.memory_space<semaphore_mem>>
    %dma_wait3A_74 = tpu.memref_squeeze %dma_wait3A_73 : memref<1x!tpu.dma_semaphore, #tpu.memory_space<semaphore_mem>> -> memref<!tpu.dma_semaphore, #tpu.memory_space<semaphore_mem>>
    tpu.wait_indirect_dma semaphore(%dma_wait3A_74 : memref<!tpu.dma_semaphore, #tpu.memory_space<semaphore_mem>>) src(%dma_wait3A_66 : memref<128x64xf32, #tpu.memory_space<vmem>>) dst(%dma_wait3A_72 : memref<10112x64xf32, #tpu.memory_space<vmem_shared>>)
    %sub3A_75 = arith.constant 4 : i32
    %sub3A_76 = arith.subi %select_n3A, %sub3A_75 : i32
    %add3A_77 = arith.constant 1 : i32
    %add3A_78 = arith.addi %sub3A_76, %add3A_77 : i32
    %dma_wait3A_79 = arith.constant 1 : i32
    %dma_wait3A_80 = arith.constant 1 : i32
    %dma_wait3A_81 = arith.constant 0 : i32
    %dma_wait3A_82 = arith.constant 0 : i32
    %dma_wait3A_83 = tpu.memref_slice %arg9[%dma_wait3A_79, %dma_wait3A_81, %dma_wait3A_82] : memref<4x128x64xf32, #tpu.memory_space<vmem>> -> memref<1x128x64xf32, #tpu.memory_space<vmem>>
    %dma_wait3A_84 = tpu.memref_squeeze %dma_wait3A_83 : memref<1x128x64xf32, #tpu.memory_space<vmem>> -> memref<128x64xf32, #tpu.memory_space<vmem>>
    %dma_wait3A_85 = arith.constant 0 : i32
    %dma_wait3A_86 = tpu.memref_slice %arg8[%add3A_78, %dma_wait3A_85] : memref<128x128xi32, #tpu.memory_space<vmem>> -> memref<1x128xi32, #tpu.memory_space<vmem>>
    %dma_wait3A_87 = tpu.memref_squeeze %dma_wait3A_86 : memref<1x128xi32, #tpu.memory_space<vmem>> -> memref<128xi32, #tpu.memory_space<vmem>>
    %dma_wait3A_88 = arith.constant 0 : i32
    %dma_wait3A_89 = arith.constant 0 : i32
    %dma_wait3A_90 = tpu.memref_slice %arg10[%dma_wait3A_88, %dma_wait3A_89] : memref<10112x64xf32, #tpu.memory_space<vmem_shared>> -> memref<10112x64xf32, #tpu.memory_space<vmem_shared>>
    %dma_wait3A_91 = tpu.memref_slice %arg12[%dma_wait3A_80] : memref<4x!tpu.dma_semaphore, #tpu.memory_space<semaphore_mem>> -> memref<1x!tpu.dma_semaphore, #tpu.memory_space<semaphore_mem>>
    %dma_wait3A_92 = tpu.memref_squeeze %dma_wait3A_91 : memref<1x!tpu.dma_semaphore, #tpu.memory_space<semaphore_mem>> -> memref<!tpu.dma_semaphore, #tpu.memory_space<semaphore_mem>>
    tpu.wait_indirect_dma semaphore(%dma_wait3A_92 : memref<!tpu.dma_semaphore, #tpu.memory_space<semaphore_mem>>) src(%dma_wait3A_84 : memref<128x64xf32, #tpu.memory_space<vmem>>) dst(%dma_wait3A_90 : memref<10112x64xf32, #tpu.memory_space<vmem_shared>>)
    %sub3A_93 = arith.constant 4 : i32
    %sub3A_94 = arith.subi %select_n3A, %sub3A_93 : i32
    %add3A_95 = arith.constant 2 : i32
    %add3A_96 = arith.addi %sub3A_94, %add3A_95 : i32
    %dma_wait3A_97 = arith.constant 2 : i32
    %dma_wait3A_98 = arith.constant 2 : i32
    %dma_wait3A_99 = arith.constant 0 : i32
    %dma_wait3A_100 = arith.constant 0 : i32
    %dma_wait3A_101 = tpu.memref_slice %arg9[%dma_wait3A_97, %dma_wait3A_99, %dma_wait3A_100] : memref<4x128x64xf32, #tpu.memory_space<vmem>> -> memref<1x128x64xf32, #tpu.memory_space<vmem>>
    %dma_wait3A_102 = tpu.memref_squeeze %dma_wait3A_101 : memref<1x128x64xf32, #tpu.memory_space<vmem>> -> memref<128x64xf32, #tpu.memory_space<vmem>>
    %dma_wait3A_103 = arith.constant 0 : i32
    %dma_wait3A_104 = tpu.memref_slice %arg8[%add3A_96, %dma_wait3A_103] : memref<128x128xi32, #tpu.memory_space<vmem>> -> memref<1x128xi32, #tpu.memory_space<vmem>>
    %dma_wait3A_105 = tpu.memref_squeeze %dma_wait3A_104 : memref<1x128xi32, #tpu.memory_space<vmem>> -> memref<128xi32, #tpu.memory_space<vmem>>
    %dma_wait3A_106 = arith.constant 0 : i32
    %dma_wait3A_107 = arith.constant 0 : i32
    %dma_wait3A_108 = tpu.memref_slice %arg10[%dma_wait3A_106, %dma_wait3A_107] : memref<10112x64xf32, #tpu.memory_space<vmem_shared>> -> memref<10112x64xf32, #tpu.memory_space<vmem_shared>>
    %dma_wait3A_109 = tpu.memref_slice %arg12[%dma_wait3A_98] : memref<4x!tpu.dma_semaphore, #tpu.memory_space<semaphore_mem>> -> memref<1x!tpu.dma_semaphore, #tpu.memory_space<semaphore_mem>>
    %dma_wait3A_110 = tpu.memref_squeeze %dma_wait3A_109 : memref<1x!tpu.dma_semaphore, #tpu.memory_space<semaphore_mem>> -> memref<!tpu.dma_semaphore, #tpu.memory_space<semaphore_mem>>
    tpu.wait_indirect_dma semaphore(%dma_wait3A_110 : memref<!tpu.dma_semaphore, #tpu.memory_space<semaphore_mem>>) src(%dma_wait3A_102 : memref<128x64xf32, #tpu.memory_space<vmem>>) dst(%dma_wait3A_108 : memref<10112x64xf32, #tpu.memory_space<vmem_shared>>)
    %sub3A_111 = arith.constant 4 : i32
    %sub3A_112 = arith.subi %select_n3A, %sub3A_111 : i32
    %add3A_113 = arith.constant 3 : i32
    %add3A_114 = arith.addi %sub3A_112, %add3A_113 : i32
    %dma_wait3A_115 = arith.constant 3 : i32
    %dma_wait3A_116 = arith.constant 3 : i32
    %dma_wait3A_117 = arith.constant 0 : i32
    %dma_wait3A_118 = arith.constant 0 : i32
    %dma_wait3A_119 = tpu.memref_slice %arg9[%dma_wait3A_115, %dma_wait3A_117, %dma_wait3A_118] : memref<4x128x64xf32, #tpu.memory_space<vmem>> -> memref<1x128x64xf32, #tpu.memory_space<vmem>>
    %dma_wait3A_120 = tpu.memref_squeeze %dma_wait3A_119 : memref<1x128x64xf32, #tpu.memory_space<vmem>> -> memref<128x64xf32, #tpu.memory_space<vmem>>
    %dma_wait3A_121 = arith.constant 0 : i32
    %dma_wait3A_122 = tpu.memref_slice %arg8[%add3A_114, %dma_wait3A_121] : memref<128x128xi32, #tpu.memory_space<vmem>> -> memref<1x128xi32, #tpu.memory_space<vmem>>
    %dma_wait3A_123 = tpu.memref_squeeze %dma_wait3A_122 : memref<1x128xi32, #tpu.memory_space<vmem>> -> memref<128xi32, #tpu.memory_space<vmem>>
    %dma_wait3A_124 = arith.constant 0 : i32
    %dma_wait3A_125 = arith.constant 0 : i32
    %dma_wait3A_126 = tpu.memref_slice %arg10[%dma_wait3A_124, %dma_wait3A_125] : memref<10112x64xf32, #tpu.memory_space<vmem_shared>> -> memref<10112x64xf32, #tpu.memory_space<vmem_shared>>
    %dma_wait3A_127 = tpu.memref_slice %arg12[%dma_wait3A_116] : memref<4x!tpu.dma_semaphore, #tpu.memory_space<semaphore_mem>> -> memref<1x!tpu.dma_semaphore, #tpu.memory_space<semaphore_mem>>
    %dma_wait3A_128 = tpu.memref_squeeze %dma_wait3A_127 : memref<1x!tpu.dma_semaphore, #tpu.memory_space<semaphore_mem>> -> memref<!tpu.dma_semaphore, #tpu.memory_space<semaphore_mem>>
    tpu.wait_indirect_dma semaphore(%dma_wait3A_128 : memref<!tpu.dma_semaphore, #tpu.memory_space<semaphore_mem>>) src(%dma_wait3A_120 : memref<128x64xf32, #tpu.memory_space<vmem>>) dst(%dma_wait3A_126 : memref<10112x64xf32, #tpu.memory_space<vmem_shared>>)
    %barrier3A_129 = arith.constant 0 : index
    tpu.barrier barrier_id(%barrier3A_129)
    %mul3A_130 = arith.constant 632 : i32
    %mul3A_131 = arith.muli %arg1, %mul3A_130 : i32
    %mul3A_132 = arith.constant 632 : i32
    %mul3A_133 = arith.muli %arg1, %mul3A_132 : i32
    "tpu.region"() ({
      %run_scoped3A = tpu.sem_alloc : memref<!tpu.dma_semaphore, #tpu.memory_space<semaphore_mem>>
      %dma_start3A_134 = arith.constant 0 : i32
      %dma_start3A_135 = tpu.memref_slice %arg6[%arg0, %mul3A_133, %dma_start3A_134] : memref<2x10112x64xf32, #tpu.memory_space<hbm>> -> memref<1x632x64xf32, #tpu.memory_space<hbm>>
      %dma_start3A_136 = tpu.memref_squeeze %dma_start3A_135 : memref<1x632x64xf32, #tpu.memory_space<hbm>> -> memref<632x64xf32, #tpu.memory_space<hbm>>
      %dma_start3A_137 = arith.constant 0 : i32
      %dma_start3A_138 = tpu.memref_slice %arg10[%mul3A_131, %dma_start3A_137] : memref<10112x64xf32, #tpu.memory_space<vmem_shared>> -> memref<632x64xf32, #tpu.memory_space<vmem_shared>>
      tpu.enqueue_dma source(%dma_start3A_138 : memref<632x64xf32, #tpu.memory_space<vmem_shared>>) target(%dma_start3A_136 : memref<632x64xf32, #tpu.memory_space<hbm>>) target_semaphore(%run_scoped3A : memref<!tpu.dma_semaphore, #tpu.memory_space<semaphore_mem>>)
      %dma_wait3A_139 = arith.constant 0 : i32
      %dma_wait3A_140 = tpu.memref_slice %arg6[%arg0, %mul3A_133, %dma_wait3A_139] : memref<2x10112x64xf32, #tpu.memory_space<hbm>> -> memref<1x632x64xf32, #tpu.memory_space<hbm>>
      %dma_wait3A_141 = tpu.memref_squeeze %dma_wait3A_140 : memref<1x632x64xf32, #tpu.memory_space<hbm>> -> memref<632x64xf32, #tpu.memory_space<hbm>>
      %dma_wait3A_142 = arith.constant 0 : i32
      %dma_wait3A_143 = tpu.memref_slice %arg10[%mul3A_131, %dma_wait3A_142] : memref<10112x64xf32, #tpu.memory_space<vmem_shared>> -> memref<632x64xf32, #tpu.memory_space<vmem_shared>>
      tpu.wait_dma2 semaphore(%run_scoped3A : memref<!tpu.dma_semaphore, #tpu.memory_space<semaphore_mem>>) src(%dma_wait3A_143 : memref<632x64xf32, #tpu.memory_space<vmem_shared>>) dst(%dma_wait3A_141 : memref<632x64xf32, #tpu.memory_space<hbm>>)
      tpu.yield
    }) : () -> ()
    return
  }
}

#map = affine_map<(d0, d1) -> (0, 0)>
#map1 = affine_map<(d0, d1) -> (0, 0, 0)>
module attributes {stable_mosaic.version = 14 : i64} {
  func.func @body(%arg0: i32, %arg1: i32, %arg2: memref<10000x64xf32, #tpu.memory_space<hbm>>, %arg3: memref<2656x128xi32, #tpu.memory_space<hbm>>, %arg4: memref<2656x128xi32, #tpu.memory_space<hbm>>, %arg5: memref<10112x64xf32, #tpu.memory_space<hbm>>, %arg6: memref<10112x8xf32, #tpu.memory_space<hbm>>, %arg7: memref<128x8xf32, #tpu.memory_space<hbm>>, %arg8: memref<2x10112x64xf32, #tpu.memory_space<hbm>>, %arg9: memref<2x10112x8xf32, #tpu.memory_space<hbm>>, %arg10: memref<128x128xi32, #tpu.memory_space<vmem>>, %arg11: memref<128x128xi32, #tpu.memory_space<vmem>>, %arg12: memref<4x128x64xf32, #tpu.memory_space<vmem>>, %arg13: memref<10112x64xf32, #tpu.memory_space<vmem_shared>>, %arg14: memref<4x!tpu.dma_semaphore, #tpu.memory_space<semaphore_mem>>, %arg15: memref<4x!tpu.dma_semaphore, #tpu.memory_space<semaphore_mem>>, %arg16: memref<128x8xf32, #tpu.memory_space<vmem>>, %arg17: memref<10112x8xf32, #tpu.memory_space<vmem_shared>>, %arg18: memref<4x!tpu.dma_semaphore, #tpu.memory_space<semaphore_mem>>) attributes {dimension_semantics = [#tpu.dimension_semantics<core_parallel>, #tpu.dimension_semantics<subcore_parallel>], iteration_bounds = array<i64: 2, 16>, scalar_prefetch = 0 : i64, scratch_operands = 9 : i64, tpu.core_type = #tpu.core_type<sc_vector_subcore>, window_params = [{transform_indices = #map}, {transform_indices = #map}, {transform_indices = #map}, {transform_indices = #map}, {transform_indices = #map}, {transform_indices = #map}, {transform_indices = #map1}, {transform_indices = #map1}]} {
    %eq3A = arith.constant 0 : i32
    %eq3A_0 = arith.cmpi eq, %arg0, %eq3A : i32
    %jit3A = arith.constant 128 : i32
    %jit3A_1 = arith.constant 32 : i32
    %select_n3A = arith.select %eq3A_0, %jit3A, %jit3A_1 : i32
    %eq3A_2 = arith.constant 0 : i32
    %eq3A_3 = arith.cmpi eq, %arg0, %eq3A_2 : i32
    %mul3A = arith.constant 128 : i32
    %mul3A_4 = arith.muli %arg1, %mul3A : i32
    %mul3A_5 = arith.constant 32 : i32
    %mul3A_6 = arith.muli %arg1, %mul3A_5 : i32
    %add3A = arith.constant 2048 : i32
    %add3A_7 = arith.addi %add3A, %mul3A_6 : i32
    %select_n3A_8 = arith.select %eq3A_3, %mul3A_4, %add3A_7 : i32
    "tpu.region"() ({
      %run_scoped3A = tpu.sem_alloc : memref<!tpu.dma_semaphore, #tpu.memory_space<semaphore_mem>>
      %dma_start3A_178 = arith.constant 0 : i32
      %dma_start3A_179 = tpu.memref_slice %arg3[%select_n3A_8, %dma_start3A_178] : memref<2656x128xi32, #tpu.memory_space<hbm>> -> memref<128x128xi32, #tpu.memory_space<hbm>>
      %dma_start3A_180 = arith.constant 0 : i32
      %dma_start3A_181 = tpu.memref_slice %arg3[%select_n3A_8, %dma_start3A_180] : memref<2656x128xi32, #tpu.memory_space<hbm>> -> memref<128x128xi32, #tpu.memory_space<hbm>>
      tpu.enqueue_dma source(%dma_start3A_181 : memref<128x128xi32, #tpu.memory_space<hbm>>) target(%arg10 : memref<128x128xi32, #tpu.memory_space<vmem>>) target_semaphore(%run_scoped3A : memref<!tpu.dma_semaphore, #tpu.memory_space<semaphore_mem>>)
      %dma_wait3A_182 = arith.constant 0 : i32
      %dma_wait3A_183 = tpu.memref_slice %arg3[%select_n3A_8, %dma_wait3A_182] : memref<2656x128xi32, #tpu.memory_space<hbm>> -> memref<128x128xi32, #tpu.memory_space<hbm>>
      %dma_wait3A_184 = arith.constant 0 : i32
      %dma_wait3A_185 = tpu.memref_slice %arg3[%select_n3A_8, %dma_wait3A_184] : memref<2656x128xi32, #tpu.memory_space<hbm>> -> memref<128x128xi32, #tpu.memory_space<hbm>>
      tpu.wait_dma2 semaphore(%run_scoped3A : memref<!tpu.dma_semaphore, #tpu.memory_space<semaphore_mem>>) src(%dma_wait3A_185 : memref<128x128xi32, #tpu.memory_space<hbm>>) dst(%arg10 : memref<128x128xi32, #tpu.memory_space<vmem>>)
      tpu.yield
    }) : () -> ()
    "tpu.region"() ({
      %run_scoped3A = tpu.sem_alloc : memref<!tpu.dma_semaphore, #tpu.memory_space<semaphore_mem>>
      %dma_start3A_178 = arith.constant 0 : i32
      %dma_start3A_179 = tpu.memref_slice %arg4[%select_n3A_8, %dma_start3A_178] : memref<2656x128xi32, #tpu.memory_space<hbm>> -> memref<128x128xi32, #tpu.memory_space<hbm>>
      %dma_start3A_180 = arith.constant 0 : i32
      %dma_start3A_181 = tpu.memref_slice %arg4[%select_n3A_8, %dma_start3A_180] : memref<2656x128xi32, #tpu.memory_space<hbm>> -> memref<128x128xi32, #tpu.memory_space<hbm>>
      tpu.enqueue_dma source(%dma_start3A_181 : memref<128x128xi32, #tpu.memory_space<hbm>>) target(%arg11 : memref<128x128xi32, #tpu.memory_space<vmem>>) target_semaphore(%run_scoped3A : memref<!tpu.dma_semaphore, #tpu.memory_space<semaphore_mem>>)
      %dma_wait3A_182 = arith.constant 0 : i32
      %dma_wait3A_183 = tpu.memref_slice %arg4[%select_n3A_8, %dma_wait3A_182] : memref<2656x128xi32, #tpu.memory_space<hbm>> -> memref<128x128xi32, #tpu.memory_space<hbm>>
      %dma_wait3A_184 = arith.constant 0 : i32
      %dma_wait3A_185 = tpu.memref_slice %arg4[%select_n3A_8, %dma_wait3A_184] : memref<2656x128xi32, #tpu.memory_space<hbm>> -> memref<128x128xi32, #tpu.memory_space<hbm>>
      tpu.wait_dma2 semaphore(%run_scoped3A : memref<!tpu.dma_semaphore, #tpu.memory_space<semaphore_mem>>) src(%dma_wait3A_185 : memref<128x128xi32, #tpu.memory_space<hbm>>) dst(%arg11 : memref<128x128xi32, #tpu.memory_space<vmem>>)
      tpu.yield
    }) : () -> ()
    %dma_start3A = arith.constant 0 : i32
    %dma_start3A_9 = arith.constant 0 : i32
    %dma_start3A_10 = arith.constant 0 : i32
    %dma_start3A_11 = arith.constant 0 : i32
    %dma_start3A_12 = arith.constant 0 : i32
    %dma_start3A_13 = tpu.memref_slice %arg12[%dma_start3A_9, %dma_start3A_11, %dma_start3A_12] : memref<4x128x64xf32, #tpu.memory_space<vmem>> -> memref<1x128x64xf32, #tpu.memory_space<vmem>>
    %dma_start3A_14 = tpu.memref_squeeze %dma_start3A_13 : memref<1x128x64xf32, #tpu.memory_space<vmem>> -> memref<128x64xf32, #tpu.memory_space<vmem>>
    %dma_start3A_15 = arith.constant 0 : i32
    %dma_start3A_16 = tpu.memref_slice %arg10[%dma_start3A, %dma_start3A_15] : memref<128x128xi32, #tpu.memory_space<vmem>> -> memref<1x128xi32, #tpu.memory_space<vmem>>
    %dma_start3A_17 = tpu.memref_squeeze %dma_start3A_16 : memref<1x128xi32, #tpu.memory_space<vmem>> -> memref<128xi32, #tpu.memory_space<vmem>>
    %dma_start3A_18 = arith.constant 0 : i32
    %dma_start3A_19 = arith.constant 0 : i32
    %dma_start3A_20 = tpu.memref_slice %arg2[%dma_start3A_18, %dma_start3A_19] : memref<10000x64xf32, #tpu.memory_space<hbm>> -> memref<10000x64xf32, #tpu.memory_space<hbm>>
    %dma_start3A_21 = tpu.memref_slice %arg14[%dma_start3A_10] : memref<4x!tpu.dma_semaphore, #tpu.memory_space<semaphore_mem>> -> memref<1x!tpu.dma_semaphore, #tpu.memory_space<semaphore_mem>>
    %dma_start3A_22 = tpu.memref_squeeze %dma_start3A_21 : memref<1x!tpu.dma_semaphore, #tpu.memory_space<semaphore_mem>> -> memref<!tpu.dma_semaphore, #tpu.memory_space<semaphore_mem>>
    tpu.enqueue_indirect_dma source(%dma_start3A_20 : memref<10000x64xf32, #tpu.memory_space<hbm>>) target(%dma_start3A_14 : memref<128x64xf32, #tpu.memory_space<vmem>>) offsets(%dma_start3A_17 : memref<128xi32, #tpu.memory_space<vmem>>) semaphore(%dma_start3A_22 : memref<!tpu.dma_semaphore, #tpu.memory_space<semaphore_mem>>)
    %dma_start3A_23 = arith.constant 1 : i32
    %dma_start3A_24 = arith.constant 1 : i32
    %dma_start3A_25 = arith.constant 1 : i32
    %dma_start3A_26 = arith.constant 0 : i32
    %dma_start3A_27 = arith.constant 0 : i32
    %dma_start3A_28 = tpu.memref_slice %arg12[%dma_start3A_24, %dma_start3A_26, %dma_start3A_27] : memref<4x128x64xf32, #tpu.memory_space<vmem>> -> memref<1x128x64xf32, #tpu.memory_space<vmem>>
    %dma_start3A_29 = tpu.memref_squeeze %dma_start3A_28 : memref<1x128x64xf32, #tpu.memory_space<vmem>> -> memref<128x64xf32, #tpu.memory_space<vmem>>
    %dma_start3A_30 = arith.constant 0 : i32
    %dma_start3A_31 = tpu.memref_slice %arg10[%dma_start3A_23, %dma_start3A_30] : memref<128x128xi32, #tpu.memory_space<vmem>> -> memref<1x128xi32, #tpu.memory_space<vmem>>
    %dma_start3A_32 = tpu.memref_squeeze %dma_start3A_31 : memref<1x128xi32, #tpu.memory_space<vmem>> -> memref<128xi32, #tpu.memory_space<vmem>>
    %dma_start3A_33 = arith.constant 0 : i32
    %dma_start3A_34 = arith.constant 0 : i32
    %dma_start3A_35 = tpu.memref_slice %arg2[%dma_start3A_33, %dma_start3A_34] : memref<10000x64xf32, #tpu.memory_space<hbm>> -> memref<10000x64xf32, #tpu.memory_space<hbm>>
    %dma_start3A_36 = tpu.memref_slice %arg14[%dma_start3A_25] : memref<4x!tpu.dma_semaphore, #tpu.memory_space<semaphore_mem>> -> memref<1x!tpu.dma_semaphore, #tpu.memory_space<semaphore_mem>>
    %dma_start3A_37 = tpu.memref_squeeze %dma_start3A_36 : memref<1x!tpu.dma_semaphore, #tpu.memory_space<semaphore_mem>> -> memref<!tpu.dma_semaphore, #tpu.memory_space<semaphore_mem>>
    tpu.enqueue_indirect_dma source(%dma_start3A_35 : memref<10000x64xf32, #tpu.memory_space<hbm>>) target(%dma_start3A_29 : memref<128x64xf32, #tpu.memory_space<vmem>>) offsets(%dma_start3A_32 : memref<128xi32, #tpu.memory_space<vmem>>) semaphore(%dma_start3A_37 : memref<!tpu.dma_semaphore, #tpu.memory_space<semaphore_mem>>)
    %mul3A_38 = arith.constant 632 : i32
    %mul3A_39 = arith.muli %arg1, %mul3A_38 : i32
    %mul3A_40 = arith.constant 632 : i32
    %mul3A_41 = arith.muli %arg1, %mul3A_40 : i32
    "tpu.region"() ({
      %run_scoped3A = tpu.sem_alloc : memref<!tpu.dma_semaphore, #tpu.memory_space<semaphore_mem>>
      %dma_start3A_178 = arith.constant 0 : i32
      %dma_start3A_179 = tpu.memref_slice %arg13[%mul3A_41, %dma_start3A_178] : memref<10112x64xf32, #tpu.memory_space<vmem_shared>> -> memref<632x64xf32, #tpu.memory_space<vmem_shared>>
      %dma_start3A_180 = arith.constant 0 : i32
      %dma_start3A_181 = tpu.memref_slice %arg5[%mul3A_39, %dma_start3A_180] : memref<10112x64xf32, #tpu.memory_space<hbm>> -> memref<632x64xf32, #tpu.memory_space<hbm>>
      tpu.enqueue_dma source(%dma_start3A_181 : memref<632x64xf32, #tpu.memory_space<hbm>>) target(%dma_start3A_179 : memref<632x64xf32, #tpu.memory_space<vmem_shared>>) target_semaphore(%run_scoped3A : memref<!tpu.dma_semaphore, #tpu.memory_space<semaphore_mem>>)
      %dma_wait3A_182 = arith.constant 0 : i32
      %dma_wait3A_183 = tpu.memref_slice %arg13[%mul3A_41, %dma_wait3A_182] : memref<10112x64xf32, #tpu.memory_space<vmem_shared>> -> memref<632x64xf32, #tpu.memory_space<vmem_shared>>
      %dma_wait3A_184 = arith.constant 0 : i32
      %dma_wait3A_185 = tpu.memref_slice %arg5[%mul3A_39, %dma_wait3A_184] : memref<10112x64xf32, #tpu.memory_space<hbm>> -> memref<632x64xf32, #tpu.memory_space<hbm>>
      tpu.wait_dma2 semaphore(%run_scoped3A : memref<!tpu.dma_semaphore, #tpu.memory_space<semaphore_mem>>) src(%dma_wait3A_185 : memref<632x64xf32, #tpu.memory_space<hbm>>) dst(%dma_wait3A_183 : memref<632x64xf32, #tpu.memory_space<vmem_shared>>)
      tpu.yield
    }) : () -> ()
    %mul3A_42 = arith.constant 632 : i32
    %mul3A_43 = arith.muli %arg1, %mul3A_42 : i32
    %mul3A_44 = arith.constant 632 : i32
    %mul3A_45 = arith.muli %arg1, %mul3A_44 : i32
    "tpu.region"() ({
      %run_scoped3A = tpu.sem_alloc : memref<!tpu.dma_semaphore, #tpu.memory_space<semaphore_mem>>
      %dma_start3A_178 = arith.constant 0 : i32
      %dma_start3A_179 = tpu.memref_slice %arg17[%mul3A_45, %dma_start3A_178] : memref<10112x8xf32, #tpu.memory_space<vmem_shared>> -> memref<632x8xf32, #tpu.memory_space<vmem_shared>>
      %dma_start3A_180 = arith.constant 0 : i32
      %dma_start3A_181 = tpu.memref_slice %arg6[%mul3A_43, %dma_start3A_180] : memref<10112x8xf32, #tpu.memory_space<hbm>> -> memref<632x8xf32, #tpu.memory_space<hbm>>
      tpu.enqueue_dma source(%dma_start3A_181 : memref<632x8xf32, #tpu.memory_space<hbm>>) target(%dma_start3A_179 : memref<632x8xf32, #tpu.memory_space<vmem_shared>>) target_semaphore(%run_scoped3A : memref<!tpu.dma_semaphore, #tpu.memory_space<semaphore_mem>>)
      %dma_wait3A_182 = arith.constant 0 : i32
      %dma_wait3A_183 = tpu.memref_slice %arg17[%mul3A_45, %dma_wait3A_182] : memref<10112x8xf32, #tpu.memory_space<vmem_shared>> -> memref<632x8xf32, #tpu.memory_space<vmem_shared>>
      %dma_wait3A_184 = arith.constant 0 : i32
      %dma_wait3A_185 = tpu.memref_slice %arg6[%mul3A_43, %dma_wait3A_184] : memref<10112x8xf32, #tpu.memory_space<hbm>> -> memref<632x8xf32, #tpu.memory_space<hbm>>
      tpu.wait_dma2 semaphore(%run_scoped3A : memref<!tpu.dma_semaphore, #tpu.memory_space<semaphore_mem>>) src(%dma_wait3A_185 : memref<632x8xf32, #tpu.memory_space<hbm>>) dst(%dma_wait3A_183 : memref<632x8xf32, #tpu.memory_space<vmem_shared>>)
      tpu.yield
    }) : () -> ()
    "tpu.region"() ({
      %run_scoped3A = tpu.sem_alloc : memref<!tpu.dma_semaphore, #tpu.memory_space<semaphore_mem>>
      tpu.enqueue_dma source(%arg7 : memref<128x8xf32, #tpu.memory_space<hbm>>) target(%arg16 : memref<128x8xf32, #tpu.memory_space<vmem>>) target_semaphore(%run_scoped3A : memref<!tpu.dma_semaphore, #tpu.memory_space<semaphore_mem>>)
      tpu.wait_dma2 semaphore(%run_scoped3A : memref<!tpu.dma_semaphore, #tpu.memory_space<semaphore_mem>>) src(%arg7 : memref<128x8xf32, #tpu.memory_space<hbm>>) dst(%arg16 : memref<128x8xf32, #tpu.memory_space<vmem>>)
      tpu.yield
    }) : () -> ()
    %barrier3A = arith.constant 0 : index
    tpu.barrier barrier_id(%barrier3A)
    %sub3A = arith.constant 0 : i32
    %sub3A_46 = arith.subi %select_n3A, %sub3A : i32
    %sub3A_47 = arith.constant 4 : i32
    %sub3A_48 = arith.constant 1 : i32
    %sub3A_49 = arith.subi %sub3A_47, %sub3A_48 : i32
    %add3A_50 = arith.addi %sub3A_46, %sub3A_49 : i32
    %div3A = arith.constant 4 : i32
    %div3A_51 = arith.divsi %add3A_50, %div3A : i32
    %while3A = arith.constant 4 : i32
    %while3A_52 = arith.constant 0 : i32
    %while3A_53 = arith.constant 0 : i32
    %while3A_54 = arith.subi %div3A_51, %while3A_53 : i32
    %while3A_55 = arith.addi %while3A_53, %while3A_54 : i32
    %while3A_56 = arith.constant 1 : i32
    %while3A_57 = arith.divsi %while3A_54, %while3A_56 : i32
    %while3A_58 = arith.muli %while3A_57, %while3A_56 : i32
    %while3A_59 = arith.addi %while3A_53, %while3A_58 : i32
    %while3A_60 = arith.constant 1 : i32
    scf.for %while3A_178 = %while3A_53 to %while3A_59 step %while3A_60  : i32 {
      %mul3A_179 = arith.muli %while3A_178, %while3A : i32
      %add3A_180 = arith.addi %while3A_52, %mul3A_179 : i32
      %add3A_181 = arith.constant 0 : i32
      %add3A_182 = arith.addi %add3A_180, %add3A_181 : i32
      %dma_wait3A_183 = arith.constant 0 : i32
      %dma_wait3A_184 = arith.constant 0 : i32
      %dma_wait3A_185 = arith.constant 0 : i32
      %dma_wait3A_186 = arith.constant 0 : i32
      %dma_wait3A_187 = tpu.memref_slice %arg12[%dma_wait3A_183, %dma_wait3A_185, %dma_wait3A_186] : memref<4x128x64xf32, #tpu.memory_space<vmem>> -> memref<1x128x64xf32, #tpu.memory_space<vmem>>
      %dma_wait3A_188 = tpu.memref_squeeze %dma_wait3A_187 : memref<1x128x64xf32, #tpu.memory_space<vmem>> -> memref<128x64xf32, #tpu.memory_space<vmem>>
      %dma_wait3A_189 = arith.constant 0 : i32
      %dma_wait3A_190 = tpu.memref_slice %arg10[%add3A_182, %dma_wait3A_189] : memref<128x128xi32, #tpu.memory_space<vmem>> -> memref<1x128xi32, #tpu.memory_space<vmem>>
      %dma_wait3A_191 = tpu.memref_squeeze %dma_wait3A_190 : memref<1x128xi32, #tpu.memory_space<vmem>> -> memref<128xi32, #tpu.memory_space<vmem>>
      %dma_wait3A_192 = arith.constant 0 : i32
      %dma_wait3A_193 = arith.constant 0 : i32
      %dma_wait3A_194 = tpu.memref_slice %arg2[%dma_wait3A_192, %dma_wait3A_193] : memref<10000x64xf32, #tpu.memory_space<hbm>> -> memref<10000x64xf32, #tpu.memory_space<hbm>>
      %dma_wait3A_195 = tpu.memref_slice %arg14[%dma_wait3A_184] : memref<4x!tpu.dma_semaphore, #tpu.memory_space<semaphore_mem>> -> memref<1x!tpu.dma_semaphore, #tpu.memory_space<semaphore_mem>>
      %dma_wait3A_196 = tpu.memref_squeeze %dma_wait3A_195 : memref<1x!tpu.dma_semaphore, #tpu.memory_space<semaphore_mem>> -> memref<!tpu.dma_semaphore, #tpu.memory_space<semaphore_mem>>
      tpu.wait_indirect_dma semaphore(%dma_wait3A_196 : memref<!tpu.dma_semaphore, #tpu.memory_space<semaphore_mem>>) src(%dma_wait3A_194 : memref<10000x64xf32, #tpu.memory_space<hbm>>) dst(%dma_wait3A_188 : memref<128x64xf32, #tpu.memory_space<vmem>>)
      %dma_start3A_197 = arith.constant 0 : i32
      %dma_start3A_198 = arith.constant 0 : i32
      %dma_start3A_199 = arith.constant 0 : i32
      %dma_start3A_200 = arith.constant 0 : i32
      %dma_start3A_201 = tpu.memref_slice %arg12[%dma_start3A_197, %dma_start3A_199, %dma_start3A_200] : memref<4x128x64xf32, #tpu.memory_space<vmem>> -> memref<1x128x64xf32, #tpu.memory_space<vmem>>
      %dma_start3A_202 = tpu.memref_squeeze %dma_start3A_201 : memref<1x128x64xf32, #tpu.memory_space<vmem>> -> memref<128x64xf32, #tpu.memory_space<vmem>>
      %dma_start3A_203 = arith.constant 0 : i32
      %dma_start3A_204 = tpu.memref_slice %arg11[%add3A_182, %dma_start3A_203] : memref<128x128xi32, #tpu.memory_space<vmem>> -> memref<1x128xi32, #tpu.memory_space<vmem>>
      %dma_start3A_205 = tpu.memref_squeeze %dma_start3A_204 : memref<1x128xi32, #tpu.memory_space<vmem>> -> memref<128xi32, #tpu.memory_space<vmem>>
      %dma_start3A_206 = arith.constant 0 : i32
      %dma_start3A_207 = arith.constant 0 : i32
      %dma_start3A_208 = tpu.memref_slice %arg13[%dma_start3A_206, %dma_start3A_207] : memref<10112x64xf32, #tpu.memory_space<vmem_shared>> -> memref<10112x64xf32, #tpu.memory_space<vmem_shared>>
      %dma_start3A_209 = tpu.memref_slice %arg15[%dma_start3A_198] : memref<4x!tpu.dma_semaphore, #tpu.memory_space<semaphore_mem>> -> memref<1x!tpu.dma_semaphore, #tpu.memory_space<semaphore_mem>>
      %dma_start3A_210 = tpu.memref_squeeze %dma_start3A_209 : memref<1x!tpu.dma_semaphore, #tpu.memory_space<semaphore_mem>> -> memref<!tpu.dma_semaphore, #tpu.memory_space<semaphore_mem>>
      tpu.enqueue_indirect_dma source(%dma_start3A_202 : memref<128x64xf32, #tpu.memory_space<vmem>>) target(%dma_start3A_208 : memref<10112x64xf32, #tpu.memory_space<vmem_shared>>) offsets(%dma_start3A_205 : memref<128xi32, #tpu.memory_space<vmem>>) semaphore(%dma_start3A_210 : memref<!tpu.dma_semaphore, #tpu.memory_space<semaphore_mem>>) {add = true}
      %dma_start3A_211 = arith.constant 0 : i32
      %dma_start3A_212 = arith.constant 0 : i32
      %dma_start3A_213 = tpu.memref_slice %arg11[%add3A_182, %dma_start3A_212] : memref<128x128xi32, #tpu.memory_space<vmem>> -> memref<1x128xi32, #tpu.memory_space<vmem>>
      %dma_start3A_214 = tpu.memref_squeeze %dma_start3A_213 : memref<1x128xi32, #tpu.memory_space<vmem>> -> memref<128xi32, #tpu.memory_space<vmem>>
      %dma_start3A_215 = arith.constant 0 : i32
      %dma_start3A_216 = arith.constant 0 : i32
      %dma_start3A_217 = tpu.memref_slice %arg17[%dma_start3A_215, %dma_start3A_216] : memref<10112x8xf32, #tpu.memory_space<vmem_shared>> -> memref<10112x8xf32, #tpu.memory_space<vmem_shared>>
      %dma_start3A_218 = tpu.memref_slice %arg18[%dma_start3A_211] : memref<4x!tpu.dma_semaphore, #tpu.memory_space<semaphore_mem>> -> memref<1x!tpu.dma_semaphore, #tpu.memory_space<semaphore_mem>>
      %dma_start3A_219 = tpu.memref_squeeze %dma_start3A_218 : memref<1x!tpu.dma_semaphore, #tpu.memory_space<semaphore_mem>> -> memref<!tpu.dma_semaphore, #tpu.memory_space<semaphore_mem>>
      tpu.enqueue_indirect_dma source(%arg16 : memref<128x8xf32, #tpu.memory_space<vmem>>) target(%dma_start3A_217 : memref<10112x8xf32, #tpu.memory_space<vmem_shared>>) offsets(%dma_start3A_214 : memref<128xi32, #tpu.memory_space<vmem>>) semaphore(%dma_start3A_219 : memref<!tpu.dma_semaphore, #tpu.memory_space<semaphore_mem>>) {add = true}
      %add3A_220 = arith.constant 2 : i32
      %add3A_221 = arith.addi %add3A_182, %add3A_220 : i32
      %ge3A = arith.constant 4 : i32
      %ge3A_222 = arith.cmpi sge, %add3A_221, %ge3A : i32
      %lt3A = arith.cmpi slt, %add3A_221, %select_n3A : i32
      %and3A = arith.andi %ge3A_222, %lt3A : i1
      %convert_element_type3A = arith.extui %and3A : i1 to i32
      %cond3A = arith.constant 0 : i32
      %cond3A_223 = arith.cmpi ne, %convert_element_type3A, %cond3A : i32
      scf.if %cond3A_223 {
        %sub3A_384 = arith.constant 4 : i32
        %sub3A_385 = arith.subi %add3A_221, %sub3A_384 : i32
        %dma_wait3A_386 = arith.constant 2 : i32
        %dma_wait3A_387 = arith.constant 2 : i32
        %dma_wait3A_388 = arith.constant 0 : i32
        %dma_wait3A_389 = arith.constant 0 : i32
        %dma_wait3A_390 = tpu.memref_slice %arg12[%dma_wait3A_386, %dma_wait3A_388, %dma_wait3A_389] : memref<4x128x64xf32, #tpu.memory_space<vmem>> -> memref<1x128x64xf32, #tpu.memory_space<vmem>>
        %dma_wait3A_391 = tpu.memref_squeeze %dma_wait3A_390 : memref<1x128x64xf32, #tpu.memory_space<vmem>> -> memref<128x64xf32, #tpu.memory_space<vmem>>
        %dma_wait3A_392 = arith.constant 0 : i32
        %dma_wait3A_393 = tpu.memref_slice %arg11[%sub3A_385, %dma_wait3A_392] : memref<128x128xi32, #tpu.memory_space<vmem>> -> memref<1x128xi32, #tpu.memory_space<vmem>>
        %dma_wait3A_394 = tpu.memref_squeeze %dma_wait3A_393 : memref<1x128xi32, #tpu.memory_space<vmem>> -> memref<128xi32, #tpu.memory_space<vmem>>
        %dma_wait3A_395 = arith.constant 0 : i32
        %dma_wait3A_396 = arith.constant 0 : i32
        %dma_wait3A_397 = tpu.memref_slice %arg13[%dma_wait3A_395, %dma_wait3A_396] : memref<10112x64xf32, #tpu.memory_space<vmem_shared>> -> memref<10112x64xf32, #tpu.memory_space<vmem_shared>>
        %dma_wait3A_398 = tpu.memref_slice %arg15[%dma_wait3A_387] : memref<4x!tpu.dma_semaphore, #tpu.memory_space<semaphore_mem>> -> memref<1x!tpu.dma_semaphore, #tpu.memory_space<semaphore_mem>>
        %dma_wait3A_399 = tpu.memref_squeeze %dma_wait3A_398 : memref<1x!tpu.dma_semaphore, #tpu.memory_space<semaphore_mem>> -> memref<!tpu.dma_semaphore, #tpu.memory_space<semaphore_mem>>
        tpu.wait_indirect_dma semaphore(%dma_wait3A_399 : memref<!tpu.dma_semaphore, #tpu.memory_space<semaphore_mem>>) src(%dma_wait3A_391 : memref<128x64xf32, #tpu.memory_space<vmem>>) dst(%dma_wait3A_397 : memref<10112x64xf32, #tpu.memory_space<vmem_shared>>)
        %dma_wait3A_400 = arith.constant 2 : i32
        %dma_wait3A_401 = arith.constant 0 : i32
        %dma_wait3A_402 = tpu.memref_slice %arg11[%sub3A_385, %dma_wait3A_401] : memref<128x128xi32, #tpu.memory_space<vmem>> -> memref<1x128xi32, #tpu.memory_space<vmem>>
        %dma_wait3A_403 = tpu.memref_squeeze %dma_wait3A_402 : memref<1x128xi32, #tpu.memory_space<vmem>> -> memref<128xi32, #tpu.memory_space<vmem>>
        %dma_wait3A_404 = arith.constant 0 : i32
        %dma_wait3A_405 = arith.constant 0 : i32
        %dma_wait3A_406 = tpu.memref_slice %arg17[%dma_wait3A_404, %dma_wait3A_405] : memref<10112x8xf32, #tpu.memory_space<vmem_shared>> -> memref<10112x8xf32, #tpu.memory_space<vmem_shared>>
        %dma_wait3A_407 = tpu.memref_slice %arg18[%dma_wait3A_400] : memref<4x!tpu.dma_semaphore, #tpu.memory_space<semaphore_mem>> -> memref<1x!tpu.dma_semaphore, #tpu.memory_space<semaphore_mem>>
        %dma_wait3A_408 = tpu.memref_squeeze %dma_wait3A_407 : memref<1x!tpu.dma_semaphore, #tpu.memory_space<semaphore_mem>> -> memref<!tpu.dma_semaphore, #tpu.memory_space<semaphore_mem>>
        tpu.wait_indirect_dma semaphore(%dma_wait3A_408 : memref<!tpu.dma_semaphore, #tpu.memory_space<semaphore_mem>>) src(%arg16 : memref<128x8xf32, #tpu.memory_space<vmem>>) dst(%dma_wait3A_406 : memref<10112x8xf32, #tpu.memory_space<vmem_shared>>)
      } else {
      }
      %lt3A_224 = arith.cmpi slt, %add3A_221, %select_n3A : i32
      %convert_element_type3A_225 = arith.extui %lt3A_224 : i1 to i32
      %cond3A_226 = arith.constant 0 : i32
      %cond3A_227 = arith.cmpi ne, %convert_element_type3A_225, %cond3A_226 : i32
      scf.if %cond3A_227 {
        %dma_start3A_384 = arith.constant 2 : i32
        %dma_start3A_385 = arith.constant 2 : i32
        %dma_start3A_386 = arith.constant 0 : i32
        %dma_start3A_387 = arith.constant 0 : i32
        %dma_start3A_388 = tpu.memref_slice %arg12[%dma_start3A_384, %dma_start3A_386, %dma_start3A_387] : memref<4x128x64xf32, #tpu.memory_space<vmem>> -> memref<1x128x64xf32, #tpu.memory_space<vmem>>
        %dma_start3A_389 = tpu.memref_squeeze %dma_start3A_388 : memref<1x128x64xf32, #tpu.memory_space<vmem>> -> memref<128x64xf32, #tpu.memory_space<vmem>>
        %dma_start3A_390 = arith.constant 0 : i32
        %dma_start3A_391 = tpu.memref_slice %arg10[%add3A_221, %dma_start3A_390] : memref<128x128xi32, #tpu.memory_space<vmem>> -> memref<1x128xi32, #tpu.memory_space<vmem>>
        %dma_start3A_392 = tpu.memref_squeeze %dma_start3A_391 : memref<1x128xi32, #tpu.memory_space<vmem>> -> memref<128xi32, #tpu.memory_space<vmem>>
        %dma_start3A_393 = arith.constant 0 : i32
        %dma_start3A_394 = arith.constant 0 : i32
        %dma_start3A_395 = tpu.memref_slice %arg2[%dma_start3A_393, %dma_start3A_394] : memref<10000x64xf32, #tpu.memory_space<hbm>> -> memref<10000x64xf32, #tpu.memory_space<hbm>>
        %dma_start3A_396 = tpu.memref_slice %arg14[%dma_start3A_385] : memref<4x!tpu.dma_semaphore, #tpu.memory_space<semaphore_mem>> -> memref<1x!tpu.dma_semaphore, #tpu.memory_space<semaphore_mem>>
        %dma_start3A_397 = tpu.memref_squeeze %dma_start3A_396 : memref<1x!tpu.dma_semaphore, #tpu.memory_space<semaphore_mem>> -> memref<!tpu.dma_semaphore, #tpu.memory_space<semaphore_mem>>
        tpu.enqueue_indirect_dma source(%dma_start3A_395 : memref<10000x64xf32, #tpu.memory_space<hbm>>) target(%dma_start3A_389 : memref<128x64xf32, #tpu.memory_space<vmem>>) offsets(%dma_start3A_392 : memref<128xi32, #tpu.memory_space<vmem>>) semaphore(%dma_start3A_397 : memref<!tpu.dma_semaphore, #tpu.memory_space<semaphore_mem>>)
      } else {
      }
      %add3A_228 = arith.constant 1 : i32
      %add3A_229 = arith.addi %add3A_180, %add3A_228 : i32
      %dma_wait3A_230 = arith.constant 1 : i32
      %dma_wait3A_231 = arith.constant 1 : i32
      %dma_wait3A_232 = arith.constant 0 : i32
      %dma_wait3A_233 = arith.constant 0 : i32
      %dma_wait3A_234 = tpu.memref_slice %arg12[%dma_wait3A_230, %dma_wait3A_232, %dma_wait3A_233] : memref<4x128x64xf32, #tpu.memory_space<vmem>> -> memref<1x128x64xf32, #tpu.memory_space<vmem>>
      %dma_wait3A_235 = tpu.memref_squeeze %dma_wait3A_234 : memref<1x128x64xf32, #tpu.memory_space<vmem>> -> memref<128x64xf32, #tpu.memory_space<vmem>>
      %dma_wait3A_236 = arith.constant 0 : i32
      %dma_wait3A_237 = tpu.memref_slice %arg10[%add3A_229, %dma_wait3A_236] : memref<128x128xi32, #tpu.memory_space<vmem>> -> memref<1x128xi32, #tpu.memory_space<vmem>>
      %dma_wait3A_238 = tpu.memref_squeeze %dma_wait3A_237 : memref<1x128xi32, #tpu.memory_space<vmem>> -> memref<128xi32, #tpu.memory_space<vmem>>
      %dma_wait3A_239 = arith.constant 0 : i32
      %dma_wait3A_240 = arith.constant 0 : i32
      %dma_wait3A_241 = tpu.memref_slice %arg2[%dma_wait3A_239, %dma_wait3A_240] : memref<10000x64xf32, #tpu.memory_space<hbm>> -> memref<10000x64xf32, #tpu.memory_space<hbm>>
      %dma_wait3A_242 = tpu.memref_slice %arg14[%dma_wait3A_231] : memref<4x!tpu.dma_semaphore, #tpu.memory_space<semaphore_mem>> -> memref<1x!tpu.dma_semaphore, #tpu.memory_space<semaphore_mem>>
      %dma_wait3A_243 = tpu.memref_squeeze %dma_wait3A_242 : memref<1x!tpu.dma_semaphore, #tpu.memory_space<semaphore_mem>> -> memref<!tpu.dma_semaphore, #tpu.memory_space<semaphore_mem>>
      tpu.wait_indirect_dma semaphore(%dma_wait3A_243 : memref<!tpu.dma_semaphore, #tpu.memory_space<semaphore_mem>>) src(%dma_wait3A_241 : memref<10000x64xf32, #tpu.memory_space<hbm>>) dst(%dma_wait3A_235 : memref<128x64xf32, #tpu.memory_space<vmem>>)
      %dma_start3A_244 = arith.constant 1 : i32
      %dma_start3A_245 = arith.constant 1 : i32
      %dma_start3A_246 = arith.constant 0 : i32
      %dma_start3A_247 = arith.constant 0 : i32
      %dma_start3A_248 = tpu.memref_slice %arg12[%dma_start3A_244, %dma_start3A_246, %dma_start3A_247] : memref<4x128x64xf32, #tpu.memory_space<vmem>> -> memref<1x128x64xf32, #tpu.memory_space<vmem>>
      %dma_start3A_249 = tpu.memref_squeeze %dma_start3A_248 : memref<1x128x64xf32, #tpu.memory_space<vmem>> -> memref<128x64xf32, #tpu.memory_space<vmem>>
      %dma_start3A_250 = arith.constant 0 : i32
      %dma_start3A_251 = tpu.memref_slice %arg11[%add3A_229, %dma_start3A_250] : memref<128x128xi32, #tpu.memory_space<vmem>> -> memref<1x128xi32, #tpu.memory_space<vmem>>
      %dma_start3A_252 = tpu.memref_squeeze %dma_start3A_251 : memref<1x128xi32, #tpu.memory_space<vmem>> -> memref<128xi32, #tpu.memory_space<vmem>>
      %dma_start3A_253 = arith.constant 0 : i32
      %dma_start3A_254 = arith.constant 0 : i32
      %dma_start3A_255 = tpu.memref_slice %arg13[%dma_start3A_253, %dma_start3A_254] : memref<10112x64xf32, #tpu.memory_space<vmem_shared>> -> memref<10112x64xf32, #tpu.memory_space<vmem_shared>>
      %dma_start3A_256 = tpu.memref_slice %arg15[%dma_start3A_245] : memref<4x!tpu.dma_semaphore, #tpu.memory_space<semaphore_mem>> -> memref<1x!tpu.dma_semaphore, #tpu.memory_space<semaphore_mem>>
      %dma_start3A_257 = tpu.memref_squeeze %dma_start3A_256 : memref<1x!tpu.dma_semaphore, #tpu.memory_space<semaphore_mem>> -> memref<!tpu.dma_semaphore, #tpu.memory_space<semaphore_mem>>
      tpu.enqueue_indirect_dma source(%dma_start3A_249 : memref<128x64xf32, #tpu.memory_space<vmem>>) target(%dma_start3A_255 : memref<10112x64xf32, #tpu.memory_space<vmem_shared>>) offsets(%dma_start3A_252 : memref<128xi32, #tpu.memory_space<vmem>>) semaphore(%dma_start3A_257 : memref<!tpu.dma_semaphore, #tpu.memory_space<semaphore_mem>>) {add = true}
      %dma_start3A_258 = arith.constant 1 : i32
      %dma_start3A_259 = arith.constant 0 : i32
      %dma_start3A_260 = tpu.memref_slice %arg11[%add3A_229, %dma_start3A_259] : memref<128x128xi32, #tpu.memory_space<vmem>> -> memref<1x128xi32, #tpu.memory_space<vmem>>
      %dma_start3A_261 = tpu.memref_squeeze %dma_start3A_260 : memref<1x128xi32, #tpu.memory_space<vmem>> -> memref<128xi32, #tpu.memory_space<vmem>>
      %dma_start3A_262 = arith.constant 0 : i32
      %dma_start3A_263 = arith.constant 0 : i32
      %dma_start3A_264 = tpu.memref_slice %arg17[%dma_start3A_262, %dma_start3A_263] : memref<10112x8xf32, #tpu.memory_space<vmem_shared>> -> memref<10112x8xf32, #tpu.memory_space<vmem_shared>>
      %dma_start3A_265 = tpu.memref_slice %arg18[%dma_start3A_258] : memref<4x!tpu.dma_semaphore, #tpu.memory_space<semaphore_mem>> -> memref<1x!tpu.dma_semaphore, #tpu.memory_space<semaphore_mem>>
      %dma_start3A_266 = tpu.memref_squeeze %dma_start3A_265 : memref<1x!tpu.dma_semaphore, #tpu.memory_space<semaphore_mem>> -> memref<!tpu.dma_semaphore, #tpu.memory_space<semaphore_mem>>
      tpu.enqueue_indirect_dma source(%arg16 : memref<128x8xf32, #tpu.memory_space<vmem>>) target(%dma_start3A_264 : memref<10112x8xf32, #tpu.memory_space<vmem_shared>>) offsets(%dma_start3A_261 : memref<128xi32, #tpu.memory_space<vmem>>) semaphore(%dma_start3A_266 : memref<!tpu.dma_semaphore, #tpu.memory_space<semaphore_mem>>) {add = true}
      %add3A_267 = arith.constant 2 : i32
      %add3A_268 = arith.addi %add3A_229, %add3A_267 : i32
      %ge3A_269 = arith.constant 4 : i32
      %ge3A_270 = arith.cmpi sge, %add3A_268, %ge3A_269 : i32
      %lt3A_271 = arith.cmpi slt, %add3A_268, %select_n3A : i32
      %and3A_272 = arith.andi %ge3A_270, %lt3A_271 : i1
      %convert_element_type3A_273 = arith.extui %and3A_272 : i1 to i32
      %cond3A_274 = arith.constant 0 : i32
      %cond3A_275 = arith.cmpi ne, %convert_element_type3A_273, %cond3A_274 : i32
      scf.if %cond3A_275 {
        %sub3A_384 = arith.constant 4 : i32
        %sub3A_385 = arith.subi %add3A_268, %sub3A_384 : i32
        %dma_wait3A_386 = arith.constant 3 : i32
        %dma_wait3A_387 = arith.constant 3 : i32
        %dma_wait3A_388 = arith.constant 0 : i32
        %dma_wait3A_389 = arith.constant 0 : i32
        %dma_wait3A_390 = tpu.memref_slice %arg12[%dma_wait3A_386, %dma_wait3A_388, %dma_wait3A_389] : memref<4x128x64xf32, #tpu.memory_space<vmem>> -> memref<1x128x64xf32, #tpu.memory_space<vmem>>
        %dma_wait3A_391 = tpu.memref_squeeze %dma_wait3A_390 : memref<1x128x64xf32, #tpu.memory_space<vmem>> -> memref<128x64xf32, #tpu.memory_space<vmem>>
        %dma_wait3A_392 = arith.constant 0 : i32
        %dma_wait3A_393 = tpu.memref_slice %arg11[%sub3A_385, %dma_wait3A_392] : memref<128x128xi32, #tpu.memory_space<vmem>> -> memref<1x128xi32, #tpu.memory_space<vmem>>
        %dma_wait3A_394 = tpu.memref_squeeze %dma_wait3A_393 : memref<1x128xi32, #tpu.memory_space<vmem>> -> memref<128xi32, #tpu.memory_space<vmem>>
        %dma_wait3A_395 = arith.constant 0 : i32
        %dma_wait3A_396 = arith.constant 0 : i32
        %dma_wait3A_397 = tpu.memref_slice %arg13[%dma_wait3A_395, %dma_wait3A_396] : memref<10112x64xf32, #tpu.memory_space<vmem_shared>> -> memref<10112x64xf32, #tpu.memory_space<vmem_shared>>
        %dma_wait3A_398 = tpu.memref_slice %arg15[%dma_wait3A_387] : memref<4x!tpu.dma_semaphore, #tpu.memory_space<semaphore_mem>> -> memref<1x!tpu.dma_semaphore, #tpu.memory_space<semaphore_mem>>
        %dma_wait3A_399 = tpu.memref_squeeze %dma_wait3A_398 : memref<1x!tpu.dma_semaphore, #tpu.memory_space<semaphore_mem>> -> memref<!tpu.dma_semaphore, #tpu.memory_space<semaphore_mem>>
        tpu.wait_indirect_dma semaphore(%dma_wait3A_399 : memref<!tpu.dma_semaphore, #tpu.memory_space<semaphore_mem>>) src(%dma_wait3A_391 : memref<128x64xf32, #tpu.memory_space<vmem>>) dst(%dma_wait3A_397 : memref<10112x64xf32, #tpu.memory_space<vmem_shared>>)
        %dma_wait3A_400 = arith.constant 3 : i32
        %dma_wait3A_401 = arith.constant 0 : i32
        %dma_wait3A_402 = tpu.memref_slice %arg11[%sub3A_385, %dma_wait3A_401] : memref<128x128xi32, #tpu.memory_space<vmem>> -> memref<1x128xi32, #tpu.memory_space<vmem>>
        %dma_wait3A_403 = tpu.memref_squeeze %dma_wait3A_402 : memref<1x128xi32, #tpu.memory_space<vmem>> -> memref<128xi32, #tpu.memory_space<vmem>>
        %dma_wait3A_404 = arith.constant 0 : i32
        %dma_wait3A_405 = arith.constant 0 : i32
        %dma_wait3A_406 = tpu.memref_slice %arg17[%dma_wait3A_404, %dma_wait3A_405] : memref<10112x8xf32, #tpu.memory_space<vmem_shared>> -> memref<10112x8xf32, #tpu.memory_space<vmem_shared>>
        %dma_wait3A_407 = tpu.memref_slice %arg18[%dma_wait3A_400] : memref<4x!tpu.dma_semaphore, #tpu.memory_space<semaphore_mem>> -> memref<1x!tpu.dma_semaphore, #tpu.memory_space<semaphore_mem>>
        %dma_wait3A_408 = tpu.memref_squeeze %dma_wait3A_407 : memref<1x!tpu.dma_semaphore, #tpu.memory_space<semaphore_mem>> -> memref<!tpu.dma_semaphore, #tpu.memory_space<semaphore_mem>>
        tpu.wait_indirect_dma semaphore(%dma_wait3A_408 : memref<!tpu.dma_semaphore, #tpu.memory_space<semaphore_mem>>) src(%arg16 : memref<128x8xf32, #tpu.memory_space<vmem>>) dst(%dma_wait3A_406 : memref<10112x8xf32, #tpu.memory_space<vmem_shared>>)
      } else {
      }
      %lt3A_276 = arith.cmpi slt, %add3A_268, %select_n3A : i32
      %convert_element_type3A_277 = arith.extui %lt3A_276 : i1 to i32
      %cond3A_278 = arith.constant 0 : i32
      %cond3A_279 = arith.cmpi ne, %convert_element_type3A_277, %cond3A_278 : i32
      scf.if %cond3A_279 {
        %dma_start3A_384 = arith.constant 3 : i32
        %dma_start3A_385 = arith.constant 3 : i32
        %dma_start3A_386 = arith.constant 0 : i32
        %dma_start3A_387 = arith.constant 0 : i32
        %dma_start3A_388 = tpu.memref_slice %arg12[%dma_start3A_384, %dma_start3A_386, %dma_start3A_387] : memref<4x128x64xf32, #tpu.memory_space<vmem>> -> memref<1x128x64xf32, #tpu.memory_space<vmem>>
        %dma_start3A_389 = tpu.memref_squeeze %dma_start3A_388 : memref<1x128x64xf32, #tpu.memory_space<vmem>> -> memref<128x64xf32, #tpu.memory_space<vmem>>
        %dma_start3A_390 = arith.constant 0 : i32
        %dma_start3A_391 = tpu.memref_slice %arg10[%add3A_268, %dma_start3A_390] : memref<128x128xi32, #tpu.memory_space<vmem>> -> memref<1x128xi32, #tpu.memory_space<vmem>>
        %dma_start3A_392 = tpu.memref_squeeze %dma_start3A_391 : memref<1x128xi32, #tpu.memory_space<vmem>> -> memref<128xi32, #tpu.memory_space<vmem>>
        %dma_start3A_393 = arith.constant 0 : i32
        %dma_start3A_394 = arith.constant 0 : i32
        %dma_start3A_395 = tpu.memref_slice %arg2[%dma_start3A_393, %dma_start3A_394] : memref<10000x64xf32, #tpu.memory_space<hbm>> -> memref<10000x64xf32, #tpu.memory_space<hbm>>
        %dma_start3A_396 = tpu.memref_slice %arg14[%dma_start3A_385] : memref<4x!tpu.dma_semaphore, #tpu.memory_space<semaphore_mem>> -> memref<1x!tpu.dma_semaphore, #tpu.memory_space<semaphore_mem>>
        %dma_start3A_397 = tpu.memref_squeeze %dma_start3A_396 : memref<1x!tpu.dma_semaphore, #tpu.memory_space<semaphore_mem>> -> memref<!tpu.dma_semaphore, #tpu.memory_space<semaphore_mem>>
        tpu.enqueue_indirect_dma source(%dma_start3A_395 : memref<10000x64xf32, #tpu.memory_space<hbm>>) target(%dma_start3A_389 : memref<128x64xf32, #tpu.memory_space<vmem>>) offsets(%dma_start3A_392 : memref<128xi32, #tpu.memory_space<vmem>>) semaphore(%dma_start3A_397 : memref<!tpu.dma_semaphore, #tpu.memory_space<semaphore_mem>>)
      } else {
      }
      %add3A_280 = arith.constant 2 : i32
      %add3A_281 = arith.addi %add3A_180, %add3A_280 : i32
      %dma_wait3A_282 = arith.constant 2 : i32
      %dma_wait3A_283 = arith.constant 2 : i32
      %dma_wait3A_284 = arith.constant 0 : i32
      %dma_wait3A_285 = arith.constant 0 : i32
      %dma_wait3A_286 = tpu.memref_slice %arg12[%dma_wait3A_282, %dma_wait3A_284, %dma_wait3A_285] : memref<4x128x64xf32, #tpu.memory_space<vmem>> -> memref<1x128x64xf32, #tpu.memory_space<vmem>>
      %dma_wait3A_287 = tpu.memref_squeeze %dma_wait3A_286 : memref<1x128x64xf32, #tpu.memory_space<vmem>> -> memref<128x64xf32, #tpu.memory_space<vmem>>
      %dma_wait3A_288 = arith.constant 0 : i32
      %dma_wait3A_289 = tpu.memref_slice %arg10[%add3A_281, %dma_wait3A_288] : memref<128x128xi32, #tpu.memory_space<vmem>> -> memref<1x128xi32, #tpu.memory_space<vmem>>
      %dma_wait3A_290 = tpu.memref_squeeze %dma_wait3A_289 : memref<1x128xi32, #tpu.memory_space<vmem>> -> memref<128xi32, #tpu.memory_space<vmem>>
      %dma_wait3A_291 = arith.constant 0 : i32
      %dma_wait3A_292 = arith.constant 0 : i32
      %dma_wait3A_293 = tpu.memref_slice %arg2[%dma_wait3A_291, %dma_wait3A_292] : memref<10000x64xf32, #tpu.memory_space<hbm>> -> memref<10000x64xf32, #tpu.memory_space<hbm>>
      %dma_wait3A_294 = tpu.memref_slice %arg14[%dma_wait3A_283] : memref<4x!tpu.dma_semaphore, #tpu.memory_space<semaphore_mem>> -> memref<1x!tpu.dma_semaphore, #tpu.memory_space<semaphore_mem>>
      %dma_wait3A_295 = tpu.memref_squeeze %dma_wait3A_294 : memref<1x!tpu.dma_semaphore, #tpu.memory_space<semaphore_mem>> -> memref<!tpu.dma_semaphore, #tpu.memory_space<semaphore_mem>>
      tpu.wait_indirect_dma semaphore(%dma_wait3A_295 : memref<!tpu.dma_semaphore, #tpu.memory_space<semaphore_mem>>) src(%dma_wait3A_293 : memref<10000x64xf32, #tpu.memory_space<hbm>>) dst(%dma_wait3A_287 : memref<128x64xf32, #tpu.memory_space<vmem>>)
      %dma_start3A_296 = arith.constant 2 : i32
      %dma_start3A_297 = arith.constant 2 : i32
      %dma_start3A_298 = arith.constant 0 : i32
      %dma_start3A_299 = arith.constant 0 : i32
      %dma_start3A_300 = tpu.memref_slice %arg12[%dma_start3A_296, %dma_start3A_298, %dma_start3A_299] : memref<4x128x64xf32, #tpu.memory_space<vmem>> -> memref<1x128x64xf32, #tpu.memory_space<vmem>>
      %dma_start3A_301 = tpu.memref_squeeze %dma_start3A_300 : memref<1x128x64xf32, #tpu.memory_space<vmem>> -> memref<128x64xf32, #tpu.memory_space<vmem>>
      %dma_start3A_302 = arith.constant 0 : i32
      %dma_start3A_303 = tpu.memref_slice %arg11[%add3A_281, %dma_start3A_302] : memref<128x128xi32, #tpu.memory_space<vmem>> -> memref<1x128xi32, #tpu.memory_space<vmem>>
      %dma_start3A_304 = tpu.memref_squeeze %dma_start3A_303 : memref<1x128xi32, #tpu.memory_space<vmem>> -> memref<128xi32, #tpu.memory_space<vmem>>
      %dma_start3A_305 = arith.constant 0 : i32
      %dma_start3A_306 = arith.constant 0 : i32
      %dma_start3A_307 = tpu.memref_slice %arg13[%dma_start3A_305, %dma_start3A_306] : memref<10112x64xf32, #tpu.memory_space<vmem_shared>> -> memref<10112x64xf32, #tpu.memory_space<vmem_shared>>
      %dma_start3A_308 = tpu.memref_slice %arg15[%dma_start3A_297] : memref<4x!tpu.dma_semaphore, #tpu.memory_space<semaphore_mem>> -> memref<1x!tpu.dma_semaphore, #tpu.memory_space<semaphore_mem>>
      %dma_start3A_309 = tpu.memref_squeeze %dma_start3A_308 : memref<1x!tpu.dma_semaphore, #tpu.memory_space<semaphore_mem>> -> memref<!tpu.dma_semaphore, #tpu.memory_space<semaphore_mem>>
      tpu.enqueue_indirect_dma source(%dma_start3A_301 : memref<128x64xf32, #tpu.memory_space<vmem>>) target(%dma_start3A_307 : memref<10112x64xf32, #tpu.memory_space<vmem_shared>>) offsets(%dma_start3A_304 : memref<128xi32, #tpu.memory_space<vmem>>) semaphore(%dma_start3A_309 : memref<!tpu.dma_semaphore, #tpu.memory_space<semaphore_mem>>) {add = true}
      %dma_start3A_310 = arith.constant 2 : i32
      %dma_start3A_311 = arith.constant 0 : i32
      %dma_start3A_312 = tpu.memref_slice %arg11[%add3A_281, %dma_start3A_311] : memref<128x128xi32, #tpu.memory_space<vmem>> -> memref<1x128xi32, #tpu.memory_space<vmem>>
      %dma_start3A_313 = tpu.memref_squeeze %dma_start3A_312 : memref<1x128xi32, #tpu.memory_space<vmem>> -> memref<128xi32, #tpu.memory_space<vmem>>
      %dma_start3A_314 = arith.constant 0 : i32
      %dma_start3A_315 = arith.constant 0 : i32
      %dma_start3A_316 = tpu.memref_slice %arg17[%dma_start3A_314, %dma_start3A_315] : memref<10112x8xf32, #tpu.memory_space<vmem_shared>> -> memref<10112x8xf32, #tpu.memory_space<vmem_shared>>
      %dma_start3A_317 = tpu.memref_slice %arg18[%dma_start3A_310] : memref<4x!tpu.dma_semaphore, #tpu.memory_space<semaphore_mem>> -> memref<1x!tpu.dma_semaphore, #tpu.memory_space<semaphore_mem>>
      %dma_start3A_318 = tpu.memref_squeeze %dma_start3A_317 : memref<1x!tpu.dma_semaphore, #tpu.memory_space<semaphore_mem>> -> memref<!tpu.dma_semaphore, #tpu.memory_space<semaphore_mem>>
      tpu.enqueue_indirect_dma source(%arg16 : memref<128x8xf32, #tpu.memory_space<vmem>>) target(%dma_start3A_316 : memref<10112x8xf32, #tpu.memory_space<vmem_shared>>) offsets(%dma_start3A_313 : memref<128xi32, #tpu.memory_space<vmem>>) semaphore(%dma_start3A_318 : memref<!tpu.dma_semaphore, #tpu.memory_space<semaphore_mem>>) {add = true}
      %add3A_319 = arith.constant 2 : i32
      %add3A_320 = arith.addi %add3A_281, %add3A_319 : i32
      %ge3A_321 = arith.constant 4 : i32
      %ge3A_322 = arith.cmpi sge, %add3A_320, %ge3A_321 : i32
      %lt3A_323 = arith.cmpi slt, %add3A_320, %select_n3A : i32
      %and3A_324 = arith.andi %ge3A_322, %lt3A_323 : i1
      %convert_element_type3A_325 = arith.extui %and3A_324 : i1 to i32
      %cond3A_326 = arith.constant 0 : i32
      %cond3A_327 = arith.cmpi ne, %convert_element_type3A_325, %cond3A_326 : i32
      scf.if %cond3A_327 {
        %sub3A_384 = arith.constant 4 : i32
        %sub3A_385 = arith.subi %add3A_320, %sub3A_384 : i32
        %dma_wait3A_386 = arith.constant 0 : i32
        %dma_wait3A_387 = arith.constant 0 : i32
        %dma_wait3A_388 = arith.constant 0 : i32
        %dma_wait3A_389 = arith.constant 0 : i32
        %dma_wait3A_390 = tpu.memref_slice %arg12[%dma_wait3A_386, %dma_wait3A_388, %dma_wait3A_389] : memref<4x128x64xf32, #tpu.memory_space<vmem>> -> memref<1x128x64xf32, #tpu.memory_space<vmem>>
        %dma_wait3A_391 = tpu.memref_squeeze %dma_wait3A_390 : memref<1x128x64xf32, #tpu.memory_space<vmem>> -> memref<128x64xf32, #tpu.memory_space<vmem>>
        %dma_wait3A_392 = arith.constant 0 : i32
        %dma_wait3A_393 = tpu.memref_slice %arg11[%sub3A_385, %dma_wait3A_392] : memref<128x128xi32, #tpu.memory_space<vmem>> -> memref<1x128xi32, #tpu.memory_space<vmem>>
        %dma_wait3A_394 = tpu.memref_squeeze %dma_wait3A_393 : memref<1x128xi32, #tpu.memory_space<vmem>> -> memref<128xi32, #tpu.memory_space<vmem>>
        %dma_wait3A_395 = arith.constant 0 : i32
        %dma_wait3A_396 = arith.constant 0 : i32
        %dma_wait3A_397 = tpu.memref_slice %arg13[%dma_wait3A_395, %dma_wait3A_396] : memref<10112x64xf32, #tpu.memory_space<vmem_shared>> -> memref<10112x64xf32, #tpu.memory_space<vmem_shared>>
        %dma_wait3A_398 = tpu.memref_slice %arg15[%dma_wait3A_387] : memref<4x!tpu.dma_semaphore, #tpu.memory_space<semaphore_mem>> -> memref<1x!tpu.dma_semaphore, #tpu.memory_space<semaphore_mem>>
        %dma_wait3A_399 = tpu.memref_squeeze %dma_wait3A_398 : memref<1x!tpu.dma_semaphore, #tpu.memory_space<semaphore_mem>> -> memref<!tpu.dma_semaphore, #tpu.memory_space<semaphore_mem>>
        tpu.wait_indirect_dma semaphore(%dma_wait3A_399 : memref<!tpu.dma_semaphore, #tpu.memory_space<semaphore_mem>>) src(%dma_wait3A_391 : memref<128x64xf32, #tpu.memory_space<vmem>>) dst(%dma_wait3A_397 : memref<10112x64xf32, #tpu.memory_space<vmem_shared>>)
        %dma_wait3A_400 = arith.constant 0 : i32
        %dma_wait3A_401 = arith.constant 0 : i32
        %dma_wait3A_402 = tpu.memref_slice %arg11[%sub3A_385, %dma_wait3A_401] : memref<128x128xi32, #tpu.memory_space<vmem>> -> memref<1x128xi32, #tpu.memory_space<vmem>>
        %dma_wait3A_403 = tpu.memref_squeeze %dma_wait3A_402 : memref<1x128xi32, #tpu.memory_space<vmem>> -> memref<128xi32, #tpu.memory_space<vmem>>
        %dma_wait3A_404 = arith.constant 0 : i32
        %dma_wait3A_405 = arith.constant 0 : i32
        %dma_wait3A_406 = tpu.memref_slice %arg17[%dma_wait3A_404, %dma_wait3A_405] : memref<10112x8xf32, #tpu.memory_space<vmem_shared>> -> memref<10112x8xf32, #tpu.memory_space<vmem_shared>>
        %dma_wait3A_407 = tpu.memref_slice %arg18[%dma_wait3A_400] : memref<4x!tpu.dma_semaphore, #tpu.memory_space<semaphore_mem>> -> memref<1x!tpu.dma_semaphore, #tpu.memory_space<semaphore_mem>>
        %dma_wait3A_408 = tpu.memref_squeeze %dma_wait3A_407 : memref<1x!tpu.dma_semaphore, #tpu.memory_space<semaphore_mem>> -> memref<!tpu.dma_semaphore, #tpu.memory_space<semaphore_mem>>
        tpu.wait_indirect_dma semaphore(%dma_wait3A_408 : memref<!tpu.dma_semaphore, #tpu.memory_space<semaphore_mem>>) src(%arg16 : memref<128x8xf32, #tpu.memory_space<vmem>>) dst(%dma_wait3A_406 : memref<10112x8xf32, #tpu.memory_space<vmem_shared>>)
      } else {
      }
      %lt3A_328 = arith.cmpi slt, %add3A_320, %select_n3A : i32
      %convert_element_type3A_329 = arith.extui %lt3A_328 : i1 to i32
      %cond3A_330 = arith.constant 0 : i32
      %cond3A_331 = arith.cmpi ne, %convert_element_type3A_329, %cond3A_330 : i32
      scf.if %cond3A_331 {
        %dma_start3A_384 = arith.constant 0 : i32
        %dma_start3A_385 = arith.constant 0 : i32
        %dma_start3A_386 = arith.constant 0 : i32
        %dma_start3A_387 = arith.constant 0 : i32
        %dma_start3A_388 = tpu.memref_slice %arg12[%dma_start3A_384, %dma_start3A_386, %dma_start3A_387] : memref<4x128x64xf32, #tpu.memory_space<vmem>> -> memref<1x128x64xf32, #tpu.memory_space<vmem>>
        %dma_start3A_389 = tpu.memref_squeeze %dma_start3A_388 : memref<1x128x64xf32, #tpu.memory_space<vmem>> -> memref<128x64xf32, #tpu.memory_space<vmem>>
        %dma_start3A_390 = arith.constant 0 : i32
        %dma_start3A_391 = tpu.memref_slice %arg10[%add3A_320, %dma_start3A_390] : memref<128x128xi32, #tpu.memory_space<vmem>> -> memref<1x128xi32, #tpu.memory_space<vmem>>
        %dma_start3A_392 = tpu.memref_squeeze %dma_start3A_391 : memref<1x128xi32, #tpu.memory_space<vmem>> -> memref<128xi32, #tpu.memory_space<vmem>>
        %dma_start3A_393 = arith.constant 0 : i32
        %dma_start3A_394 = arith.constant 0 : i32
        %dma_start3A_395 = tpu.memref_slice %arg2[%dma_start3A_393, %dma_start3A_394] : memref<10000x64xf32, #tpu.memory_space<hbm>> -> memref<10000x64xf32, #tpu.memory_space<hbm>>
        %dma_start3A_396 = tpu.memref_slice %arg14[%dma_start3A_385] : memref<4x!tpu.dma_semaphore, #tpu.memory_space<semaphore_mem>> -> memref<1x!tpu.dma_semaphore, #tpu.memory_space<semaphore_mem>>
        %dma_start3A_397 = tpu.memref_squeeze %dma_start3A_396 : memref<1x!tpu.dma_semaphore, #tpu.memory_space<semaphore_mem>> -> memref<!tpu.dma_semaphore, #tpu.memory_space<semaphore_mem>>
        tpu.enqueue_indirect_dma source(%dma_start3A_395 : memref<10000x64xf32, #tpu.memory_space<hbm>>) target(%dma_start3A_389 : memref<128x64xf32, #tpu.memory_space<vmem>>) offsets(%dma_start3A_392 : memref<128xi32, #tpu.memory_space<vmem>>) semaphore(%dma_start3A_397 : memref<!tpu.dma_semaphore, #tpu.memory_space<semaphore_mem>>)
      } else {
      }
      %add3A_332 = arith.constant 3 : i32
      %add3A_333 = arith.addi %add3A_180, %add3A_332 : i32
      %dma_wait3A_334 = arith.constant 3 : i32
      %dma_wait3A_335 = arith.constant 3 : i32
      %dma_wait3A_336 = arith.constant 0 : i32
      %dma_wait3A_337 = arith.constant 0 : i32
      %dma_wait3A_338 = tpu.memref_slice %arg12[%dma_wait3A_334, %dma_wait3A_336, %dma_wait3A_337] : memref<4x128x64xf32, #tpu.memory_space<vmem>> -> memref<1x128x64xf32, #tpu.memory_space<vmem>>
      %dma_wait3A_339 = tpu.memref_squeeze %dma_wait3A_338 : memref<1x128x64xf32, #tpu.memory_space<vmem>> -> memref<128x64xf32, #tpu.memory_space<vmem>>
      %dma_wait3A_340 = arith.constant 0 : i32
      %dma_wait3A_341 = tpu.memref_slice %arg10[%add3A_333, %dma_wait3A_340] : memref<128x128xi32, #tpu.memory_space<vmem>> -> memref<1x128xi32, #tpu.memory_space<vmem>>
      %dma_wait3A_342 = tpu.memref_squeeze %dma_wait3A_341 : memref<1x128xi32, #tpu.memory_space<vmem>> -> memref<128xi32, #tpu.memory_space<vmem>>
      %dma_wait3A_343 = arith.constant 0 : i32
      %dma_wait3A_344 = arith.constant 0 : i32
      %dma_wait3A_345 = tpu.memref_slice %arg2[%dma_wait3A_343, %dma_wait3A_344] : memref<10000x64xf32, #tpu.memory_space<hbm>> -> memref<10000x64xf32, #tpu.memory_space<hbm>>
      %dma_wait3A_346 = tpu.memref_slice %arg14[%dma_wait3A_335] : memref<4x!tpu.dma_semaphore, #tpu.memory_space<semaphore_mem>> -> memref<1x!tpu.dma_semaphore, #tpu.memory_space<semaphore_mem>>
      %dma_wait3A_347 = tpu.memref_squeeze %dma_wait3A_346 : memref<1x!tpu.dma_semaphore, #tpu.memory_space<semaphore_mem>> -> memref<!tpu.dma_semaphore, #tpu.memory_space<semaphore_mem>>
      tpu.wait_indirect_dma semaphore(%dma_wait3A_347 : memref<!tpu.dma_semaphore, #tpu.memory_space<semaphore_mem>>) src(%dma_wait3A_345 : memref<10000x64xf32, #tpu.memory_space<hbm>>) dst(%dma_wait3A_339 : memref<128x64xf32, #tpu.memory_space<vmem>>)
      %dma_start3A_348 = arith.constant 3 : i32
      %dma_start3A_349 = arith.constant 3 : i32
      %dma_start3A_350 = arith.constant 0 : i32
      %dma_start3A_351 = arith.constant 0 : i32
      %dma_start3A_352 = tpu.memref_slice %arg12[%dma_start3A_348, %dma_start3A_350, %dma_start3A_351] : memref<4x128x64xf32, #tpu.memory_space<vmem>> -> memref<1x128x64xf32, #tpu.memory_space<vmem>>
      %dma_start3A_353 = tpu.memref_squeeze %dma_start3A_352 : memref<1x128x64xf32, #tpu.memory_space<vmem>> -> memref<128x64xf32, #tpu.memory_space<vmem>>
      %dma_start3A_354 = arith.constant 0 : i32
      %dma_start3A_355 = tpu.memref_slice %arg11[%add3A_333, %dma_start3A_354] : memref<128x128xi32, #tpu.memory_space<vmem>> -> memref<1x128xi32, #tpu.memory_space<vmem>>
      %dma_start3A_356 = tpu.memref_squeeze %dma_start3A_355 : memref<1x128xi32, #tpu.memory_space<vmem>> -> memref<128xi32, #tpu.memory_space<vmem>>
      %dma_start3A_357 = arith.constant 0 : i32
      %dma_start3A_358 = arith.constant 0 : i32
      %dma_start3A_359 = tpu.memref_slice %arg13[%dma_start3A_357, %dma_start3A_358] : memref<10112x64xf32, #tpu.memory_space<vmem_shared>> -> memref<10112x64xf32, #tpu.memory_space<vmem_shared>>
      %dma_start3A_360 = tpu.memref_slice %arg15[%dma_start3A_349] : memref<4x!tpu.dma_semaphore, #tpu.memory_space<semaphore_mem>> -> memref<1x!tpu.dma_semaphore, #tpu.memory_space<semaphore_mem>>
      %dma_start3A_361 = tpu.memref_squeeze %dma_start3A_360 : memref<1x!tpu.dma_semaphore, #tpu.memory_space<semaphore_mem>> -> memref<!tpu.dma_semaphore, #tpu.memory_space<semaphore_mem>>
      tpu.enqueue_indirect_dma source(%dma_start3A_353 : memref<128x64xf32, #tpu.memory_space<vmem>>) target(%dma_start3A_359 : memref<10112x64xf32, #tpu.memory_space<vmem_shared>>) offsets(%dma_start3A_356 : memref<128xi32, #tpu.memory_space<vmem>>) semaphore(%dma_start3A_361 : memref<!tpu.dma_semaphore, #tpu.memory_space<semaphore_mem>>) {add = true}
      %dma_start3A_362 = arith.constant 3 : i32
      %dma_start3A_363 = arith.constant 0 : i32
      %dma_start3A_364 = tpu.memref_slice %arg11[%add3A_333, %dma_start3A_363] : memref<128x128xi32, #tpu.memory_space<vmem>> -> memref<1x128xi32, #tpu.memory_space<vmem>>
      %dma_start3A_365 = tpu.memref_squeeze %dma_start3A_364 : memref<1x128xi32, #tpu.memory_space<vmem>> -> memref<128xi32, #tpu.memory_space<vmem>>
      %dma_start3A_366 = arith.constant 0 : i32
      %dma_start3A_367 = arith.constant 0 : i32
      %dma_start3A_368 = tpu.memref_slice %arg17[%dma_start3A_366, %dma_start3A_367] : memref<10112x8xf32, #tpu.memory_space<vmem_shared>> -> memref<10112x8xf32, #tpu.memory_space<vmem_shared>>
      %dma_start3A_369 = tpu.memref_slice %arg18[%dma_start3A_362] : memref<4x!tpu.dma_semaphore, #tpu.memory_space<semaphore_mem>> -> memref<1x!tpu.dma_semaphore, #tpu.memory_space<semaphore_mem>>
      %dma_start3A_370 = tpu.memref_squeeze %dma_start3A_369 : memref<1x!tpu.dma_semaphore, #tpu.memory_space<semaphore_mem>> -> memref<!tpu.dma_semaphore, #tpu.memory_space<semaphore_mem>>
      tpu.enqueue_indirect_dma source(%arg16 : memref<128x8xf32, #tpu.memory_space<vmem>>) target(%dma_start3A_368 : memref<10112x8xf32, #tpu.memory_space<vmem_shared>>) offsets(%dma_start3A_365 : memref<128xi32, #tpu.memory_space<vmem>>) semaphore(%dma_start3A_370 : memref<!tpu.dma_semaphore, #tpu.memory_space<semaphore_mem>>) {add = true}
      %add3A_371 = arith.constant 2 : i32
      %add3A_372 = arith.addi %add3A_333, %add3A_371 : i32
      %ge3A_373 = arith.constant 4 : i32
      %ge3A_374 = arith.cmpi sge, %add3A_372, %ge3A_373 : i32
      %lt3A_375 = arith.cmpi slt, %add3A_372, %select_n3A : i32
      %and3A_376 = arith.andi %ge3A_374, %lt3A_375 : i1
      %convert_element_type3A_377 = arith.extui %and3A_376 : i1 to i32
      %cond3A_378 = arith.constant 0 : i32
      %cond3A_379 = arith.cmpi ne, %convert_element_type3A_377, %cond3A_378 : i32
      scf.if %cond3A_379 {
        %sub3A_384 = arith.constant 4 : i32
        %sub3A_385 = arith.subi %add3A_372, %sub3A_384 : i32
        %dma_wait3A_386 = arith.constant 1 : i32
        %dma_wait3A_387 = arith.constant 1 : i32
        %dma_wait3A_388 = arith.constant 0 : i32
        %dma_wait3A_389 = arith.constant 0 : i32
        %dma_wait3A_390 = tpu.memref_slice %arg12[%dma_wait3A_386, %dma_wait3A_388, %dma_wait3A_389] : memref<4x128x64xf32, #tpu.memory_space<vmem>> -> memref<1x128x64xf32, #tpu.memory_space<vmem>>
        %dma_wait3A_391 = tpu.memref_squeeze %dma_wait3A_390 : memref<1x128x64xf32, #tpu.memory_space<vmem>> -> memref<128x64xf32, #tpu.memory_space<vmem>>
        %dma_wait3A_392 = arith.constant 0 : i32
        %dma_wait3A_393 = tpu.memref_slice %arg11[%sub3A_385, %dma_wait3A_392] : memref<128x128xi32, #tpu.memory_space<vmem>> -> memref<1x128xi32, #tpu.memory_space<vmem>>
        %dma_wait3A_394 = tpu.memref_squeeze %dma_wait3A_393 : memref<1x128xi32, #tpu.memory_space<vmem>> -> memref<128xi32, #tpu.memory_space<vmem>>
        %dma_wait3A_395 = arith.constant 0 : i32
        %dma_wait3A_396 = arith.constant 0 : i32
        %dma_wait3A_397 = tpu.memref_slice %arg13[%dma_wait3A_395, %dma_wait3A_396] : memref<10112x64xf32, #tpu.memory_space<vmem_shared>> -> memref<10112x64xf32, #tpu.memory_space<vmem_shared>>
        %dma_wait3A_398 = tpu.memref_slice %arg15[%dma_wait3A_387] : memref<4x!tpu.dma_semaphore, #tpu.memory_space<semaphore_mem>> -> memref<1x!tpu.dma_semaphore, #tpu.memory_space<semaphore_mem>>
        %dma_wait3A_399 = tpu.memref_squeeze %dma_wait3A_398 : memref<1x!tpu.dma_semaphore, #tpu.memory_space<semaphore_mem>> -> memref<!tpu.dma_semaphore, #tpu.memory_space<semaphore_mem>>
        tpu.wait_indirect_dma semaphore(%dma_wait3A_399 : memref<!tpu.dma_semaphore, #tpu.memory_space<semaphore_mem>>) src(%dma_wait3A_391 : memref<128x64xf32, #tpu.memory_space<vmem>>) dst(%dma_wait3A_397 : memref<10112x64xf32, #tpu.memory_space<vmem_shared>>)
        %dma_wait3A_400 = arith.constant 1 : i32
        %dma_wait3A_401 = arith.constant 0 : i32
        %dma_wait3A_402 = tpu.memref_slice %arg11[%sub3A_385, %dma_wait3A_401] : memref<128x128xi32, #tpu.memory_space<vmem>> -> memref<1x128xi32, #tpu.memory_space<vmem>>
        %dma_wait3A_403 = tpu.memref_squeeze %dma_wait3A_402 : memref<1x128xi32, #tpu.memory_space<vmem>> -> memref<128xi32, #tpu.memory_space<vmem>>
        %dma_wait3A_404 = arith.constant 0 : i32
        %dma_wait3A_405 = arith.constant 0 : i32
        %dma_wait3A_406 = tpu.memref_slice %arg17[%dma_wait3A_404, %dma_wait3A_405] : memref<10112x8xf32, #tpu.memory_space<vmem_shared>> -> memref<10112x8xf32, #tpu.memory_space<vmem_shared>>
        %dma_wait3A_407 = tpu.memref_slice %arg18[%dma_wait3A_400] : memref<4x!tpu.dma_semaphore, #tpu.memory_space<semaphore_mem>> -> memref<1x!tpu.dma_semaphore, #tpu.memory_space<semaphore_mem>>
        %dma_wait3A_408 = tpu.memref_squeeze %dma_wait3A_407 : memref<1x!tpu.dma_semaphore, #tpu.memory_space<semaphore_mem>> -> memref<!tpu.dma_semaphore, #tpu.memory_space<semaphore_mem>>
        tpu.wait_indirect_dma semaphore(%dma_wait3A_408 : memref<!tpu.dma_semaphore, #tpu.memory_space<semaphore_mem>>) src(%arg16 : memref<128x8xf32, #tpu.memory_space<vmem>>) dst(%dma_wait3A_406 : memref<10112x8xf32, #tpu.memory_space<vmem_shared>>)
      } else {
      }
      %lt3A_380 = arith.cmpi slt, %add3A_372, %select_n3A : i32
      %convert_element_type3A_381 = arith.extui %lt3A_380 : i1 to i32
      %cond3A_382 = arith.constant 0 : i32
      %cond3A_383 = arith.cmpi ne, %convert_element_type3A_381, %cond3A_382 : i32
      scf.if %cond3A_383 {
        %dma_start3A_384 = arith.constant 1 : i32
        %dma_start3A_385 = arith.constant 1 : i32
        %dma_start3A_386 = arith.constant 0 : i32
        %dma_start3A_387 = arith.constant 0 : i32
        %dma_start3A_388 = tpu.memref_slice %arg12[%dma_start3A_384, %dma_start3A_386, %dma_start3A_387] : memref<4x128x64xf32, #tpu.memory_space<vmem>> -> memref<1x128x64xf32, #tpu.memory_space<vmem>>
        %dma_start3A_389 = tpu.memref_squeeze %dma_start3A_388 : memref<1x128x64xf32, #tpu.memory_space<vmem>> -> memref<128x64xf32, #tpu.memory_space<vmem>>
        %dma_start3A_390 = arith.constant 0 : i32
        %dma_start3A_391 = tpu.memref_slice %arg10[%add3A_372, %dma_start3A_390] : memref<128x128xi32, #tpu.memory_space<vmem>> -> memref<1x128xi32, #tpu.memory_space<vmem>>
        %dma_start3A_392 = tpu.memref_squeeze %dma_start3A_391 : memref<1x128xi32, #tpu.memory_space<vmem>> -> memref<128xi32, #tpu.memory_space<vmem>>
        %dma_start3A_393 = arith.constant 0 : i32
        %dma_start3A_394 = arith.constant 0 : i32
        %dma_start3A_395 = tpu.memref_slice %arg2[%dma_start3A_393, %dma_start3A_394] : memref<10000x64xf32, #tpu.memory_space<hbm>> -> memref<10000x64xf32, #tpu.memory_space<hbm>>
        %dma_start3A_396 = tpu.memref_slice %arg14[%dma_start3A_385] : memref<4x!tpu.dma_semaphore, #tpu.memory_space<semaphore_mem>> -> memref<1x!tpu.dma_semaphore, #tpu.memory_space<semaphore_mem>>
        %dma_start3A_397 = tpu.memref_squeeze %dma_start3A_396 : memref<1x!tpu.dma_semaphore, #tpu.memory_space<semaphore_mem>> -> memref<!tpu.dma_semaphore, #tpu.memory_space<semaphore_mem>>
        tpu.enqueue_indirect_dma source(%dma_start3A_395 : memref<10000x64xf32, #tpu.memory_space<hbm>>) target(%dma_start3A_389 : memref<128x64xf32, #tpu.memory_space<vmem>>) offsets(%dma_start3A_392 : memref<128xi32, #tpu.memory_space<vmem>>) semaphore(%dma_start3A_397 : memref<!tpu.dma_semaphore, #tpu.memory_space<semaphore_mem>>)
      } else {
      }
    }
    %while3A_61 = arith.constant 1 : i32
    scf.for %while3A_178 = %while3A_59 to %while3A_55 step %while3A_61  : i32 {
      %mul3A_179 = arith.muli %while3A_178, %while3A : i32
      %add3A_180 = arith.addi %while3A_52, %mul3A_179 : i32
      %add3A_181 = arith.constant 0 : i32
      %add3A_182 = arith.addi %add3A_180, %add3A_181 : i32
      %dma_wait3A_183 = arith.constant 0 : i32
      %dma_wait3A_184 = arith.constant 0 : i32
      %dma_wait3A_185 = arith.constant 0 : i32
      %dma_wait3A_186 = arith.constant 0 : i32
      %dma_wait3A_187 = tpu.memref_slice %arg12[%dma_wait3A_183, %dma_wait3A_185, %dma_wait3A_186] : memref<4x128x64xf32, #tpu.memory_space<vmem>> -> memref<1x128x64xf32, #tpu.memory_space<vmem>>
      %dma_wait3A_188 = tpu.memref_squeeze %dma_wait3A_187 : memref<1x128x64xf32, #tpu.memory_space<vmem>> -> memref<128x64xf32, #tpu.memory_space<vmem>>
      %dma_wait3A_189 = arith.constant 0 : i32
      %dma_wait3A_190 = tpu.memref_slice %arg10[%add3A_182, %dma_wait3A_189] : memref<128x128xi32, #tpu.memory_space<vmem>> -> memref<1x128xi32, #tpu.memory_space<vmem>>
      %dma_wait3A_191 = tpu.memref_squeeze %dma_wait3A_190 : memref<1x128xi32, #tpu.memory_space<vmem>> -> memref<128xi32, #tpu.memory_space<vmem>>
      %dma_wait3A_192 = arith.constant 0 : i32
      %dma_wait3A_193 = arith.constant 0 : i32
      %dma_wait3A_194 = tpu.memref_slice %arg2[%dma_wait3A_192, %dma_wait3A_193] : memref<10000x64xf32, #tpu.memory_space<hbm>> -> memref<10000x64xf32, #tpu.memory_space<hbm>>
      %dma_wait3A_195 = tpu.memref_slice %arg14[%dma_wait3A_184] : memref<4x!tpu.dma_semaphore, #tpu.memory_space<semaphore_mem>> -> memref<1x!tpu.dma_semaphore, #tpu.memory_space<semaphore_mem>>
      %dma_wait3A_196 = tpu.memref_squeeze %dma_wait3A_195 : memref<1x!tpu.dma_semaphore, #tpu.memory_space<semaphore_mem>> -> memref<!tpu.dma_semaphore, #tpu.memory_space<semaphore_mem>>
      tpu.wait_indirect_dma semaphore(%dma_wait3A_196 : memref<!tpu.dma_semaphore, #tpu.memory_space<semaphore_mem>>) src(%dma_wait3A_194 : memref<10000x64xf32, #tpu.memory_space<hbm>>) dst(%dma_wait3A_188 : memref<128x64xf32, #tpu.memory_space<vmem>>)
      %dma_start3A_197 = arith.constant 0 : i32
      %dma_start3A_198 = arith.constant 0 : i32
      %dma_start3A_199 = arith.constant 0 : i32
      %dma_start3A_200 = arith.constant 0 : i32
      %dma_start3A_201 = tpu.memref_slice %arg12[%dma_start3A_197, %dma_start3A_199, %dma_start3A_200] : memref<4x128x64xf32, #tpu.memory_space<vmem>> -> memref<1x128x64xf32, #tpu.memory_space<vmem>>
      %dma_start3A_202 = tpu.memref_squeeze %dma_start3A_201 : memref<1x128x64xf32, #tpu.memory_space<vmem>> -> memref<128x64xf32, #tpu.memory_space<vmem>>
      %dma_start3A_203 = arith.constant 0 : i32
      %dma_start3A_204 = tpu.memref_slice %arg11[%add3A_182, %dma_start3A_203] : memref<128x128xi32, #tpu.memory_space<vmem>> -> memref<1x128xi32, #tpu.memory_space<vmem>>
      %dma_start3A_205 = tpu.memref_squeeze %dma_start3A_204 : memref<1x128xi32, #tpu.memory_space<vmem>> -> memref<128xi32, #tpu.memory_space<vmem>>
      %dma_start3A_206 = arith.constant 0 : i32
      %dma_start3A_207 = arith.constant 0 : i32
      %dma_start3A_208 = tpu.memref_slice %arg13[%dma_start3A_206, %dma_start3A_207] : memref<10112x64xf32, #tpu.memory_space<vmem_shared>> -> memref<10112x64xf32, #tpu.memory_space<vmem_shared>>
      %dma_start3A_209 = tpu.memref_slice %arg15[%dma_start3A_198] : memref<4x!tpu.dma_semaphore, #tpu.memory_space<semaphore_mem>> -> memref<1x!tpu.dma_semaphore, #tpu.memory_space<semaphore_mem>>
      %dma_start3A_210 = tpu.memref_squeeze %dma_start3A_209 : memref<1x!tpu.dma_semaphore, #tpu.memory_space<semaphore_mem>> -> memref<!tpu.dma_semaphore, #tpu.memory_space<semaphore_mem>>
      tpu.enqueue_indirect_dma source(%dma_start3A_202 : memref<128x64xf32, #tpu.memory_space<vmem>>) target(%dma_start3A_208 : memref<10112x64xf32, #tpu.memory_space<vmem_shared>>) offsets(%dma_start3A_205 : memref<128xi32, #tpu.memory_space<vmem>>) semaphore(%dma_start3A_210 : memref<!tpu.dma_semaphore, #tpu.memory_space<semaphore_mem>>) {add = true}
      %dma_start3A_211 = arith.constant 0 : i32
      %dma_start3A_212 = arith.constant 0 : i32
      %dma_start3A_213 = tpu.memref_slice %arg11[%add3A_182, %dma_start3A_212] : memref<128x128xi32, #tpu.memory_space<vmem>> -> memref<1x128xi32, #tpu.memory_space<vmem>>
      %dma_start3A_214 = tpu.memref_squeeze %dma_start3A_213 : memref<1x128xi32, #tpu.memory_space<vmem>> -> memref<128xi32, #tpu.memory_space<vmem>>
      %dma_start3A_215 = arith.constant 0 : i32
      %dma_start3A_216 = arith.constant 0 : i32
      %dma_start3A_217 = tpu.memref_slice %arg17[%dma_start3A_215, %dma_start3A_216] : memref<10112x8xf32, #tpu.memory_space<vmem_shared>> -> memref<10112x8xf32, #tpu.memory_space<vmem_shared>>
      %dma_start3A_218 = tpu.memref_slice %arg18[%dma_start3A_211] : memref<4x!tpu.dma_semaphore, #tpu.memory_space<semaphore_mem>> -> memref<1x!tpu.dma_semaphore, #tpu.memory_space<semaphore_mem>>
      %dma_start3A_219 = tpu.memref_squeeze %dma_start3A_218 : memref<1x!tpu.dma_semaphore, #tpu.memory_space<semaphore_mem>> -> memref<!tpu.dma_semaphore, #tpu.memory_space<semaphore_mem>>
      tpu.enqueue_indirect_dma source(%arg16 : memref<128x8xf32, #tpu.memory_space<vmem>>) target(%dma_start3A_217 : memref<10112x8xf32, #tpu.memory_space<vmem_shared>>) offsets(%dma_start3A_214 : memref<128xi32, #tpu.memory_space<vmem>>) semaphore(%dma_start3A_219 : memref<!tpu.dma_semaphore, #tpu.memory_space<semaphore_mem>>) {add = true}
      %add3A_220 = arith.constant 2 : i32
      %add3A_221 = arith.addi %add3A_182, %add3A_220 : i32
      %ge3A = arith.constant 4 : i32
      %ge3A_222 = arith.cmpi sge, %add3A_221, %ge3A : i32
      %lt3A = arith.cmpi slt, %add3A_221, %select_n3A : i32
      %and3A = arith.andi %ge3A_222, %lt3A : i1
      %convert_element_type3A = arith.extui %and3A : i1 to i32
      %cond3A = arith.constant 0 : i32
      %cond3A_223 = arith.cmpi ne, %convert_element_type3A, %cond3A : i32
      scf.if %cond3A_223 {
        %sub3A_384 = arith.constant 4 : i32
        %sub3A_385 = arith.subi %add3A_221, %sub3A_384 : i32
        %dma_wait3A_386 = arith.constant 2 : i32
        %dma_wait3A_387 = arith.constant 2 : i32
        %dma_wait3A_388 = arith.constant 0 : i32
        %dma_wait3A_389 = arith.constant 0 : i32
        %dma_wait3A_390 = tpu.memref_slice %arg12[%dma_wait3A_386, %dma_wait3A_388, %dma_wait3A_389] : memref<4x128x64xf32, #tpu.memory_space<vmem>> -> memref<1x128x64xf32, #tpu.memory_space<vmem>>
        %dma_wait3A_391 = tpu.memref_squeeze %dma_wait3A_390 : memref<1x128x64xf32, #tpu.memory_space<vmem>> -> memref<128x64xf32, #tpu.memory_space<vmem>>
        %dma_wait3A_392 = arith.constant 0 : i32
        %dma_wait3A_393 = tpu.memref_slice %arg11[%sub3A_385, %dma_wait3A_392] : memref<128x128xi32, #tpu.memory_space<vmem>> -> memref<1x128xi32, #tpu.memory_space<vmem>>
        %dma_wait3A_394 = tpu.memref_squeeze %dma_wait3A_393 : memref<1x128xi32, #tpu.memory_space<vmem>> -> memref<128xi32, #tpu.memory_space<vmem>>
        %dma_wait3A_395 = arith.constant 0 : i32
        %dma_wait3A_396 = arith.constant 0 : i32
        %dma_wait3A_397 = tpu.memref_slice %arg13[%dma_wait3A_395, %dma_wait3A_396] : memref<10112x64xf32, #tpu.memory_space<vmem_shared>> -> memref<10112x64xf32, #tpu.memory_space<vmem_shared>>
        %dma_wait3A_398 = tpu.memref_slice %arg15[%dma_wait3A_387] : memref<4x!tpu.dma_semaphore, #tpu.memory_space<semaphore_mem>> -> memref<1x!tpu.dma_semaphore, #tpu.memory_space<semaphore_mem>>
        %dma_wait3A_399 = tpu.memref_squeeze %dma_wait3A_398 : memref<1x!tpu.dma_semaphore, #tpu.memory_space<semaphore_mem>> -> memref<!tpu.dma_semaphore, #tpu.memory_space<semaphore_mem>>
        tpu.wait_indirect_dma semaphore(%dma_wait3A_399 : memref<!tpu.dma_semaphore, #tpu.memory_space<semaphore_mem>>) src(%dma_wait3A_391 : memref<128x64xf32, #tpu.memory_space<vmem>>) dst(%dma_wait3A_397 : memref<10112x64xf32, #tpu.memory_space<vmem_shared>>)
        %dma_wait3A_400 = arith.constant 2 : i32
        %dma_wait3A_401 = arith.constant 0 : i32
        %dma_wait3A_402 = tpu.memref_slice %arg11[%sub3A_385, %dma_wait3A_401] : memref<128x128xi32, #tpu.memory_space<vmem>> -> memref<1x128xi32, #tpu.memory_space<vmem>>
        %dma_wait3A_403 = tpu.memref_squeeze %dma_wait3A_402 : memref<1x128xi32, #tpu.memory_space<vmem>> -> memref<128xi32, #tpu.memory_space<vmem>>
        %dma_wait3A_404 = arith.constant 0 : i32
        %dma_wait3A_405 = arith.constant 0 : i32
        %dma_wait3A_406 = tpu.memref_slice %arg17[%dma_wait3A_404, %dma_wait3A_405] : memref<10112x8xf32, #tpu.memory_space<vmem_shared>> -> memref<10112x8xf32, #tpu.memory_space<vmem_shared>>
        %dma_wait3A_407 = tpu.memref_slice %arg18[%dma_wait3A_400] : memref<4x!tpu.dma_semaphore, #tpu.memory_space<semaphore_mem>> -> memref<1x!tpu.dma_semaphore, #tpu.memory_space<semaphore_mem>>
        %dma_wait3A_408 = tpu.memref_squeeze %dma_wait3A_407 : memref<1x!tpu.dma_semaphore, #tpu.memory_space<semaphore_mem>> -> memref<!tpu.dma_semaphore, #tpu.memory_space<semaphore_mem>>
        tpu.wait_indirect_dma semaphore(%dma_wait3A_408 : memref<!tpu.dma_semaphore, #tpu.memory_space<semaphore_mem>>) src(%arg16 : memref<128x8xf32, #tpu.memory_space<vmem>>) dst(%dma_wait3A_406 : memref<10112x8xf32, #tpu.memory_space<vmem_shared>>)
      } else {
      }
      %lt3A_224 = arith.cmpi slt, %add3A_221, %select_n3A : i32
      %convert_element_type3A_225 = arith.extui %lt3A_224 : i1 to i32
      %cond3A_226 = arith.constant 0 : i32
      %cond3A_227 = arith.cmpi ne, %convert_element_type3A_225, %cond3A_226 : i32
      scf.if %cond3A_227 {
        %dma_start3A_384 = arith.constant 2 : i32
        %dma_start3A_385 = arith.constant 2 : i32
        %dma_start3A_386 = arith.constant 0 : i32
        %dma_start3A_387 = arith.constant 0 : i32
        %dma_start3A_388 = tpu.memref_slice %arg12[%dma_start3A_384, %dma_start3A_386, %dma_start3A_387] : memref<4x128x64xf32, #tpu.memory_space<vmem>> -> memref<1x128x64xf32, #tpu.memory_space<vmem>>
        %dma_start3A_389 = tpu.memref_squeeze %dma_start3A_388 : memref<1x128x64xf32, #tpu.memory_space<vmem>> -> memref<128x64xf32, #tpu.memory_space<vmem>>
        %dma_start3A_390 = arith.constant 0 : i32
        %dma_start3A_391 = tpu.memref_slice %arg10[%add3A_221, %dma_start3A_390] : memref<128x128xi32, #tpu.memory_space<vmem>> -> memref<1x128xi32, #tpu.memory_space<vmem>>
        %dma_start3A_392 = tpu.memref_squeeze %dma_start3A_391 : memref<1x128xi32, #tpu.memory_space<vmem>> -> memref<128xi32, #tpu.memory_space<vmem>>
        %dma_start3A_393 = arith.constant 0 : i32
        %dma_start3A_394 = arith.constant 0 : i32
        %dma_start3A_395 = tpu.memref_slice %arg2[%dma_start3A_393, %dma_start3A_394] : memref<10000x64xf32, #tpu.memory_space<hbm>> -> memref<10000x64xf32, #tpu.memory_space<hbm>>
        %dma_start3A_396 = tpu.memref_slice %arg14[%dma_start3A_385] : memref<4x!tpu.dma_semaphore, #tpu.memory_space<semaphore_mem>> -> memref<1x!tpu.dma_semaphore, #tpu.memory_space<semaphore_mem>>
        %dma_start3A_397 = tpu.memref_squeeze %dma_start3A_396 : memref<1x!tpu.dma_semaphore, #tpu.memory_space<semaphore_mem>> -> memref<!tpu.dma_semaphore, #tpu.memory_space<semaphore_mem>>
        tpu.enqueue_indirect_dma source(%dma_start3A_395 : memref<10000x64xf32, #tpu.memory_space<hbm>>) target(%dma_start3A_389 : memref<128x64xf32, #tpu.memory_space<vmem>>) offsets(%dma_start3A_392 : memref<128xi32, #tpu.memory_space<vmem>>) semaphore(%dma_start3A_397 : memref<!tpu.dma_semaphore, #tpu.memory_space<semaphore_mem>>)
      } else {
      }
      %add3A_228 = arith.constant 1 : i32
      %add3A_229 = arith.addi %add3A_180, %add3A_228 : i32
      %dma_wait3A_230 = arith.constant 1 : i32
      %dma_wait3A_231 = arith.constant 1 : i32
      %dma_wait3A_232 = arith.constant 0 : i32
      %dma_wait3A_233 = arith.constant 0 : i32
      %dma_wait3A_234 = tpu.memref_slice %arg12[%dma_wait3A_230, %dma_wait3A_232, %dma_wait3A_233] : memref<4x128x64xf32, #tpu.memory_space<vmem>> -> memref<1x128x64xf32, #tpu.memory_space<vmem>>
      %dma_wait3A_235 = tpu.memref_squeeze %dma_wait3A_234 : memref<1x128x64xf32, #tpu.memory_space<vmem>> -> memref<128x64xf32, #tpu.memory_space<vmem>>
      %dma_wait3A_236 = arith.constant 0 : i32
      %dma_wait3A_237 = tpu.memref_slice %arg10[%add3A_229, %dma_wait3A_236] : memref<128x128xi32, #tpu.memory_space<vmem>> -> memref<1x128xi32, #tpu.memory_space<vmem>>
      %dma_wait3A_238 = tpu.memref_squeeze %dma_wait3A_237 : memref<1x128xi32, #tpu.memory_space<vmem>> -> memref<128xi32, #tpu.memory_space<vmem>>
      %dma_wait3A_239 = arith.constant 0 : i32
      %dma_wait3A_240 = arith.constant 0 : i32
      %dma_wait3A_241 = tpu.memref_slice %arg2[%dma_wait3A_239, %dma_wait3A_240] : memref<10000x64xf32, #tpu.memory_space<hbm>> -> memref<10000x64xf32, #tpu.memory_space<hbm>>
      %dma_wait3A_242 = tpu.memref_slice %arg14[%dma_wait3A_231] : memref<4x!tpu.dma_semaphore, #tpu.memory_space<semaphore_mem>> -> memref<1x!tpu.dma_semaphore, #tpu.memory_space<semaphore_mem>>
      %dma_wait3A_243 = tpu.memref_squeeze %dma_wait3A_242 : memref<1x!tpu.dma_semaphore, #tpu.memory_space<semaphore_mem>> -> memref<!tpu.dma_semaphore, #tpu.memory_space<semaphore_mem>>
      tpu.wait_indirect_dma semaphore(%dma_wait3A_243 : memref<!tpu.dma_semaphore, #tpu.memory_space<semaphore_mem>>) src(%dma_wait3A_241 : memref<10000x64xf32, #tpu.memory_space<hbm>>) dst(%dma_wait3A_235 : memref<128x64xf32, #tpu.memory_space<vmem>>)
      %dma_start3A_244 = arith.constant 1 : i32
      %dma_start3A_245 = arith.constant 1 : i32
      %dma_start3A_246 = arith.constant 0 : i32
      %dma_start3A_247 = arith.constant 0 : i32
      %dma_start3A_248 = tpu.memref_slice %arg12[%dma_start3A_244, %dma_start3A_246, %dma_start3A_247] : memref<4x128x64xf32, #tpu.memory_space<vmem>> -> memref<1x128x64xf32, #tpu.memory_space<vmem>>
      %dma_start3A_249 = tpu.memref_squeeze %dma_start3A_248 : memref<1x128x64xf32, #tpu.memory_space<vmem>> -> memref<128x64xf32, #tpu.memory_space<vmem>>
      %dma_start3A_250 = arith.constant 0 : i32
      %dma_start3A_251 = tpu.memref_slice %arg11[%add3A_229, %dma_start3A_250] : memref<128x128xi32, #tpu.memory_space<vmem>> -> memref<1x128xi32, #tpu.memory_space<vmem>>
      %dma_start3A_252 = tpu.memref_squeeze %dma_start3A_251 : memref<1x128xi32, #tpu.memory_space<vmem>> -> memref<128xi32, #tpu.memory_space<vmem>>
      %dma_start3A_253 = arith.constant 0 : i32
      %dma_start3A_254 = arith.constant 0 : i32
      %dma_start3A_255 = tpu.memref_slice %arg13[%dma_start3A_253, %dma_start3A_254] : memref<10112x64xf32, #tpu.memory_space<vmem_shared>> -> memref<10112x64xf32, #tpu.memory_space<vmem_shared>>
      %dma_start3A_256 = tpu.memref_slice %arg15[%dma_start3A_245] : memref<4x!tpu.dma_semaphore, #tpu.memory_space<semaphore_mem>> -> memref<1x!tpu.dma_semaphore, #tpu.memory_space<semaphore_mem>>
      %dma_start3A_257 = tpu.memref_squeeze %dma_start3A_256 : memref<1x!tpu.dma_semaphore, #tpu.memory_space<semaphore_mem>> -> memref<!tpu.dma_semaphore, #tpu.memory_space<semaphore_mem>>
      tpu.enqueue_indirect_dma source(%dma_start3A_249 : memref<128x64xf32, #tpu.memory_space<vmem>>) target(%dma_start3A_255 : memref<10112x64xf32, #tpu.memory_space<vmem_shared>>) offsets(%dma_start3A_252 : memref<128xi32, #tpu.memory_space<vmem>>) semaphore(%dma_start3A_257 : memref<!tpu.dma_semaphore, #tpu.memory_space<semaphore_mem>>) {add = true}
      %dma_start3A_258 = arith.constant 1 : i32
      %dma_start3A_259 = arith.constant 0 : i32
      %dma_start3A_260 = tpu.memref_slice %arg11[%add3A_229, %dma_start3A_259] : memref<128x128xi32, #tpu.memory_space<vmem>> -> memref<1x128xi32, #tpu.memory_space<vmem>>
      %dma_start3A_261 = tpu.memref_squeeze %dma_start3A_260 : memref<1x128xi32, #tpu.memory_space<vmem>> -> memref<128xi32, #tpu.memory_space<vmem>>
      %dma_start3A_262 = arith.constant 0 : i32
      %dma_start3A_263 = arith.constant 0 : i32
      %dma_start3A_264 = tpu.memref_slice %arg17[%dma_start3A_262, %dma_start3A_263] : memref<10112x8xf32, #tpu.memory_space<vmem_shared>> -> memref<10112x8xf32, #tpu.memory_space<vmem_shared>>
      %dma_start3A_265 = tpu.memref_slice %arg18[%dma_start3A_258] : memref<4x!tpu.dma_semaphore, #tpu.memory_space<semaphore_mem>> -> memref<1x!tpu.dma_semaphore, #tpu.memory_space<semaphore_mem>>
      %dma_start3A_266 = tpu.memref_squeeze %dma_start3A_265 : memref<1x!tpu.dma_semaphore, #tpu.memory_space<semaphore_mem>> -> memref<!tpu.dma_semaphore, #tpu.memory_space<semaphore_mem>>
      tpu.enqueue_indirect_dma source(%arg16 : memref<128x8xf32, #tpu.memory_space<vmem>>) target(%dma_start3A_264 : memref<10112x8xf32, #tpu.memory_space<vmem_shared>>) offsets(%dma_start3A_261 : memref<128xi32, #tpu.memory_space<vmem>>) semaphore(%dma_start3A_266 : memref<!tpu.dma_semaphore, #tpu.memory_space<semaphore_mem>>) {add = true}
      %add3A_267 = arith.constant 2 : i32
      %add3A_268 = arith.addi %add3A_229, %add3A_267 : i32
      %ge3A_269 = arith.constant 4 : i32
      %ge3A_270 = arith.cmpi sge, %add3A_268, %ge3A_269 : i32
      %lt3A_271 = arith.cmpi slt, %add3A_268, %select_n3A : i32
      %and3A_272 = arith.andi %ge3A_270, %lt3A_271 : i1
      %convert_element_type3A_273 = arith.extui %and3A_272 : i1 to i32
      %cond3A_274 = arith.constant 0 : i32
      %cond3A_275 = arith.cmpi ne, %convert_element_type3A_273, %cond3A_274 : i32
      scf.if %cond3A_275 {
        %sub3A_384 = arith.constant 4 : i32
        %sub3A_385 = arith.subi %add3A_268, %sub3A_384 : i32
        %dma_wait3A_386 = arith.constant 3 : i32
        %dma_wait3A_387 = arith.constant 3 : i32
        %dma_wait3A_388 = arith.constant 0 : i32
        %dma_wait3A_389 = arith.constant 0 : i32
        %dma_wait3A_390 = tpu.memref_slice %arg12[%dma_wait3A_386, %dma_wait3A_388, %dma_wait3A_389] : memref<4x128x64xf32, #tpu.memory_space<vmem>> -> memref<1x128x64xf32, #tpu.memory_space<vmem>>
        %dma_wait3A_391 = tpu.memref_squeeze %dma_wait3A_390 : memref<1x128x64xf32, #tpu.memory_space<vmem>> -> memref<128x64xf32, #tpu.memory_space<vmem>>
        %dma_wait3A_392 = arith.constant 0 : i32
        %dma_wait3A_393 = tpu.memref_slice %arg11[%sub3A_385, %dma_wait3A_392] : memref<128x128xi32, #tpu.memory_space<vmem>> -> memref<1x128xi32, #tpu.memory_space<vmem>>
        %dma_wait3A_394 = tpu.memref_squeeze %dma_wait3A_393 : memref<1x128xi32, #tpu.memory_space<vmem>> -> memref<128xi32, #tpu.memory_space<vmem>>
        %dma_wait3A_395 = arith.constant 0 : i32
        %dma_wait3A_396 = arith.constant 0 : i32
        %dma_wait3A_397 = tpu.memref_slice %arg13[%dma_wait3A_395, %dma_wait3A_396] : memref<10112x64xf32, #tpu.memory_space<vmem_shared>> -> memref<10112x64xf32, #tpu.memory_space<vmem_shared>>
        %dma_wait3A_398 = tpu.memref_slice %arg15[%dma_wait3A_387] : memref<4x!tpu.dma_semaphore, #tpu.memory_space<semaphore_mem>> -> memref<1x!tpu.dma_semaphore, #tpu.memory_space<semaphore_mem>>
        %dma_wait3A_399 = tpu.memref_squeeze %dma_wait3A_398 : memref<1x!tpu.dma_semaphore, #tpu.memory_space<semaphore_mem>> -> memref<!tpu.dma_semaphore, #tpu.memory_space<semaphore_mem>>
        tpu.wait_indirect_dma semaphore(%dma_wait3A_399 : memref<!tpu.dma_semaphore, #tpu.memory_space<semaphore_mem>>) src(%dma_wait3A_391 : memref<128x64xf32, #tpu.memory_space<vmem>>) dst(%dma_wait3A_397 : memref<10112x64xf32, #tpu.memory_space<vmem_shared>>)
        %dma_wait3A_400 = arith.constant 3 : i32
        %dma_wait3A_401 = arith.constant 0 : i32
        %dma_wait3A_402 = tpu.memref_slice %arg11[%sub3A_385, %dma_wait3A_401] : memref<128x128xi32, #tpu.memory_space<vmem>> -> memref<1x128xi32, #tpu.memory_space<vmem>>
        %dma_wait3A_403 = tpu.memref_squeeze %dma_wait3A_402 : memref<1x128xi32, #tpu.memory_space<vmem>> -> memref<128xi32, #tpu.memory_space<vmem>>
        %dma_wait3A_404 = arith.constant 0 : i32
        %dma_wait3A_405 = arith.constant 0 : i32
        %dma_wait3A_406 = tpu.memref_slice %arg17[%dma_wait3A_404, %dma_wait3A_405] : memref<10112x8xf32, #tpu.memory_space<vmem_shared>> -> memref<10112x8xf32, #tpu.memory_space<vmem_shared>>
        %dma_wait3A_407 = tpu.memref_slice %arg18[%dma_wait3A_400] : memref<4x!tpu.dma_semaphore, #tpu.memory_space<semaphore_mem>> -> memref<1x!tpu.dma_semaphore, #tpu.memory_space<semaphore_mem>>
        %dma_wait3A_408 = tpu.memref_squeeze %dma_wait3A_407 : memref<1x!tpu.dma_semaphore, #tpu.memory_space<semaphore_mem>> -> memref<!tpu.dma_semaphore, #tpu.memory_space<semaphore_mem>>
        tpu.wait_indirect_dma semaphore(%dma_wait3A_408 : memref<!tpu.dma_semaphore, #tpu.memory_space<semaphore_mem>>) src(%arg16 : memref<128x8xf32, #tpu.memory_space<vmem>>) dst(%dma_wait3A_406 : memref<10112x8xf32, #tpu.memory_space<vmem_shared>>)
      } else {
      }
      %lt3A_276 = arith.cmpi slt, %add3A_268, %select_n3A : i32
      %convert_element_type3A_277 = arith.extui %lt3A_276 : i1 to i32
      %cond3A_278 = arith.constant 0 : i32
      %cond3A_279 = arith.cmpi ne, %convert_element_type3A_277, %cond3A_278 : i32
      scf.if %cond3A_279 {
        %dma_start3A_384 = arith.constant 3 : i32
        %dma_start3A_385 = arith.constant 3 : i32
        %dma_start3A_386 = arith.constant 0 : i32
        %dma_start3A_387 = arith.constant 0 : i32
        %dma_start3A_388 = tpu.memref_slice %arg12[%dma_start3A_384, %dma_start3A_386, %dma_start3A_387] : memref<4x128x64xf32, #tpu.memory_space<vmem>> -> memref<1x128x64xf32, #tpu.memory_space<vmem>>
        %dma_start3A_389 = tpu.memref_squeeze %dma_start3A_388 : memref<1x128x64xf32, #tpu.memory_space<vmem>> -> memref<128x64xf32, #tpu.memory_space<vmem>>
        %dma_start3A_390 = arith.constant 0 : i32
        %dma_start3A_391 = tpu.memref_slice %arg10[%add3A_268, %dma_start3A_390] : memref<128x128xi32, #tpu.memory_space<vmem>> -> memref<1x128xi32, #tpu.memory_space<vmem>>
        %dma_start3A_392 = tpu.memref_squeeze %dma_start3A_391 : memref<1x128xi32, #tpu.memory_space<vmem>> -> memref<128xi32, #tpu.memory_space<vmem>>
        %dma_start3A_393 = arith.constant 0 : i32
        %dma_start3A_394 = arith.constant 0 : i32
        %dma_start3A_395 = tpu.memref_slice %arg2[%dma_start3A_393, %dma_start3A_394] : memref<10000x64xf32, #tpu.memory_space<hbm>> -> memref<10000x64xf32, #tpu.memory_space<hbm>>
        %dma_start3A_396 = tpu.memref_slice %arg14[%dma_start3A_385] : memref<4x!tpu.dma_semaphore, #tpu.memory_space<semaphore_mem>> -> memref<1x!tpu.dma_semaphore, #tpu.memory_space<semaphore_mem>>
        %dma_start3A_397 = tpu.memref_squeeze %dma_start3A_396 : memref<1x!tpu.dma_semaphore, #tpu.memory_space<semaphore_mem>> -> memref<!tpu.dma_semaphore, #tpu.memory_space<semaphore_mem>>
        tpu.enqueue_indirect_dma source(%dma_start3A_395 : memref<10000x64xf32, #tpu.memory_space<hbm>>) target(%dma_start3A_389 : memref<128x64xf32, #tpu.memory_space<vmem>>) offsets(%dma_start3A_392 : memref<128xi32, #tpu.memory_space<vmem>>) semaphore(%dma_start3A_397 : memref<!tpu.dma_semaphore, #tpu.memory_space<semaphore_mem>>)
      } else {
      }
      %add3A_280 = arith.constant 2 : i32
      %add3A_281 = arith.addi %add3A_180, %add3A_280 : i32
      %dma_wait3A_282 = arith.constant 2 : i32
      %dma_wait3A_283 = arith.constant 2 : i32
      %dma_wait3A_284 = arith.constant 0 : i32
      %dma_wait3A_285 = arith.constant 0 : i32
      %dma_wait3A_286 = tpu.memref_slice %arg12[%dma_wait3A_282, %dma_wait3A_284, %dma_wait3A_285] : memref<4x128x64xf32, #tpu.memory_space<vmem>> -> memref<1x128x64xf32, #tpu.memory_space<vmem>>
      %dma_wait3A_287 = tpu.memref_squeeze %dma_wait3A_286 : memref<1x128x64xf32, #tpu.memory_space<vmem>> -> memref<128x64xf32, #tpu.memory_space<vmem>>
      %dma_wait3A_288 = arith.constant 0 : i32
      %dma_wait3A_289 = tpu.memref_slice %arg10[%add3A_281, %dma_wait3A_288] : memref<128x128xi32, #tpu.memory_space<vmem>> -> memref<1x128xi32, #tpu.memory_space<vmem>>
      %dma_wait3A_290 = tpu.memref_squeeze %dma_wait3A_289 : memref<1x128xi32, #tpu.memory_space<vmem>> -> memref<128xi32, #tpu.memory_space<vmem>>
      %dma_wait3A_291 = arith.constant 0 : i32
      %dma_wait3A_292 = arith.constant 0 : i32
      %dma_wait3A_293 = tpu.memref_slice %arg2[%dma_wait3A_291, %dma_wait3A_292] : memref<10000x64xf32, #tpu.memory_space<hbm>> -> memref<10000x64xf32, #tpu.memory_space<hbm>>
      %dma_wait3A_294 = tpu.memref_slice %arg14[%dma_wait3A_283] : memref<4x!tpu.dma_semaphore, #tpu.memory_space<semaphore_mem>> -> memref<1x!tpu.dma_semaphore, #tpu.memory_space<semaphore_mem>>
      %dma_wait3A_295 = tpu.memref_squeeze %dma_wait3A_294 : memref<1x!tpu.dma_semaphore, #tpu.memory_space<semaphore_mem>> -> memref<!tpu.dma_semaphore, #tpu.memory_space<semaphore_mem>>
      tpu.wait_indirect_dma semaphore(%dma_wait3A_295 : memref<!tpu.dma_semaphore, #tpu.memory_space<semaphore_mem>>) src(%dma_wait3A_293 : memref<10000x64xf32, #tpu.memory_space<hbm>>) dst(%dma_wait3A_287 : memref<128x64xf32, #tpu.memory_space<vmem>>)
      %dma_start3A_296 = arith.constant 2 : i32
      %dma_start3A_297 = arith.constant 2 : i32
      %dma_start3A_298 = arith.constant 0 : i32
      %dma_start3A_299 = arith.constant 0 : i32
      %dma_start3A_300 = tpu.memref_slice %arg12[%dma_start3A_296, %dma_start3A_298, %dma_start3A_299] : memref<4x128x64xf32, #tpu.memory_space<vmem>> -> memref<1x128x64xf32, #tpu.memory_space<vmem>>
      %dma_start3A_301 = tpu.memref_squeeze %dma_start3A_300 : memref<1x128x64xf32, #tpu.memory_space<vmem>> -> memref<128x64xf32, #tpu.memory_space<vmem>>
      %dma_start3A_302 = arith.constant 0 : i32
      %dma_start3A_303 = tpu.memref_slice %arg11[%add3A_281, %dma_start3A_302] : memref<128x128xi32, #tpu.memory_space<vmem>> -> memref<1x128xi32, #tpu.memory_space<vmem>>
      %dma_start3A_304 = tpu.memref_squeeze %dma_start3A_303 : memref<1x128xi32, #tpu.memory_space<vmem>> -> memref<128xi32, #tpu.memory_space<vmem>>
      %dma_start3A_305 = arith.constant 0 : i32
      %dma_start3A_306 = arith.constant 0 : i32
      %dma_start3A_307 = tpu.memref_slice %arg13[%dma_start3A_305, %dma_start3A_306] : memref<10112x64xf32, #tpu.memory_space<vmem_shared>> -> memref<10112x64xf32, #tpu.memory_space<vmem_shared>>
      %dma_start3A_308 = tpu.memref_slice %arg15[%dma_start3A_297] : memref<4x!tpu.dma_semaphore, #tpu.memory_space<semaphore_mem>> -> memref<1x!tpu.dma_semaphore, #tpu.memory_space<semaphore_mem>>
      %dma_start3A_309 = tpu.memref_squeeze %dma_start3A_308 : memref<1x!tpu.dma_semaphore, #tpu.memory_space<semaphore_mem>> -> memref<!tpu.dma_semaphore, #tpu.memory_space<semaphore_mem>>
      tpu.enqueue_indirect_dma source(%dma_start3A_301 : memref<128x64xf32, #tpu.memory_space<vmem>>) target(%dma_start3A_307 : memref<10112x64xf32, #tpu.memory_space<vmem_shared>>) offsets(%dma_start3A_304 : memref<128xi32, #tpu.memory_space<vmem>>) semaphore(%dma_start3A_309 : memref<!tpu.dma_semaphore, #tpu.memory_space<semaphore_mem>>) {add = true}
      %dma_start3A_310 = arith.constant 2 : i32
      %dma_start3A_311 = arith.constant 0 : i32
      %dma_start3A_312 = tpu.memref_slice %arg11[%add3A_281, %dma_start3A_311] : memref<128x128xi32, #tpu.memory_space<vmem>> -> memref<1x128xi32, #tpu.memory_space<vmem>>
      %dma_start3A_313 = tpu.memref_squeeze %dma_start3A_312 : memref<1x128xi32, #tpu.memory_space<vmem>> -> memref<128xi32, #tpu.memory_space<vmem>>
      %dma_start3A_314 = arith.constant 0 : i32
      %dma_start3A_315 = arith.constant 0 : i32
      %dma_start3A_316 = tpu.memref_slice %arg17[%dma_start3A_314, %dma_start3A_315] : memref<10112x8xf32, #tpu.memory_space<vmem_shared>> -> memref<10112x8xf32, #tpu.memory_space<vmem_shared>>
      %dma_start3A_317 = tpu.memref_slice %arg18[%dma_start3A_310] : memref<4x!tpu.dma_semaphore, #tpu.memory_space<semaphore_mem>> -> memref<1x!tpu.dma_semaphore, #tpu.memory_space<semaphore_mem>>
      %dma_start3A_318 = tpu.memref_squeeze %dma_start3A_317 : memref<1x!tpu.dma_semaphore, #tpu.memory_space<semaphore_mem>> -> memref<!tpu.dma_semaphore, #tpu.memory_space<semaphore_mem>>
      tpu.enqueue_indirect_dma source(%arg16 : memref<128x8xf32, #tpu.memory_space<vmem>>) target(%dma_start3A_316 : memref<10112x8xf32, #tpu.memory_space<vmem_shared>>) offsets(%dma_start3A_313 : memref<128xi32, #tpu.memory_space<vmem>>) semaphore(%dma_start3A_318 : memref<!tpu.dma_semaphore, #tpu.memory_space<semaphore_mem>>) {add = true}
      %add3A_319 = arith.constant 2 : i32
      %add3A_320 = arith.addi %add3A_281, %add3A_319 : i32
      %ge3A_321 = arith.constant 4 : i32
      %ge3A_322 = arith.cmpi sge, %add3A_320, %ge3A_321 : i32
      %lt3A_323 = arith.cmpi slt, %add3A_320, %select_n3A : i32
      %and3A_324 = arith.andi %ge3A_322, %lt3A_323 : i1
      %convert_element_type3A_325 = arith.extui %and3A_324 : i1 to i32
      %cond3A_326 = arith.constant 0 : i32
      %cond3A_327 = arith.cmpi ne, %convert_element_type3A_325, %cond3A_326 : i32
      scf.if %cond3A_327 {
        %sub3A_384 = arith.constant 4 : i32
        %sub3A_385 = arith.subi %add3A_320, %sub3A_384 : i32
        %dma_wait3A_386 = arith.constant 0 : i32
        %dma_wait3A_387 = arith.constant 0 : i32
        %dma_wait3A_388 = arith.constant 0 : i32
        %dma_wait3A_389 = arith.constant 0 : i32
        %dma_wait3A_390 = tpu.memref_slice %arg12[%dma_wait3A_386, %dma_wait3A_388, %dma_wait3A_389] : memref<4x128x64xf32, #tpu.memory_space<vmem>> -> memref<1x128x64xf32, #tpu.memory_space<vmem>>
        %dma_wait3A_391 = tpu.memref_squeeze %dma_wait3A_390 : memref<1x128x64xf32, #tpu.memory_space<vmem>> -> memref<128x64xf32, #tpu.memory_space<vmem>>
        %dma_wait3A_392 = arith.constant 0 : i32
        %dma_wait3A_393 = tpu.memref_slice %arg11[%sub3A_385, %dma_wait3A_392] : memref<128x128xi32, #tpu.memory_space<vmem>> -> memref<1x128xi32, #tpu.memory_space<vmem>>
        %dma_wait3A_394 = tpu.memref_squeeze %dma_wait3A_393 : memref<1x128xi32, #tpu.memory_space<vmem>> -> memref<128xi32, #tpu.memory_space<vmem>>
        %dma_wait3A_395 = arith.constant 0 : i32
        %dma_wait3A_396 = arith.constant 0 : i32
        %dma_wait3A_397 = tpu.memref_slice %arg13[%dma_wait3A_395, %dma_wait3A_396] : memref<10112x64xf32, #tpu.memory_space<vmem_shared>> -> memref<10112x64xf32, #tpu.memory_space<vmem_shared>>
        %dma_wait3A_398 = tpu.memref_slice %arg15[%dma_wait3A_387] : memref<4x!tpu.dma_semaphore, #tpu.memory_space<semaphore_mem>> -> memref<1x!tpu.dma_semaphore, #tpu.memory_space<semaphore_mem>>
        %dma_wait3A_399 = tpu.memref_squeeze %dma_wait3A_398 : memref<1x!tpu.dma_semaphore, #tpu.memory_space<semaphore_mem>> -> memref<!tpu.dma_semaphore, #tpu.memory_space<semaphore_mem>>
        tpu.wait_indirect_dma semaphore(%dma_wait3A_399 : memref<!tpu.dma_semaphore, #tpu.memory_space<semaphore_mem>>) src(%dma_wait3A_391 : memref<128x64xf32, #tpu.memory_space<vmem>>) dst(%dma_wait3A_397 : memref<10112x64xf32, #tpu.memory_space<vmem_shared>>)
        %dma_wait3A_400 = arith.constant 0 : i32
        %dma_wait3A_401 = arith.constant 0 : i32
        %dma_wait3A_402 = tpu.memref_slice %arg11[%sub3A_385, %dma_wait3A_401] : memref<128x128xi32, #tpu.memory_space<vmem>> -> memref<1x128xi32, #tpu.memory_space<vmem>>
        %dma_wait3A_403 = tpu.memref_squeeze %dma_wait3A_402 : memref<1x128xi32, #tpu.memory_space<vmem>> -> memref<128xi32, #tpu.memory_space<vmem>>
        %dma_wait3A_404 = arith.constant 0 : i32
        %dma_wait3A_405 = arith.constant 0 : i32
        %dma_wait3A_406 = tpu.memref_slice %arg17[%dma_wait3A_404, %dma_wait3A_405] : memref<10112x8xf32, #tpu.memory_space<vmem_shared>> -> memref<10112x8xf32, #tpu.memory_space<vmem_shared>>
        %dma_wait3A_407 = tpu.memref_slice %arg18[%dma_wait3A_400] : memref<4x!tpu.dma_semaphore, #tpu.memory_space<semaphore_mem>> -> memref<1x!tpu.dma_semaphore, #tpu.memory_space<semaphore_mem>>
        %dma_wait3A_408 = tpu.memref_squeeze %dma_wait3A_407 : memref<1x!tpu.dma_semaphore, #tpu.memory_space<semaphore_mem>> -> memref<!tpu.dma_semaphore, #tpu.memory_space<semaphore_mem>>
        tpu.wait_indirect_dma semaphore(%dma_wait3A_408 : memref<!tpu.dma_semaphore, #tpu.memory_space<semaphore_mem>>) src(%arg16 : memref<128x8xf32, #tpu.memory_space<vmem>>) dst(%dma_wait3A_406 : memref<10112x8xf32, #tpu.memory_space<vmem_shared>>)
      } else {
      }
      %lt3A_328 = arith.cmpi slt, %add3A_320, %select_n3A : i32
      %convert_element_type3A_329 = arith.extui %lt3A_328 : i1 to i32
      %cond3A_330 = arith.constant 0 : i32
      %cond3A_331 = arith.cmpi ne, %convert_element_type3A_329, %cond3A_330 : i32
      scf.if %cond3A_331 {
        %dma_start3A_384 = arith.constant 0 : i32
        %dma_start3A_385 = arith.constant 0 : i32
        %dma_start3A_386 = arith.constant 0 : i32
        %dma_start3A_387 = arith.constant 0 : i32
        %dma_start3A_388 = tpu.memref_slice %arg12[%dma_start3A_384, %dma_start3A_386, %dma_start3A_387] : memref<4x128x64xf32, #tpu.memory_space<vmem>> -> memref<1x128x64xf32, #tpu.memory_space<vmem>>
        %dma_start3A_389 = tpu.memref_squeeze %dma_start3A_388 : memref<1x128x64xf32, #tpu.memory_space<vmem>> -> memref<128x64xf32, #tpu.memory_space<vmem>>
        %dma_start3A_390 = arith.constant 0 : i32
        %dma_start3A_391 = tpu.memref_slice %arg10[%add3A_320, %dma_start3A_390] : memref<128x128xi32, #tpu.memory_space<vmem>> -> memref<1x128xi32, #tpu.memory_space<vmem>>
        %dma_start3A_392 = tpu.memref_squeeze %dma_start3A_391 : memref<1x128xi32, #tpu.memory_space<vmem>> -> memref<128xi32, #tpu.memory_space<vmem>>
        %dma_start3A_393 = arith.constant 0 : i32
        %dma_start3A_394 = arith.constant 0 : i32
        %dma_start3A_395 = tpu.memref_slice %arg2[%dma_start3A_393, %dma_start3A_394] : memref<10000x64xf32, #tpu.memory_space<hbm>> -> memref<10000x64xf32, #tpu.memory_space<hbm>>
        %dma_start3A_396 = tpu.memref_slice %arg14[%dma_start3A_385] : memref<4x!tpu.dma_semaphore, #tpu.memory_space<semaphore_mem>> -> memref<1x!tpu.dma_semaphore, #tpu.memory_space<semaphore_mem>>
        %dma_start3A_397 = tpu.memref_squeeze %dma_start3A_396 : memref<1x!tpu.dma_semaphore, #tpu.memory_space<semaphore_mem>> -> memref<!tpu.dma_semaphore, #tpu.memory_space<semaphore_mem>>
        tpu.enqueue_indirect_dma source(%dma_start3A_395 : memref<10000x64xf32, #tpu.memory_space<hbm>>) target(%dma_start3A_389 : memref<128x64xf32, #tpu.memory_space<vmem>>) offsets(%dma_start3A_392 : memref<128xi32, #tpu.memory_space<vmem>>) semaphore(%dma_start3A_397 : memref<!tpu.dma_semaphore, #tpu.memory_space<semaphore_mem>>)
      } else {
      }
      %add3A_332 = arith.constant 3 : i32
      %add3A_333 = arith.addi %add3A_180, %add3A_332 : i32
      %dma_wait3A_334 = arith.constant 3 : i32
      %dma_wait3A_335 = arith.constant 3 : i32
      %dma_wait3A_336 = arith.constant 0 : i32
      %dma_wait3A_337 = arith.constant 0 : i32
      %dma_wait3A_338 = tpu.memref_slice %arg12[%dma_wait3A_334, %dma_wait3A_336, %dma_wait3A_337] : memref<4x128x64xf32, #tpu.memory_space<vmem>> -> memref<1x128x64xf32, #tpu.memory_space<vmem>>
      %dma_wait3A_339 = tpu.memref_squeeze %dma_wait3A_338 : memref<1x128x64xf32, #tpu.memory_space<vmem>> -> memref<128x64xf32, #tpu.memory_space<vmem>>
      %dma_wait3A_340 = arith.constant 0 : i32
      %dma_wait3A_341 = tpu.memref_slice %arg10[%add3A_333, %dma_wait3A_340] : memref<128x128xi32, #tpu.memory_space<vmem>> -> memref<1x128xi32, #tpu.memory_space<vmem>>
      %dma_wait3A_342 = tpu.memref_squeeze %dma_wait3A_341 : memref<1x128xi32, #tpu.memory_space<vmem>> -> memref<128xi32, #tpu.memory_space<vmem>>
      %dma_wait3A_343 = arith.constant 0 : i32
      %dma_wait3A_344 = arith.constant 0 : i32
      %dma_wait3A_345 = tpu.memref_slice %arg2[%dma_wait3A_343, %dma_wait3A_344] : memref<10000x64xf32, #tpu.memory_space<hbm>> -> memref<10000x64xf32, #tpu.memory_space<hbm>>
      %dma_wait3A_346 = tpu.memref_slice %arg14[%dma_wait3A_335] : memref<4x!tpu.dma_semaphore, #tpu.memory_space<semaphore_mem>> -> memref<1x!tpu.dma_semaphore, #tpu.memory_space<semaphore_mem>>
      %dma_wait3A_347 = tpu.memref_squeeze %dma_wait3A_346 : memref<1x!tpu.dma_semaphore, #tpu.memory_space<semaphore_mem>> -> memref<!tpu.dma_semaphore, #tpu.memory_space<semaphore_mem>>
      tpu.wait_indirect_dma semaphore(%dma_wait3A_347 : memref<!tpu.dma_semaphore, #tpu.memory_space<semaphore_mem>>) src(%dma_wait3A_345 : memref<10000x64xf32, #tpu.memory_space<hbm>>) dst(%dma_wait3A_339 : memref<128x64xf32, #tpu.memory_space<vmem>>)
      %dma_start3A_348 = arith.constant 3 : i32
      %dma_start3A_349 = arith.constant 3 : i32
      %dma_start3A_350 = arith.constant 0 : i32
      %dma_start3A_351 = arith.constant 0 : i32
      %dma_start3A_352 = tpu.memref_slice %arg12[%dma_start3A_348, %dma_start3A_350, %dma_start3A_351] : memref<4x128x64xf32, #tpu.memory_space<vmem>> -> memref<1x128x64xf32, #tpu.memory_space<vmem>>
      %dma_start3A_353 = tpu.memref_squeeze %dma_start3A_352 : memref<1x128x64xf32, #tpu.memory_space<vmem>> -> memref<128x64xf32, #tpu.memory_space<vmem>>
      %dma_start3A_354 = arith.constant 0 : i32
      %dma_start3A_355 = tpu.memref_slice %arg11[%add3A_333, %dma_start3A_354] : memref<128x128xi32, #tpu.memory_space<vmem>> -> memref<1x128xi32, #tpu.memory_space<vmem>>
      %dma_start3A_356 = tpu.memref_squeeze %dma_start3A_355 : memref<1x128xi32, #tpu.memory_space<vmem>> -> memref<128xi32, #tpu.memory_space<vmem>>
      %dma_start3A_357 = arith.constant 0 : i32
      %dma_start3A_358 = arith.constant 0 : i32
      %dma_start3A_359 = tpu.memref_slice %arg13[%dma_start3A_357, %dma_start3A_358] : memref<10112x64xf32, #tpu.memory_space<vmem_shared>> -> memref<10112x64xf32, #tpu.memory_space<vmem_shared>>
      %dma_start3A_360 = tpu.memref_slice %arg15[%dma_start3A_349] : memref<4x!tpu.dma_semaphore, #tpu.memory_space<semaphore_mem>> -> memref<1x!tpu.dma_semaphore, #tpu.memory_space<semaphore_mem>>
      %dma_start3A_361 = tpu.memref_squeeze %dma_start3A_360 : memref<1x!tpu.dma_semaphore, #tpu.memory_space<semaphore_mem>> -> memref<!tpu.dma_semaphore, #tpu.memory_space<semaphore_mem>>
      tpu.enqueue_indirect_dma source(%dma_start3A_353 : memref<128x64xf32, #tpu.memory_space<vmem>>) target(%dma_start3A_359 : memref<10112x64xf32, #tpu.memory_space<vmem_shared>>) offsets(%dma_start3A_356 : memref<128xi32, #tpu.memory_space<vmem>>) semaphore(%dma_start3A_361 : memref<!tpu.dma_semaphore, #tpu.memory_space<semaphore_mem>>) {add = true}
      %dma_start3A_362 = arith.constant 3 : i32
      %dma_start3A_363 = arith.constant 0 : i32
      %dma_start3A_364 = tpu.memref_slice %arg11[%add3A_333, %dma_start3A_363] : memref<128x128xi32, #tpu.memory_space<vmem>> -> memref<1x128xi32, #tpu.memory_space<vmem>>
      %dma_start3A_365 = tpu.memref_squeeze %dma_start3A_364 : memref<1x128xi32, #tpu.memory_space<vmem>> -> memref<128xi32, #tpu.memory_space<vmem>>
      %dma_start3A_366 = arith.constant 0 : i32
      %dma_start3A_367 = arith.constant 0 : i32
      %dma_start3A_368 = tpu.memref_slice %arg17[%dma_start3A_366, %dma_start3A_367] : memref<10112x8xf32, #tpu.memory_space<vmem_shared>> -> memref<10112x8xf32, #tpu.memory_space<vmem_shared>>
      %dma_start3A_369 = tpu.memref_slice %arg18[%dma_start3A_362] : memref<4x!tpu.dma_semaphore, #tpu.memory_space<semaphore_mem>> -> memref<1x!tpu.dma_semaphore, #tpu.memory_space<semaphore_mem>>
      %dma_start3A_370 = tpu.memref_squeeze %dma_start3A_369 : memref<1x!tpu.dma_semaphore, #tpu.memory_space<semaphore_mem>> -> memref<!tpu.dma_semaphore, #tpu.memory_space<semaphore_mem>>
      tpu.enqueue_indirect_dma source(%arg16 : memref<128x8xf32, #tpu.memory_space<vmem>>) target(%dma_start3A_368 : memref<10112x8xf32, #tpu.memory_space<vmem_shared>>) offsets(%dma_start3A_365 : memref<128xi32, #tpu.memory_space<vmem>>) semaphore(%dma_start3A_370 : memref<!tpu.dma_semaphore, #tpu.memory_space<semaphore_mem>>) {add = true}
      %add3A_371 = arith.constant 2 : i32
      %add3A_372 = arith.addi %add3A_333, %add3A_371 : i32
      %ge3A_373 = arith.constant 4 : i32
      %ge3A_374 = arith.cmpi sge, %add3A_372, %ge3A_373 : i32
      %lt3A_375 = arith.cmpi slt, %add3A_372, %select_n3A : i32
      %and3A_376 = arith.andi %ge3A_374, %lt3A_375 : i1
      %convert_element_type3A_377 = arith.extui %and3A_376 : i1 to i32
      %cond3A_378 = arith.constant 0 : i32
      %cond3A_379 = arith.cmpi ne, %convert_element_type3A_377, %cond3A_378 : i32
      scf.if %cond3A_379 {
        %sub3A_384 = arith.constant 4 : i32
        %sub3A_385 = arith.subi %add3A_372, %sub3A_384 : i32
        %dma_wait3A_386 = arith.constant 1 : i32
        %dma_wait3A_387 = arith.constant 1 : i32
        %dma_wait3A_388 = arith.constant 0 : i32
        %dma_wait3A_389 = arith.constant 0 : i32
        %dma_wait3A_390 = tpu.memref_slice %arg12[%dma_wait3A_386, %dma_wait3A_388, %dma_wait3A_389] : memref<4x128x64xf32, #tpu.memory_space<vmem>> -> memref<1x128x64xf32, #tpu.memory_space<vmem>>
        %dma_wait3A_391 = tpu.memref_squeeze %dma_wait3A_390 : memref<1x128x64xf32, #tpu.memory_space<vmem>> -> memref<128x64xf32, #tpu.memory_space<vmem>>
        %dma_wait3A_392 = arith.constant 0 : i32
        %dma_wait3A_393 = tpu.memref_slice %arg11[%sub3A_385, %dma_wait3A_392] : memref<128x128xi32, #tpu.memory_space<vmem>> -> memref<1x128xi32, #tpu.memory_space<vmem>>
        %dma_wait3A_394 = tpu.memref_squeeze %dma_wait3A_393 : memref<1x128xi32, #tpu.memory_space<vmem>> -> memref<128xi32, #tpu.memory_space<vmem>>
        %dma_wait3A_395 = arith.constant 0 : i32
        %dma_wait3A_396 = arith.constant 0 : i32
        %dma_wait3A_397 = tpu.memref_slice %arg13[%dma_wait3A_395, %dma_wait3A_396] : memref<10112x64xf32, #tpu.memory_space<vmem_shared>> -> memref<10112x64xf32, #tpu.memory_space<vmem_shared>>
        %dma_wait3A_398 = tpu.memref_slice %arg15[%dma_wait3A_387] : memref<4x!tpu.dma_semaphore, #tpu.memory_space<semaphore_mem>> -> memref<1x!tpu.dma_semaphore, #tpu.memory_space<semaphore_mem>>
        %dma_wait3A_399 = tpu.memref_squeeze %dma_wait3A_398 : memref<1x!tpu.dma_semaphore, #tpu.memory_space<semaphore_mem>> -> memref<!tpu.dma_semaphore, #tpu.memory_space<semaphore_mem>>
        tpu.wait_indirect_dma semaphore(%dma_wait3A_399 : memref<!tpu.dma_semaphore, #tpu.memory_space<semaphore_mem>>) src(%dma_wait3A_391 : memref<128x64xf32, #tpu.memory_space<vmem>>) dst(%dma_wait3A_397 : memref<10112x64xf32, #tpu.memory_space<vmem_shared>>)
        %dma_wait3A_400 = arith.constant 1 : i32
        %dma_wait3A_401 = arith.constant 0 : i32
        %dma_wait3A_402 = tpu.memref_slice %arg11[%sub3A_385, %dma_wait3A_401] : memref<128x128xi32, #tpu.memory_space<vmem>> -> memref<1x128xi32, #tpu.memory_space<vmem>>
        %dma_wait3A_403 = tpu.memref_squeeze %dma_wait3A_402 : memref<1x128xi32, #tpu.memory_space<vmem>> -> memref<128xi32, #tpu.memory_space<vmem>>
        %dma_wait3A_404 = arith.constant 0 : i32
        %dma_wait3A_405 = arith.constant 0 : i32
        %dma_wait3A_406 = tpu.memref_slice %arg17[%dma_wait3A_404, %dma_wait3A_405] : memref<10112x8xf32, #tpu.memory_space<vmem_shared>> -> memref<10112x8xf32, #tpu.memory_space<vmem_shared>>
        %dma_wait3A_407 = tpu.memref_slice %arg18[%dma_wait3A_400] : memref<4x!tpu.dma_semaphore, #tpu.memory_space<semaphore_mem>> -> memref<1x!tpu.dma_semaphore, #tpu.memory_space<semaphore_mem>>
        %dma_wait3A_408 = tpu.memref_squeeze %dma_wait3A_407 : memref<1x!tpu.dma_semaphore, #tpu.memory_space<semaphore_mem>> -> memref<!tpu.dma_semaphore, #tpu.memory_space<semaphore_mem>>
        tpu.wait_indirect_dma semaphore(%dma_wait3A_408 : memref<!tpu.dma_semaphore, #tpu.memory_space<semaphore_mem>>) src(%arg16 : memref<128x8xf32, #tpu.memory_space<vmem>>) dst(%dma_wait3A_406 : memref<10112x8xf32, #tpu.memory_space<vmem_shared>>)
      } else {
      }
      %lt3A_380 = arith.cmpi slt, %add3A_372, %select_n3A : i32
      %convert_element_type3A_381 = arith.extui %lt3A_380 : i1 to i32
      %cond3A_382 = arith.constant 0 : i32
      %cond3A_383 = arith.cmpi ne, %convert_element_type3A_381, %cond3A_382 : i32
      scf.if %cond3A_383 {
        %dma_start3A_384 = arith.constant 1 : i32
        %dma_start3A_385 = arith.constant 1 : i32
        %dma_start3A_386 = arith.constant 0 : i32
        %dma_start3A_387 = arith.constant 0 : i32
        %dma_start3A_388 = tpu.memref_slice %arg12[%dma_start3A_384, %dma_start3A_386, %dma_start3A_387] : memref<4x128x64xf32, #tpu.memory_space<vmem>> -> memref<1x128x64xf32, #tpu.memory_space<vmem>>
        %dma_start3A_389 = tpu.memref_squeeze %dma_start3A_388 : memref<1x128x64xf32, #tpu.memory_space<vmem>> -> memref<128x64xf32, #tpu.memory_space<vmem>>
        %dma_start3A_390 = arith.constant 0 : i32
        %dma_start3A_391 = tpu.memref_slice %arg10[%add3A_372, %dma_start3A_390] : memref<128x128xi32, #tpu.memory_space<vmem>> -> memref<1x128xi32, #tpu.memory_space<vmem>>
        %dma_start3A_392 = tpu.memref_squeeze %dma_start3A_391 : memref<1x128xi32, #tpu.memory_space<vmem>> -> memref<128xi32, #tpu.memory_space<vmem>>
        %dma_start3A_393 = arith.constant 0 : i32
        %dma_start3A_394 = arith.constant 0 : i32
        %dma_start3A_395 = tpu.memref_slice %arg2[%dma_start3A_393, %dma_start3A_394] : memref<10000x64xf32, #tpu.memory_space<hbm>> -> memref<10000x64xf32, #tpu.memory_space<hbm>>
        %dma_start3A_396 = tpu.memref_slice %arg14[%dma_start3A_385] : memref<4x!tpu.dma_semaphore, #tpu.memory_space<semaphore_mem>> -> memref<1x!tpu.dma_semaphore, #tpu.memory_space<semaphore_mem>>
        %dma_start3A_397 = tpu.memref_squeeze %dma_start3A_396 : memref<1x!tpu.dma_semaphore, #tpu.memory_space<semaphore_mem>> -> memref<!tpu.dma_semaphore, #tpu.memory_space<semaphore_mem>>
        tpu.enqueue_indirect_dma source(%dma_start3A_395 : memref<10000x64xf32, #tpu.memory_space<hbm>>) target(%dma_start3A_389 : memref<128x64xf32, #tpu.memory_space<vmem>>) offsets(%dma_start3A_392 : memref<128xi32, #tpu.memory_space<vmem>>) semaphore(%dma_start3A_397 : memref<!tpu.dma_semaphore, #tpu.memory_space<semaphore_mem>>)
      } else {
      }
    }
    %sub3A_62 = arith.constant 4 : i32
    %sub3A_63 = arith.subi %select_n3A, %sub3A_62 : i32
    %add3A_64 = arith.constant 0 : i32
    %add3A_65 = arith.addi %sub3A_63, %add3A_64 : i32
    %dma_wait3A = arith.constant 0 : i32
    %dma_wait3A_66 = arith.constant 0 : i32
    %dma_wait3A_67 = arith.constant 0 : i32
    %dma_wait3A_68 = arith.constant 0 : i32
    %dma_wait3A_69 = tpu.memref_slice %arg12[%dma_wait3A, %dma_wait3A_67, %dma_wait3A_68] : memref<4x128x64xf32, #tpu.memory_space<vmem>> -> memref<1x128x64xf32, #tpu.memory_space<vmem>>
    %dma_wait3A_70 = tpu.memref_squeeze %dma_wait3A_69 : memref<1x128x64xf32, #tpu.memory_space<vmem>> -> memref<128x64xf32, #tpu.memory_space<vmem>>
    %dma_wait3A_71 = arith.constant 0 : i32
    %dma_wait3A_72 = tpu.memref_slice %arg11[%add3A_65, %dma_wait3A_71] : memref<128x128xi32, #tpu.memory_space<vmem>> -> memref<1x128xi32, #tpu.memory_space<vmem>>
    %dma_wait3A_73 = tpu.memref_squeeze %dma_wait3A_72 : memref<1x128xi32, #tpu.memory_space<vmem>> -> memref<128xi32, #tpu.memory_space<vmem>>
    %dma_wait3A_74 = arith.constant 0 : i32
    %dma_wait3A_75 = arith.constant 0 : i32
    %dma_wait3A_76 = tpu.memref_slice %arg13[%dma_wait3A_74, %dma_wait3A_75] : memref<10112x64xf32, #tpu.memory_space<vmem_shared>> -> memref<10112x64xf32, #tpu.memory_space<vmem_shared>>
    %dma_wait3A_77 = tpu.memref_slice %arg15[%dma_wait3A_66] : memref<4x!tpu.dma_semaphore, #tpu.memory_space<semaphore_mem>> -> memref<1x!tpu.dma_semaphore, #tpu.memory_space<semaphore_mem>>
    %dma_wait3A_78 = tpu.memref_squeeze %dma_wait3A_77 : memref<1x!tpu.dma_semaphore, #tpu.memory_space<semaphore_mem>> -> memref<!tpu.dma_semaphore, #tpu.memory_space<semaphore_mem>>
    tpu.wait_indirect_dma semaphore(%dma_wait3A_78 : memref<!tpu.dma_semaphore, #tpu.memory_space<semaphore_mem>>) src(%dma_wait3A_70 : memref<128x64xf32, #tpu.memory_space<vmem>>) dst(%dma_wait3A_76 : memref<10112x64xf32, #tpu.memory_space<vmem_shared>>)
    %dma_wait3A_79 = arith.constant 0 : i32
    %dma_wait3A_80 = arith.constant 0 : i32
    %dma_wait3A_81 = tpu.memref_slice %arg11[%add3A_65, %dma_wait3A_80] : memref<128x128xi32, #tpu.memory_space<vmem>> -> memref<1x128xi32, #tpu.memory_space<vmem>>
    %dma_wait3A_82 = tpu.memref_squeeze %dma_wait3A_81 : memref<1x128xi32, #tpu.memory_space<vmem>> -> memref<128xi32, #tpu.memory_space<vmem>>
    %dma_wait3A_83 = arith.constant 0 : i32
    %dma_wait3A_84 = arith.constant 0 : i32
    %dma_wait3A_85 = tpu.memref_slice %arg17[%dma_wait3A_83, %dma_wait3A_84] : memref<10112x8xf32, #tpu.memory_space<vmem_shared>> -> memref<10112x8xf32, #tpu.memory_space<vmem_shared>>
    %dma_wait3A_86 = tpu.memref_slice %arg18[%dma_wait3A_79] : memref<4x!tpu.dma_semaphore, #tpu.memory_space<semaphore_mem>> -> memref<1x!tpu.dma_semaphore, #tpu.memory_space<semaphore_mem>>
    %dma_wait3A_87 = tpu.memref_squeeze %dma_wait3A_86 : memref<1x!tpu.dma_semaphore, #tpu.memory_space<semaphore_mem>> -> memref<!tpu.dma_semaphore, #tpu.memory_space<semaphore_mem>>
    tpu.wait_indirect_dma semaphore(%dma_wait3A_87 : memref<!tpu.dma_semaphore, #tpu.memory_space<semaphore_mem>>) src(%arg16 : memref<128x8xf32, #tpu.memory_space<vmem>>) dst(%dma_wait3A_85 : memref<10112x8xf32, #tpu.memory_space<vmem_shared>>)
    %sub3A_88 = arith.constant 4 : i32
    %sub3A_89 = arith.subi %select_n3A, %sub3A_88 : i32
    %add3A_90 = arith.constant 1 : i32
    %add3A_91 = arith.addi %sub3A_89, %add3A_90 : i32
    %dma_wait3A_92 = arith.constant 1 : i32
    %dma_wait3A_93 = arith.constant 1 : i32
    %dma_wait3A_94 = arith.constant 0 : i32
    %dma_wait3A_95 = arith.constant 0 : i32
    %dma_wait3A_96 = tpu.memref_slice %arg12[%dma_wait3A_92, %dma_wait3A_94, %dma_wait3A_95] : memref<4x128x64xf32, #tpu.memory_space<vmem>> -> memref<1x128x64xf32, #tpu.memory_space<vmem>>
    %dma_wait3A_97 = tpu.memref_squeeze %dma_wait3A_96 : memref<1x128x64xf32, #tpu.memory_space<vmem>> -> memref<128x64xf32, #tpu.memory_space<vmem>>
    %dma_wait3A_98 = arith.constant 0 : i32
    %dma_wait3A_99 = tpu.memref_slice %arg11[%add3A_91, %dma_wait3A_98] : memref<128x128xi32, #tpu.memory_space<vmem>> -> memref<1x128xi32, #tpu.memory_space<vmem>>
    %dma_wait3A_100 = tpu.memref_squeeze %dma_wait3A_99 : memref<1x128xi32, #tpu.memory_space<vmem>> -> memref<128xi32, #tpu.memory_space<vmem>>
    %dma_wait3A_101 = arith.constant 0 : i32
    %dma_wait3A_102 = arith.constant 0 : i32
    %dma_wait3A_103 = tpu.memref_slice %arg13[%dma_wait3A_101, %dma_wait3A_102] : memref<10112x64xf32, #tpu.memory_space<vmem_shared>> -> memref<10112x64xf32, #tpu.memory_space<vmem_shared>>
    %dma_wait3A_104 = tpu.memref_slice %arg15[%dma_wait3A_93] : memref<4x!tpu.dma_semaphore, #tpu.memory_space<semaphore_mem>> -> memref<1x!tpu.dma_semaphore, #tpu.memory_space<semaphore_mem>>
    %dma_wait3A_105 = tpu.memref_squeeze %dma_wait3A_104 : memref<1x!tpu.dma_semaphore, #tpu.memory_space<semaphore_mem>> -> memref<!tpu.dma_semaphore, #tpu.memory_space<semaphore_mem>>
    tpu.wait_indirect_dma semaphore(%dma_wait3A_105 : memref<!tpu.dma_semaphore, #tpu.memory_space<semaphore_mem>>) src(%dma_wait3A_97 : memref<128x64xf32, #tpu.memory_space<vmem>>) dst(%dma_wait3A_103 : memref<10112x64xf32, #tpu.memory_space<vmem_shared>>)
    %dma_wait3A_106 = arith.constant 1 : i32
    %dma_wait3A_107 = arith.constant 0 : i32
    %dma_wait3A_108 = tpu.memref_slice %arg11[%add3A_91, %dma_wait3A_107] : memref<128x128xi32, #tpu.memory_space<vmem>> -> memref<1x128xi32, #tpu.memory_space<vmem>>
    %dma_wait3A_109 = tpu.memref_squeeze %dma_wait3A_108 : memref<1x128xi32, #tpu.memory_space<vmem>> -> memref<128xi32, #tpu.memory_space<vmem>>
    %dma_wait3A_110 = arith.constant 0 : i32
    %dma_wait3A_111 = arith.constant 0 : i32
    %dma_wait3A_112 = tpu.memref_slice %arg17[%dma_wait3A_110, %dma_wait3A_111] : memref<10112x8xf32, #tpu.memory_space<vmem_shared>> -> memref<10112x8xf32, #tpu.memory_space<vmem_shared>>
    %dma_wait3A_113 = tpu.memref_slice %arg18[%dma_wait3A_106] : memref<4x!tpu.dma_semaphore, #tpu.memory_space<semaphore_mem>> -> memref<1x!tpu.dma_semaphore, #tpu.memory_space<semaphore_mem>>
    %dma_wait3A_114 = tpu.memref_squeeze %dma_wait3A_113 : memref<1x!tpu.dma_semaphore, #tpu.memory_space<semaphore_mem>> -> memref<!tpu.dma_semaphore, #tpu.memory_space<semaphore_mem>>
    tpu.wait_indirect_dma semaphore(%dma_wait3A_114 : memref<!tpu.dma_semaphore, #tpu.memory_space<semaphore_mem>>) src(%arg16 : memref<128x8xf32, #tpu.memory_space<vmem>>) dst(%dma_wait3A_112 : memref<10112x8xf32, #tpu.memory_space<vmem_shared>>)
    %sub3A_115 = arith.constant 4 : i32
    %sub3A_116 = arith.subi %select_n3A, %sub3A_115 : i32
    %add3A_117 = arith.constant 2 : i32
    %add3A_118 = arith.addi %sub3A_116, %add3A_117 : i32
    %dma_wait3A_119 = arith.constant 2 : i32
    %dma_wait3A_120 = arith.constant 2 : i32
    %dma_wait3A_121 = arith.constant 0 : i32
    %dma_wait3A_122 = arith.constant 0 : i32
    %dma_wait3A_123 = tpu.memref_slice %arg12[%dma_wait3A_119, %dma_wait3A_121, %dma_wait3A_122] : memref<4x128x64xf32, #tpu.memory_space<vmem>> -> memref<1x128x64xf32, #tpu.memory_space<vmem>>
    %dma_wait3A_124 = tpu.memref_squeeze %dma_wait3A_123 : memref<1x128x64xf32, #tpu.memory_space<vmem>> -> memref<128x64xf32, #tpu.memory_space<vmem>>
    %dma_wait3A_125 = arith.constant 0 : i32
    %dma_wait3A_126 = tpu.memref_slice %arg11[%add3A_118, %dma_wait3A_125] : memref<128x128xi32, #tpu.memory_space<vmem>> -> memref<1x128xi32, #tpu.memory_space<vmem>>
    %dma_wait3A_127 = tpu.memref_squeeze %dma_wait3A_126 : memref<1x128xi32, #tpu.memory_space<vmem>> -> memref<128xi32, #tpu.memory_space<vmem>>
    %dma_wait3A_128 = arith.constant 0 : i32
    %dma_wait3A_129 = arith.constant 0 : i32
    %dma_wait3A_130 = tpu.memref_slice %arg13[%dma_wait3A_128, %dma_wait3A_129] : memref<10112x64xf32, #tpu.memory_space<vmem_shared>> -> memref<10112x64xf32, #tpu.memory_space<vmem_shared>>
    %dma_wait3A_131 = tpu.memref_slice %arg15[%dma_wait3A_120] : memref<4x!tpu.dma_semaphore, #tpu.memory_space<semaphore_mem>> -> memref<1x!tpu.dma_semaphore, #tpu.memory_space<semaphore_mem>>
    %dma_wait3A_132 = tpu.memref_squeeze %dma_wait3A_131 : memref<1x!tpu.dma_semaphore, #tpu.memory_space<semaphore_mem>> -> memref<!tpu.dma_semaphore, #tpu.memory_space<semaphore_mem>>
    tpu.wait_indirect_dma semaphore(%dma_wait3A_132 : memref<!tpu.dma_semaphore, #tpu.memory_space<semaphore_mem>>) src(%dma_wait3A_124 : memref<128x64xf32, #tpu.memory_space<vmem>>) dst(%dma_wait3A_130 : memref<10112x64xf32, #tpu.memory_space<vmem_shared>>)
    %dma_wait3A_133 = arith.constant 2 : i32
    %dma_wait3A_134 = arith.constant 0 : i32
    %dma_wait3A_135 = tpu.memref_slice %arg11[%add3A_118, %dma_wait3A_134] : memref<128x128xi32, #tpu.memory_space<vmem>> -> memref<1x128xi32, #tpu.memory_space<vmem>>
    %dma_wait3A_136 = tpu.memref_squeeze %dma_wait3A_135 : memref<1x128xi32, #tpu.memory_space<vmem>> -> memref<128xi32, #tpu.memory_space<vmem>>
    %dma_wait3A_137 = arith.constant 0 : i32
    %dma_wait3A_138 = arith.constant 0 : i32
    %dma_wait3A_139 = tpu.memref_slice %arg17[%dma_wait3A_137, %dma_wait3A_138] : memref<10112x8xf32, #tpu.memory_space<vmem_shared>> -> memref<10112x8xf32, #tpu.memory_space<vmem_shared>>
    %dma_wait3A_140 = tpu.memref_slice %arg18[%dma_wait3A_133] : memref<4x!tpu.dma_semaphore, #tpu.memory_space<semaphore_mem>> -> memref<1x!tpu.dma_semaphore, #tpu.memory_space<semaphore_mem>>
    %dma_wait3A_141 = tpu.memref_squeeze %dma_wait3A_140 : memref<1x!tpu.dma_semaphore, #tpu.memory_space<semaphore_mem>> -> memref<!tpu.dma_semaphore, #tpu.memory_space<semaphore_mem>>
    tpu.wait_indirect_dma semaphore(%dma_wait3A_141 : memref<!tpu.dma_semaphore, #tpu.memory_space<semaphore_mem>>) src(%arg16 : memref<128x8xf32, #tpu.memory_space<vmem>>) dst(%dma_wait3A_139 : memref<10112x8xf32, #tpu.memory_space<vmem_shared>>)
    %sub3A_142 = arith.constant 4 : i32
    %sub3A_143 = arith.subi %select_n3A, %sub3A_142 : i32
    %add3A_144 = arith.constant 3 : i32
    %add3A_145 = arith.addi %sub3A_143, %add3A_144 : i32
    %dma_wait3A_146 = arith.constant 3 : i32
    %dma_wait3A_147 = arith.constant 3 : i32
    %dma_wait3A_148 = arith.constant 0 : i32
    %dma_wait3A_149 = arith.constant 0 : i32
    %dma_wait3A_150 = tpu.memref_slice %arg12[%dma_wait3A_146, %dma_wait3A_148, %dma_wait3A_149] : memref<4x128x64xf32, #tpu.memory_space<vmem>> -> memref<1x128x64xf32, #tpu.memory_space<vmem>>
    %dma_wait3A_151 = tpu.memref_squeeze %dma_wait3A_150 : memref<1x128x64xf32, #tpu.memory_space<vmem>> -> memref<128x64xf32, #tpu.memory_space<vmem>>
    %dma_wait3A_152 = arith.constant 0 : i32
    %dma_wait3A_153 = tpu.memref_slice %arg11[%add3A_145, %dma_wait3A_152] : memref<128x128xi32, #tpu.memory_space<vmem>> -> memref<1x128xi32, #tpu.memory_space<vmem>>
    %dma_wait3A_154 = tpu.memref_squeeze %dma_wait3A_153 : memref<1x128xi32, #tpu.memory_space<vmem>> -> memref<128xi32, #tpu.memory_space<vmem>>
    %dma_wait3A_155 = arith.constant 0 : i32
    %dma_wait3A_156 = arith.constant 0 : i32
    %dma_wait3A_157 = tpu.memref_slice %arg13[%dma_wait3A_155, %dma_wait3A_156] : memref<10112x64xf32, #tpu.memory_space<vmem_shared>> -> memref<10112x64xf32, #tpu.memory_space<vmem_shared>>
    %dma_wait3A_158 = tpu.memref_slice %arg15[%dma_wait3A_147] : memref<4x!tpu.dma_semaphore, #tpu.memory_space<semaphore_mem>> -> memref<1x!tpu.dma_semaphore, #tpu.memory_space<semaphore_mem>>
    %dma_wait3A_159 = tpu.memref_squeeze %dma_wait3A_158 : memref<1x!tpu.dma_semaphore, #tpu.memory_space<semaphore_mem>> -> memref<!tpu.dma_semaphore, #tpu.memory_space<semaphore_mem>>
    tpu.wait_indirect_dma semaphore(%dma_wait3A_159 : memref<!tpu.dma_semaphore, #tpu.memory_space<semaphore_mem>>) src(%dma_wait3A_151 : memref<128x64xf32, #tpu.memory_space<vmem>>) dst(%dma_wait3A_157 : memref<10112x64xf32, #tpu.memory_space<vmem_shared>>)
    %dma_wait3A_160 = arith.constant 3 : i32
    %dma_wait3A_161 = arith.constant 0 : i32
    %dma_wait3A_162 = tpu.memref_slice %arg11[%add3A_145, %dma_wait3A_161] : memref<128x128xi32, #tpu.memory_space<vmem>> -> memref<1x128xi32, #tpu.memory_space<vmem>>
    %dma_wait3A_163 = tpu.memref_squeeze %dma_wait3A_162 : memref<1x128xi32, #tpu.memory_space<vmem>> -> memref<128xi32, #tpu.memory_space<vmem>>
    %dma_wait3A_164 = arith.constant 0 : i32
    %dma_wait3A_165 = arith.constant 0 : i32
    %dma_wait3A_166 = tpu.memref_slice %arg17[%dma_wait3A_164, %dma_wait3A_165] : memref<10112x8xf32, #tpu.memory_space<vmem_shared>> -> memref<10112x8xf32, #tpu.memory_space<vmem_shared>>
    %dma_wait3A_167 = tpu.memref_slice %arg18[%dma_wait3A_160] : memref<4x!tpu.dma_semaphore, #tpu.memory_space<semaphore_mem>> -> memref<1x!tpu.dma_semaphore, #tpu.memory_space<semaphore_mem>>
    %dma_wait3A_168 = tpu.memref_squeeze %dma_wait3A_167 : memref<1x!tpu.dma_semaphore, #tpu.memory_space<semaphore_mem>> -> memref<!tpu.dma_semaphore, #tpu.memory_space<semaphore_mem>>
    tpu.wait_indirect_dma semaphore(%dma_wait3A_168 : memref<!tpu.dma_semaphore, #tpu.memory_space<semaphore_mem>>) src(%arg16 : memref<128x8xf32, #tpu.memory_space<vmem>>) dst(%dma_wait3A_166 : memref<10112x8xf32, #tpu.memory_space<vmem_shared>>)
    %barrier3A_169 = arith.constant 0 : index
    tpu.barrier barrier_id(%barrier3A_169)
    %mul3A_170 = arith.constant 632 : i32
    %mul3A_171 = arith.muli %arg1, %mul3A_170 : i32
    %mul3A_172 = arith.constant 632 : i32
    %mul3A_173 = arith.muli %arg1, %mul3A_172 : i32
    "tpu.region"() ({
      %run_scoped3A = tpu.sem_alloc : memref<!tpu.dma_semaphore, #tpu.memory_space<semaphore_mem>>
      %dma_start3A_178 = arith.constant 0 : i32
      %dma_start3A_179 = tpu.memref_slice %arg8[%arg0, %mul3A_173, %dma_start3A_178] : memref<2x10112x64xf32, #tpu.memory_space<hbm>> -> memref<1x632x64xf32, #tpu.memory_space<hbm>>
      %dma_start3A_180 = tpu.memref_squeeze %dma_start3A_179 : memref<1x632x64xf32, #tpu.memory_space<hbm>> -> memref<632x64xf32, #tpu.memory_space<hbm>>
      %dma_start3A_181 = arith.constant 0 : i32
      %dma_start3A_182 = tpu.memref_slice %arg13[%mul3A_171, %dma_start3A_181] : memref<10112x64xf32, #tpu.memory_space<vmem_shared>> -> memref<632x64xf32, #tpu.memory_space<vmem_shared>>
      tpu.enqueue_dma source(%dma_start3A_182 : memref<632x64xf32, #tpu.memory_space<vmem_shared>>) target(%dma_start3A_180 : memref<632x64xf32, #tpu.memory_space<hbm>>) target_semaphore(%run_scoped3A : memref<!tpu.dma_semaphore, #tpu.memory_space<semaphore_mem>>)
      %dma_wait3A_183 = arith.constant 0 : i32
      %dma_wait3A_184 = tpu.memref_slice %arg8[%arg0, %mul3A_173, %dma_wait3A_183] : memref<2x10112x64xf32, #tpu.memory_space<hbm>> -> memref<1x632x64xf32, #tpu.memory_space<hbm>>
      %dma_wait3A_185 = tpu.memref_squeeze %dma_wait3A_184 : memref<1x632x64xf32, #tpu.memory_space<hbm>> -> memref<632x64xf32, #tpu.memory_space<hbm>>
      %dma_wait3A_186 = arith.constant 0 : i32
      %dma_wait3A_187 = tpu.memref_slice %arg13[%mul3A_171, %dma_wait3A_186] : memref<10112x64xf32, #tpu.memory_space<vmem_shared>> -> memref<632x64xf32, #tpu.memory_space<vmem_shared>>
      tpu.wait_dma2 semaphore(%run_scoped3A : memref<!tpu.dma_semaphore, #tpu.memory_space<semaphore_mem>>) src(%dma_wait3A_187 : memref<632x64xf32, #tpu.memory_space<vmem_shared>>) dst(%dma_wait3A_185 : memref<632x64xf32, #tpu.memory_space<hbm>>)
      tpu.yield
    }) : () -> ()
    %mul3A_174 = arith.constant 632 : i32
    %mul3A_175 = arith.muli %arg1, %mul3A_174 : i32
    %mul3A_176 = arith.constant 632 : i32
    %mul3A_177 = arith.muli %arg1, %mul3A_176 : i32
    "tpu.region"() ({
      %run_scoped3A = tpu.sem_alloc : memref<!tpu.dma_semaphore, #tpu.memory_space<semaphore_mem>>
      %dma_start3A_178 = arith.constant 0 : i32
      %dma_start3A_179 = tpu.memref_slice %arg9[%arg0, %mul3A_177, %dma_start3A_178] : memref<2x10112x8xf32, #tpu.memory_space<hbm>> -> memref<1x632x8xf32, #tpu.memory_space<hbm>>
      %dma_start3A_180 = tpu.memref_squeeze %dma_start3A_179 : memref<1x632x8xf32, #tpu.memory_space<hbm>> -> memref<632x8xf32, #tpu.memory_space<hbm>>
      %dma_start3A_181 = arith.constant 0 : i32
      %dma_start3A_182 = tpu.memref_slice %arg17[%mul3A_175, %dma_start3A_181] : memref<10112x8xf32, #tpu.memory_space<vmem_shared>> -> memref<632x8xf32, #tpu.memory_space<vmem_shared>>
      tpu.enqueue_dma source(%dma_start3A_182 : memref<632x8xf32, #tpu.memory_space<vmem_shared>>) target(%dma_start3A_180 : memref<632x8xf32, #tpu.memory_space<hbm>>) target_semaphore(%run_scoped3A : memref<!tpu.dma_semaphore, #tpu.memory_space<semaphore_mem>>)
      %dma_wait3A_183 = arith.constant 0 : i32
      %dma_wait3A_184 = tpu.memref_slice %arg9[%arg0, %mul3A_177, %dma_wait3A_183] : memref<2x10112x8xf32, #tpu.memory_space<hbm>> -> memref<1x632x8xf32, #tpu.memory_space<hbm>>
      %dma_wait3A_185 = tpu.memref_squeeze %dma_wait3A_184 : memref<1x632x8xf32, #tpu.memory_space<hbm>> -> memref<632x8xf32, #tpu.memory_space<hbm>>
      %dma_wait3A_186 = arith.constant 0 : i32
      %dma_wait3A_187 = tpu.memref_slice %arg17[%mul3A_175, %dma_wait3A_186] : memref<10112x8xf32, #tpu.memory_space<vmem_shared>> -> memref<632x8xf32, #tpu.memory_space<vmem_shared>>
      tpu.wait_dma2 semaphore(%run_scoped3A : memref<!tpu.dma_semaphore, #tpu.memory_space<semaphore_mem>>) src(%dma_wait3A_187 : memref<632x8xf32, #tpu.memory_space<vmem_shared>>) dst(%dma_wait3A_185 : memref<632x8xf32, #tpu.memory_space<hbm>>)
      tpu.yield
    }) : () -> ()
    return
  }
}

#map = affine_map<(d0, d1) -> (0, 0)>
#map1 = affine_map<(d0, d1) -> (0, 0, 0)>
module attributes {stable_mosaic.version = 14 : i64} {
  func.func @body(%arg0: i32, %arg1: i32, %arg2: memref<10000x64xf32, #tpu.memory_space<hbm>>, %arg3: memref<2656x128xi32, #tpu.memory_space<hbm>>, %arg4: memref<2656x128xi32, #tpu.memory_space<hbm>>, %arg5: memref<10112x64xf32, #tpu.memory_space<hbm>>, %arg6: memref<2x10112x64xf32, #tpu.memory_space<hbm>>, %arg7: memref<128x128xi32, #tpu.memory_space<vmem>>, %arg8: memref<128x128xi32, #tpu.memory_space<vmem>>, %arg9: memref<4x128x64xf32, #tpu.memory_space<vmem>>, %arg10: memref<10112x64xf32, #tpu.memory_space<vmem_shared>>, %arg11: memref<4x!tpu.dma_semaphore, #tpu.memory_space<semaphore_mem>>, %arg12: memref<4x!tpu.dma_semaphore, #tpu.memory_space<semaphore_mem>>) attributes {dimension_semantics = [#tpu.dimension_semantics<core_parallel>, #tpu.dimension_semantics<subcore_parallel>], iteration_bounds = array<i64: 2, 16>, scalar_prefetch = 0 : i64, scratch_operands = 6 : i64, tpu.core_type = #tpu.core_type<sc_vector_subcore>, window_params = [{transform_indices = #map}, {transform_indices = #map}, {transform_indices = #map}, {transform_indices = #map}, {transform_indices = #map1}]} {
    %eq3A = arith.constant 0 : i32
    %eq3A_0 = arith.cmpi eq, %arg0, %eq3A : i32
    %jit3A = arith.constant 128 : i32
    %jit3A_1 = arith.constant 32 : i32
    %select_n3A = arith.select %eq3A_0, %jit3A, %jit3A_1 : i32
    %eq3A_2 = arith.constant 0 : i32
    %eq3A_3 = arith.cmpi eq, %arg0, %eq3A_2 : i32
    %mul3A = arith.constant 128 : i32
    %mul3A_4 = arith.muli %arg1, %mul3A : i32
    %mul3A_5 = arith.constant 32 : i32
    %mul3A_6 = arith.muli %arg1, %mul3A_5 : i32
    %add3A = arith.constant 2048 : i32
    %add3A_7 = arith.addi %add3A, %mul3A_6 : i32
    %select_n3A_8 = arith.select %eq3A_3, %mul3A_4, %add3A_7 : i32
    "tpu.region"() ({
      %run_scoped3A = tpu.sem_alloc : memref<!tpu.dma_semaphore, #tpu.memory_space<semaphore_mem>>
      %dma_start3A_134 = arith.constant 0 : i32
      %dma_start3A_135 = tpu.memref_slice %arg3[%select_n3A_8, %dma_start3A_134] : memref<2656x128xi32, #tpu.memory_space<hbm>> -> memref<128x128xi32, #tpu.memory_space<hbm>>
      %dma_start3A_136 = arith.constant 0 : i32
      %dma_start3A_137 = tpu.memref_slice %arg3[%select_n3A_8, %dma_start3A_136] : memref<2656x128xi32, #tpu.memory_space<hbm>> -> memref<128x128xi32, #tpu.memory_space<hbm>>
      tpu.enqueue_dma source(%dma_start3A_137 : memref<128x128xi32, #tpu.memory_space<hbm>>) target(%arg7 : memref<128x128xi32, #tpu.memory_space<vmem>>) target_semaphore(%run_scoped3A : memref<!tpu.dma_semaphore, #tpu.memory_space<semaphore_mem>>)
      %dma_wait3A_138 = arith.constant 0 : i32
      %dma_wait3A_139 = tpu.memref_slice %arg3[%select_n3A_8, %dma_wait3A_138] : memref<2656x128xi32, #tpu.memory_space<hbm>> -> memref<128x128xi32, #tpu.memory_space<hbm>>
      %dma_wait3A_140 = arith.constant 0 : i32
      %dma_wait3A_141 = tpu.memref_slice %arg3[%select_n3A_8, %dma_wait3A_140] : memref<2656x128xi32, #tpu.memory_space<hbm>> -> memref<128x128xi32, #tpu.memory_space<hbm>>
      tpu.wait_dma2 semaphore(%run_scoped3A : memref<!tpu.dma_semaphore, #tpu.memory_space<semaphore_mem>>) src(%dma_wait3A_141 : memref<128x128xi32, #tpu.memory_space<hbm>>) dst(%arg7 : memref<128x128xi32, #tpu.memory_space<vmem>>)
      tpu.yield
    }) : () -> ()
    "tpu.region"() ({
      %run_scoped3A = tpu.sem_alloc : memref<!tpu.dma_semaphore, #tpu.memory_space<semaphore_mem>>
      %dma_start3A_134 = arith.constant 0 : i32
      %dma_start3A_135 = tpu.memref_slice %arg4[%select_n3A_8, %dma_start3A_134] : memref<2656x128xi32, #tpu.memory_space<hbm>> -> memref<128x128xi32, #tpu.memory_space<hbm>>
      %dma_start3A_136 = arith.constant 0 : i32
      %dma_start3A_137 = tpu.memref_slice %arg4[%select_n3A_8, %dma_start3A_136] : memref<2656x128xi32, #tpu.memory_space<hbm>> -> memref<128x128xi32, #tpu.memory_space<hbm>>
      tpu.enqueue_dma source(%dma_start3A_137 : memref<128x128xi32, #tpu.memory_space<hbm>>) target(%arg8 : memref<128x128xi32, #tpu.memory_space<vmem>>) target_semaphore(%run_scoped3A : memref<!tpu.dma_semaphore, #tpu.memory_space<semaphore_mem>>)
      %dma_wait3A_138 = arith.constant 0 : i32
      %dma_wait3A_139 = tpu.memref_slice %arg4[%select_n3A_8, %dma_wait3A_138] : memref<2656x128xi32, #tpu.memory_space<hbm>> -> memref<128x128xi32, #tpu.memory_space<hbm>>
      %dma_wait3A_140 = arith.constant 0 : i32
      %dma_wait3A_141 = tpu.memref_slice %arg4[%select_n3A_8, %dma_wait3A_140] : memref<2656x128xi32, #tpu.memory_space<hbm>> -> memref<128x128xi32, #tpu.memory_space<hbm>>
      tpu.wait_dma2 semaphore(%run_scoped3A : memref<!tpu.dma_semaphore, #tpu.memory_space<semaphore_mem>>) src(%dma_wait3A_141 : memref<128x128xi32, #tpu.memory_space<hbm>>) dst(%arg8 : memref<128x128xi32, #tpu.memory_space<vmem>>)
      tpu.yield
    }) : () -> ()
    %dma_start3A = arith.constant 0 : i32
    %dma_start3A_9 = arith.constant 0 : i32
    %dma_start3A_10 = arith.constant 0 : i32
    %dma_start3A_11 = arith.constant 0 : i32
    %dma_start3A_12 = arith.constant 0 : i32
    %dma_start3A_13 = tpu.memref_slice %arg9[%dma_start3A_9, %dma_start3A_11, %dma_start3A_12] : memref<4x128x64xf32, #tpu.memory_space<vmem>> -> memref<1x128x64xf32, #tpu.memory_space<vmem>>
    %dma_start3A_14 = tpu.memref_squeeze %dma_start3A_13 : memref<1x128x64xf32, #tpu.memory_space<vmem>> -> memref<128x64xf32, #tpu.memory_space<vmem>>
    %dma_start3A_15 = arith.constant 0 : i32
    %dma_start3A_16 = tpu.memref_slice %arg7[%dma_start3A, %dma_start3A_15] : memref<128x128xi32, #tpu.memory_space<vmem>> -> memref<1x128xi32, #tpu.memory_space<vmem>>
    %dma_start3A_17 = tpu.memref_squeeze %dma_start3A_16 : memref<1x128xi32, #tpu.memory_space<vmem>> -> memref<128xi32, #tpu.memory_space<vmem>>
    %dma_start3A_18 = arith.constant 0 : i32
    %dma_start3A_19 = arith.constant 0 : i32
    %dma_start3A_20 = tpu.memref_slice %arg2[%dma_start3A_18, %dma_start3A_19] : memref<10000x64xf32, #tpu.memory_space<hbm>> -> memref<10000x64xf32, #tpu.memory_space<hbm>>
    %dma_start3A_21 = tpu.memref_slice %arg11[%dma_start3A_10] : memref<4x!tpu.dma_semaphore, #tpu.memory_space<semaphore_mem>> -> memref<1x!tpu.dma_semaphore, #tpu.memory_space<semaphore_mem>>
    %dma_start3A_22 = tpu.memref_squeeze %dma_start3A_21 : memref<1x!tpu.dma_semaphore, #tpu.memory_space<semaphore_mem>> -> memref<!tpu.dma_semaphore, #tpu.memory_space<semaphore_mem>>
    tpu.enqueue_indirect_dma source(%dma_start3A_20 : memref<10000x64xf32, #tpu.memory_space<hbm>>) target(%dma_start3A_14 : memref<128x64xf32, #tpu.memory_space<vmem>>) offsets(%dma_start3A_17 : memref<128xi32, #tpu.memory_space<vmem>>) semaphore(%dma_start3A_22 : memref<!tpu.dma_semaphore, #tpu.memory_space<semaphore_mem>>)
    %dma_start3A_23 = arith.constant 1 : i32
    %dma_start3A_24 = arith.constant 1 : i32
    %dma_start3A_25 = arith.constant 1 : i32
    %dma_start3A_26 = arith.constant 0 : i32
    %dma_start3A_27 = arith.constant 0 : i32
    %dma_start3A_28 = tpu.memref_slice %arg9[%dma_start3A_24, %dma_start3A_26, %dma_start3A_27] : memref<4x128x64xf32, #tpu.memory_space<vmem>> -> memref<1x128x64xf32, #tpu.memory_space<vmem>>
    %dma_start3A_29 = tpu.memref_squeeze %dma_start3A_28 : memref<1x128x64xf32, #tpu.memory_space<vmem>> -> memref<128x64xf32, #tpu.memory_space<vmem>>
    %dma_start3A_30 = arith.constant 0 : i32
    %dma_start3A_31 = tpu.memref_slice %arg7[%dma_start3A_23, %dma_start3A_30] : memref<128x128xi32, #tpu.memory_space<vmem>> -> memref<1x128xi32, #tpu.memory_space<vmem>>
    %dma_start3A_32 = tpu.memref_squeeze %dma_start3A_31 : memref<1x128xi32, #tpu.memory_space<vmem>> -> memref<128xi32, #tpu.memory_space<vmem>>
    %dma_start3A_33 = arith.constant 0 : i32
    %dma_start3A_34 = arith.constant 0 : i32
    %dma_start3A_35 = tpu.memref_slice %arg2[%dma_start3A_33, %dma_start3A_34] : memref<10000x64xf32, #tpu.memory_space<hbm>> -> memref<10000x64xf32, #tpu.memory_space<hbm>>
    %dma_start3A_36 = tpu.memref_slice %arg11[%dma_start3A_25] : memref<4x!tpu.dma_semaphore, #tpu.memory_space<semaphore_mem>> -> memref<1x!tpu.dma_semaphore, #tpu.memory_space<semaphore_mem>>
    %dma_start3A_37 = tpu.memref_squeeze %dma_start3A_36 : memref<1x!tpu.dma_semaphore, #tpu.memory_space<semaphore_mem>> -> memref<!tpu.dma_semaphore, #tpu.memory_space<semaphore_mem>>
    tpu.enqueue_indirect_dma source(%dma_start3A_35 : memref<10000x64xf32, #tpu.memory_space<hbm>>) target(%dma_start3A_29 : memref<128x64xf32, #tpu.memory_space<vmem>>) offsets(%dma_start3A_32 : memref<128xi32, #tpu.memory_space<vmem>>) semaphore(%dma_start3A_37 : memref<!tpu.dma_semaphore, #tpu.memory_space<semaphore_mem>>)
    %mul3A_38 = arith.constant 632 : i32
    %mul3A_39 = arith.muli %arg1, %mul3A_38 : i32
    %mul3A_40 = arith.constant 632 : i32
    %mul3A_41 = arith.muli %arg1, %mul3A_40 : i32
    "tpu.region"() ({
      %run_scoped3A = tpu.sem_alloc : memref<!tpu.dma_semaphore, #tpu.memory_space<semaphore_mem>>
      %dma_start3A_134 = arith.constant 0 : i32
      %dma_start3A_135 = tpu.memref_slice %arg10[%mul3A_41, %dma_start3A_134] : memref<10112x64xf32, #tpu.memory_space<vmem_shared>> -> memref<632x64xf32, #tpu.memory_space<vmem_shared>>
      %dma_start3A_136 = arith.constant 0 : i32
      %dma_start3A_137 = tpu.memref_slice %arg5[%mul3A_39, %dma_start3A_136] : memref<10112x64xf32, #tpu.memory_space<hbm>> -> memref<632x64xf32, #tpu.memory_space<hbm>>
      tpu.enqueue_dma source(%dma_start3A_137 : memref<632x64xf32, #tpu.memory_space<hbm>>) target(%dma_start3A_135 : memref<632x64xf32, #tpu.memory_space<vmem_shared>>) target_semaphore(%run_scoped3A : memref<!tpu.dma_semaphore, #tpu.memory_space<semaphore_mem>>)
      %dma_wait3A_138 = arith.constant 0 : i32
      %dma_wait3A_139 = tpu.memref_slice %arg10[%mul3A_41, %dma_wait3A_138] : memref<10112x64xf32, #tpu.memory_space<vmem_shared>> -> memref<632x64xf32, #tpu.memory_space<vmem_shared>>
      %dma_wait3A_140 = arith.constant 0 : i32
      %dma_wait3A_141 = tpu.memref_slice %arg5[%mul3A_39, %dma_wait3A_140] : memref<10112x64xf32, #tpu.memory_space<hbm>> -> memref<632x64xf32, #tpu.memory_space<hbm>>
      tpu.wait_dma2 semaphore(%run_scoped3A : memref<!tpu.dma_semaphore, #tpu.memory_space<semaphore_mem>>) src(%dma_wait3A_141 : memref<632x64xf32, #tpu.memory_space<hbm>>) dst(%dma_wait3A_139 : memref<632x64xf32, #tpu.memory_space<vmem_shared>>)
      tpu.yield
    }) : () -> ()
    %barrier3A = arith.constant 0 : index
    tpu.barrier barrier_id(%barrier3A)
    %sub3A = arith.constant 0 : i32
    %sub3A_42 = arith.subi %select_n3A, %sub3A : i32
    %sub3A_43 = arith.constant 4 : i32
    %sub3A_44 = arith.constant 1 : i32
    %sub3A_45 = arith.subi %sub3A_43, %sub3A_44 : i32
    %add3A_46 = arith.addi %sub3A_42, %sub3A_45 : i32
    %div3A = arith.constant 4 : i32
    %div3A_47 = arith.divsi %add3A_46, %div3A : i32
    %while3A = arith.constant 4 : i32
    %while3A_48 = arith.constant 0 : i32
    %while3A_49 = arith.constant 0 : i32
    %while3A_50 = arith.subi %div3A_47, %while3A_49 : i32
    %while3A_51 = arith.addi %while3A_49, %while3A_50 : i32
    %while3A_52 = arith.constant 1 : i32
    %while3A_53 = arith.divsi %while3A_50, %while3A_52 : i32
    %while3A_54 = arith.muli %while3A_53, %while3A_52 : i32
    %while3A_55 = arith.addi %while3A_49, %while3A_54 : i32
    %while3A_56 = arith.constant 1 : i32
    scf.for %while3A_134 = %while3A_49 to %while3A_55 step %while3A_56  : i32 {
      %mul3A_135 = arith.muli %while3A_134, %while3A : i32
      %add3A_136 = arith.addi %while3A_48, %mul3A_135 : i32
      %add3A_137 = arith.constant 0 : i32
      %add3A_138 = arith.addi %add3A_136, %add3A_137 : i32
      %dma_wait3A_139 = arith.constant 0 : i32
      %dma_wait3A_140 = arith.constant 0 : i32
      %dma_wait3A_141 = arith.constant 0 : i32
      %dma_wait3A_142 = arith.constant 0 : i32
      %dma_wait3A_143 = tpu.memref_slice %arg9[%dma_wait3A_139, %dma_wait3A_141, %dma_wait3A_142] : memref<4x128x64xf32, #tpu.memory_space<vmem>> -> memref<1x128x64xf32, #tpu.memory_space<vmem>>
      %dma_wait3A_144 = tpu.memref_squeeze %dma_wait3A_143 : memref<1x128x64xf32, #tpu.memory_space<vmem>> -> memref<128x64xf32, #tpu.memory_space<vmem>>
      %dma_wait3A_145 = arith.constant 0 : i32
      %dma_wait3A_146 = tpu.memref_slice %arg7[%add3A_138, %dma_wait3A_145] : memref<128x128xi32, #tpu.memory_space<vmem>> -> memref<1x128xi32, #tpu.memory_space<vmem>>
      %dma_wait3A_147 = tpu.memref_squeeze %dma_wait3A_146 : memref<1x128xi32, #tpu.memory_space<vmem>> -> memref<128xi32, #tpu.memory_space<vmem>>
      %dma_wait3A_148 = arith.constant 0 : i32
      %dma_wait3A_149 = arith.constant 0 : i32
      %dma_wait3A_150 = tpu.memref_slice %arg2[%dma_wait3A_148, %dma_wait3A_149] : memref<10000x64xf32, #tpu.memory_space<hbm>> -> memref<10000x64xf32, #tpu.memory_space<hbm>>
      %dma_wait3A_151 = tpu.memref_slice %arg11[%dma_wait3A_140] : memref<4x!tpu.dma_semaphore, #tpu.memory_space<semaphore_mem>> -> memref<1x!tpu.dma_semaphore, #tpu.memory_space<semaphore_mem>>
      %dma_wait3A_152 = tpu.memref_squeeze %dma_wait3A_151 : memref<1x!tpu.dma_semaphore, #tpu.memory_space<semaphore_mem>> -> memref<!tpu.dma_semaphore, #tpu.memory_space<semaphore_mem>>
      tpu.wait_indirect_dma semaphore(%dma_wait3A_152 : memref<!tpu.dma_semaphore, #tpu.memory_space<semaphore_mem>>) src(%dma_wait3A_150 : memref<10000x64xf32, #tpu.memory_space<hbm>>) dst(%dma_wait3A_144 : memref<128x64xf32, #tpu.memory_space<vmem>>)
      %dma_start3A_153 = arith.constant 0 : i32
      %dma_start3A_154 = arith.constant 0 : i32
      %dma_start3A_155 = arith.constant 0 : i32
      %dma_start3A_156 = arith.constant 0 : i32
      %dma_start3A_157 = tpu.memref_slice %arg9[%dma_start3A_153, %dma_start3A_155, %dma_start3A_156] : memref<4x128x64xf32, #tpu.memory_space<vmem>> -> memref<1x128x64xf32, #tpu.memory_space<vmem>>
      %dma_start3A_158 = tpu.memref_squeeze %dma_start3A_157 : memref<1x128x64xf32, #tpu.memory_space<vmem>> -> memref<128x64xf32, #tpu.memory_space<vmem>>
      %dma_start3A_159 = arith.constant 0 : i32
      %dma_start3A_160 = tpu.memref_slice %arg8[%add3A_138, %dma_start3A_159] : memref<128x128xi32, #tpu.memory_space<vmem>> -> memref<1x128xi32, #tpu.memory_space<vmem>>
      %dma_start3A_161 = tpu.memref_squeeze %dma_start3A_160 : memref<1x128xi32, #tpu.memory_space<vmem>> -> memref<128xi32, #tpu.memory_space<vmem>>
      %dma_start3A_162 = arith.constant 0 : i32
      %dma_start3A_163 = arith.constant 0 : i32
      %dma_start3A_164 = tpu.memref_slice %arg10[%dma_start3A_162, %dma_start3A_163] : memref<10112x64xf32, #tpu.memory_space<vmem_shared>> -> memref<10112x64xf32, #tpu.memory_space<vmem_shared>>
      %dma_start3A_165 = tpu.memref_slice %arg12[%dma_start3A_154] : memref<4x!tpu.dma_semaphore, #tpu.memory_space<semaphore_mem>> -> memref<1x!tpu.dma_semaphore, #tpu.memory_space<semaphore_mem>>
      %dma_start3A_166 = tpu.memref_squeeze %dma_start3A_165 : memref<1x!tpu.dma_semaphore, #tpu.memory_space<semaphore_mem>> -> memref<!tpu.dma_semaphore, #tpu.memory_space<semaphore_mem>>
      tpu.enqueue_indirect_dma source(%dma_start3A_158 : memref<128x64xf32, #tpu.memory_space<vmem>>) target(%dma_start3A_164 : memref<10112x64xf32, #tpu.memory_space<vmem_shared>>) offsets(%dma_start3A_161 : memref<128xi32, #tpu.memory_space<vmem>>) semaphore(%dma_start3A_166 : memref<!tpu.dma_semaphore, #tpu.memory_space<semaphore_mem>>) {add = true}
      %add3A_167 = arith.constant 2 : i32
      %add3A_168 = arith.addi %add3A_138, %add3A_167 : i32
      %ge3A = arith.constant 4 : i32
      %ge3A_169 = arith.cmpi sge, %add3A_168, %ge3A : i32
      %lt3A = arith.cmpi slt, %add3A_168, %select_n3A : i32
      %and3A = arith.andi %ge3A_169, %lt3A : i1
      %convert_element_type3A = arith.extui %and3A : i1 to i32
      %cond3A = arith.constant 0 : i32
      %cond3A_170 = arith.cmpi ne, %convert_element_type3A, %cond3A : i32
      scf.if %cond3A_170 {
        %sub3A_304 = arith.constant 4 : i32
        %sub3A_305 = arith.subi %add3A_168, %sub3A_304 : i32
        %dma_wait3A_306 = arith.constant 2 : i32
        %dma_wait3A_307 = arith.constant 2 : i32
        %dma_wait3A_308 = arith.constant 0 : i32
        %dma_wait3A_309 = arith.constant 0 : i32
        %dma_wait3A_310 = tpu.memref_slice %arg9[%dma_wait3A_306, %dma_wait3A_308, %dma_wait3A_309] : memref<4x128x64xf32, #tpu.memory_space<vmem>> -> memref<1x128x64xf32, #tpu.memory_space<vmem>>
        %dma_wait3A_311 = tpu.memref_squeeze %dma_wait3A_310 : memref<1x128x64xf32, #tpu.memory_space<vmem>> -> memref<128x64xf32, #tpu.memory_space<vmem>>
        %dma_wait3A_312 = arith.constant 0 : i32
        %dma_wait3A_313 = tpu.memref_slice %arg8[%sub3A_305, %dma_wait3A_312] : memref<128x128xi32, #tpu.memory_space<vmem>> -> memref<1x128xi32, #tpu.memory_space<vmem>>
        %dma_wait3A_314 = tpu.memref_squeeze %dma_wait3A_313 : memref<1x128xi32, #tpu.memory_space<vmem>> -> memref<128xi32, #tpu.memory_space<vmem>>
        %dma_wait3A_315 = arith.constant 0 : i32
        %dma_wait3A_316 = arith.constant 0 : i32
        %dma_wait3A_317 = tpu.memref_slice %arg10[%dma_wait3A_315, %dma_wait3A_316] : memref<10112x64xf32, #tpu.memory_space<vmem_shared>> -> memref<10112x64xf32, #tpu.memory_space<vmem_shared>>
        %dma_wait3A_318 = tpu.memref_slice %arg12[%dma_wait3A_307] : memref<4x!tpu.dma_semaphore, #tpu.memory_space<semaphore_mem>> -> memref<1x!tpu.dma_semaphore, #tpu.memory_space<semaphore_mem>>
        %dma_wait3A_319 = tpu.memref_squeeze %dma_wait3A_318 : memref<1x!tpu.dma_semaphore, #tpu.memory_space<semaphore_mem>> -> memref<!tpu.dma_semaphore, #tpu.memory_space<semaphore_mem>>
        tpu.wait_indirect_dma semaphore(%dma_wait3A_319 : memref<!tpu.dma_semaphore, #tpu.memory_space<semaphore_mem>>) src(%dma_wait3A_311 : memref<128x64xf32, #tpu.memory_space<vmem>>) dst(%dma_wait3A_317 : memref<10112x64xf32, #tpu.memory_space<vmem_shared>>)
      } else {
      }
      %lt3A_171 = arith.cmpi slt, %add3A_168, %select_n3A : i32
      %convert_element_type3A_172 = arith.extui %lt3A_171 : i1 to i32
      %cond3A_173 = arith.constant 0 : i32
      %cond3A_174 = arith.cmpi ne, %convert_element_type3A_172, %cond3A_173 : i32
      scf.if %cond3A_174 {
        %dma_start3A_304 = arith.constant 2 : i32
        %dma_start3A_305 = arith.constant 2 : i32
        %dma_start3A_306 = arith.constant 0 : i32
        %dma_start3A_307 = arith.constant 0 : i32
        %dma_start3A_308 = tpu.memref_slice %arg9[%dma_start3A_304, %dma_start3A_306, %dma_start3A_307] : memref<4x128x64xf32, #tpu.memory_space<vmem>> -> memref<1x128x64xf32, #tpu.memory_space<vmem>>
        %dma_start3A_309 = tpu.memref_squeeze %dma_start3A_308 : memref<1x128x64xf32, #tpu.memory_space<vmem>> -> memref<128x64xf32, #tpu.memory_space<vmem>>
        %dma_start3A_310 = arith.constant 0 : i32
        %dma_start3A_311 = tpu.memref_slice %arg7[%add3A_168, %dma_start3A_310] : memref<128x128xi32, #tpu.memory_space<vmem>> -> memref<1x128xi32, #tpu.memory_space<vmem>>
        %dma_start3A_312 = tpu.memref_squeeze %dma_start3A_311 : memref<1x128xi32, #tpu.memory_space<vmem>> -> memref<128xi32, #tpu.memory_space<vmem>>
        %dma_start3A_313 = arith.constant 0 : i32
        %dma_start3A_314 = arith.constant 0 : i32
        %dma_start3A_315 = tpu.memref_slice %arg2[%dma_start3A_313, %dma_start3A_314] : memref<10000x64xf32, #tpu.memory_space<hbm>> -> memref<10000x64xf32, #tpu.memory_space<hbm>>
        %dma_start3A_316 = tpu.memref_slice %arg11[%dma_start3A_305] : memref<4x!tpu.dma_semaphore, #tpu.memory_space<semaphore_mem>> -> memref<1x!tpu.dma_semaphore, #tpu.memory_space<semaphore_mem>>
        %dma_start3A_317 = tpu.memref_squeeze %dma_start3A_316 : memref<1x!tpu.dma_semaphore, #tpu.memory_space<semaphore_mem>> -> memref<!tpu.dma_semaphore, #tpu.memory_space<semaphore_mem>>
        tpu.enqueue_indirect_dma source(%dma_start3A_315 : memref<10000x64xf32, #tpu.memory_space<hbm>>) target(%dma_start3A_309 : memref<128x64xf32, #tpu.memory_space<vmem>>) offsets(%dma_start3A_312 : memref<128xi32, #tpu.memory_space<vmem>>) semaphore(%dma_start3A_317 : memref<!tpu.dma_semaphore, #tpu.memory_space<semaphore_mem>>)
      } else {
      }
      %add3A_175 = arith.constant 1 : i32
      %add3A_176 = arith.addi %add3A_136, %add3A_175 : i32
      %dma_wait3A_177 = arith.constant 1 : i32
      %dma_wait3A_178 = arith.constant 1 : i32
      %dma_wait3A_179 = arith.constant 0 : i32
      %dma_wait3A_180 = arith.constant 0 : i32
      %dma_wait3A_181 = tpu.memref_slice %arg9[%dma_wait3A_177, %dma_wait3A_179, %dma_wait3A_180] : memref<4x128x64xf32, #tpu.memory_space<vmem>> -> memref<1x128x64xf32, #tpu.memory_space<vmem>>
      %dma_wait3A_182 = tpu.memref_squeeze %dma_wait3A_181 : memref<1x128x64xf32, #tpu.memory_space<vmem>> -> memref<128x64xf32, #tpu.memory_space<vmem>>
      %dma_wait3A_183 = arith.constant 0 : i32
      %dma_wait3A_184 = tpu.memref_slice %arg7[%add3A_176, %dma_wait3A_183] : memref<128x128xi32, #tpu.memory_space<vmem>> -> memref<1x128xi32, #tpu.memory_space<vmem>>
      %dma_wait3A_185 = tpu.memref_squeeze %dma_wait3A_184 : memref<1x128xi32, #tpu.memory_space<vmem>> -> memref<128xi32, #tpu.memory_space<vmem>>
      %dma_wait3A_186 = arith.constant 0 : i32
      %dma_wait3A_187 = arith.constant 0 : i32
      %dma_wait3A_188 = tpu.memref_slice %arg2[%dma_wait3A_186, %dma_wait3A_187] : memref<10000x64xf32, #tpu.memory_space<hbm>> -> memref<10000x64xf32, #tpu.memory_space<hbm>>
      %dma_wait3A_189 = tpu.memref_slice %arg11[%dma_wait3A_178] : memref<4x!tpu.dma_semaphore, #tpu.memory_space<semaphore_mem>> -> memref<1x!tpu.dma_semaphore, #tpu.memory_space<semaphore_mem>>
      %dma_wait3A_190 = tpu.memref_squeeze %dma_wait3A_189 : memref<1x!tpu.dma_semaphore, #tpu.memory_space<semaphore_mem>> -> memref<!tpu.dma_semaphore, #tpu.memory_space<semaphore_mem>>
      tpu.wait_indirect_dma semaphore(%dma_wait3A_190 : memref<!tpu.dma_semaphore, #tpu.memory_space<semaphore_mem>>) src(%dma_wait3A_188 : memref<10000x64xf32, #tpu.memory_space<hbm>>) dst(%dma_wait3A_182 : memref<128x64xf32, #tpu.memory_space<vmem>>)
      %dma_start3A_191 = arith.constant 1 : i32
      %dma_start3A_192 = arith.constant 1 : i32
      %dma_start3A_193 = arith.constant 0 : i32
      %dma_start3A_194 = arith.constant 0 : i32
      %dma_start3A_195 = tpu.memref_slice %arg9[%dma_start3A_191, %dma_start3A_193, %dma_start3A_194] : memref<4x128x64xf32, #tpu.memory_space<vmem>> -> memref<1x128x64xf32, #tpu.memory_space<vmem>>
      %dma_start3A_196 = tpu.memref_squeeze %dma_start3A_195 : memref<1x128x64xf32, #tpu.memory_space<vmem>> -> memref<128x64xf32, #tpu.memory_space<vmem>>
      %dma_start3A_197 = arith.constant 0 : i32
      %dma_start3A_198 = tpu.memref_slice %arg8[%add3A_176, %dma_start3A_197] : memref<128x128xi32, #tpu.memory_space<vmem>> -> memref<1x128xi32, #tpu.memory_space<vmem>>
      %dma_start3A_199 = tpu.memref_squeeze %dma_start3A_198 : memref<1x128xi32, #tpu.memory_space<vmem>> -> memref<128xi32, #tpu.memory_space<vmem>>
      %dma_start3A_200 = arith.constant 0 : i32
      %dma_start3A_201 = arith.constant 0 : i32
      %dma_start3A_202 = tpu.memref_slice %arg10[%dma_start3A_200, %dma_start3A_201] : memref<10112x64xf32, #tpu.memory_space<vmem_shared>> -> memref<10112x64xf32, #tpu.memory_space<vmem_shared>>
      %dma_start3A_203 = tpu.memref_slice %arg12[%dma_start3A_192] : memref<4x!tpu.dma_semaphore, #tpu.memory_space<semaphore_mem>> -> memref<1x!tpu.dma_semaphore, #tpu.memory_space<semaphore_mem>>
      %dma_start3A_204 = tpu.memref_squeeze %dma_start3A_203 : memref<1x!tpu.dma_semaphore, #tpu.memory_space<semaphore_mem>> -> memref<!tpu.dma_semaphore, #tpu.memory_space<semaphore_mem>>
      tpu.enqueue_indirect_dma source(%dma_start3A_196 : memref<128x64xf32, #tpu.memory_space<vmem>>) target(%dma_start3A_202 : memref<10112x64xf32, #tpu.memory_space<vmem_shared>>) offsets(%dma_start3A_199 : memref<128xi32, #tpu.memory_space<vmem>>) semaphore(%dma_start3A_204 : memref<!tpu.dma_semaphore, #tpu.memory_space<semaphore_mem>>) {add = true}
      %add3A_205 = arith.constant 2 : i32
      %add3A_206 = arith.addi %add3A_176, %add3A_205 : i32
      %ge3A_207 = arith.constant 4 : i32
      %ge3A_208 = arith.cmpi sge, %add3A_206, %ge3A_207 : i32
      %lt3A_209 = arith.cmpi slt, %add3A_206, %select_n3A : i32
      %and3A_210 = arith.andi %ge3A_208, %lt3A_209 : i1
      %convert_element_type3A_211 = arith.extui %and3A_210 : i1 to i32
      %cond3A_212 = arith.constant 0 : i32
      %cond3A_213 = arith.cmpi ne, %convert_element_type3A_211, %cond3A_212 : i32
      scf.if %cond3A_213 {
        %sub3A_304 = arith.constant 4 : i32
        %sub3A_305 = arith.subi %add3A_206, %sub3A_304 : i32
        %dma_wait3A_306 = arith.constant 3 : i32
        %dma_wait3A_307 = arith.constant 3 : i32
        %dma_wait3A_308 = arith.constant 0 : i32
        %dma_wait3A_309 = arith.constant 0 : i32
        %dma_wait3A_310 = tpu.memref_slice %arg9[%dma_wait3A_306, %dma_wait3A_308, %dma_wait3A_309] : memref<4x128x64xf32, #tpu.memory_space<vmem>> -> memref<1x128x64xf32, #tpu.memory_space<vmem>>
        %dma_wait3A_311 = tpu.memref_squeeze %dma_wait3A_310 : memref<1x128x64xf32, #tpu.memory_space<vmem>> -> memref<128x64xf32, #tpu.memory_space<vmem>>
        %dma_wait3A_312 = arith.constant 0 : i32
        %dma_wait3A_313 = tpu.memref_slice %arg8[%sub3A_305, %dma_wait3A_312] : memref<128x128xi32, #tpu.memory_space<vmem>> -> memref<1x128xi32, #tpu.memory_space<vmem>>
        %dma_wait3A_314 = tpu.memref_squeeze %dma_wait3A_313 : memref<1x128xi32, #tpu.memory_space<vmem>> -> memref<128xi32, #tpu.memory_space<vmem>>
        %dma_wait3A_315 = arith.constant 0 : i32
        %dma_wait3A_316 = arith.constant 0 : i32
        %dma_wait3A_317 = tpu.memref_slice %arg10[%dma_wait3A_315, %dma_wait3A_316] : memref<10112x64xf32, #tpu.memory_space<vmem_shared>> -> memref<10112x64xf32, #tpu.memory_space<vmem_shared>>
        %dma_wait3A_318 = tpu.memref_slice %arg12[%dma_wait3A_307] : memref<4x!tpu.dma_semaphore, #tpu.memory_space<semaphore_mem>> -> memref<1x!tpu.dma_semaphore, #tpu.memory_space<semaphore_mem>>
        %dma_wait3A_319 = tpu.memref_squeeze %dma_wait3A_318 : memref<1x!tpu.dma_semaphore, #tpu.memory_space<semaphore_mem>> -> memref<!tpu.dma_semaphore, #tpu.memory_space<semaphore_mem>>
        tpu.wait_indirect_dma semaphore(%dma_wait3A_319 : memref<!tpu.dma_semaphore, #tpu.memory_space<semaphore_mem>>) src(%dma_wait3A_311 : memref<128x64xf32, #tpu.memory_space<vmem>>) dst(%dma_wait3A_317 : memref<10112x64xf32, #tpu.memory_space<vmem_shared>>)
      } else {
      }
      %lt3A_214 = arith.cmpi slt, %add3A_206, %select_n3A : i32
      %convert_element_type3A_215 = arith.extui %lt3A_214 : i1 to i32
      %cond3A_216 = arith.constant 0 : i32
      %cond3A_217 = arith.cmpi ne, %convert_element_type3A_215, %cond3A_216 : i32
      scf.if %cond3A_217 {
        %dma_start3A_304 = arith.constant 3 : i32
        %dma_start3A_305 = arith.constant 3 : i32
        %dma_start3A_306 = arith.constant 0 : i32
        %dma_start3A_307 = arith.constant 0 : i32
        %dma_start3A_308 = tpu.memref_slice %arg9[%dma_start3A_304, %dma_start3A_306, %dma_start3A_307] : memref<4x128x64xf32, #tpu.memory_space<vmem>> -> memref<1x128x64xf32, #tpu.memory_space<vmem>>
        %dma_start3A_309 = tpu.memref_squeeze %dma_start3A_308 : memref<1x128x64xf32, #tpu.memory_space<vmem>> -> memref<128x64xf32, #tpu.memory_space<vmem>>
        %dma_start3A_310 = arith.constant 0 : i32
        %dma_start3A_311 = tpu.memref_slice %arg7[%add3A_206, %dma_start3A_310] : memref<128x128xi32, #tpu.memory_space<vmem>> -> memref<1x128xi32, #tpu.memory_space<vmem>>
        %dma_start3A_312 = tpu.memref_squeeze %dma_start3A_311 : memref<1x128xi32, #tpu.memory_space<vmem>> -> memref<128xi32, #tpu.memory_space<vmem>>
        %dma_start3A_313 = arith.constant 0 : i32
        %dma_start3A_314 = arith.constant 0 : i32
        %dma_start3A_315 = tpu.memref_slice %arg2[%dma_start3A_313, %dma_start3A_314] : memref<10000x64xf32, #tpu.memory_space<hbm>> -> memref<10000x64xf32, #tpu.memory_space<hbm>>
        %dma_start3A_316 = tpu.memref_slice %arg11[%dma_start3A_305] : memref<4x!tpu.dma_semaphore, #tpu.memory_space<semaphore_mem>> -> memref<1x!tpu.dma_semaphore, #tpu.memory_space<semaphore_mem>>
        %dma_start3A_317 = tpu.memref_squeeze %dma_start3A_316 : memref<1x!tpu.dma_semaphore, #tpu.memory_space<semaphore_mem>> -> memref<!tpu.dma_semaphore, #tpu.memory_space<semaphore_mem>>
        tpu.enqueue_indirect_dma source(%dma_start3A_315 : memref<10000x64xf32, #tpu.memory_space<hbm>>) target(%dma_start3A_309 : memref<128x64xf32, #tpu.memory_space<vmem>>) offsets(%dma_start3A_312 : memref<128xi32, #tpu.memory_space<vmem>>) semaphore(%dma_start3A_317 : memref<!tpu.dma_semaphore, #tpu.memory_space<semaphore_mem>>)
      } else {
      }
      %add3A_218 = arith.constant 2 : i32
      %add3A_219 = arith.addi %add3A_136, %add3A_218 : i32
      %dma_wait3A_220 = arith.constant 2 : i32
      %dma_wait3A_221 = arith.constant 2 : i32
      %dma_wait3A_222 = arith.constant 0 : i32
      %dma_wait3A_223 = arith.constant 0 : i32
      %dma_wait3A_224 = tpu.memref_slice %arg9[%dma_wait3A_220, %dma_wait3A_222, %dma_wait3A_223] : memref<4x128x64xf32, #tpu.memory_space<vmem>> -> memref<1x128x64xf32, #tpu.memory_space<vmem>>
      %dma_wait3A_225 = tpu.memref_squeeze %dma_wait3A_224 : memref<1x128x64xf32, #tpu.memory_space<vmem>> -> memref<128x64xf32, #tpu.memory_space<vmem>>
      %dma_wait3A_226 = arith.constant 0 : i32
      %dma_wait3A_227 = tpu.memref_slice %arg7[%add3A_219, %dma_wait3A_226] : memref<128x128xi32, #tpu.memory_space<vmem>> -> memref<1x128xi32, #tpu.memory_space<vmem>>
      %dma_wait3A_228 = tpu.memref_squeeze %dma_wait3A_227 : memref<1x128xi32, #tpu.memory_space<vmem>> -> memref<128xi32, #tpu.memory_space<vmem>>
      %dma_wait3A_229 = arith.constant 0 : i32
      %dma_wait3A_230 = arith.constant 0 : i32
      %dma_wait3A_231 = tpu.memref_slice %arg2[%dma_wait3A_229, %dma_wait3A_230] : memref<10000x64xf32, #tpu.memory_space<hbm>> -> memref<10000x64xf32, #tpu.memory_space<hbm>>
      %dma_wait3A_232 = tpu.memref_slice %arg11[%dma_wait3A_221] : memref<4x!tpu.dma_semaphore, #tpu.memory_space<semaphore_mem>> -> memref<1x!tpu.dma_semaphore, #tpu.memory_space<semaphore_mem>>
      %dma_wait3A_233 = tpu.memref_squeeze %dma_wait3A_232 : memref<1x!tpu.dma_semaphore, #tpu.memory_space<semaphore_mem>> -> memref<!tpu.dma_semaphore, #tpu.memory_space<semaphore_mem>>
      tpu.wait_indirect_dma semaphore(%dma_wait3A_233 : memref<!tpu.dma_semaphore, #tpu.memory_space<semaphore_mem>>) src(%dma_wait3A_231 : memref<10000x64xf32, #tpu.memory_space<hbm>>) dst(%dma_wait3A_225 : memref<128x64xf32, #tpu.memory_space<vmem>>)
      %dma_start3A_234 = arith.constant 2 : i32
      %dma_start3A_235 = arith.constant 2 : i32
      %dma_start3A_236 = arith.constant 0 : i32
      %dma_start3A_237 = arith.constant 0 : i32
      %dma_start3A_238 = tpu.memref_slice %arg9[%dma_start3A_234, %dma_start3A_236, %dma_start3A_237] : memref<4x128x64xf32, #tpu.memory_space<vmem>> -> memref<1x128x64xf32, #tpu.memory_space<vmem>>
      %dma_start3A_239 = tpu.memref_squeeze %dma_start3A_238 : memref<1x128x64xf32, #tpu.memory_space<vmem>> -> memref<128x64xf32, #tpu.memory_space<vmem>>
      %dma_start3A_240 = arith.constant 0 : i32
      %dma_start3A_241 = tpu.memref_slice %arg8[%add3A_219, %dma_start3A_240] : memref<128x128xi32, #tpu.memory_space<vmem>> -> memref<1x128xi32, #tpu.memory_space<vmem>>
      %dma_start3A_242 = tpu.memref_squeeze %dma_start3A_241 : memref<1x128xi32, #tpu.memory_space<vmem>> -> memref<128xi32, #tpu.memory_space<vmem>>
      %dma_start3A_243 = arith.constant 0 : i32
      %dma_start3A_244 = arith.constant 0 : i32
      %dma_start3A_245 = tpu.memref_slice %arg10[%dma_start3A_243, %dma_start3A_244] : memref<10112x64xf32, #tpu.memory_space<vmem_shared>> -> memref<10112x64xf32, #tpu.memory_space<vmem_shared>>
      %dma_start3A_246 = tpu.memref_slice %arg12[%dma_start3A_235] : memref<4x!tpu.dma_semaphore, #tpu.memory_space<semaphore_mem>> -> memref<1x!tpu.dma_semaphore, #tpu.memory_space<semaphore_mem>>
      %dma_start3A_247 = tpu.memref_squeeze %dma_start3A_246 : memref<1x!tpu.dma_semaphore, #tpu.memory_space<semaphore_mem>> -> memref<!tpu.dma_semaphore, #tpu.memory_space<semaphore_mem>>
      tpu.enqueue_indirect_dma source(%dma_start3A_239 : memref<128x64xf32, #tpu.memory_space<vmem>>) target(%dma_start3A_245 : memref<10112x64xf32, #tpu.memory_space<vmem_shared>>) offsets(%dma_start3A_242 : memref<128xi32, #tpu.memory_space<vmem>>) semaphore(%dma_start3A_247 : memref<!tpu.dma_semaphore, #tpu.memory_space<semaphore_mem>>) {add = true}
      %add3A_248 = arith.constant 2 : i32
      %add3A_249 = arith.addi %add3A_219, %add3A_248 : i32
      %ge3A_250 = arith.constant 4 : i32
      %ge3A_251 = arith.cmpi sge, %add3A_249, %ge3A_250 : i32
      %lt3A_252 = arith.cmpi slt, %add3A_249, %select_n3A : i32
      %and3A_253 = arith.andi %ge3A_251, %lt3A_252 : i1
      %convert_element_type3A_254 = arith.extui %and3A_253 : i1 to i32
      %cond3A_255 = arith.constant 0 : i32
      %cond3A_256 = arith.cmpi ne, %convert_element_type3A_254, %cond3A_255 : i32
      scf.if %cond3A_256 {
        %sub3A_304 = arith.constant 4 : i32
        %sub3A_305 = arith.subi %add3A_249, %sub3A_304 : i32
        %dma_wait3A_306 = arith.constant 0 : i32
        %dma_wait3A_307 = arith.constant 0 : i32
        %dma_wait3A_308 = arith.constant 0 : i32
        %dma_wait3A_309 = arith.constant 0 : i32
        %dma_wait3A_310 = tpu.memref_slice %arg9[%dma_wait3A_306, %dma_wait3A_308, %dma_wait3A_309] : memref<4x128x64xf32, #tpu.memory_space<vmem>> -> memref<1x128x64xf32, #tpu.memory_space<vmem>>
        %dma_wait3A_311 = tpu.memref_squeeze %dma_wait3A_310 : memref<1x128x64xf32, #tpu.memory_space<vmem>> -> memref<128x64xf32, #tpu.memory_space<vmem>>
        %dma_wait3A_312 = arith.constant 0 : i32
        %dma_wait3A_313 = tpu.memref_slice %arg8[%sub3A_305, %dma_wait3A_312] : memref<128x128xi32, #tpu.memory_space<vmem>> -> memref<1x128xi32, #tpu.memory_space<vmem>>
        %dma_wait3A_314 = tpu.memref_squeeze %dma_wait3A_313 : memref<1x128xi32, #tpu.memory_space<vmem>> -> memref<128xi32, #tpu.memory_space<vmem>>
        %dma_wait3A_315 = arith.constant 0 : i32
        %dma_wait3A_316 = arith.constant 0 : i32
        %dma_wait3A_317 = tpu.memref_slice %arg10[%dma_wait3A_315, %dma_wait3A_316] : memref<10112x64xf32, #tpu.memory_space<vmem_shared>> -> memref<10112x64xf32, #tpu.memory_space<vmem_shared>>
        %dma_wait3A_318 = tpu.memref_slice %arg12[%dma_wait3A_307] : memref<4x!tpu.dma_semaphore, #tpu.memory_space<semaphore_mem>> -> memref<1x!tpu.dma_semaphore, #tpu.memory_space<semaphore_mem>>
        %dma_wait3A_319 = tpu.memref_squeeze %dma_wait3A_318 : memref<1x!tpu.dma_semaphore, #tpu.memory_space<semaphore_mem>> -> memref<!tpu.dma_semaphore, #tpu.memory_space<semaphore_mem>>
        tpu.wait_indirect_dma semaphore(%dma_wait3A_319 : memref<!tpu.dma_semaphore, #tpu.memory_space<semaphore_mem>>) src(%dma_wait3A_311 : memref<128x64xf32, #tpu.memory_space<vmem>>) dst(%dma_wait3A_317 : memref<10112x64xf32, #tpu.memory_space<vmem_shared>>)
      } else {
      }
      %lt3A_257 = arith.cmpi slt, %add3A_249, %select_n3A : i32
      %convert_element_type3A_258 = arith.extui %lt3A_257 : i1 to i32
      %cond3A_259 = arith.constant 0 : i32
      %cond3A_260 = arith.cmpi ne, %convert_element_type3A_258, %cond3A_259 : i32
      scf.if %cond3A_260 {
        %dma_start3A_304 = arith.constant 0 : i32
        %dma_start3A_305 = arith.constant 0 : i32
        %dma_start3A_306 = arith.constant 0 : i32
        %dma_start3A_307 = arith.constant 0 : i32
        %dma_start3A_308 = tpu.memref_slice %arg9[%dma_start3A_304, %dma_start3A_306, %dma_start3A_307] : memref<4x128x64xf32, #tpu.memory_space<vmem>> -> memref<1x128x64xf32, #tpu.memory_space<vmem>>
        %dma_start3A_309 = tpu.memref_squeeze %dma_start3A_308 : memref<1x128x64xf32, #tpu.memory_space<vmem>> -> memref<128x64xf32, #tpu.memory_space<vmem>>
        %dma_start3A_310 = arith.constant 0 : i32
        %dma_start3A_311 = tpu.memref_slice %arg7[%add3A_249, %dma_start3A_310] : memref<128x128xi32, #tpu.memory_space<vmem>> -> memref<1x128xi32, #tpu.memory_space<vmem>>
        %dma_start3A_312 = tpu.memref_squeeze %dma_start3A_311 : memref<1x128xi32, #tpu.memory_space<vmem>> -> memref<128xi32, #tpu.memory_space<vmem>>
        %dma_start3A_313 = arith.constant 0 : i32
        %dma_start3A_314 = arith.constant 0 : i32
        %dma_start3A_315 = tpu.memref_slice %arg2[%dma_start3A_313, %dma_start3A_314] : memref<10000x64xf32, #tpu.memory_space<hbm>> -> memref<10000x64xf32, #tpu.memory_space<hbm>>
        %dma_start3A_316 = tpu.memref_slice %arg11[%dma_start3A_305] : memref<4x!tpu.dma_semaphore, #tpu.memory_space<semaphore_mem>> -> memref<1x!tpu.dma_semaphore, #tpu.memory_space<semaphore_mem>>
        %dma_start3A_317 = tpu.memref_squeeze %dma_start3A_316 : memref<1x!tpu.dma_semaphore, #tpu.memory_space<semaphore_mem>> -> memref<!tpu.dma_semaphore, #tpu.memory_space<semaphore_mem>>
        tpu.enqueue_indirect_dma source(%dma_start3A_315 : memref<10000x64xf32, #tpu.memory_space<hbm>>) target(%dma_start3A_309 : memref<128x64xf32, #tpu.memory_space<vmem>>) offsets(%dma_start3A_312 : memref<128xi32, #tpu.memory_space<vmem>>) semaphore(%dma_start3A_317 : memref<!tpu.dma_semaphore, #tpu.memory_space<semaphore_mem>>)
      } else {
      }
      %add3A_261 = arith.constant 3 : i32
      %add3A_262 = arith.addi %add3A_136, %add3A_261 : i32
      %dma_wait3A_263 = arith.constant 3 : i32
      %dma_wait3A_264 = arith.constant 3 : i32
      %dma_wait3A_265 = arith.constant 0 : i32
      %dma_wait3A_266 = arith.constant 0 : i32
      %dma_wait3A_267 = tpu.memref_slice %arg9[%dma_wait3A_263, %dma_wait3A_265, %dma_wait3A_266] : memref<4x128x64xf32, #tpu.memory_space<vmem>> -> memref<1x128x64xf32, #tpu.memory_space<vmem>>
      %dma_wait3A_268 = tpu.memref_squeeze %dma_wait3A_267 : memref<1x128x64xf32, #tpu.memory_space<vmem>> -> memref<128x64xf32, #tpu.memory_space<vmem>>
      %dma_wait3A_269 = arith.constant 0 : i32
      %dma_wait3A_270 = tpu.memref_slice %arg7[%add3A_262, %dma_wait3A_269] : memref<128x128xi32, #tpu.memory_space<vmem>> -> memref<1x128xi32, #tpu.memory_space<vmem>>
      %dma_wait3A_271 = tpu.memref_squeeze %dma_wait3A_270 : memref<1x128xi32, #tpu.memory_space<vmem>> -> memref<128xi32, #tpu.memory_space<vmem>>
      %dma_wait3A_272 = arith.constant 0 : i32
      %dma_wait3A_273 = arith.constant 0 : i32
      %dma_wait3A_274 = tpu.memref_slice %arg2[%dma_wait3A_272, %dma_wait3A_273] : memref<10000x64xf32, #tpu.memory_space<hbm>> -> memref<10000x64xf32, #tpu.memory_space<hbm>>
      %dma_wait3A_275 = tpu.memref_slice %arg11[%dma_wait3A_264] : memref<4x!tpu.dma_semaphore, #tpu.memory_space<semaphore_mem>> -> memref<1x!tpu.dma_semaphore, #tpu.memory_space<semaphore_mem>>
      %dma_wait3A_276 = tpu.memref_squeeze %dma_wait3A_275 : memref<1x!tpu.dma_semaphore, #tpu.memory_space<semaphore_mem>> -> memref<!tpu.dma_semaphore, #tpu.memory_space<semaphore_mem>>
      tpu.wait_indirect_dma semaphore(%dma_wait3A_276 : memref<!tpu.dma_semaphore, #tpu.memory_space<semaphore_mem>>) src(%dma_wait3A_274 : memref<10000x64xf32, #tpu.memory_space<hbm>>) dst(%dma_wait3A_268 : memref<128x64xf32, #tpu.memory_space<vmem>>)
      %dma_start3A_277 = arith.constant 3 : i32
      %dma_start3A_278 = arith.constant 3 : i32
      %dma_start3A_279 = arith.constant 0 : i32
      %dma_start3A_280 = arith.constant 0 : i32
      %dma_start3A_281 = tpu.memref_slice %arg9[%dma_start3A_277, %dma_start3A_279, %dma_start3A_280] : memref<4x128x64xf32, #tpu.memory_space<vmem>> -> memref<1x128x64xf32, #tpu.memory_space<vmem>>
      %dma_start3A_282 = tpu.memref_squeeze %dma_start3A_281 : memref<1x128x64xf32, #tpu.memory_space<vmem>> -> memref<128x64xf32, #tpu.memory_space<vmem>>
      %dma_start3A_283 = arith.constant 0 : i32
      %dma_start3A_284 = tpu.memref_slice %arg8[%add3A_262, %dma_start3A_283] : memref<128x128xi32, #tpu.memory_space<vmem>> -> memref<1x128xi32, #tpu.memory_space<vmem>>
      %dma_start3A_285 = tpu.memref_squeeze %dma_start3A_284 : memref<1x128xi32, #tpu.memory_space<vmem>> -> memref<128xi32, #tpu.memory_space<vmem>>
      %dma_start3A_286 = arith.constant 0 : i32
      %dma_start3A_287 = arith.constant 0 : i32
      %dma_start3A_288 = tpu.memref_slice %arg10[%dma_start3A_286, %dma_start3A_287] : memref<10112x64xf32, #tpu.memory_space<vmem_shared>> -> memref<10112x64xf32, #tpu.memory_space<vmem_shared>>
      %dma_start3A_289 = tpu.memref_slice %arg12[%dma_start3A_278] : memref<4x!tpu.dma_semaphore, #tpu.memory_space<semaphore_mem>> -> memref<1x!tpu.dma_semaphore, #tpu.memory_space<semaphore_mem>>
      %dma_start3A_290 = tpu.memref_squeeze %dma_start3A_289 : memref<1x!tpu.dma_semaphore, #tpu.memory_space<semaphore_mem>> -> memref<!tpu.dma_semaphore, #tpu.memory_space<semaphore_mem>>
      tpu.enqueue_indirect_dma source(%dma_start3A_282 : memref<128x64xf32, #tpu.memory_space<vmem>>) target(%dma_start3A_288 : memref<10112x64xf32, #tpu.memory_space<vmem_shared>>) offsets(%dma_start3A_285 : memref<128xi32, #tpu.memory_space<vmem>>) semaphore(%dma_start3A_290 : memref<!tpu.dma_semaphore, #tpu.memory_space<semaphore_mem>>) {add = true}
      %add3A_291 = arith.constant 2 : i32
      %add3A_292 = arith.addi %add3A_262, %add3A_291 : i32
      %ge3A_293 = arith.constant 4 : i32
      %ge3A_294 = arith.cmpi sge, %add3A_292, %ge3A_293 : i32
      %lt3A_295 = arith.cmpi slt, %add3A_292, %select_n3A : i32
      %and3A_296 = arith.andi %ge3A_294, %lt3A_295 : i1
      %convert_element_type3A_297 = arith.extui %and3A_296 : i1 to i32
      %cond3A_298 = arith.constant 0 : i32
      %cond3A_299 = arith.cmpi ne, %convert_element_type3A_297, %cond3A_298 : i32
      scf.if %cond3A_299 {
        %sub3A_304 = arith.constant 4 : i32
        %sub3A_305 = arith.subi %add3A_292, %sub3A_304 : i32
        %dma_wait3A_306 = arith.constant 1 : i32
        %dma_wait3A_307 = arith.constant 1 : i32
        %dma_wait3A_308 = arith.constant 0 : i32
        %dma_wait3A_309 = arith.constant 0 : i32
        %dma_wait3A_310 = tpu.memref_slice %arg9[%dma_wait3A_306, %dma_wait3A_308, %dma_wait3A_309] : memref<4x128x64xf32, #tpu.memory_space<vmem>> -> memref<1x128x64xf32, #tpu.memory_space<vmem>>
        %dma_wait3A_311 = tpu.memref_squeeze %dma_wait3A_310 : memref<1x128x64xf32, #tpu.memory_space<vmem>> -> memref<128x64xf32, #tpu.memory_space<vmem>>
        %dma_wait3A_312 = arith.constant 0 : i32
        %dma_wait3A_313 = tpu.memref_slice %arg8[%sub3A_305, %dma_wait3A_312] : memref<128x128xi32, #tpu.memory_space<vmem>> -> memref<1x128xi32, #tpu.memory_space<vmem>>
        %dma_wait3A_314 = tpu.memref_squeeze %dma_wait3A_313 : memref<1x128xi32, #tpu.memory_space<vmem>> -> memref<128xi32, #tpu.memory_space<vmem>>
        %dma_wait3A_315 = arith.constant 0 : i32
        %dma_wait3A_316 = arith.constant 0 : i32
        %dma_wait3A_317 = tpu.memref_slice %arg10[%dma_wait3A_315, %dma_wait3A_316] : memref<10112x64xf32, #tpu.memory_space<vmem_shared>> -> memref<10112x64xf32, #tpu.memory_space<vmem_shared>>
        %dma_wait3A_318 = tpu.memref_slice %arg12[%dma_wait3A_307] : memref<4x!tpu.dma_semaphore, #tpu.memory_space<semaphore_mem>> -> memref<1x!tpu.dma_semaphore, #tpu.memory_space<semaphore_mem>>
        %dma_wait3A_319 = tpu.memref_squeeze %dma_wait3A_318 : memref<1x!tpu.dma_semaphore, #tpu.memory_space<semaphore_mem>> -> memref<!tpu.dma_semaphore, #tpu.memory_space<semaphore_mem>>
        tpu.wait_indirect_dma semaphore(%dma_wait3A_319 : memref<!tpu.dma_semaphore, #tpu.memory_space<semaphore_mem>>) src(%dma_wait3A_311 : memref<128x64xf32, #tpu.memory_space<vmem>>) dst(%dma_wait3A_317 : memref<10112x64xf32, #tpu.memory_space<vmem_shared>>)
      } else {
      }
      %lt3A_300 = arith.cmpi slt, %add3A_292, %select_n3A : i32
      %convert_element_type3A_301 = arith.extui %lt3A_300 : i1 to i32
      %cond3A_302 = arith.constant 0 : i32
      %cond3A_303 = arith.cmpi ne, %convert_element_type3A_301, %cond3A_302 : i32
      scf.if %cond3A_303 {
        %dma_start3A_304 = arith.constant 1 : i32
        %dma_start3A_305 = arith.constant 1 : i32
        %dma_start3A_306 = arith.constant 0 : i32
        %dma_start3A_307 = arith.constant 0 : i32
        %dma_start3A_308 = tpu.memref_slice %arg9[%dma_start3A_304, %dma_start3A_306, %dma_start3A_307] : memref<4x128x64xf32, #tpu.memory_space<vmem>> -> memref<1x128x64xf32, #tpu.memory_space<vmem>>
        %dma_start3A_309 = tpu.memref_squeeze %dma_start3A_308 : memref<1x128x64xf32, #tpu.memory_space<vmem>> -> memref<128x64xf32, #tpu.memory_space<vmem>>
        %dma_start3A_310 = arith.constant 0 : i32
        %dma_start3A_311 = tpu.memref_slice %arg7[%add3A_292, %dma_start3A_310] : memref<128x128xi32, #tpu.memory_space<vmem>> -> memref<1x128xi32, #tpu.memory_space<vmem>>
        %dma_start3A_312 = tpu.memref_squeeze %dma_start3A_311 : memref<1x128xi32, #tpu.memory_space<vmem>> -> memref<128xi32, #tpu.memory_space<vmem>>
        %dma_start3A_313 = arith.constant 0 : i32
        %dma_start3A_314 = arith.constant 0 : i32
        %dma_start3A_315 = tpu.memref_slice %arg2[%dma_start3A_313, %dma_start3A_314] : memref<10000x64xf32, #tpu.memory_space<hbm>> -> memref<10000x64xf32, #tpu.memory_space<hbm>>
        %dma_start3A_316 = tpu.memref_slice %arg11[%dma_start3A_305] : memref<4x!tpu.dma_semaphore, #tpu.memory_space<semaphore_mem>> -> memref<1x!tpu.dma_semaphore, #tpu.memory_space<semaphore_mem>>
        %dma_start3A_317 = tpu.memref_squeeze %dma_start3A_316 : memref<1x!tpu.dma_semaphore, #tpu.memory_space<semaphore_mem>> -> memref<!tpu.dma_semaphore, #tpu.memory_space<semaphore_mem>>
        tpu.enqueue_indirect_dma source(%dma_start3A_315 : memref<10000x64xf32, #tpu.memory_space<hbm>>) target(%dma_start3A_309 : memref<128x64xf32, #tpu.memory_space<vmem>>) offsets(%dma_start3A_312 : memref<128xi32, #tpu.memory_space<vmem>>) semaphore(%dma_start3A_317 : memref<!tpu.dma_semaphore, #tpu.memory_space<semaphore_mem>>)
      } else {
      }
    }
    %while3A_57 = arith.constant 1 : i32
    scf.for %while3A_134 = %while3A_55 to %while3A_51 step %while3A_57  : i32 {
      %mul3A_135 = arith.muli %while3A_134, %while3A : i32
      %add3A_136 = arith.addi %while3A_48, %mul3A_135 : i32
      %add3A_137 = arith.constant 0 : i32
      %add3A_138 = arith.addi %add3A_136, %add3A_137 : i32
      %dma_wait3A_139 = arith.constant 0 : i32
      %dma_wait3A_140 = arith.constant 0 : i32
      %dma_wait3A_141 = arith.constant 0 : i32
      %dma_wait3A_142 = arith.constant 0 : i32
      %dma_wait3A_143 = tpu.memref_slice %arg9[%dma_wait3A_139, %dma_wait3A_141, %dma_wait3A_142] : memref<4x128x64xf32, #tpu.memory_space<vmem>> -> memref<1x128x64xf32, #tpu.memory_space<vmem>>
      %dma_wait3A_144 = tpu.memref_squeeze %dma_wait3A_143 : memref<1x128x64xf32, #tpu.memory_space<vmem>> -> memref<128x64xf32, #tpu.memory_space<vmem>>
      %dma_wait3A_145 = arith.constant 0 : i32
      %dma_wait3A_146 = tpu.memref_slice %arg7[%add3A_138, %dma_wait3A_145] : memref<128x128xi32, #tpu.memory_space<vmem>> -> memref<1x128xi32, #tpu.memory_space<vmem>>
      %dma_wait3A_147 = tpu.memref_squeeze %dma_wait3A_146 : memref<1x128xi32, #tpu.memory_space<vmem>> -> memref<128xi32, #tpu.memory_space<vmem>>
      %dma_wait3A_148 = arith.constant 0 : i32
      %dma_wait3A_149 = arith.constant 0 : i32
      %dma_wait3A_150 = tpu.memref_slice %arg2[%dma_wait3A_148, %dma_wait3A_149] : memref<10000x64xf32, #tpu.memory_space<hbm>> -> memref<10000x64xf32, #tpu.memory_space<hbm>>
      %dma_wait3A_151 = tpu.memref_slice %arg11[%dma_wait3A_140] : memref<4x!tpu.dma_semaphore, #tpu.memory_space<semaphore_mem>> -> memref<1x!tpu.dma_semaphore, #tpu.memory_space<semaphore_mem>>
      %dma_wait3A_152 = tpu.memref_squeeze %dma_wait3A_151 : memref<1x!tpu.dma_semaphore, #tpu.memory_space<semaphore_mem>> -> memref<!tpu.dma_semaphore, #tpu.memory_space<semaphore_mem>>
      tpu.wait_indirect_dma semaphore(%dma_wait3A_152 : memref<!tpu.dma_semaphore, #tpu.memory_space<semaphore_mem>>) src(%dma_wait3A_150 : memref<10000x64xf32, #tpu.memory_space<hbm>>) dst(%dma_wait3A_144 : memref<128x64xf32, #tpu.memory_space<vmem>>)
      %dma_start3A_153 = arith.constant 0 : i32
      %dma_start3A_154 = arith.constant 0 : i32
      %dma_start3A_155 = arith.constant 0 : i32
      %dma_start3A_156 = arith.constant 0 : i32
      %dma_start3A_157 = tpu.memref_slice %arg9[%dma_start3A_153, %dma_start3A_155, %dma_start3A_156] : memref<4x128x64xf32, #tpu.memory_space<vmem>> -> memref<1x128x64xf32, #tpu.memory_space<vmem>>
      %dma_start3A_158 = tpu.memref_squeeze %dma_start3A_157 : memref<1x128x64xf32, #tpu.memory_space<vmem>> -> memref<128x64xf32, #tpu.memory_space<vmem>>
      %dma_start3A_159 = arith.constant 0 : i32
      %dma_start3A_160 = tpu.memref_slice %arg8[%add3A_138, %dma_start3A_159] : memref<128x128xi32, #tpu.memory_space<vmem>> -> memref<1x128xi32, #tpu.memory_space<vmem>>
      %dma_start3A_161 = tpu.memref_squeeze %dma_start3A_160 : memref<1x128xi32, #tpu.memory_space<vmem>> -> memref<128xi32, #tpu.memory_space<vmem>>
      %dma_start3A_162 = arith.constant 0 : i32
      %dma_start3A_163 = arith.constant 0 : i32
      %dma_start3A_164 = tpu.memref_slice %arg10[%dma_start3A_162, %dma_start3A_163] : memref<10112x64xf32, #tpu.memory_space<vmem_shared>> -> memref<10112x64xf32, #tpu.memory_space<vmem_shared>>
      %dma_start3A_165 = tpu.memref_slice %arg12[%dma_start3A_154] : memref<4x!tpu.dma_semaphore, #tpu.memory_space<semaphore_mem>> -> memref<1x!tpu.dma_semaphore, #tpu.memory_space<semaphore_mem>>
      %dma_start3A_166 = tpu.memref_squeeze %dma_start3A_165 : memref<1x!tpu.dma_semaphore, #tpu.memory_space<semaphore_mem>> -> memref<!tpu.dma_semaphore, #tpu.memory_space<semaphore_mem>>
      tpu.enqueue_indirect_dma source(%dma_start3A_158 : memref<128x64xf32, #tpu.memory_space<vmem>>) target(%dma_start3A_164 : memref<10112x64xf32, #tpu.memory_space<vmem_shared>>) offsets(%dma_start3A_161 : memref<128xi32, #tpu.memory_space<vmem>>) semaphore(%dma_start3A_166 : memref<!tpu.dma_semaphore, #tpu.memory_space<semaphore_mem>>) {add = true}
      %add3A_167 = arith.constant 2 : i32
      %add3A_168 = arith.addi %add3A_138, %add3A_167 : i32
      %ge3A = arith.constant 4 : i32
      %ge3A_169 = arith.cmpi sge, %add3A_168, %ge3A : i32
      %lt3A = arith.cmpi slt, %add3A_168, %select_n3A : i32
      %and3A = arith.andi %ge3A_169, %lt3A : i1
      %convert_element_type3A = arith.extui %and3A : i1 to i32
      %cond3A = arith.constant 0 : i32
      %cond3A_170 = arith.cmpi ne, %convert_element_type3A, %cond3A : i32
      scf.if %cond3A_170 {
        %sub3A_304 = arith.constant 4 : i32
        %sub3A_305 = arith.subi %add3A_168, %sub3A_304 : i32
        %dma_wait3A_306 = arith.constant 2 : i32
        %dma_wait3A_307 = arith.constant 2 : i32
        %dma_wait3A_308 = arith.constant 0 : i32
        %dma_wait3A_309 = arith.constant 0 : i32
        %dma_wait3A_310 = tpu.memref_slice %arg9[%dma_wait3A_306, %dma_wait3A_308, %dma_wait3A_309] : memref<4x128x64xf32, #tpu.memory_space<vmem>> -> memref<1x128x64xf32, #tpu.memory_space<vmem>>
        %dma_wait3A_311 = tpu.memref_squeeze %dma_wait3A_310 : memref<1x128x64xf32, #tpu.memory_space<vmem>> -> memref<128x64xf32, #tpu.memory_space<vmem>>
        %dma_wait3A_312 = arith.constant 0 : i32
        %dma_wait3A_313 = tpu.memref_slice %arg8[%sub3A_305, %dma_wait3A_312] : memref<128x128xi32, #tpu.memory_space<vmem>> -> memref<1x128xi32, #tpu.memory_space<vmem>>
        %dma_wait3A_314 = tpu.memref_squeeze %dma_wait3A_313 : memref<1x128xi32, #tpu.memory_space<vmem>> -> memref<128xi32, #tpu.memory_space<vmem>>
        %dma_wait3A_315 = arith.constant 0 : i32
        %dma_wait3A_316 = arith.constant 0 : i32
        %dma_wait3A_317 = tpu.memref_slice %arg10[%dma_wait3A_315, %dma_wait3A_316] : memref<10112x64xf32, #tpu.memory_space<vmem_shared>> -> memref<10112x64xf32, #tpu.memory_space<vmem_shared>>
        %dma_wait3A_318 = tpu.memref_slice %arg12[%dma_wait3A_307] : memref<4x!tpu.dma_semaphore, #tpu.memory_space<semaphore_mem>> -> memref<1x!tpu.dma_semaphore, #tpu.memory_space<semaphore_mem>>
        %dma_wait3A_319 = tpu.memref_squeeze %dma_wait3A_318 : memref<1x!tpu.dma_semaphore, #tpu.memory_space<semaphore_mem>> -> memref<!tpu.dma_semaphore, #tpu.memory_space<semaphore_mem>>
        tpu.wait_indirect_dma semaphore(%dma_wait3A_319 : memref<!tpu.dma_semaphore, #tpu.memory_space<semaphore_mem>>) src(%dma_wait3A_311 : memref<128x64xf32, #tpu.memory_space<vmem>>) dst(%dma_wait3A_317 : memref<10112x64xf32, #tpu.memory_space<vmem_shared>>)
      } else {
      }
      %lt3A_171 = arith.cmpi slt, %add3A_168, %select_n3A : i32
      %convert_element_type3A_172 = arith.extui %lt3A_171 : i1 to i32
      %cond3A_173 = arith.constant 0 : i32
      %cond3A_174 = arith.cmpi ne, %convert_element_type3A_172, %cond3A_173 : i32
      scf.if %cond3A_174 {
        %dma_start3A_304 = arith.constant 2 : i32
        %dma_start3A_305 = arith.constant 2 : i32
        %dma_start3A_306 = arith.constant 0 : i32
        %dma_start3A_307 = arith.constant 0 : i32
        %dma_start3A_308 = tpu.memref_slice %arg9[%dma_start3A_304, %dma_start3A_306, %dma_start3A_307] : memref<4x128x64xf32, #tpu.memory_space<vmem>> -> memref<1x128x64xf32, #tpu.memory_space<vmem>>
        %dma_start3A_309 = tpu.memref_squeeze %dma_start3A_308 : memref<1x128x64xf32, #tpu.memory_space<vmem>> -> memref<128x64xf32, #tpu.memory_space<vmem>>
        %dma_start3A_310 = arith.constant 0 : i32
        %dma_start3A_311 = tpu.memref_slice %arg7[%add3A_168, %dma_start3A_310] : memref<128x128xi32, #tpu.memory_space<vmem>> -> memref<1x128xi32, #tpu.memory_space<vmem>>
        %dma_start3A_312 = tpu.memref_squeeze %dma_start3A_311 : memref<1x128xi32, #tpu.memory_space<vmem>> -> memref<128xi32, #tpu.memory_space<vmem>>
        %dma_start3A_313 = arith.constant 0 : i32
        %dma_start3A_314 = arith.constant 0 : i32
        %dma_start3A_315 = tpu.memref_slice %arg2[%dma_start3A_313, %dma_start3A_314] : memref<10000x64xf32, #tpu.memory_space<hbm>> -> memref<10000x64xf32, #tpu.memory_space<hbm>>
        %dma_start3A_316 = tpu.memref_slice %arg11[%dma_start3A_305] : memref<4x!tpu.dma_semaphore, #tpu.memory_space<semaphore_mem>> -> memref<1x!tpu.dma_semaphore, #tpu.memory_space<semaphore_mem>>
        %dma_start3A_317 = tpu.memref_squeeze %dma_start3A_316 : memref<1x!tpu.dma_semaphore, #tpu.memory_space<semaphore_mem>> -> memref<!tpu.dma_semaphore, #tpu.memory_space<semaphore_mem>>
        tpu.enqueue_indirect_dma source(%dma_start3A_315 : memref<10000x64xf32, #tpu.memory_space<hbm>>) target(%dma_start3A_309 : memref<128x64xf32, #tpu.memory_space<vmem>>) offsets(%dma_start3A_312 : memref<128xi32, #tpu.memory_space<vmem>>) semaphore(%dma_start3A_317 : memref<!tpu.dma_semaphore, #tpu.memory_space<semaphore_mem>>)
      } else {
      }
      %add3A_175 = arith.constant 1 : i32
      %add3A_176 = arith.addi %add3A_136, %add3A_175 : i32
      %dma_wait3A_177 = arith.constant 1 : i32
      %dma_wait3A_178 = arith.constant 1 : i32
      %dma_wait3A_179 = arith.constant 0 : i32
      %dma_wait3A_180 = arith.constant 0 : i32
      %dma_wait3A_181 = tpu.memref_slice %arg9[%dma_wait3A_177, %dma_wait3A_179, %dma_wait3A_180] : memref<4x128x64xf32, #tpu.memory_space<vmem>> -> memref<1x128x64xf32, #tpu.memory_space<vmem>>
      %dma_wait3A_182 = tpu.memref_squeeze %dma_wait3A_181 : memref<1x128x64xf32, #tpu.memory_space<vmem>> -> memref<128x64xf32, #tpu.memory_space<vmem>>
      %dma_wait3A_183 = arith.constant 0 : i32
      %dma_wait3A_184 = tpu.memref_slice %arg7[%add3A_176, %dma_wait3A_183] : memref<128x128xi32, #tpu.memory_space<vmem>> -> memref<1x128xi32, #tpu.memory_space<vmem>>
      %dma_wait3A_185 = tpu.memref_squeeze %dma_wait3A_184 : memref<1x128xi32, #tpu.memory_space<vmem>> -> memref<128xi32, #tpu.memory_space<vmem>>
      %dma_wait3A_186 = arith.constant 0 : i32
      %dma_wait3A_187 = arith.constant 0 : i32
      %dma_wait3A_188 = tpu.memref_slice %arg2[%dma_wait3A_186, %dma_wait3A_187] : memref<10000x64xf32, #tpu.memory_space<hbm>> -> memref<10000x64xf32, #tpu.memory_space<hbm>>
      %dma_wait3A_189 = tpu.memref_slice %arg11[%dma_wait3A_178] : memref<4x!tpu.dma_semaphore, #tpu.memory_space<semaphore_mem>> -> memref<1x!tpu.dma_semaphore, #tpu.memory_space<semaphore_mem>>
      %dma_wait3A_190 = tpu.memref_squeeze %dma_wait3A_189 : memref<1x!tpu.dma_semaphore, #tpu.memory_space<semaphore_mem>> -> memref<!tpu.dma_semaphore, #tpu.memory_space<semaphore_mem>>
      tpu.wait_indirect_dma semaphore(%dma_wait3A_190 : memref<!tpu.dma_semaphore, #tpu.memory_space<semaphore_mem>>) src(%dma_wait3A_188 : memref<10000x64xf32, #tpu.memory_space<hbm>>) dst(%dma_wait3A_182 : memref<128x64xf32, #tpu.memory_space<vmem>>)
      %dma_start3A_191 = arith.constant 1 : i32
      %dma_start3A_192 = arith.constant 1 : i32
      %dma_start3A_193 = arith.constant 0 : i32
      %dma_start3A_194 = arith.constant 0 : i32
      %dma_start3A_195 = tpu.memref_slice %arg9[%dma_start3A_191, %dma_start3A_193, %dma_start3A_194] : memref<4x128x64xf32, #tpu.memory_space<vmem>> -> memref<1x128x64xf32, #tpu.memory_space<vmem>>
      %dma_start3A_196 = tpu.memref_squeeze %dma_start3A_195 : memref<1x128x64xf32, #tpu.memory_space<vmem>> -> memref<128x64xf32, #tpu.memory_space<vmem>>
      %dma_start3A_197 = arith.constant 0 : i32
      %dma_start3A_198 = tpu.memref_slice %arg8[%add3A_176, %dma_start3A_197] : memref<128x128xi32, #tpu.memory_space<vmem>> -> memref<1x128xi32, #tpu.memory_space<vmem>>
      %dma_start3A_199 = tpu.memref_squeeze %dma_start3A_198 : memref<1x128xi32, #tpu.memory_space<vmem>> -> memref<128xi32, #tpu.memory_space<vmem>>
      %dma_start3A_200 = arith.constant 0 : i32
      %dma_start3A_201 = arith.constant 0 : i32
      %dma_start3A_202 = tpu.memref_slice %arg10[%dma_start3A_200, %dma_start3A_201] : memref<10112x64xf32, #tpu.memory_space<vmem_shared>> -> memref<10112x64xf32, #tpu.memory_space<vmem_shared>>
      %dma_start3A_203 = tpu.memref_slice %arg12[%dma_start3A_192] : memref<4x!tpu.dma_semaphore, #tpu.memory_space<semaphore_mem>> -> memref<1x!tpu.dma_semaphore, #tpu.memory_space<semaphore_mem>>
      %dma_start3A_204 = tpu.memref_squeeze %dma_start3A_203 : memref<1x!tpu.dma_semaphore, #tpu.memory_space<semaphore_mem>> -> memref<!tpu.dma_semaphore, #tpu.memory_space<semaphore_mem>>
      tpu.enqueue_indirect_dma source(%dma_start3A_196 : memref<128x64xf32, #tpu.memory_space<vmem>>) target(%dma_start3A_202 : memref<10112x64xf32, #tpu.memory_space<vmem_shared>>) offsets(%dma_start3A_199 : memref<128xi32, #tpu.memory_space<vmem>>) semaphore(%dma_start3A_204 : memref<!tpu.dma_semaphore, #tpu.memory_space<semaphore_mem>>) {add = true}
      %add3A_205 = arith.constant 2 : i32
      %add3A_206 = arith.addi %add3A_176, %add3A_205 : i32
      %ge3A_207 = arith.constant 4 : i32
      %ge3A_208 = arith.cmpi sge, %add3A_206, %ge3A_207 : i32
      %lt3A_209 = arith.cmpi slt, %add3A_206, %select_n3A : i32
      %and3A_210 = arith.andi %ge3A_208, %lt3A_209 : i1
      %convert_element_type3A_211 = arith.extui %and3A_210 : i1 to i32
      %cond3A_212 = arith.constant 0 : i32
      %cond3A_213 = arith.cmpi ne, %convert_element_type3A_211, %cond3A_212 : i32
      scf.if %cond3A_213 {
        %sub3A_304 = arith.constant 4 : i32
        %sub3A_305 = arith.subi %add3A_206, %sub3A_304 : i32
        %dma_wait3A_306 = arith.constant 3 : i32
        %dma_wait3A_307 = arith.constant 3 : i32
        %dma_wait3A_308 = arith.constant 0 : i32
        %dma_wait3A_309 = arith.constant 0 : i32
        %dma_wait3A_310 = tpu.memref_slice %arg9[%dma_wait3A_306, %dma_wait3A_308, %dma_wait3A_309] : memref<4x128x64xf32, #tpu.memory_space<vmem>> -> memref<1x128x64xf32, #tpu.memory_space<vmem>>
        %dma_wait3A_311 = tpu.memref_squeeze %dma_wait3A_310 : memref<1x128x64xf32, #tpu.memory_space<vmem>> -> memref<128x64xf32, #tpu.memory_space<vmem>>
        %dma_wait3A_312 = arith.constant 0 : i32
        %dma_wait3A_313 = tpu.memref_slice %arg8[%sub3A_305, %dma_wait3A_312] : memref<128x128xi32, #tpu.memory_space<vmem>> -> memref<1x128xi32, #tpu.memory_space<vmem>>
        %dma_wait3A_314 = tpu.memref_squeeze %dma_wait3A_313 : memref<1x128xi32, #tpu.memory_space<vmem>> -> memref<128xi32, #tpu.memory_space<vmem>>
        %dma_wait3A_315 = arith.constant 0 : i32
        %dma_wait3A_316 = arith.constant 0 : i32
        %dma_wait3A_317 = tpu.memref_slice %arg10[%dma_wait3A_315, %dma_wait3A_316] : memref<10112x64xf32, #tpu.memory_space<vmem_shared>> -> memref<10112x64xf32, #tpu.memory_space<vmem_shared>>
        %dma_wait3A_318 = tpu.memref_slice %arg12[%dma_wait3A_307] : memref<4x!tpu.dma_semaphore, #tpu.memory_space<semaphore_mem>> -> memref<1x!tpu.dma_semaphore, #tpu.memory_space<semaphore_mem>>
        %dma_wait3A_319 = tpu.memref_squeeze %dma_wait3A_318 : memref<1x!tpu.dma_semaphore, #tpu.memory_space<semaphore_mem>> -> memref<!tpu.dma_semaphore, #tpu.memory_space<semaphore_mem>>
        tpu.wait_indirect_dma semaphore(%dma_wait3A_319 : memref<!tpu.dma_semaphore, #tpu.memory_space<semaphore_mem>>) src(%dma_wait3A_311 : memref<128x64xf32, #tpu.memory_space<vmem>>) dst(%dma_wait3A_317 : memref<10112x64xf32, #tpu.memory_space<vmem_shared>>)
      } else {
      }
      %lt3A_214 = arith.cmpi slt, %add3A_206, %select_n3A : i32
      %convert_element_type3A_215 = arith.extui %lt3A_214 : i1 to i32
      %cond3A_216 = arith.constant 0 : i32
      %cond3A_217 = arith.cmpi ne, %convert_element_type3A_215, %cond3A_216 : i32
      scf.if %cond3A_217 {
        %dma_start3A_304 = arith.constant 3 : i32
        %dma_start3A_305 = arith.constant 3 : i32
        %dma_start3A_306 = arith.constant 0 : i32
        %dma_start3A_307 = arith.constant 0 : i32
        %dma_start3A_308 = tpu.memref_slice %arg9[%dma_start3A_304, %dma_start3A_306, %dma_start3A_307] : memref<4x128x64xf32, #tpu.memory_space<vmem>> -> memref<1x128x64xf32, #tpu.memory_space<vmem>>
        %dma_start3A_309 = tpu.memref_squeeze %dma_start3A_308 : memref<1x128x64xf32, #tpu.memory_space<vmem>> -> memref<128x64xf32, #tpu.memory_space<vmem>>
        %dma_start3A_310 = arith.constant 0 : i32
        %dma_start3A_311 = tpu.memref_slice %arg7[%add3A_206, %dma_start3A_310] : memref<128x128xi32, #tpu.memory_space<vmem>> -> memref<1x128xi32, #tpu.memory_space<vmem>>
        %dma_start3A_312 = tpu.memref_squeeze %dma_start3A_311 : memref<1x128xi32, #tpu.memory_space<vmem>> -> memref<128xi32, #tpu.memory_space<vmem>>
        %dma_start3A_313 = arith.constant 0 : i32
        %dma_start3A_314 = arith.constant 0 : i32
        %dma_start3A_315 = tpu.memref_slice %arg2[%dma_start3A_313, %dma_start3A_314] : memref<10000x64xf32, #tpu.memory_space<hbm>> -> memref<10000x64xf32, #tpu.memory_space<hbm>>
        %dma_start3A_316 = tpu.memref_slice %arg11[%dma_start3A_305] : memref<4x!tpu.dma_semaphore, #tpu.memory_space<semaphore_mem>> -> memref<1x!tpu.dma_semaphore, #tpu.memory_space<semaphore_mem>>
        %dma_start3A_317 = tpu.memref_squeeze %dma_start3A_316 : memref<1x!tpu.dma_semaphore, #tpu.memory_space<semaphore_mem>> -> memref<!tpu.dma_semaphore, #tpu.memory_space<semaphore_mem>>
        tpu.enqueue_indirect_dma source(%dma_start3A_315 : memref<10000x64xf32, #tpu.memory_space<hbm>>) target(%dma_start3A_309 : memref<128x64xf32, #tpu.memory_space<vmem>>) offsets(%dma_start3A_312 : memref<128xi32, #tpu.memory_space<vmem>>) semaphore(%dma_start3A_317 : memref<!tpu.dma_semaphore, #tpu.memory_space<semaphore_mem>>)
      } else {
      }
      %add3A_218 = arith.constant 2 : i32
      %add3A_219 = arith.addi %add3A_136, %add3A_218 : i32
      %dma_wait3A_220 = arith.constant 2 : i32
      %dma_wait3A_221 = arith.constant 2 : i32
      %dma_wait3A_222 = arith.constant 0 : i32
      %dma_wait3A_223 = arith.constant 0 : i32
      %dma_wait3A_224 = tpu.memref_slice %arg9[%dma_wait3A_220, %dma_wait3A_222, %dma_wait3A_223] : memref<4x128x64xf32, #tpu.memory_space<vmem>> -> memref<1x128x64xf32, #tpu.memory_space<vmem>>
      %dma_wait3A_225 = tpu.memref_squeeze %dma_wait3A_224 : memref<1x128x64xf32, #tpu.memory_space<vmem>> -> memref<128x64xf32, #tpu.memory_space<vmem>>
      %dma_wait3A_226 = arith.constant 0 : i32
      %dma_wait3A_227 = tpu.memref_slice %arg7[%add3A_219, %dma_wait3A_226] : memref<128x128xi32, #tpu.memory_space<vmem>> -> memref<1x128xi32, #tpu.memory_space<vmem>>
      %dma_wait3A_228 = tpu.memref_squeeze %dma_wait3A_227 : memref<1x128xi32, #tpu.memory_space<vmem>> -> memref<128xi32, #tpu.memory_space<vmem>>
      %dma_wait3A_229 = arith.constant 0 : i32
      %dma_wait3A_230 = arith.constant 0 : i32
      %dma_wait3A_231 = tpu.memref_slice %arg2[%dma_wait3A_229, %dma_wait3A_230] : memref<10000x64xf32, #tpu.memory_space<hbm>> -> memref<10000x64xf32, #tpu.memory_space<hbm>>
      %dma_wait3A_232 = tpu.memref_slice %arg11[%dma_wait3A_221] : memref<4x!tpu.dma_semaphore, #tpu.memory_space<semaphore_mem>> -> memref<1x!tpu.dma_semaphore, #tpu.memory_space<semaphore_mem>>
      %dma_wait3A_233 = tpu.memref_squeeze %dma_wait3A_232 : memref<1x!tpu.dma_semaphore, #tpu.memory_space<semaphore_mem>> -> memref<!tpu.dma_semaphore, #tpu.memory_space<semaphore_mem>>
      tpu.wait_indirect_dma semaphore(%dma_wait3A_233 : memref<!tpu.dma_semaphore, #tpu.memory_space<semaphore_mem>>) src(%dma_wait3A_231 : memref<10000x64xf32, #tpu.memory_space<hbm>>) dst(%dma_wait3A_225 : memref<128x64xf32, #tpu.memory_space<vmem>>)
      %dma_start3A_234 = arith.constant 2 : i32
      %dma_start3A_235 = arith.constant 2 : i32
      %dma_start3A_236 = arith.constant 0 : i32
      %dma_start3A_237 = arith.constant 0 : i32
      %dma_start3A_238 = tpu.memref_slice %arg9[%dma_start3A_234, %dma_start3A_236, %dma_start3A_237] : memref<4x128x64xf32, #tpu.memory_space<vmem>> -> memref<1x128x64xf32, #tpu.memory_space<vmem>>
      %dma_start3A_239 = tpu.memref_squeeze %dma_start3A_238 : memref<1x128x64xf32, #tpu.memory_space<vmem>> -> memref<128x64xf32, #tpu.memory_space<vmem>>
      %dma_start3A_240 = arith.constant 0 : i32
      %dma_start3A_241 = tpu.memref_slice %arg8[%add3A_219, %dma_start3A_240] : memref<128x128xi32, #tpu.memory_space<vmem>> -> memref<1x128xi32, #tpu.memory_space<vmem>>
      %dma_start3A_242 = tpu.memref_squeeze %dma_start3A_241 : memref<1x128xi32, #tpu.memory_space<vmem>> -> memref<128xi32, #tpu.memory_space<vmem>>
      %dma_start3A_243 = arith.constant 0 : i32
      %dma_start3A_244 = arith.constant 0 : i32
      %dma_start3A_245 = tpu.memref_slice %arg10[%dma_start3A_243, %dma_start3A_244] : memref<10112x64xf32, #tpu.memory_space<vmem_shared>> -> memref<10112x64xf32, #tpu.memory_space<vmem_shared>>
      %dma_start3A_246 = tpu.memref_slice %arg12[%dma_start3A_235] : memref<4x!tpu.dma_semaphore, #tpu.memory_space<semaphore_mem>> -> memref<1x!tpu.dma_semaphore, #tpu.memory_space<semaphore_mem>>
      %dma_start3A_247 = tpu.memref_squeeze %dma_start3A_246 : memref<1x!tpu.dma_semaphore, #tpu.memory_space<semaphore_mem>> -> memref<!tpu.dma_semaphore, #tpu.memory_space<semaphore_mem>>
      tpu.enqueue_indirect_dma source(%dma_start3A_239 : memref<128x64xf32, #tpu.memory_space<vmem>>) target(%dma_start3A_245 : memref<10112x64xf32, #tpu.memory_space<vmem_shared>>) offsets(%dma_start3A_242 : memref<128xi32, #tpu.memory_space<vmem>>) semaphore(%dma_start3A_247 : memref<!tpu.dma_semaphore, #tpu.memory_space<semaphore_mem>>) {add = true}
      %add3A_248 = arith.constant 2 : i32
      %add3A_249 = arith.addi %add3A_219, %add3A_248 : i32
      %ge3A_250 = arith.constant 4 : i32
      %ge3A_251 = arith.cmpi sge, %add3A_249, %ge3A_250 : i32
      %lt3A_252 = arith.cmpi slt, %add3A_249, %select_n3A : i32
      %and3A_253 = arith.andi %ge3A_251, %lt3A_252 : i1
      %convert_element_type3A_254 = arith.extui %and3A_253 : i1 to i32
      %cond3A_255 = arith.constant 0 : i32
      %cond3A_256 = arith.cmpi ne, %convert_element_type3A_254, %cond3A_255 : i32
      scf.if %cond3A_256 {
        %sub3A_304 = arith.constant 4 : i32
        %sub3A_305 = arith.subi %add3A_249, %sub3A_304 : i32
        %dma_wait3A_306 = arith.constant 0 : i32
        %dma_wait3A_307 = arith.constant 0 : i32
        %dma_wait3A_308 = arith.constant 0 : i32
        %dma_wait3A_309 = arith.constant 0 : i32
        %dma_wait3A_310 = tpu.memref_slice %arg9[%dma_wait3A_306, %dma_wait3A_308, %dma_wait3A_309] : memref<4x128x64xf32, #tpu.memory_space<vmem>> -> memref<1x128x64xf32, #tpu.memory_space<vmem>>
        %dma_wait3A_311 = tpu.memref_squeeze %dma_wait3A_310 : memref<1x128x64xf32, #tpu.memory_space<vmem>> -> memref<128x64xf32, #tpu.memory_space<vmem>>
        %dma_wait3A_312 = arith.constant 0 : i32
        %dma_wait3A_313 = tpu.memref_slice %arg8[%sub3A_305, %dma_wait3A_312] : memref<128x128xi32, #tpu.memory_space<vmem>> -> memref<1x128xi32, #tpu.memory_space<vmem>>
        %dma_wait3A_314 = tpu.memref_squeeze %dma_wait3A_313 : memref<1x128xi32, #tpu.memory_space<vmem>> -> memref<128xi32, #tpu.memory_space<vmem>>
        %dma_wait3A_315 = arith.constant 0 : i32
        %dma_wait3A_316 = arith.constant 0 : i32
        %dma_wait3A_317 = tpu.memref_slice %arg10[%dma_wait3A_315, %dma_wait3A_316] : memref<10112x64xf32, #tpu.memory_space<vmem_shared>> -> memref<10112x64xf32, #tpu.memory_space<vmem_shared>>
        %dma_wait3A_318 = tpu.memref_slice %arg12[%dma_wait3A_307] : memref<4x!tpu.dma_semaphore, #tpu.memory_space<semaphore_mem>> -> memref<1x!tpu.dma_semaphore, #tpu.memory_space<semaphore_mem>>
        %dma_wait3A_319 = tpu.memref_squeeze %dma_wait3A_318 : memref<1x!tpu.dma_semaphore, #tpu.memory_space<semaphore_mem>> -> memref<!tpu.dma_semaphore, #tpu.memory_space<semaphore_mem>>
        tpu.wait_indirect_dma semaphore(%dma_wait3A_319 : memref<!tpu.dma_semaphore, #tpu.memory_space<semaphore_mem>>) src(%dma_wait3A_311 : memref<128x64xf32, #tpu.memory_space<vmem>>) dst(%dma_wait3A_317 : memref<10112x64xf32, #tpu.memory_space<vmem_shared>>)
      } else {
      }
      %lt3A_257 = arith.cmpi slt, %add3A_249, %select_n3A : i32
      %convert_element_type3A_258 = arith.extui %lt3A_257 : i1 to i32
      %cond3A_259 = arith.constant 0 : i32
      %cond3A_260 = arith.cmpi ne, %convert_element_type3A_258, %cond3A_259 : i32
      scf.if %cond3A_260 {
        %dma_start3A_304 = arith.constant 0 : i32
        %dma_start3A_305 = arith.constant 0 : i32
        %dma_start3A_306 = arith.constant 0 : i32
        %dma_start3A_307 = arith.constant 0 : i32
        %dma_start3A_308 = tpu.memref_slice %arg9[%dma_start3A_304, %dma_start3A_306, %dma_start3A_307] : memref<4x128x64xf32, #tpu.memory_space<vmem>> -> memref<1x128x64xf32, #tpu.memory_space<vmem>>
        %dma_start3A_309 = tpu.memref_squeeze %dma_start3A_308 : memref<1x128x64xf32, #tpu.memory_space<vmem>> -> memref<128x64xf32, #tpu.memory_space<vmem>>
        %dma_start3A_310 = arith.constant 0 : i32
        %dma_start3A_311 = tpu.memref_slice %arg7[%add3A_249, %dma_start3A_310] : memref<128x128xi32, #tpu.memory_space<vmem>> -> memref<1x128xi32, #tpu.memory_space<vmem>>
        %dma_start3A_312 = tpu.memref_squeeze %dma_start3A_311 : memref<1x128xi32, #tpu.memory_space<vmem>> -> memref<128xi32, #tpu.memory_space<vmem>>
        %dma_start3A_313 = arith.constant 0 : i32
        %dma_start3A_314 = arith.constant 0 : i32
        %dma_start3A_315 = tpu.memref_slice %arg2[%dma_start3A_313, %dma_start3A_314] : memref<10000x64xf32, #tpu.memory_space<hbm>> -> memref<10000x64xf32, #tpu.memory_space<hbm>>
        %dma_start3A_316 = tpu.memref_slice %arg11[%dma_start3A_305] : memref<4x!tpu.dma_semaphore, #tpu.memory_space<semaphore_mem>> -> memref<1x!tpu.dma_semaphore, #tpu.memory_space<semaphore_mem>>
        %dma_start3A_317 = tpu.memref_squeeze %dma_start3A_316 : memref<1x!tpu.dma_semaphore, #tpu.memory_space<semaphore_mem>> -> memref<!tpu.dma_semaphore, #tpu.memory_space<semaphore_mem>>
        tpu.enqueue_indirect_dma source(%dma_start3A_315 : memref<10000x64xf32, #tpu.memory_space<hbm>>) target(%dma_start3A_309 : memref<128x64xf32, #tpu.memory_space<vmem>>) offsets(%dma_start3A_312 : memref<128xi32, #tpu.memory_space<vmem>>) semaphore(%dma_start3A_317 : memref<!tpu.dma_semaphore, #tpu.memory_space<semaphore_mem>>)
      } else {
      }
      %add3A_261 = arith.constant 3 : i32
      %add3A_262 = arith.addi %add3A_136, %add3A_261 : i32
      %dma_wait3A_263 = arith.constant 3 : i32
      %dma_wait3A_264 = arith.constant 3 : i32
      %dma_wait3A_265 = arith.constant 0 : i32
      %dma_wait3A_266 = arith.constant 0 : i32
      %dma_wait3A_267 = tpu.memref_slice %arg9[%dma_wait3A_263, %dma_wait3A_265, %dma_wait3A_266] : memref<4x128x64xf32, #tpu.memory_space<vmem>> -> memref<1x128x64xf32, #tpu.memory_space<vmem>>
      %dma_wait3A_268 = tpu.memref_squeeze %dma_wait3A_267 : memref<1x128x64xf32, #tpu.memory_space<vmem>> -> memref<128x64xf32, #tpu.memory_space<vmem>>
      %dma_wait3A_269 = arith.constant 0 : i32
      %dma_wait3A_270 = tpu.memref_slice %arg7[%add3A_262, %dma_wait3A_269] : memref<128x128xi32, #tpu.memory_space<vmem>> -> memref<1x128xi32, #tpu.memory_space<vmem>>
      %dma_wait3A_271 = tpu.memref_squeeze %dma_wait3A_270 : memref<1x128xi32, #tpu.memory_space<vmem>> -> memref<128xi32, #tpu.memory_space<vmem>>
      %dma_wait3A_272 = arith.constant 0 : i32
      %dma_wait3A_273 = arith.constant 0 : i32
      %dma_wait3A_274 = tpu.memref_slice %arg2[%dma_wait3A_272, %dma_wait3A_273] : memref<10000x64xf32, #tpu.memory_space<hbm>> -> memref<10000x64xf32, #tpu.memory_space<hbm>>
      %dma_wait3A_275 = tpu.memref_slice %arg11[%dma_wait3A_264] : memref<4x!tpu.dma_semaphore, #tpu.memory_space<semaphore_mem>> -> memref<1x!tpu.dma_semaphore, #tpu.memory_space<semaphore_mem>>
      %dma_wait3A_276 = tpu.memref_squeeze %dma_wait3A_275 : memref<1x!tpu.dma_semaphore, #tpu.memory_space<semaphore_mem>> -> memref<!tpu.dma_semaphore, #tpu.memory_space<semaphore_mem>>
      tpu.wait_indirect_dma semaphore(%dma_wait3A_276 : memref<!tpu.dma_semaphore, #tpu.memory_space<semaphore_mem>>) src(%dma_wait3A_274 : memref<10000x64xf32, #tpu.memory_space<hbm>>) dst(%dma_wait3A_268 : memref<128x64xf32, #tpu.memory_space<vmem>>)
      %dma_start3A_277 = arith.constant 3 : i32
      %dma_start3A_278 = arith.constant 3 : i32
      %dma_start3A_279 = arith.constant 0 : i32
      %dma_start3A_280 = arith.constant 0 : i32
      %dma_start3A_281 = tpu.memref_slice %arg9[%dma_start3A_277, %dma_start3A_279, %dma_start3A_280] : memref<4x128x64xf32, #tpu.memory_space<vmem>> -> memref<1x128x64xf32, #tpu.memory_space<vmem>>
      %dma_start3A_282 = tpu.memref_squeeze %dma_start3A_281 : memref<1x128x64xf32, #tpu.memory_space<vmem>> -> memref<128x64xf32, #tpu.memory_space<vmem>>
      %dma_start3A_283 = arith.constant 0 : i32
      %dma_start3A_284 = tpu.memref_slice %arg8[%add3A_262, %dma_start3A_283] : memref<128x128xi32, #tpu.memory_space<vmem>> -> memref<1x128xi32, #tpu.memory_space<vmem>>
      %dma_start3A_285 = tpu.memref_squeeze %dma_start3A_284 : memref<1x128xi32, #tpu.memory_space<vmem>> -> memref<128xi32, #tpu.memory_space<vmem>>
      %dma_start3A_286 = arith.constant 0 : i32
      %dma_start3A_287 = arith.constant 0 : i32
      %dma_start3A_288 = tpu.memref_slice %arg10[%dma_start3A_286, %dma_start3A_287] : memref<10112x64xf32, #tpu.memory_space<vmem_shared>> -> memref<10112x64xf32, #tpu.memory_space<vmem_shared>>
      %dma_start3A_289 = tpu.memref_slice %arg12[%dma_start3A_278] : memref<4x!tpu.dma_semaphore, #tpu.memory_space<semaphore_mem>> -> memref<1x!tpu.dma_semaphore, #tpu.memory_space<semaphore_mem>>
      %dma_start3A_290 = tpu.memref_squeeze %dma_start3A_289 : memref<1x!tpu.dma_semaphore, #tpu.memory_space<semaphore_mem>> -> memref<!tpu.dma_semaphore, #tpu.memory_space<semaphore_mem>>
      tpu.enqueue_indirect_dma source(%dma_start3A_282 : memref<128x64xf32, #tpu.memory_space<vmem>>) target(%dma_start3A_288 : memref<10112x64xf32, #tpu.memory_space<vmem_shared>>) offsets(%dma_start3A_285 : memref<128xi32, #tpu.memory_space<vmem>>) semaphore(%dma_start3A_290 : memref<!tpu.dma_semaphore, #tpu.memory_space<semaphore_mem>>) {add = true}
      %add3A_291 = arith.constant 2 : i32
      %add3A_292 = arith.addi %add3A_262, %add3A_291 : i32
      %ge3A_293 = arith.constant 4 : i32
      %ge3A_294 = arith.cmpi sge, %add3A_292, %ge3A_293 : i32
      %lt3A_295 = arith.cmpi slt, %add3A_292, %select_n3A : i32
      %and3A_296 = arith.andi %ge3A_294, %lt3A_295 : i1
      %convert_element_type3A_297 = arith.extui %and3A_296 : i1 to i32
      %cond3A_298 = arith.constant 0 : i32
      %cond3A_299 = arith.cmpi ne, %convert_element_type3A_297, %cond3A_298 : i32
      scf.if %cond3A_299 {
        %sub3A_304 = arith.constant 4 : i32
        %sub3A_305 = arith.subi %add3A_292, %sub3A_304 : i32
        %dma_wait3A_306 = arith.constant 1 : i32
        %dma_wait3A_307 = arith.constant 1 : i32
        %dma_wait3A_308 = arith.constant 0 : i32
        %dma_wait3A_309 = arith.constant 0 : i32
        %dma_wait3A_310 = tpu.memref_slice %arg9[%dma_wait3A_306, %dma_wait3A_308, %dma_wait3A_309] : memref<4x128x64xf32, #tpu.memory_space<vmem>> -> memref<1x128x64xf32, #tpu.memory_space<vmem>>
        %dma_wait3A_311 = tpu.memref_squeeze %dma_wait3A_310 : memref<1x128x64xf32, #tpu.memory_space<vmem>> -> memref<128x64xf32, #tpu.memory_space<vmem>>
        %dma_wait3A_312 = arith.constant 0 : i32
        %dma_wait3A_313 = tpu.memref_slice %arg8[%sub3A_305, %dma_wait3A_312] : memref<128x128xi32, #tpu.memory_space<vmem>> -> memref<1x128xi32, #tpu.memory_space<vmem>>
        %dma_wait3A_314 = tpu.memref_squeeze %dma_wait3A_313 : memref<1x128xi32, #tpu.memory_space<vmem>> -> memref<128xi32, #tpu.memory_space<vmem>>
        %dma_wait3A_315 = arith.constant 0 : i32
        %dma_wait3A_316 = arith.constant 0 : i32
        %dma_wait3A_317 = tpu.memref_slice %arg10[%dma_wait3A_315, %dma_wait3A_316] : memref<10112x64xf32, #tpu.memory_space<vmem_shared>> -> memref<10112x64xf32, #tpu.memory_space<vmem_shared>>
        %dma_wait3A_318 = tpu.memref_slice %arg12[%dma_wait3A_307] : memref<4x!tpu.dma_semaphore, #tpu.memory_space<semaphore_mem>> -> memref<1x!tpu.dma_semaphore, #tpu.memory_space<semaphore_mem>>
        %dma_wait3A_319 = tpu.memref_squeeze %dma_wait3A_318 : memref<1x!tpu.dma_semaphore, #tpu.memory_space<semaphore_mem>> -> memref<!tpu.dma_semaphore, #tpu.memory_space<semaphore_mem>>
        tpu.wait_indirect_dma semaphore(%dma_wait3A_319 : memref<!tpu.dma_semaphore, #tpu.memory_space<semaphore_mem>>) src(%dma_wait3A_311 : memref<128x64xf32, #tpu.memory_space<vmem>>) dst(%dma_wait3A_317 : memref<10112x64xf32, #tpu.memory_space<vmem_shared>>)
      } else {
      }
      %lt3A_300 = arith.cmpi slt, %add3A_292, %select_n3A : i32
      %convert_element_type3A_301 = arith.extui %lt3A_300 : i1 to i32
      %cond3A_302 = arith.constant 0 : i32
      %cond3A_303 = arith.cmpi ne, %convert_element_type3A_301, %cond3A_302 : i32
      scf.if %cond3A_303 {
        %dma_start3A_304 = arith.constant 1 : i32
        %dma_start3A_305 = arith.constant 1 : i32
        %dma_start3A_306 = arith.constant 0 : i32
        %dma_start3A_307 = arith.constant 0 : i32
        %dma_start3A_308 = tpu.memref_slice %arg9[%dma_start3A_304, %dma_start3A_306, %dma_start3A_307] : memref<4x128x64xf32, #tpu.memory_space<vmem>> -> memref<1x128x64xf32, #tpu.memory_space<vmem>>
        %dma_start3A_309 = tpu.memref_squeeze %dma_start3A_308 : memref<1x128x64xf32, #tpu.memory_space<vmem>> -> memref<128x64xf32, #tpu.memory_space<vmem>>
        %dma_start3A_310 = arith.constant 0 : i32
        %dma_start3A_311 = tpu.memref_slice %arg7[%add3A_292, %dma_start3A_310] : memref<128x128xi32, #tpu.memory_space<vmem>> -> memref<1x128xi32, #tpu.memory_space<vmem>>
        %dma_start3A_312 = tpu.memref_squeeze %dma_start3A_311 : memref<1x128xi32, #tpu.memory_space<vmem>> -> memref<128xi32, #tpu.memory_space<vmem>>
        %dma_start3A_313 = arith.constant 0 : i32
        %dma_start3A_314 = arith.constant 0 : i32
        %dma_start3A_315 = tpu.memref_slice %arg2[%dma_start3A_313, %dma_start3A_314] : memref<10000x64xf32, #tpu.memory_space<hbm>> -> memref<10000x64xf32, #tpu.memory_space<hbm>>
        %dma_start3A_316 = tpu.memref_slice %arg11[%dma_start3A_305] : memref<4x!tpu.dma_semaphore, #tpu.memory_space<semaphore_mem>> -> memref<1x!tpu.dma_semaphore, #tpu.memory_space<semaphore_mem>>
        %dma_start3A_317 = tpu.memref_squeeze %dma_start3A_316 : memref<1x!tpu.dma_semaphore, #tpu.memory_space<semaphore_mem>> -> memref<!tpu.dma_semaphore, #tpu.memory_space<semaphore_mem>>
        tpu.enqueue_indirect_dma source(%dma_start3A_315 : memref<10000x64xf32, #tpu.memory_space<hbm>>) target(%dma_start3A_309 : memref<128x64xf32, #tpu.memory_space<vmem>>) offsets(%dma_start3A_312 : memref<128xi32, #tpu.memory_space<vmem>>) semaphore(%dma_start3A_317 : memref<!tpu.dma_semaphore, #tpu.memory_space<semaphore_mem>>)
      } else {
      }
    }
    %sub3A_58 = arith.constant 4 : i32
    %sub3A_59 = arith.subi %select_n3A, %sub3A_58 : i32
    %add3A_60 = arith.constant 0 : i32
    %add3A_61 = arith.addi %sub3A_59, %add3A_60 : i32
    %dma_wait3A = arith.constant 0 : i32
    %dma_wait3A_62 = arith.constant 0 : i32
    %dma_wait3A_63 = arith.constant 0 : i32
    %dma_wait3A_64 = arith.constant 0 : i32
    %dma_wait3A_65 = tpu.memref_slice %arg9[%dma_wait3A, %dma_wait3A_63, %dma_wait3A_64] : memref<4x128x64xf32, #tpu.memory_space<vmem>> -> memref<1x128x64xf32, #tpu.memory_space<vmem>>
    %dma_wait3A_66 = tpu.memref_squeeze %dma_wait3A_65 : memref<1x128x64xf32, #tpu.memory_space<vmem>> -> memref<128x64xf32, #tpu.memory_space<vmem>>
    %dma_wait3A_67 = arith.constant 0 : i32
    %dma_wait3A_68 = tpu.memref_slice %arg8[%add3A_61, %dma_wait3A_67] : memref<128x128xi32, #tpu.memory_space<vmem>> -> memref<1x128xi32, #tpu.memory_space<vmem>>
    %dma_wait3A_69 = tpu.memref_squeeze %dma_wait3A_68 : memref<1x128xi32, #tpu.memory_space<vmem>> -> memref<128xi32, #tpu.memory_space<vmem>>
    %dma_wait3A_70 = arith.constant 0 : i32
    %dma_wait3A_71 = arith.constant 0 : i32
    %dma_wait3A_72 = tpu.memref_slice %arg10[%dma_wait3A_70, %dma_wait3A_71] : memref<10112x64xf32, #tpu.memory_space<vmem_shared>> -> memref<10112x64xf32, #tpu.memory_space<vmem_shared>>
    %dma_wait3A_73 = tpu.memref_slice %arg12[%dma_wait3A_62] : memref<4x!tpu.dma_semaphore, #tpu.memory_space<semaphore_mem>> -> memref<1x!tpu.dma_semaphore, #tpu.memory_space<semaphore_mem>>
    %dma_wait3A_74 = tpu.memref_squeeze %dma_wait3A_73 : memref<1x!tpu.dma_semaphore, #tpu.memory_space<semaphore_mem>> -> memref<!tpu.dma_semaphore, #tpu.memory_space<semaphore_mem>>
    tpu.wait_indirect_dma semaphore(%dma_wait3A_74 : memref<!tpu.dma_semaphore, #tpu.memory_space<semaphore_mem>>) src(%dma_wait3A_66 : memref<128x64xf32, #tpu.memory_space<vmem>>) dst(%dma_wait3A_72 : memref<10112x64xf32, #tpu.memory_space<vmem_shared>>)
    %sub3A_75 = arith.constant 4 : i32
    %sub3A_76 = arith.subi %select_n3A, %sub3A_75 : i32
    %add3A_77 = arith.constant 1 : i32
    %add3A_78 = arith.addi %sub3A_76, %add3A_77 : i32
    %dma_wait3A_79 = arith.constant 1 : i32
    %dma_wait3A_80 = arith.constant 1 : i32
    %dma_wait3A_81 = arith.constant 0 : i32
    %dma_wait3A_82 = arith.constant 0 : i32
    %dma_wait3A_83 = tpu.memref_slice %arg9[%dma_wait3A_79, %dma_wait3A_81, %dma_wait3A_82] : memref<4x128x64xf32, #tpu.memory_space<vmem>> -> memref<1x128x64xf32, #tpu.memory_space<vmem>>
    %dma_wait3A_84 = tpu.memref_squeeze %dma_wait3A_83 : memref<1x128x64xf32, #tpu.memory_space<vmem>> -> memref<128x64xf32, #tpu.memory_space<vmem>>
    %dma_wait3A_85 = arith.constant 0 : i32
    %dma_wait3A_86 = tpu.memref_slice %arg8[%add3A_78, %dma_wait3A_85] : memref<128x128xi32, #tpu.memory_space<vmem>> -> memref<1x128xi32, #tpu.memory_space<vmem>>
    %dma_wait3A_87 = tpu.memref_squeeze %dma_wait3A_86 : memref<1x128xi32, #tpu.memory_space<vmem>> -> memref<128xi32, #tpu.memory_space<vmem>>
    %dma_wait3A_88 = arith.constant 0 : i32
    %dma_wait3A_89 = arith.constant 0 : i32
    %dma_wait3A_90 = tpu.memref_slice %arg10[%dma_wait3A_88, %dma_wait3A_89] : memref<10112x64xf32, #tpu.memory_space<vmem_shared>> -> memref<10112x64xf32, #tpu.memory_space<vmem_shared>>
    %dma_wait3A_91 = tpu.memref_slice %arg12[%dma_wait3A_80] : memref<4x!tpu.dma_semaphore, #tpu.memory_space<semaphore_mem>> -> memref<1x!tpu.dma_semaphore, #tpu.memory_space<semaphore_mem>>
    %dma_wait3A_92 = tpu.memref_squeeze %dma_wait3A_91 : memref<1x!tpu.dma_semaphore, #tpu.memory_space<semaphore_mem>> -> memref<!tpu.dma_semaphore, #tpu.memory_space<semaphore_mem>>
    tpu.wait_indirect_dma semaphore(%dma_wait3A_92 : memref<!tpu.dma_semaphore, #tpu.memory_space<semaphore_mem>>) src(%dma_wait3A_84 : memref<128x64xf32, #tpu.memory_space<vmem>>) dst(%dma_wait3A_90 : memref<10112x64xf32, #tpu.memory_space<vmem_shared>>)
    %sub3A_93 = arith.constant 4 : i32
    %sub3A_94 = arith.subi %select_n3A, %sub3A_93 : i32
    %add3A_95 = arith.constant 2 : i32
    %add3A_96 = arith.addi %sub3A_94, %add3A_95 : i32
    %dma_wait3A_97 = arith.constant 2 : i32
    %dma_wait3A_98 = arith.constant 2 : i32
    %dma_wait3A_99 = arith.constant 0 : i32
    %dma_wait3A_100 = arith.constant 0 : i32
    %dma_wait3A_101 = tpu.memref_slice %arg9[%dma_wait3A_97, %dma_wait3A_99, %dma_wait3A_100] : memref<4x128x64xf32, #tpu.memory_space<vmem>> -> memref<1x128x64xf32, #tpu.memory_space<vmem>>
    %dma_wait3A_102 = tpu.memref_squeeze %dma_wait3A_101 : memref<1x128x64xf32, #tpu.memory_space<vmem>> -> memref<128x64xf32, #tpu.memory_space<vmem>>
    %dma_wait3A_103 = arith.constant 0 : i32
    %dma_wait3A_104 = tpu.memref_slice %arg8[%add3A_96, %dma_wait3A_103] : memref<128x128xi32, #tpu.memory_space<vmem>> -> memref<1x128xi32, #tpu.memory_space<vmem>>
    %dma_wait3A_105 = tpu.memref_squeeze %dma_wait3A_104 : memref<1x128xi32, #tpu.memory_space<vmem>> -> memref<128xi32, #tpu.memory_space<vmem>>
    %dma_wait3A_106 = arith.constant 0 : i32
    %dma_wait3A_107 = arith.constant 0 : i32
    %dma_wait3A_108 = tpu.memref_slice %arg10[%dma_wait3A_106, %dma_wait3A_107] : memref<10112x64xf32, #tpu.memory_space<vmem_shared>> -> memref<10112x64xf32, #tpu.memory_space<vmem_shared>>
    %dma_wait3A_109 = tpu.memref_slice %arg12[%dma_wait3A_98] : memref<4x!tpu.dma_semaphore, #tpu.memory_space<semaphore_mem>> -> memref<1x!tpu.dma_semaphore, #tpu.memory_space<semaphore_mem>>
    %dma_wait3A_110 = tpu.memref_squeeze %dma_wait3A_109 : memref<1x!tpu.dma_semaphore, #tpu.memory_space<semaphore_mem>> -> memref<!tpu.dma_semaphore, #tpu.memory_space<semaphore_mem>>
    tpu.wait_indirect_dma semaphore(%dma_wait3A_110 : memref<!tpu.dma_semaphore, #tpu.memory_space<semaphore_mem>>) src(%dma_wait3A_102 : memref<128x64xf32, #tpu.memory_space<vmem>>) dst(%dma_wait3A_108 : memref<10112x64xf32, #tpu.memory_space<vmem_shared>>)
    %sub3A_111 = arith.constant 4 : i32
    %sub3A_112 = arith.subi %select_n3A, %sub3A_111 : i32
    %add3A_113 = arith.constant 3 : i32
    %add3A_114 = arith.addi %sub3A_112, %add3A_113 : i32
    %dma_wait3A_115 = arith.constant 3 : i32
    %dma_wait3A_116 = arith.constant 3 : i32
    %dma_wait3A_117 = arith.constant 0 : i32
    %dma_wait3A_118 = arith.constant 0 : i32
    %dma_wait3A_119 = tpu.memref_slice %arg9[%dma_wait3A_115, %dma_wait3A_117, %dma_wait3A_118] : memref<4x128x64xf32, #tpu.memory_space<vmem>> -> memref<1x128x64xf32, #tpu.memory_space<vmem>>
    %dma_wait3A_120 = tpu.memref_squeeze %dma_wait3A_119 : memref<1x128x64xf32, #tpu.memory_space<vmem>> -> memref<128x64xf32, #tpu.memory_space<vmem>>
    %dma_wait3A_121 = arith.constant 0 : i32
    %dma_wait3A_122 = tpu.memref_slice %arg8[%add3A_114, %dma_wait3A_121] : memref<128x128xi32, #tpu.memory_space<vmem>> -> memref<1x128xi32, #tpu.memory_space<vmem>>
    %dma_wait3A_123 = tpu.memref_squeeze %dma_wait3A_122 : memref<1x128xi32, #tpu.memory_space<vmem>> -> memref<128xi32, #tpu.memory_space<vmem>>
    %dma_wait3A_124 = arith.constant 0 : i32
    %dma_wait3A_125 = arith.constant 0 : i32
    %dma_wait3A_126 = tpu.memref_slice %arg10[%dma_wait3A_124, %dma_wait3A_125] : memref<10112x64xf32, #tpu.memory_space<vmem_shared>> -> memref<10112x64xf32, #tpu.memory_space<vmem_shared>>
    %dma_wait3A_127 = tpu.memref_slice %arg12[%dma_wait3A_116] : memref<4x!tpu.dma_semaphore, #tpu.memory_space<semaphore_mem>> -> memref<1x!tpu.dma_semaphore, #tpu.memory_space<semaphore_mem>>
    %dma_wait3A_128 = tpu.memref_squeeze %dma_wait3A_127 : memref<1x!tpu.dma_semaphore, #tpu.memory_space<semaphore_mem>> -> memref<!tpu.dma_semaphore, #tpu.memory_space<semaphore_mem>>
    tpu.wait_indirect_dma semaphore(%dma_wait3A_128 : memref<!tpu.dma_semaphore, #tpu.memory_space<semaphore_mem>>) src(%dma_wait3A_120 : memref<128x64xf32, #tpu.memory_space<vmem>>) dst(%dma_wait3A_126 : memref<10112x64xf32, #tpu.memory_space<vmem_shared>>)
    %barrier3A_129 = arith.constant 0 : index
    tpu.barrier barrier_id(%barrier3A_129)
    %mul3A_130 = arith.constant 632 : i32
    %mul3A_131 = arith.muli %arg1, %mul3A_130 : i32
    %mul3A_132 = arith.constant 632 : i32
    %mul3A_133 = arith.muli %arg1, %mul3A_132 : i32
    "tpu.region"() ({
      %run_scoped3A = tpu.sem_alloc : memref<!tpu.dma_semaphore, #tpu.memory_space<semaphore_mem>>
      %dma_start3A_134 = arith.constant 0 : i32
      %dma_start3A_135 = tpu.memref_slice %arg6[%arg0, %mul3A_133, %dma_start3A_134] : memref<2x10112x64xf32, #tpu.memory_space<hbm>> -> memref<1x632x64xf32, #tpu.memory_space<hbm>>
      %dma_start3A_136 = tpu.memref_squeeze %dma_start3A_135 : memref<1x632x64xf32, #tpu.memory_space<hbm>> -> memref<632x64xf32, #tpu.memory_space<hbm>>
      %dma_start3A_137 = arith.constant 0 : i32
      %dma_start3A_138 = tpu.memref_slice %arg10[%mul3A_131, %dma_start3A_137] : memref<10112x64xf32, #tpu.memory_space<vmem_shared>> -> memref<632x64xf32, #tpu.memory_space<vmem_shared>>
      tpu.enqueue_dma source(%dma_start3A_138 : memref<632x64xf32, #tpu.memory_space<vmem_shared>>) target(%dma_start3A_136 : memref<632x64xf32, #tpu.memory_space<hbm>>) target_semaphore(%run_scoped3A : memref<!tpu.dma_semaphore, #tpu.memory_space<semaphore_mem>>)
      %dma_wait3A_139 = arith.constant 0 : i32
      %dma_wait3A_140 = tpu.memref_slice %arg6[%arg0, %mul3A_133, %dma_wait3A_139] : memref<2x10112x64xf32, #tpu.memory_space<hbm>> -> memref<1x632x64xf32, #tpu.memory_space<hbm>>
      %dma_wait3A_141 = tpu.memref_squeeze %dma_wait3A_140 : memref<1x632x64xf32, #tpu.memory_space<hbm>> -> memref<632x64xf32, #tpu.memory_space<hbm>>
      %dma_wait3A_142 = arith.constant 0 : i32
      %dma_wait3A_143 = tpu.memref_slice %arg10[%mul3A_131, %dma_wait3A_142] : memref<10112x64xf32, #tpu.memory_space<vmem_shared>> -> memref<632x64xf32, #tpu.memory_space<vmem_shared>>
      tpu.wait_dma2 semaphore(%run_scoped3A : memref<!tpu.dma_semaphore, #tpu.memory_space<semaphore_mem>>) src(%dma_wait3A_143 : memref<632x64xf32, #tpu.memory_space<vmem_shared>>) dst(%dma_wait3A_141 : memref<632x64xf32, #tpu.memory_space<hbm>>)
      tpu.yield
    }) : () -> ()
    return
  }
}

module attributes {stable_mosaic.version = 14 : i64} {
  func.func @body(%arg0: memref<10112x64xf32, #tpu.memory_space<vmem>>, %arg1: memref<10112x64xf32, #tpu.memory_space<vmem>>, %arg2: memref<10112x64xf32, #tpu.memory_space<vmem>>, %arg3: memref<10112x64xf32, #tpu.memory_space<vmem>>, %arg4: memref<10112x8xf32, #tpu.memory_space<vmem>>, %arg5: memref<10112x8xf32, #tpu.memory_space<vmem>>, %arg6: memref<128x64xf32, #tpu.memory_space<vmem>>, %arg7: memref<10112x64xf32, #tpu.memory_space<vmem>>) attributes {dimension_semantics = [], scalar_prefetch = 0 : i64, scratch_operands = 0 : i64, tpu.core_type = #tpu.core_type<tc>} {
    %get3A = arith.constant 0 : index
    %get3A_0 = arith.constant 0 : index
    %get3A_1 = vector.load %arg4[%get3A, %get3A_0] : memref<10112x8xf32, #tpu.memory_space<vmem>>, vector<10112x8xf32>
    %get3A_2 = arith.constant 0 : index
    %get3A_3 = arith.constant 0 : index
    %get3A_4 = vector.load %arg5[%get3A_2, %get3A_3] : memref<10112x8xf32, #tpu.memory_space<vmem>>, vector<10112x8xf32>
    %add3A = arith.addf %get3A_1, %get3A_4 : vector<10112x8xf32>
    %slice3A = vector.extract_strided_slice %add3A {offsets = [0, 0], sizes = [10112, 1], strides = [1, 1]} : vector<10112x8xf32> to vector<10112x1xf32>
    %max3A = arith.constant 1.000000e+00 : f32
    %max3A_5 = vector.broadcast %max3A : f32 to vector<10112x1xf32>
    %max3A_6 = arith.maximumf %slice3A, %max3A_5 : vector<10112x1xf32>
    %get3A_7 = arith.constant 0 : index
    %get3A_8 = arith.constant 0 : index
    %get3A_9 = vector.load %arg0[%get3A_7, %get3A_8] : memref<10112x64xf32, #tpu.memory_space<vmem>>, vector<10112x64xf32>
    %get3A_10 = arith.constant 0 : index
    %get3A_11 = arith.constant 0 : index
    %get3A_12 = vector.load %arg1[%get3A_10, %get3A_11] : memref<10112x64xf32, #tpu.memory_space<vmem>>, vector<10112x64xf32>
    %add3A_13 = arith.addf %get3A_9, %get3A_12 : vector<10112x64xf32>
    %div3A = vector.broadcast %max3A_6 : vector<10112x1xf32> to vector<10112x64xf32>
    %div3A_14 = arith.divf %add3A_13, %div3A : vector<10112x64xf32>
    %get3A_15 = arith.constant 0 : index
    %get3A_16 = arith.constant 0 : index
    %get3A_17 = vector.load %arg2[%get3A_15, %get3A_16] : memref<10112x64xf32, #tpu.memory_space<vmem>>, vector<10112x64xf32>
    %get3A_18 = arith.constant 0 : index
    %get3A_19 = arith.constant 0 : index
    %get3A_20 = vector.load %arg3[%get3A_18, %get3A_19] : memref<10112x64xf32, #tpu.memory_space<vmem>>, vector<10112x64xf32>
    %add3A_21 = arith.addf %get3A_17, %get3A_20 : vector<10112x64xf32>
    %div3A_22 = vector.broadcast %max3A_6 : vector<10112x1xf32> to vector<10112x64xf32>
    %div3A_23 = arith.divf %add3A_21, %div3A_22 : vector<10112x64xf32>
    %concatenate3A = tpu.concatenate %div3A_14, %div3A_23 in 1 : vector<10112x64xf32>, vector<10112x64xf32> -> vector<10112x128xf32>
    %get3A_24 = arith.constant 0 : index
    %get3A_25 = arith.constant 0 : index
    %get3A_26 = vector.load %arg6[%get3A_24, %get3A_25] : memref<128x64xf32, #tpu.memory_space<vmem>>, vector<128x64xf32>
    %dot_general3A = arith.constant dense<0.000000e+00> : vector<10112x64xf32>
    %dot_general3A_27 = tpu.matmul %concatenate3A, %get3A_26, %dot_general3A {dimension_numbers = #tpu.dot_dimension_numbers<[1], [0], [0], [1], [0, 0, 1, 1], [], []>, transpose_lhs_hint = false} : vector<10112x128xf32>, vector<128x64xf32>, vector<10112x64xf32> -> vector<10112x64xf32>
    %max3A_28 = arith.constant 0.000000e+00 : f32
    %max3A_29 = vector.broadcast %max3A_28 : f32 to vector<10112x64xf32>
    %max3A_30 = arith.maximumf %dot_general3A_27, %max3A_29 : vector<10112x64xf32>
    %swap3A = arith.constant 0 : index
    %swap3A_31 = arith.constant 0 : index
    %swap3A_32 = vector.load %arg7[%swap3A, %swap3A_31] : memref<10112x64xf32, #tpu.memory_space<vmem>>, vector<10112x64xf32>
    tpu.vector_store %arg7[%swap3A, %swap3A_31], %max3A_30 {strides = array<i32>} : memref<10112x64xf32, #tpu.memory_space<vmem>>, vector<10112x64xf32>,
    return
  }
}

module attributes {stable_mosaic.version = 14 : i64} {
  func.func @body(%arg0: memref<10112x64xf32, #tpu.memory_space<vmem>>, %arg1: memref<10112x64xf32, #tpu.memory_space<vmem>>, %arg2: memref<10112x8xf32, #tpu.memory_space<vmem>>, %arg3: memref<10112x8xf32, #tpu.memory_space<vmem>>, %arg4: memref<64x64xf32, #tpu.memory_space<vmem>>, %arg5: memref<10112x64xf32, #tpu.memory_space<vmem>>) attributes {dimension_semantics = [], scalar_prefetch = 0 : i64, scratch_operands = 0 : i64, tpu.core_type = #tpu.core_type<tc>} {
    %get3A = arith.constant 0 : index
    %get3A_0 = arith.constant 0 : index
    %get3A_1 = vector.load %arg2[%get3A, %get3A_0] : memref<10112x8xf32, #tpu.memory_space<vmem>>, vector<10112x8xf32>
    %get3A_2 = arith.constant 0 : index
    %get3A_3 = arith.constant 0 : index
    %get3A_4 = vector.load %arg3[%get3A_2, %get3A_3] : memref<10112x8xf32, #tpu.memory_space<vmem>>, vector<10112x8xf32>
    %add3A = arith.addf %get3A_1, %get3A_4 : vector<10112x8xf32>
    %slice3A = vector.extract_strided_slice %add3A {offsets = [0, 0], sizes = [10112, 1], strides = [1, 1]} : vector<10112x8xf32> to vector<10112x1xf32>
    %max3A = arith.constant 1.000000e+00 : f32
    %max3A_5 = vector.broadcast %max3A : f32 to vector<10112x1xf32>
    %max3A_6 = arith.maximumf %slice3A, %max3A_5 : vector<10112x1xf32>
    %get3A_7 = arith.constant 0 : index
    %get3A_8 = arith.constant 0 : index
    %get3A_9 = vector.load %arg0[%get3A_7, %get3A_8] : memref<10112x64xf32, #tpu.memory_space<vmem>>, vector<10112x64xf32>
    %get3A_10 = arith.constant 0 : index
    %get3A_11 = arith.constant 0 : index
    %get3A_12 = vector.load %arg1[%get3A_10, %get3A_11] : memref<10112x64xf32, #tpu.memory_space<vmem>>, vector<10112x64xf32>
    %add3A_13 = arith.addf %get3A_9, %get3A_12 : vector<10112x64xf32>
    %div3A = vector.broadcast %max3A_6 : vector<10112x1xf32> to vector<10112x64xf32>
    %div3A_14 = arith.divf %add3A_13, %div3A : vector<10112x64xf32>
    %get3A_15 = arith.constant 0 : index
    %get3A_16 = arith.constant 0 : index
    %get3A_17 = vector.load %arg4[%get3A_15, %get3A_16] : memref<64x64xf32, #tpu.memory_space<vmem>>, vector<64x64xf32>
    %dot_general3A = arith.constant dense<0.000000e+00> : vector<10112x64xf32>
    %dot_general3A_18 = tpu.matmul %div3A_14, %get3A_17, %dot_general3A {dimension_numbers = #tpu.dot_dimension_numbers<[1], [0], [0], [1], [0, 0, 1, 1], [], []>, transpose_lhs_hint = false} : vector<10112x64xf32>, vector<64x64xf32>, vector<10112x64xf32> -> vector<10112x64xf32>
    %max3A_19 = arith.constant 0.000000e+00 : f32
    %max3A_20 = vector.broadcast %max3A_19 : f32 to vector<10112x64xf32>
    %max3A_21 = arith.maximumf %dot_general3A_18, %max3A_20 : vector<10112x64xf32>
    %swap3A = arith.constant 0 : index
    %swap3A_22 = arith.constant 0 : index
    %swap3A_23 = vector.load %arg5[%swap3A, %swap3A_22] : memref<10112x64xf32, #tpu.memory_space<vmem>>, vector<10112x64xf32>
    tpu.vector_store %arg5[%swap3A, %swap3A_22], %max3A_21 {strides = array<i32>} : memref<10112x64xf32, #tpu.memory_space<vmem>>, vector<10112x64xf32>,
    return
  }
}

module attributes {stable_mosaic.version = 14 : i64} {
  func.func @body(%arg0: memref<10112x64xf32, #tpu.memory_space<vmem>>, %arg1: memref<10112x64xf32, #tpu.memory_space<vmem>>, %arg2: memref<10112x8xf32, #tpu.memory_space<vmem>>, %arg3: memref<10112x8xf32, #tpu.memory_space<vmem>>, %arg4: memref<64x8xf32, #tpu.memory_space<vmem>>, %arg5: memref<10112x8xf32, #tpu.memory_space<vmem>>) attributes {dimension_semantics = [], scalar_prefetch = 0 : i64, scratch_operands = 0 : i64, tpu.core_type = #tpu.core_type<tc>} {
    %get3A = arith.constant 0 : index
    %get3A_0 = arith.constant 0 : index
    %get3A_1 = vector.load %arg2[%get3A, %get3A_0] : memref<10112x8xf32, #tpu.memory_space<vmem>>, vector<10112x8xf32>
    %get3A_2 = arith.constant 0 : index
    %get3A_3 = arith.constant 0 : index
    %get3A_4 = vector.load %arg3[%get3A_2, %get3A_3] : memref<10112x8xf32, #tpu.memory_space<vmem>>, vector<10112x8xf32>
    %add3A = arith.addf %get3A_1, %get3A_4 : vector<10112x8xf32>
    %slice3A = vector.extract_strided_slice %add3A {offsets = [0, 0], sizes = [10112, 1], strides = [1, 1]} : vector<10112x8xf32> to vector<10112x1xf32>
    %max3A = arith.constant 1.000000e+00 : f32
    %max3A_5 = vector.broadcast %max3A : f32 to vector<10112x1xf32>
    %max3A_6 = arith.maximumf %slice3A, %max3A_5 : vector<10112x1xf32>
    %get3A_7 = arith.constant 0 : index
    %get3A_8 = arith.constant 0 : index
    %get3A_9 = vector.load %arg0[%get3A_7, %get3A_8] : memref<10112x64xf32, #tpu.memory_space<vmem>>, vector<10112x64xf32>
    %get3A_10 = arith.constant 0 : index
    %get3A_11 = arith.constant 0 : index
    %get3A_12 = vector.load %arg1[%get3A_10, %get3A_11] : memref<10112x64xf32, #tpu.memory_space<vmem>>, vector<10112x64xf32>
    %add3A_13 = arith.addf %get3A_9, %get3A_12 : vector<10112x64xf32>
    %div3A = vector.broadcast %max3A_6 : vector<10112x1xf32> to vector<10112x64xf32>
    %div3A_14 = arith.divf %add3A_13, %div3A : vector<10112x64xf32>
    %get3A_15 = arith.constant 0 : index
    %get3A_16 = arith.constant 0 : index
    %get3A_17 = vector.load %arg4[%get3A_15, %get3A_16] : memref<64x8xf32, #tpu.memory_space<vmem>>, vector<64x8xf32>
    %dot_general3A = arith.constant dense<0.000000e+00> : vector<10112x8xf32>
    %dot_general3A_18 = tpu.matmul %div3A_14, %get3A_17, %dot_general3A {dimension_numbers = #tpu.dot_dimension_numbers<[1], [0], [0], [1], [0, 0, 1, 1], [], []>, transpose_lhs_hint = false} : vector<10112x64xf32>, vector<64x8xf32>, vector<10112x8xf32> -> vector<10112x8xf32>
    %tanh3A = math.tanh %dot_general3A_18 : vector<10112x8xf32>
    %swap3A = arith.constant 0 : index
    %swap3A_19 = arith.constant 0 : index
    %swap3A_20 = vector.load %arg5[%swap3A, %swap3A_19] : memref<10112x8xf32, #tpu.memory_space<vmem>>, vector<10112x8xf32>
    tpu.vector_store %arg5[%swap3A, %swap3A_19], %tanh3A {strides = array<i32>} : memref<10112x8xf32, #tpu.memory_space<vmem>>, vector<10112x8xf32>,
    return
  }
}

module attributes {stable_mosaic.version = 14 : i64} {
  func.func @body(%arg0: memref<79x128xf32, #tpu.memory_space<vmem>>, %arg1: memref<79x128xf32, #tpu.memory_space<vmem>>) attributes {dimension_semantics = [], scalar_prefetch = 0 : i64, scratch_operands = 0 : i64, tpu.core_type = #tpu.core_type<tc>} {
    %get3A = arith.constant 0 : index
    %get3A_0 = arith.constant 0 : index
    %get3A_1 = vector.load %arg0[%get3A, %get3A_0] : memref<79x128xf32, #tpu.memory_space<vmem>>, vector<79x128xf32>
    %iota3A = tpu.iota {dimensions = array<i32: 0>} : vector<79x128xi32>
    %iota3A_2 = tpu.iota {dimensions = array<i32: 1>} : vector<79x128xi32>
    %mul3A = arith.constant 128 : i32
    %mul3A_3 = vector.broadcast %mul3A : i32 to vector<79x128xi32>
    %mul3A_4 = arith.muli %iota3A, %mul3A_3 : vector<79x128xi32>
    %add3A = arith.addi %mul3A_4, %iota3A_2 : vector<79x128xi32>
    %lt3A = arith.constant 10000 : i32
    %lt3A_5 = vector.broadcast %lt3A : i32 to vector<79x128xi32>
    %lt3A_6 = arith.cmpi slt, %add3A, %lt3A_5 : vector<79x128xi32>
    %bitcast_convert_type3A = tpu.bitcast %get3A_1 : vector<79x128xf32> -> vector<79x128xi32>
    %ge3A = arith.constant 0 : i32
    %ge3A_7 = vector.broadcast %ge3A : i32 to vector<79x128xi32>
    %ge3A_8 = arith.cmpi sge, %bitcast_convert_type3A, %ge3A_7 : vector<79x128xi32>
    %not3A = arith.constant dense<-1> : vector<79x128xi32>
    %not3A_9 = arith.xori %bitcast_convert_type3A, %not3A : vector<79x128xi32>
    %xor3A = arith.constant -2147483648 : i32
    %xor3A_10 = vector.broadcast %xor3A : i32 to vector<79x128xi32>
    %xor3A_11 = arith.xori %not3A_9, %xor3A_10 : vector<79x128xi32>
    %select_n3A = arith.select %ge3A_8, %bitcast_convert_type3A, %xor3A_11 : vector<79x128xi1>, vector<79x128xi32>
    %jit3A = arith.constant -2147483648 : i32
    %broadcast_in_dim3A = vector.broadcast %jit3A : i32 to vector<79x128xi32>
    %select_n3A_12 = arith.select %lt3A_6, %select_n3A, %broadcast_in_dim3A : vector<79x128xi1>, vector<79x128xi32>
    %scan3A = arith.constant 0 : i32
    %scan3A_13 = arith.constant 0 : i32
    %scan3A_14 = arith.constant 32 : i32
    %scan3A_15 = arith.addi %scan3A_13, %scan3A_14 : i32
    %scan3A_16 = arith.constant 1 : i32
    %scan3A_17 = scf.for %scan3A_43 = %scan3A_13 to %scan3A_15 step %scan3A_16 iter_args(%scan3A_44 = %scan3A) -> (i32)  : i32 {
      %sub3A_45 = arith.constant 31 : i32
      %sub3A_46 = arith.subi %sub3A_45, %scan3A_43 : i32
      %shift_left3A = arith.constant 1 : i32
      %shift_left3A_47 = arith.shli %shift_left3A, %sub3A_46 : i32
      %or3A_48 = arith.ori %scan3A_44, %shift_left3A_47 : i32
      %xor3A_49 = arith.constant -2147483648 : i32
      %xor3A_50 = arith.xori %or3A_48, %xor3A_49 : i32
      %ge3A_51 = vector.broadcast %xor3A_50 : i32 to vector<79x128xi32>
      %ge3A_52 = arith.cmpi sge, %select_n3A_12, %ge3A_51 : vector<79x128xi32>
      %convert_element_type3A_53 = arith.extui %ge3A_52 : vector<79x128xi1> to vector<79x128xi32>
      %reduce_sum3A_54 = vector.shape_cast %convert_element_type3A_53 : vector<79x128xi32> to vector<1x79x128xi32>
      %reduce_sum3A_55 = arith.constant dense<0> : vector<1xi32>
      %reduce_sum3A_56 = vector.multi_reduction <add>, %reduce_sum3A_54, %reduce_sum3A_55 [1, 2] : vector<1x79x128xi32> to vector<1xi32>
      %reduce_sum3A_57 = vector.shape_cast %reduce_sum3A_56 : vector<1xi32> to vector<1x1x1xi32>
      %reduce_sum3A_58 = vector.extract %reduce_sum3A_57[0, 0, 0] : i32 from vector<1x1x1xi32>
      %ge3A_59 = arith.constant 5000 : i32
      %ge3A_60 = arith.cmpi sge, %reduce_sum3A_58, %ge3A_59 : i32
      %select_n3A_61 = arith.select %ge3A_60, %or3A_48, %scan3A_44 : i32
      scf.yield %select_n3A_61 : i32
    }
    %scan3A_18 = arith.constant 32 : i32
    %xor3A_19 = arith.constant -2147483648 : i32
    %xor3A_20 = arith.xori %scan3A_17, %xor3A_19 : i32
    %gt3A = vector.broadcast %xor3A_20 : i32 to vector<79x128xi32>
    %gt3A_21 = arith.cmpi sgt, %select_n3A_12, %gt3A : vector<79x128xi32>
    %convert_element_type3A = arith.extui %gt3A_21 : vector<79x128xi1> to vector<79x128xi32>
    %reduce_sum3A = vector.shape_cast %convert_element_type3A : vector<79x128xi32> to vector<1x79x128xi32>
    %reduce_sum3A_22 = arith.constant dense<0> : vector<1xi32>
    %reduce_sum3A_23 = vector.multi_reduction <add>, %reduce_sum3A, %reduce_sum3A_22 [1, 2] : vector<1x79x128xi32> to vector<1xi32>
    %reduce_sum3A_24 = vector.shape_cast %reduce_sum3A_23 : vector<1xi32> to vector<1x1x1xi32>
    %reduce_sum3A_25 = vector.extract %reduce_sum3A_24[0, 0, 0] : i32 from vector<1x1x1xi32>
    %sub3A = arith.constant 5000 : i32
    %sub3A_26 = arith.subi %sub3A, %reduce_sum3A_25 : i32
    %eq3A = vector.broadcast %xor3A_20 : i32 to vector<79x128xi32>
    %eq3A_27 = arith.cmpi eq, %select_n3A_12, %eq3A : vector<79x128xi32>
    %scan3A_28 = arith.constant 0 : i32
    %scan3A_29 = arith.constant 0 : i32
    %scan3A_30 = arith.constant 14 : i32
    %scan3A_31 = arith.addi %scan3A_29, %scan3A_30 : i32
    %scan3A_32 = arith.constant 1 : i32
    %scan3A_33 = scf.for %scan3A_43 = %scan3A_29 to %scan3A_31 step %scan3A_32 iter_args(%scan3A_44 = %scan3A_28) -> (i32)  : i32 {
      %sub3A_45 = arith.constant 13 : i32
      %sub3A_46 = arith.subi %sub3A_45, %scan3A_43 : i32
      %shift_left3A = arith.constant 1 : i32
      %shift_left3A_47 = arith.shli %shift_left3A, %sub3A_46 : i32
      %or3A_48 = arith.ori %scan3A_44, %shift_left3A_47 : i32
      %lt3A_49 = vector.broadcast %or3A_48 : i32 to vector<79x128xi32>
      %lt3A_50 = arith.cmpi slt, %add3A, %lt3A_49 : vector<79x128xi32>
      %and3A_51 = arith.andi %eq3A_27, %lt3A_50 : vector<79x128xi1>
      %convert_element_type3A_52 = arith.extui %and3A_51 : vector<79x128xi1> to vector<79x128xi32>
      %reduce_sum3A_53 = vector.shape_cast %convert_element_type3A_52 : vector<79x128xi32> to vector<1x79x128xi32>
      %reduce_sum3A_54 = arith.constant dense<0> : vector<1xi32>
      %reduce_sum3A_55 = vector.multi_reduction <add>, %reduce_sum3A_53, %reduce_sum3A_54 [1, 2] : vector<1x79x128xi32> to vector<1xi32>
      %reduce_sum3A_56 = vector.shape_cast %reduce_sum3A_55 : vector<1xi32> to vector<1x1x1xi32>
      %reduce_sum3A_57 = vector.extract %reduce_sum3A_56[0, 0, 0] : i32 from vector<1x1x1xi32>
      %lt3A_58 = arith.cmpi slt, %reduce_sum3A_57, %sub3A_26 : i32
      %select_n3A_59 = arith.select %lt3A_58, %or3A_48, %scan3A_44 : i32
      scf.yield %select_n3A_59 : i32
    }
    %scan3A_34 = arith.constant 14 : i32
    %gt3A_35 = vector.broadcast %xor3A_20 : i32 to vector<79x128xi32>
    %gt3A_36 = arith.cmpi sgt, %select_n3A_12, %gt3A_35 : vector<79x128xi32>
    %le3A = vector.broadcast %scan3A_33 : i32 to vector<79x128xi32>
    %le3A_37 = arith.cmpi sle, %add3A, %le3A : vector<79x128xi32>
    %and3A = arith.andi %eq3A_27, %le3A_37 : vector<79x128xi1>
    %or3A = arith.ori %gt3A_36, %and3A : vector<79x128xi1>
    %jit3A_38 = arith.constant 0.000000e+00 : f32
    %broadcast_in_dim3A_39 = vector.broadcast %jit3A_38 : f32 to vector<79x128xf32>
    %select_n3A_40 = arith.select %or3A, %get3A_1, %broadcast_in_dim3A_39 : vector<79x128xi1>, vector<79x128xf32>
    %swap3A = arith.constant 0 : index
    %swap3A_41 = arith.constant 0 : index
    %swap3A_42 = vector.load %arg1[%swap3A, %swap3A_41] : memref<79x128xf32, #tpu.memory_space<vmem>>, vector<79x128xf32>
    tpu.vector_store %arg1[%swap3A, %swap3A_41], %select_n3A_40 {strides = array<i32>} : memref<79x128xf32, #tpu.memory_space<vmem>>, vector<79x128xf32>,
    return
  }
}

module attributes {stable_mosaic.version = 14 : i64} {
  func.func @body(%arg0: memref<10112x1xf32, #tpu.memory_space<vmem>>, %arg1: memref<10112x8xi32, #tpu.memory_space<vmem>>, %arg2: memref<10112x64xf32, #tpu.memory_space<vmem>>, %arg3: memref<64x64xf32, #tpu.memory_space<vmem>>) attributes {dimension_semantics = [], scalar_prefetch = 0 : i64, scratch_operands = 0 : i64, tpu.core_type = #tpu.core_type<tc>} {
    %get3A = arith.constant 0 : index
    %get3A_0 = arith.constant 0 : index
    %get3A_1 = vector.load %arg2[%get3A, %get3A_0] : memref<10112x64xf32, #tpu.memory_space<vmem>>, vector<10112x64xf32>
    %get3A_2 = arith.constant 0 : index
    %get3A_3 = arith.constant 0 : index
    %get3A_4 = vector.load %arg0[%get3A_2, %get3A_3] : memref<10112x1xf32, #tpu.memory_space<vmem>>, vector<10112x1xf32>
    %mul3A = vector.broadcast %get3A_4 : vector<10112x1xf32> to vector<10112x64xf32>
    %mul3A_5 = arith.mulf %get3A_1, %mul3A : vector<10112x64xf32>
    %iota3A = tpu.iota {dimensions = array<i32: 1>} : vector<1x64xi32>
    %get3A_6 = arith.constant 0 : index
    %get3A_7 = arith.constant 0 : index
    %get3A_8 = vector.load %arg1[%get3A_6, %get3A_7] : memref<10112x8xi32, #tpu.memory_space<vmem>>, vector<10112x8xi32>
    %slice3A = vector.extract_strided_slice %get3A_8 {offsets = [0, 0], sizes = [10112, 1], strides = [1, 1]} : vector<10112x8xi32> to vector<10112x1xi32>
    %eq3A = vector.broadcast %slice3A : vector<10112x1xi32> to vector<10112x64xi32>
    %eq3A_9 = vector.broadcast %iota3A : vector<1x64xi32> to vector<10112x64xi32>
    %eq3A_10 = arith.cmpi eq, %eq3A, %eq3A_9 : vector<10112x64xi32>
    %convert_element_type3A = arith.extui %eq3A_10 : vector<10112x64xi1> to vector<10112x64xi32>
    %convert_element_type3A_11 = arith.sitofp %convert_element_type3A : vector<10112x64xi32> to vector<10112x64xf32>
    %dot_general3A = arith.constant dense<0.000000e+00> : vector<64x64xf32>
    %dot_general3A_12 = tpu.matmul %convert_element_type3A_11, %mul3A_5, %dot_general3A {dimension_numbers = #tpu.dot_dimension_numbers<[0], [0], [1], [1], [0, 1, 1, 1], [], []>, transpose_lhs_hint = false} : vector<10112x64xf32>, vector<10112x64xf32>, vector<64x64xf32> -> vector<64x64xf32>
    %swap3A = arith.constant 0 : index
    %swap3A_13 = arith.constant 0 : index
    %swap3A_14 = vector.load %arg3[%swap3A, %swap3A_13] : memref<64x64xf32, #tpu.memory_space<vmem>>, vector<64x64xf32>
    tpu.vector_store %arg3[%swap3A, %swap3A_13], %dot_general3A_12 {strides = array<i32>} : memref<64x64xf32, #tpu.memory_space<vmem>>, vector<64x64xf32>,
    return
  }
}

</mosaic_0001>

<sc_bundles>
// kernel: kernel.11.cloned.1.call-start
scs
__scs_entry_jumppad:
0x0: {  	(pc) =	sbr.rel $0x88, $3  }
0x1: {  	(tag) =	ssettag $0x0;
	lr =	simm.s32 $0x1  }
0x2: {  	[smem:$0x3F99] =	sst lr;
	_ =	strace $0xD0000000  }
0x3: {  	_ = 	snop  }
0x4: {  	_ = 	snop  }
0x5: {  	_ = 	snop  }
0x6: {  	_ = 	snop  }
0x7: {  	_ = 	snop  }
__scs_overlays_trampoline_lowered:
0x8: {  	[smem:$0x3FA8] =	sst s0  }
0x9: {  	[smem:$0x3FA9] =	sst s1  }
0xa: {  	[smem:$0x3FAA] =	sst s2  }
0xb: {  	[smem:$0x3FAB] =	sst s3  }
0xc: {  	[smem:$0x3FAC] =	sst s4  }
0xd: {  	[smem:$0x3FAD] =	sst s5  }
0xe: {  	[smem:$0x3FAE] =	sst s6  }
0xf: {  	[smem:$0x3FAF] =	sst s7  }
0x10: {  	[smem:$0x3FB0] =	sst s8  }
0x11: {  	[smem:$0x3FB1] =	sst s9;
	s0 =	simm.s32 @!p0 $0x0  }
0x12: {  	s1 =	sld [smem:$0x3F97];
	s0 =	simm.s32 @p0 $0x1  }
0x13: {  	[smem:$0x3FB2] =	sst s0;
	s0 =	simm.s32 @!p1 $0x0  }
0x14: {  	s2 =	sld [smem:$0x3F96];
	s0 =	simm.s32 @p1 $0x1  }
0x15: {  	[smem:$0x3FB3] =	sst s0;
	s0 =	simm.s32 @!p2 $0x0  }
0x16: {  	s3 =	sld [smem:$0x3FDB];
	s0 =	simm.s32 @p2 $0x1  }
0x17: {  	s4 =	simm.s32 $0x1BF5;
	[smem:$0x3FB5] =	sst s0  }
0x18: {  	s0 =	sld [smem:$0x3F98];
	_ =	swait.ge [sflag:s4], $0x0  }
0x19: {  	s7 =	sld [smem:$0x3F99]  }
0x1a: {  	s8 =	sadd.s32 $0xFFFFE003, lr  }
0x1b: {  	s9 =	sadd.s32 $0xFFFFFEF7, lr;
	s5 =	simm.s32 $0xFFFFFFFF;
	p2 =	slt.u32 s8, $0xFFFFF086  }
0x1c: {  	p1 =	slt.u32 s9, $0xF7A;
	s5 =	simm.s32 @!p2 $0x0  }
0x1d: {  	s5 =	simm.s32 @p1 $0x1;
	p0 =	seq.s32 s7, s2  }
0x1e: {  	s7 =	smul.u32 @!p0 $0xF7A, s2;
	p2 =	seq.s32 @!p0 s5, $0x0  }
0x1f: {  	s9 =	smul.u32 $0xF7A, s1;
	s8 =	simm.s32 @!p0 $0x1BF5;
	p2 =	por !p2, p0  }
0x20: {  	[sflag:s8] =	ssyncset.s32 @!p0 $0xFFFFF086;
	s6 =	sadd.s32 @!p0 s3, s7;
	s7 =	simm.s32 @!p0 $0x108  }
0x21: {  	s3 =	sadd.s32 s3, s9;
	s6 =	sadd.s32 @!p0 $0x88, s6;
	s7 =	simm.s32 @p2 $0x1082  }
0x22: {  	[simem:s7], [sflag:s8] =	dma.local @!p0 [hbm:s6], $0xF7A  }
0x23: {  	s9 =	sor.u32 $0xD0000000, s2;
	s6 =	simm.s32 $0x108;
	_ =	swait.ge @!p0 [sflag:s8], $0x0  }
0x24: {  	s3 =	sadd.s32 $0x88, s3;
	s6 =	simm.s32 @!p1 $0x1082;
	[sflag:s4] =	ssyncset.s32 $0xFFFFF086  }
0x25: {  	[simem:s6], [sflag:s4] =	dma.local [hbm:s3], $0xF7A  }
0x26: {  	[smem:$0x3F99] =	sst s1;
	(tag) =	ssettag s2;
	_ =	strace s9  }
0x27: {  	s1 =	sld [smem:$0x3FA9]  }
0x28: {  	s2 =	sld [smem:$0x3FAA]  }
0x29: {  	s4 =	sld [smem:$0x3FAC]  }
0x2a: {  	p0 =	seq.s32 s5, $0x0;
	s5 =	sld [smem:$0x3FAD]  }
0x2b: {  	s6 =	sld [smem:$0x3FAE]  }
0x2c: {  	s7 =	sld [smem:$0x3FAF]  }
0x2d: {  	s3 =	simm.s32 $0x108;
	s8 =	sld [smem:$0x3FB0]  }
0x2e: {  	s3 =	simm.s32 @!p0 $0x1082;
	s9 =	sld [smem:$0x3FB1]  }
0x2f: {  	lr =	sadd.s32 s0, s3;
	s0 =	sld [smem:$0x3FA8]  }
0x30: {  	s3 =	sld [smem:$0x3FAB]  }
0x31: {  	[smem:$0x3FB4] =	sst s10  }
0x32: {  	s10 =	sld [smem:$0x3FB2];
	_ =	sdelay $0x3  }
0x33: {  	p0 =	seq.s32 s10, $0x1;
	s10 =	sld [smem:$0x3FB4];
	_ =	sdelay $0x3  }
0x34: {  	[smem:$0x3FB4] =	sst s10  }
0x35: {  	s10 =	sld [smem:$0x3FB3];
	_ =	sdelay $0x3  }
0x36: {  	p1 =	seq.s32 s10, $0x1;
	s10 =	sld [smem:$0x3FB4];
	_ =	sdelay $0x3  }
0x37: {  	[smem:$0x3FB4] =	sst s10  }
0x38: {  	s10 =	sld [smem:$0x3FB5]  }
0x39: {  	_ = 	snop;
	(pc) =	sbr.ind lr, $3  }
0x3a: {  	_ = 	snop  }
0x3b: {  	_ = 	snop  }
0x3c: {  	p2 =	seq.s32 s10, $0x1;
	s10 =	sld [smem:$0x3FB4]  }
0x3d: {  	_ =	shalt  }
0x3e: {  	_ =	shalt  }
0x3f: {  	_ =	shalt  }
0x40: {  	_ =	shalt  }
0x41: {  	_ =	shalt  }
0x42: {  	_ =	shalt  }
0x43: {  	_ =	shalt  }
0x44: {  	_ =	shalt  }
0x45: {  	_ =	shalt  }
0x46: {  	_ =	shalt  }
0x47: {  	_ =	shalt  }
0x48: {  	_ =	shalt  }
0x49: {  	_ =	shalt  }
0x4a: {  	_ =	shalt  }
0x4b: {  	_ =	shalt  }
0x4c: {  	_ =	shalt  }
0x4d: {  	_ =	shalt  }
0x4e: {  	_ =	shalt  }
0x4f: {  	_ =	shalt  }
0x50: {  	_ =	shalt  }
0x51: {  	_ =	shalt  }
0x52: {  	_ =	shalt  }
0x53: {  	_ =	shalt  }
0x54: {  	_ =	shalt  }
0x55: {  	_ =	shalt  }
0x56: {  	_ =	shalt  }
0x57: {  	_ =	shalt  }
0x58: {  	_ =	shalt  }
0x59: {  	_ =	shalt  }
0x5a: {  	_ =	shalt  }
0x5b: {  	_ =	shalt  }
0x5c: {  	_ =	shalt  }
0x5d: {  	_ =	shalt  }
0x5e: {  	_ =	shalt  }
0x5f: {  	_ =	shalt  }
0x60: {  	_ =	shalt  }
0x61: {  	_ =	shalt  }
0x62: {  	_ =	shalt  }
0x63: {  	_ =	shalt  }
0x64: {  	_ =	shalt  }
0x65: {  	_ =	shalt  }
0x66: {  	_ =	shalt  }
0x67: {  	_ =	shalt  }
0x68: {  	_ =	shalt  }
0x69: {  	_ =	shalt  }
0x6a: {  	_ =	shalt  }
0x6b: {  	_ =	shalt  }
0x6c: {  	_ =	shalt  }
0x6d: {  	_ =	shalt  }
0x6e: {  	_ =	shalt  }
0x6f: {  	_ =	shalt  }
0x70: {  	_ =	shalt  }
0x71: {  	_ =	shalt  }
0x72: {  	_ =	shalt  }
0x73: {  	_ =	shalt  }
0x74: {  	_ =	shalt  }
0x75: {  	_ =	shalt  }
0x76: {  	_ =	shalt  }
0x77: {  	_ =	shalt  }
0x78: {  	_ =	shalt  }
0x79: {  	_ =	shalt  }
0x7a: {  	_ =	shalt  }
0x7b: {  	_ =	shalt  }
0x7c: {  	_ =	shalt  }
0x7d: {  	_ =	shalt  }
0x7e: {  	_ =	shalt  }
0x7f: {  	_ =	shalt  }
0x80: {  	_ =	shalt  }
0x81: {  	_ =	shalt  }
0x82: {  	_ =	shalt  }
0x83: {  	_ =	shalt  }
0x84: {  	_ =	shalt  }
0x85: {  	_ =	shalt  }
0x86: {  	_ =	shalt  }
0x87: {  	_ =	shalt  }
.Lfunc_end0:
.L_simem_size_0:
called_computation_lowered:
.L_overlay_start_0:
0x88: {  	s2 =	sld [smem:$0x3FD9]  }
0x89: {  	s3 =	sld [smem:$0x3FFE];
	_ =	sdelay $0x1  }
0x8a: {  	s1 =	srdreg.scid  }
0x8b: {  	s0 =	sand.u32 $0x1, s1  }
0x8c: {  	s14 =	sshll.u32 s0, $0xA;
	s2 =	sadd.s32 s3, s2  }
0x8d: {  	s2 =	sadd.s32 s2, s14  }
0x8e: {  	[smem:$0x3FC0] =	sst s2  }
0x8f: {  	_ = 	snop  }
0x90: {  	s2 =	sld [smem:$0x3FD0];
	_ =	sdelay $0x2  }
0x91: {  	s15 =	simm.s32 $0xB;
	s4 =	simm.s32 $0x10  }
0x92: {  	[smem:s4], [sflag:s15] =	dma.local [hbm:s2], $0x1  }
0x93: {  	_ =	swait.eq [sflag:s15], $0x1  }
0x94: {  	[sflag:s15] =	ssyncset.done $0x0  }
0x95: {  	[sflag:s15] =	ssyncadd.s32 $0xFFFFFFFF  }
0x96: {  	s16 =	sld [smem:$0x12];
	(tm) =	ssettm $0x1  }
0x97: {  	s17 =	sld [smem:$0x3FFB];
	_ =	sdelay $0x3  }
0x98: {  	_ =	strace s17  }
0x99: {  	s3 =	sld [smem:$0x3FFC];
	_ =	sdelay $0x3  }
0x9a: {  	_ =	strace s3  }
0x9b: {  	s3 =	sld [smem:$0x3FFD];
	_ =	sdelay $0x3  }
0x9c: {  	_ =	strace s3  }
0x9d: {  	_ =	strace $0x8FFFFFFF  }
0x9e: {  	s18 =	sld [smem:$0x3FDB];
	_ =	sdelay $0x1  }
0x9f: {  	s19 =	simm.s32 $_scs_section_size  }
0xa0: {  	s5 =	simm.s32 $_size__tile_overlayer_lowered;
	s6 =	simm.s32 $_tile_overlayer_lowered  }
0xa1: {  	s22 =	simm.s32 $0x1BFF;
	s21 =	sshll.u32 s6, $0x1;
	s3 =	sadd.s32 s19, s18  }
0xa2: {  	s7 =	simm.s32 $0x0;
	s20 =	sshll.u32 s5, $0x1;
	s5 =	sadd.s32 s21, s3  }
0xa3: {  	[timem:s7], [sflag:s22] =	dma.local [hbm:s5], s20  }
0xa4: {  	_ =	swait.ge [sflag:s22], s20  }
0xa5: {  	s4 =	ssub.s32 $0x0, s20;
	[sflag:s22] =	ssyncset.done $0x0  }
0xa6: {  	[sflag:s22] =	ssyncadd.s32 s4;
	_ =	sdelay $0x1  }
0xa7: {  	s23 =	simm.s32 $0x1B8B  }
0xa8: {  	_ =	swait.ge [sflag:s23], $0x1  }
0xa9: {  	[sflag:s23] =	ssyncset.done $0x0  }
0xaa: {  	s25 =	simm.s32 $0x1B8E;
	s24 =	sld [smem:$0x3FFE];
	[sflag:s23] =	ssyncadd.s32 $0xFFFFFFFF  }
0xab: {  	s26 =	simm.s32 $execute0_lowered;
	[smem:$0x3FD2] =	sst s25  }
0xac: {  	s5 =	sshll.u32 s26, $0x1;
	_ =	strace $0x80000046;
	[dreg:$0x1] =	wrdreg $0xFFFFFFFF  }
0xad: {  	s28 =	simm.s32 $_size_execute0_lowered;
	s3 =	sadd.s32 s3, s5;
	[dreg:$0x0] =	wrdreg $0x0  }
0xae: {  	s5 =	sshll.u32 s28, $0x1;
	[dreg:$0x2] =	wrdreg s3  }
0xaf: {  	[dreg:$0x3] =	wrdreg s5  }
0xb0: {  	[dreg:$0x4] =	wrdreg $0xC0  }
0xb1: {  	_ =	task [dreg:s7], $0x5FFFF  }
0xb2: {  	[dreg:$0x1] =	wrdreg $0xFFFFFFFF  }
0xb3: {  	[dreg:$0x0] =	wrdreg $0x60  }
0xb4: {  	[dreg:$0x2] =	wrdreg s24  }
0xb5: {  	[dreg:$0x3] =	wrdreg s16  }
0xb6: {  	[dreg:$0x4] =	wrdreg $0x100000  }
0xb7: {  	[dreg:$0x5] =	wrdreg $0x1A2000  }
0xb8: {  	[dreg:$0x6] =	wrdreg $0x9  }
0xb9: {  	_ =	task.clear_ibuf [dreg:s7], $0x7FFFF;
	_ =	strace $0x90000046  }
0xba: {  	s29 =	simm.s32 $0x9;
	_ =	strace $0x80000048  }
0xbb: {  	_ =	swait.ge [sflag:s29], $0x1  }
0xbc: {  	[sflag:s29] =	ssyncadd.s32 $0xFFFFFFFF  }
0xbd: {  	_ =	strace $0x90000048  }
0xbe: {  	_ =	sfence  }
0xbf: {  	s30 =	sld [smem:$0x0];
	_ =	sdelay $0x2  }
0xc0: {  	s31 =	sshll.u32 s1, $0xD;
	s1 =	sshrl.u32 s1, $0x2  }
0xc1: {  	s3 =	sand.u32 $0x4000, s31;
	s1 =	sadd.s32 s1, s30  }
0xc2: {  	s0 =	sor.u32 s3, s0;
	s1 =	sshll.u32 s1, $0x11  }
0xc3: {  	s0 =	sor.u32 s1, s0  }
0xc4: {  	s0 =	sadd.s32 $0x8F2B, s0  }
0xc5: {  	[sflag:s0] =	ssyncadd.remote.s32 $0x1  }
0xc6: {  	_ =	sfence.sel $0xFFFF  }
0xc7: {  	[dreg:$0x0] =	wrdreg $0xFFFFFFFF;
	(pc) =	sbr.abs _section_cstart, $3  }
0xc8: {  	[dreg:$0x1] =	wrdreg $0xFFFFFFFF  }
0xc9: {  	_ =	task.clear_ibuf [dreg:s7], $0x2FFFF;
	_ =	strace $0x9FFFFFFF  }
0xca: {  	(tm) =	ssettm $0x7FFFFFFF  }
0xcb: {  	_ =	shalt  }
tec
execute0_lowered:
.L_overlay_start_1:
0x0: {  	(tag) =	ssettag $0x1  }
0x1: {  	s0 =	rddreg [dreg:$0x0]  }
0x2: {  	s2 =	rddreg [dreg:$0x2]  }
0x3: {  	s3 =	rddreg [dreg:$0x3];
	s5 =	simm.s32 $0x0;
	s1 =	srdreg.scid  }
0x4: {  	s14 =	stileid.u32;
	s19 =	simm.s32 $0x8000;
	s20 =	simm.s32 $0xA000  }
0x5: {  	s28 =	simm.s32 $0x3;
	s29 =	simm.s32 $0x4;
	[smem:$0x7FF] =	sst s5  }
0x6: {  	s1 =	sand.u32 $0x1, s1;
	s4 =	sshll.u32 s14, $0x9;
	s9 =	smul.u32 $0x9E00, s14  }
0x7: {  	s7 =	sshll.u32 s14, $0xB;
	s10 =	smul.u32 $0x13C0, s14;
	s6 =	sadd.s32 $0x2800, s0  }
0x8: {  	_ =	strace $0x80000047;
	p0 =	seq.s32 s1, $0x0;
	s25 =	smul.u32 $0x9E000, s1  }
0x9: {  	s4 =	sor.u32 $0x8000, s4;
	s11 =	smul.u32 $0x13C00, s1;
	s1 =	ssub.s32 $0x2, s1  }
0xa: {  	s4 =	smov.u32 @p0 s7;
	s8 =	sshrl.u32 s9, $0x3;
	s26 =	sshrl.u32 s10, $0x3  }
0xb: {  	s15 =	sshrl.u32 s1, $0x1;
	s16 =	sadd.s32 s9, s2;
	s18 =	sadd.s32 s10, s3  }
0xc: {  	s4 =	sadd.s32 s4, s0;
	s12 =	sadd.s32 s8, s0;
	s7 =	sadd.s32 s9, s25  }
0xd: {  	s13 =	sadd.s32 s26, s0;
	s30 =	sadd.s32 s10, s11;
	s1 =	ssub.s32 s1, s15  }
0xe: {  	s26 =	sshll.u32 s14, $0x6;
	s9 =	simm.s32 $0x8;
	s10 =	simm.s32 $0xC  }
0xf: {  	s11 =	simm.s32 $0x0;
	s7 =	sshrl.u32 s7, $0x3;
	s8 =	sshrl.u32 s30, $0x3  }
0x10: {  	s15 =	sadd.s32 $0x20800, s4;
	s4 =	sadd.s32 $0x16200, s4;
	s17 =	sadd.s32 $0x2AE00, s12  }
0x11: {  	s22 =	sadd.s32 $0x3EA00, s13;
	s25 =	smax.u32 s1, $0x1;
	[dreg:$0x7] =	wrdreg s15  }
0x12: {  	s21 =	sor.u32 $0x1C0D, s26;
	s30 =	simm.s32 $0xC000;
	[dreg:$0x8] =	wrdreg s4  }
0x13: {  	s26 =	simm.s32 $0x2;
	s31 =	sadd.s32 s7, s0;
	[dreg:$0x9] =	wrdreg s17  }
0x14: {  	s0 =	sadd.s32 s8, s0;
	s7 =	simm.s32 $0x80;
	[dreg:$0xa] =	wrdreg s22  }
0x15: {  	s8 =	simm.s32 $0x80;
	[dreg:$0xe] =	wrdreg s25;
	s17 =	simm.s32 $0xD  }
0x16: {  	s22 =	sshrl.u32 s16, $0x3;
	[dreg:$0x5] =	wrdreg s30;
	s24 =	sadd.s32 $0x41200, s31  }
0x17: {  	s25 =	simm.s32 $0x1;
	s0 =	sadd.s32 $0x68A00, s0;
	[dreg:$0xc] =	wrdreg s24  }
0x18: {  	s7 =	simm.s32 @!p0 $0x20;
	s31 =	simm.s32 $0xE000;
	[dreg:$0xd] =	wrdreg s0  }
0x19: {  	s23 =	sshrl.u32 s7, $0x2;
	s24 =	simm.s32 $0x19E00;
	[dreg:$0x6] =	wrdreg s31  }
0x1a: {  	[dreg:$0xb] =	wrdreg s23;
	s23 =	sshrl.u32 s18, $0x3;
	s18 =	simm.s32 $0xB  }
.LBB2_1:
0x1b: {  	s0 =	rddreg [dreg:$0x7]  }
0x1c: {  	[tilespmem:s5], [sflag:$0xD] =	stream.linear.gather [hbm4b:s0+s5], $0x4000, $0x38;
	[tilespmem:$0x1B5C0] =	vst v63  }
0x1d: {  	_ =	swait.ge [sflag:s17], $0x4000  }
0x1e: {  	[sflag:s17] =	ssyncset.done $0x0  }
0x1f: {  	s1 =	simm.s32 $0x4000;
	s31 =	rddreg [dreg:$0x8];
	[sflag:s17] =	ssyncadd.s32 $0xFFFFC000  }
0x20: {  	[tilespmem:s1], [sflag:$0xD] =	stream.linear.gather [hbm4b:s31+s5], $0x4000, $0x38;
	[tilespmem:$0x1B5C0] =	vst v63  }
0x21: {  	_ =	swait.ge [sflag:s17], $0x4000  }
0x22: {  	[sflag:s17] =	ssyncset.done $0x0  }
0x23: {  	[sflag:s17] =	ssyncadd.s32 $0xFFFFC000  }
0x24: {  	[tilespmem:s19], [sflag:$0x1] =	stream.indirect.gather [hbm4b:s6+s8], $0x40, s5, s8, $0xb8;
	[tilespmem:$0x1B5C0] =	vst v63  }
0x25: {  	s4 =	rddreg [dreg:$0x9]  }
0x26: {  	[tilespmem:s20], [sflag:$0x2] =	stream.indirect.gather [hbm4b:s6+s8], $0x40, s8, s8, $0xb8;
	[tilespmem:$0x1B5C0] =	vst v63  }
0x27: {  	[spmem:s22], [sflag:s21] =	dma.local [hbm:s4], $0x13C0  }
0x28: {  	_ =	swait.ge [sflag:s17], $0x13C0  }
0x29: {  	[sflag:s17] =	ssyncset.done $0x0  }
0x2a: {  	s12 =	rddreg [dreg:$0xa];
	[sflag:s17] =	ssyncadd.s32 $0xFFFFEC40  }
0x2b: {  	[spmem:s23], [sflag:s21] =	dma.local [hbm:s12], $0x278  }
0x2c: {  	_ =	swait.ge [sflag:s17], $0x278  }
0x2d: {  	[sflag:s17] =	ssyncset.done $0x0  }
0x2e: {  	[sflag:s17] =	ssyncadd.s32 $0xFFFFFD88  }
0x2f: {  	s13 =	rddreg [dreg:$0x1]  }
0x30: {  	[tilespmem:s24], [sflag:$0xD] =	stream.linear.gather [hbm4b:s13+s5], $0x400, $0x38;
	[tilespmem:$0x1B5C0] =	vst v63  }
0x31: {  	_ =	swait.ge [sflag:s17], $0x400  }
0x32: {  	[sflag:s17] =	ssyncset.done $0x0  }
0x33: {  	[sflag:s17] =	ssyncadd.s32 $0xFFFFFC00  }
0x34: {  	[bflag:$0x0] =	sbarrier.arrive $0xFFFF  }
0x35: {  	p0 =	por $0x1, $0x1;
	_ =	swait.ge [sflag:s25], $0x2000  }
0x36: {  	p1 =	sle.u32 @!p0 s7, $0x2;
	[sflag:s25] =	ssyncset.done $0x0  }
0x37: {  	p1 =	por p1, p0;
	s12 =	simm.s32 $0x4000;
	[sflag:s25] =	ssyncadd.s32 $0xFFFFE000  }
0x38: {  	[spmem:s2] =	stream.indirect.scatter.add.f32 [tilespmem:s19], [sflag:$0x5], $0x40, s12, s8, $0xb8;
	[tilespmem:$0x1B5C0] =	vst v63  }
0x39: {  	s13 =	simm.s32 @!p1 $0x7  }
0x3a: {  	[spmem:s3] =	stream.indirect.scatter.add.f32 [tilespmem:s24], [sflag:$0x9], $0x8, s12, s8, $0xb8;
	[tilespmem:$0x1B5C0] =	vst v63  }
0x3b: {  	_ =	swait.ge @!p1 [sflag:s13], $0x2000  }
0x3c: {  	[sflag:s13] =	ssyncset.done @!p1 $0x0  }
0x3d: {  	s12 =	simm.s32 @!p1 $0xB;
	[sflag:s13] =	ssyncadd.s32 @!p1 $0xFFFFE000  }
0x3e: {  	p2 =	sle.u32 s7, $0x2;
	_ =	swait.ge @!p1 [sflag:s12], $0x400  }
0x3f: {  	s14 =	simm.s32 @!p2 $0x100;
	[sflag:s12] =	ssyncset.done @!p1 $0x0  }
0x40: {  	s13 =	simm.s32 @!p2 $0xC000;
	[sflag:s12] =	ssyncadd.s32 @!p1 $0xFFFFFC00;
	s12 =	simm.s32 @!p2 $0x80  }
0x41: {  	[tilespmem:s13], [sflag:$0x3] =	stream.indirect.gather @!p2 [hbm4b:s6+s12], $0x40, s14, s12, $0xb8;
	[tilespmem:$0x1B5C0] =	vst v63  }
0x42: {  	_ =	swait.ge [sflag:s26], $0x2000  }
0x43: {  	p1 =	sle.u32 @!p0 s7, $0x3;
	[sflag:s26] =	ssyncset.done $0x0  }
0x44: {  	s14 =	simm.s32 $0x4080;
	p0 =	por p1, p0;
	[sflag:s26] =	ssyncadd.s32 $0xFFFFE000  }
0x45: {  	[spmem:s2] =	stream.indirect.scatter.add.f32 [tilespmem:s20], [sflag:$0x6], $0x40, s14, s8, $0xb8;
	[tilespmem:$0x1B5C0] =	vst v63  }
0x46: {  	s13 =	simm.s32 @!p0 $0x8  }
0x47: {  	[spmem:s3] =	stream.indirect.scatter.add.f32 [tilespmem:s24], [sflag:$0xA], $0x8, s14, s8, $0xb8;
	[tilespmem:$0x1B5C0] =	vst v63  }
0x48: {  	_ =	swait.ge @!p0 [sflag:s13], $0x2000  }
0x49: {  	[sflag:s13] =	ssyncset.done @!p0 $0x0  }
0x4a: {  	s12 =	simm.s32 @!p0 $0xC;
	[sflag:s13] =	ssyncadd.s32 @!p0 $0xFFFFE000  }
0x4b: {  	p1 =	sle.u32 s7, $0x3;
	_ =	swait.ge @!p0 [sflag:s12], $0x400  }
0x4c: {  	s15 =	simm.s32 @!p1 $0x80;
	[sflag:s12] =	ssyncset.done @!p0 $0x0  }
0x4d: {  	s14 =	simm.s32 @!p1 $0x180;
	s13 =	simm.s32 @!p1 $0xE000;
	[sflag:s12] =	ssyncadd.s32 @!p0 $0xFFFFFC00  }
0x4e: {  	[tilespmem:s13], [sflag:$0x4] =	stream.indirect.gather @!p1 [hbm4b:s6+s15], $0x40, s14, s15, $0xb8;
	[tilespmem:$0x1B5C0] =	vst v63  }
0x4f: {  	_ =	swait.ge [sflag:s28], $0x2000  }
0x50: {  	s16 =	simm.s32 $0x4100;
	[sflag:s28] =	ssyncset.done $0x0  }
0x51: {  	p0 =	sle.u32 s7, $0x4;
	s15 =	rddreg [dreg:$0x5];
	[sflag:s28] =	ssyncadd.s32 $0xFFFFE000  }
0x52: {  	[spmem:s2] =	stream.indirect.scatter.add.f32 [tilespmem:s15], [sflag:$0x7], $0x40, s16, s8, $0xb8;
	[tilespmem:$0x1B5C0] =	vst v63  }
0x53: {  	s12 =	simm.s32 @!p0 $0x5  }
0x54: {  	[spmem:s3] =	stream.indirect.scatter.add.f32 [tilespmem:s24], [sflag:$0xB], $0x8, s16, s8, $0xb8;
	[tilespmem:$0x1B5C0] =	vst v63  }
0x55: {  	_ =	swait.ge @!p0 [sflag:s12], $0x2000  }
0x56: {  	[sflag:s12] =	ssyncset.done @!p0 $0x0  }
0x57: {  	[sflag:s12] =	ssyncadd.s32 @!p0 $0xFFFFE000;
	s12 =	simm.s32 @!p0 $0x9  }
0x58: {  	s13 =	simm.s32 @!p0 $0x200;
	_ =	swait.ge @!p0 [sflag:s12], $0x400  }
0x59: {  	s14 =	simm.s32 @!p0 $0x80;
	[sflag:s12] =	ssyncset.done @!p0 $0x0;
	s31 =	rddreg [dreg:$0xb]  }
0x5a: {  	s15 =	simm.s32 @!p0 $0x8000;
	[sflag:s12] =	ssyncadd.s32 @!p0 $0xFFFFFC00;
	s12 =	sadd.s32 $0xFFFFFFFF, s31  }
0x5b: {  	[tilespmem:s15], [sflag:$0x1] =	stream.indirect.gather @!p0 [hbm4b:s6+s14], $0x40, s13, s14, $0xb8;
	[tilespmem:$0x1B5C0] =	vst v63  }
0x5c: {  	p0 =	sne.s32 s12, $0x0  }
.Ltmp0:
0x5d: {  	_ = 	snop;
	(pc) =	sbr.rel @!p0 .LBB2_3-.Ltmp0, $4  }
0x5e: {  	_ = 	snop  }
0x5f: {  	p3 =	sle.u32 s7, $0x5;
	s16 =	simm.s32 $0x4180;
	_ =	swait.ge [sflag:s29], $0x2000  }
0x60: {  	s13 =	simm.s32 $0x800;
	s14 =	simm.s32 $0x6;
	[sflag:s29] =	ssyncset.done $0x0  }
0x61: {  	s15 =	simm.s32 $0x0;
	s30 =	rddreg [dreg:$0x6];
	[sflag:s29] =	ssyncadd.s32 $0xFFFFE000  }
.LBB2_2:
0x62: {  	[spmem:s2] =	stream.indirect.scatter.add.f32 [tilespmem:s30], [sflag:$0x8], $0x40, s16, s8, $0xb8;
	[tilespmem:$0x1B5C0] =	vst v63  }
0x63: {  	s31 =	simm.s32 @!p3 $0x6  }
0x64: {  	[spmem:s3] =	stream.indirect.scatter.add.f32 [tilespmem:s24], [sflag:$0xC], $0x8, s16, s8, $0xb8;
	[tilespmem:$0x1B5C0] =	vst v63  }
0x65: {  	_ =	swait.ge @!p3 [sflag:s31], $0x2000  }
0x66: {  	[sflag:s31] =	ssyncset.done @!p3 $0x0  }
0x67: {  	[sflag:s31] =	ssyncadd.s32 @!p3 $0xFFFFE000;
	s31 =	simm.s32 @!p3 $0xA  }
0x68: {  	_ =	swait.ge @!p3 [sflag:s31], $0x400  }
0x69: {  	s15 =	sshra.s32 @!p3 s15, $0x2;
	s0 =	simm.s32 @!p3 $0x80;
	[sflag:s31] =	ssyncset.done @!p3 $0x0  }
0x6a: {  	s4 =	simm.s32 @!p3 $0xA000;
	s16 =	sadd.s32 @!p3 $0x280, s15;
	[sflag:s31] =	ssyncadd.s32 @!p3 $0xFFFFFC00  }
0x6b: {  	[tilespmem:s4], [sflag:$0x2] =	stream.indirect.gather @!p3 [hbm4b:s6+s0], $0x40, s16, s0, $0xb8;
	[tilespmem:$0x1B5C0] =	vst v63  }
0x6c: {  	p1 =	seq.s32 s14, $0x2;
	_ =	swait.ge [sflag:s25], $0x2000  }
0x6d: {  	p4 =	sge.u32 @!p1 s14, s7;
	s16 =	sshra.s32 s13, $0x2;
	[sflag:s25] =	ssyncset.done $0x0  }
0x6e: {  	p3 =	por p4, p1;
	s0 =	sadd.s32 $0x4000, s16;
	[sflag:s25] =	ssyncadd.s32 $0xFFFFE000  }
0x6f: {  	[spmem:s2] =	stream.indirect.scatter.add.f32 [tilespmem:s19], [sflag:$0x5], $0x40, s0, s8, $0xb8;
	[tilespmem:$0x1B5C0] =	vst v63  }
0x70: {  	s4 =	simm.s32 @!p3 $0x7  }
0x71: {  	[spmem:s3] =	stream.indirect.scatter.add.f32 [tilespmem:s24], [sflag:$0x9], $0x8, s0, s8, $0xb8;
	[tilespmem:$0x1B5C0] =	vst v63  }
0x72: {  	_ =	swait.ge @!p3 [sflag:s4], $0x2000  }
0x73: {  	[sflag:s4] =	ssyncset.done @!p3 $0x0  }
0x74: {  	s0 =	simm.s32 @!p3 $0xB;
	[sflag:s4] =	ssyncadd.s32 @!p3 $0xFFFFE000  }
0x75: {  	p4 =	sge.u32 s14, s7;
	_ =	swait.ge @!p3 [sflag:s0], $0x400  }
0x76: {  	s31 =	sshra.s32 @!p4 s13, $0x2;
	s1 =	simm.s32 @!p4 $0xC000;
	[sflag:s0] =	ssyncset.done @!p3 $0x0  }
0x77: {  	s31 =	sadd.s32 @!p4 $0x100, s31;
	[sflag:s0] =	ssyncadd.s32 @!p3 $0xFFFFFC00;
	s0 =	simm.s32 @!p4 $0x80  }
0x78: {  	[tilespmem:s1], [sflag:$0x3] =	stream.indirect.gather @!p4 [hbm4b:s6+s0], $0x40, s31, s0, $0xb8;
	[tilespmem:$0x1B5C0] =	vst v63  }
0x79: {  	s30 =	sadd.s32 $0x1, s14;
	_ =	swait.ge [sflag:s26], $0x2000  }
0x7a: {  	p2 =	sge.u32 @!p1 s30, s7;
	[sflag:s26] =	ssyncset.done $0x0  }
0x7b: {  	p2 =	por p2, p1;
	s31 =	sadd.s32 $0x4080, s16;
	[sflag:s26] =	ssyncadd.s32 $0xFFFFE000  }
0x7c: {  	[spmem:s2] =	stream.indirect.scatter.add.f32 [tilespmem:s20], [sflag:$0x6], $0x40, s31, s8, $0xb8;
	[tilespmem:$0x1B5C0] =	vst v63  }
0x7d: {  	s1 =	simm.s32 @!p2 $0x8  }
0x7e: {  	[spmem:s3] =	stream.indirect.scatter.add.f32 [tilespmem:s24], [sflag:$0xA], $0x8, s31, s8, $0xb8;
	[tilespmem:$0x1B5C0] =	vst v63  }
0x7f: {  	_ =	swait.ge @!p2 [sflag:s1], $0x2000  }
0x80: {  	[sflag:s1] =	ssyncset.done @!p2 $0x0  }
0x81: {  	s0 =	simm.s32 @!p2 $0xC;
	[sflag:s1] =	ssyncadd.s32 @!p2 $0xFFFFE000  }
0x82: {  	p1 =	sge.u32 s30, s7;
	_ =	swait.ge @!p2 [sflag:s0], $0x400  }
0x83: {  	s30 =	simm.s32 @!p1 $0x80;
	s4 =	sshra.s32 @!p1 s13, $0x2;
	[sflag:s0] =	ssyncset.done @!p2 $0x0  }
0x84: {  	s4 =	sadd.s32 @!p1 $0x180, s4;
	s1 =	simm.s32 @!p1 $0xE000;
	[sflag:s0] =	ssyncadd.s32 @!p2 $0xFFFFFC00  }
0x85: {  	[tilespmem:s1], [sflag:$0x4] =	stream.indirect.gather @!p1 [hbm4b:s6+s30], $0x40, s4, s30, $0xb8;
	[tilespmem:$0x1B5C0] =	vst v63  }
0x86: {  	s31 =	sadd.s32 $0x2, s14;
	_ =	swait.ge [sflag:s28], $0x2000  }
0x87: {  	p1 =	sge.u32 s31, s7;
	[sflag:s28] =	ssyncset.done $0x0  }
0x88: {  	s31 =	sadd.s32 $0x4100, s16;
	s4 =	rddreg [dreg:$0x5];
	[sflag:s28] =	ssyncadd.s32 $0xFFFFE000  }
0x89: {  	[spmem:s2] =	stream.indirect.scatter.add.f32 [tilespmem:s4], [sflag:$0x7], $0x40, s31, s8, $0xb8;
	[tilespmem:$0x1B5C0] =	vst v63  }
0x8a: {  	s0 =	simm.s32 @!p1 $0x5  }
0x8b: {  	[spmem:s3] =	stream.indirect.scatter.add.f32 [tilespmem:s24], [sflag:$0xB], $0x8, s31, s8, $0xb8;
	[tilespmem:$0x1B5C0] =	vst v63  }
0x8c: {  	_ =	swait.ge @!p1 [sflag:s0], $0x2000  }
0x8d: {  	s12 =	sadd.s32 $0xFFFFFFFF, s12;
	[sflag:s0] =	ssyncset.done @!p1 $0x0  }
0x8e: {  	p0 =	sne.s32 s12, $0x0;
	[sflag:s0] =	ssyncadd.s32 @!p1 $0xFFFFE000;
	s0 =	simm.s32 @!p1 $0x9  }
0x8f: {  	s15 =	smov.u32 s13;
	s1 =	sshra.s32 @!p1 s13, $0x2;
	_ =	swait.ge @!p1 [sflag:s0], $0x400  }
0x90: {  	s30 =	simm.s32 @!p1 $0x8000;
	s1 =	sadd.s32 @!p1 $0x200, s1;
	[sflag:s0] =	ssyncset.done @!p1 $0x0  }
.Ltmp1:
0x91: {  	s4 =	simm.s32 @!p1 $0x80;
	[sflag:s0] =	ssyncadd.s32 @!p1 $0xFFFFFC00;
	(pc) =	sbr.rel @p0 .LBB2_2-.Ltmp1, $4  }
0x92: {  	[tilespmem:s30], [sflag:$0x1] =	stream.indirect.gather @!p1 [hbm4b:s6+s4], $0x40, s1, s4, $0xb8;
	[tilespmem:$0x1B5C0] =	vst v63  }
0x93: {  	s16 =	sadd.s32 $0x4180, s16;
	s13 =	sadd.s32 $0x800, s13;
	_ =	swait.ge [sflag:s29], $0x2000  }
0x94: {  	s31 =	sadd.s32 $0x3, s14;
	s14 =	sadd.s32 $0x4, s14;
	[sflag:s29] =	ssyncset.done $0x0  }
0x95: {  	p3 =	sge.u32 s31, s7;
	s30 =	rddreg [dreg:$0x6];
	[sflag:s29] =	ssyncadd.s32 $0xFFFFE000  }
.LBB2_3:
0x96: {  	[spmem:s2] =	stream.indirect.scatter.add.f32 [tilespmem:s30], [sflag:$0x8], $0x40, s16, s8, $0xb8;
	[tilespmem:$0x1B5C0] =	vst v63  }
0x97: {  	s0 =	simm.s32 @!p3 $0x6  }
0x98: {  	[spmem:s3] =	stream.indirect.scatter.add.f32 [tilespmem:s24], [sflag:$0xC], $0x8, s16, s8, $0xb8;
	[tilespmem:$0x1B5C0] =	vst v63  }
0x99: {  	_ =	swait.ge @!p3 [sflag:s0], $0x2000  }
0x9a: {  	[sflag:s0] =	ssyncset.done @!p3 $0x0  }
0x9b: {  	[sflag:s0] =	ssyncadd.s32 @!p3 $0xFFFFE000;
	s0 =	simm.s32 @!p3 $0xA  }
0x9c: {  	_ =	swait.ge @!p3 [sflag:s0], $0x400  }
0x9d: {  	s1 =	sshra.s32 @!p3 s15, $0x2;
	s4 =	simm.s32 @!p3 $0x80;
	[sflag:s0] =	ssyncset.done @!p3 $0x0  }
0x9e: {  	s12 =	simm.s32 @!p3 $0xA000;
	s1 =	sadd.s32 @!p3 $0x280, s1;
	[sflag:s0] =	ssyncadd.s32 @!p3 $0xFFFFFC00  }
0x9f: {  	[tilespmem:s12], [sflag:$0x2] =	stream.indirect.gather @!p3 [hbm4b:s6+s4], $0x40, s1, s4, $0xb8;
	[tilespmem:$0x1B5C0] =	vst v63  }
0xa0: {  	s4 =	simm.s32 $0x5  }
0xa1: {  	_ =	swait.ge [sflag:s4], $0x2000  }
0xa2: {  	[sflag:s4] =	ssyncset.done $0x0  }
0xa3: {  	s12 =	simm.s32 $0x9;
	[sflag:s4] =	ssyncadd.s32 $0xFFFFE000  }
0xa4: {  	_ =	swait.ge [sflag:s12], $0x400  }
0xa5: {  	[sflag:s12] =	ssyncset.done $0x0  }
0xa6: {  	s13 =	simm.s32 $0x6;
	[sflag:s12] =	ssyncadd.s32 $0xFFFFFC00  }
0xa7: {  	_ =	swait.ge [sflag:s13], $0x2000  }
0xa8: {  	[sflag:s13] =	ssyncset.done $0x0  }
0xa9: {  	s14 =	simm.s32 $0xA;
	[sflag:s13] =	ssyncadd.s32 $0xFFFFE000  }
0xaa: {  	_ =	swait.ge [sflag:s14], $0x400  }
0xab: {  	[sflag:s14] =	ssyncset.done $0x0  }
0xac: {  	s15 =	simm.s32 $0x7;
	[sflag:s14] =	ssyncadd.s32 $0xFFFFFC00  }
0xad: {  	_ =	swait.ge [sflag:s15], $0x2000  }
0xae: {  	[sflag:s15] =	ssyncset.done $0x0  }
0xaf: {  	[sflag:s15] =	ssyncadd.s32 $0xFFFFE000  }
0xb0: {  	_ =	swait.ge [sflag:s18], $0x400  }
0xb1: {  	[sflag:s18] =	ssyncset.done $0x0  }
0xb2: {  	[sflag:s18] =	ssyncadd.s32 $0xFFFFFC00  }
0xb3: {  	_ =	swait.ge [sflag:s9], $0x2000  }
0xb4: {  	[sflag:s9] =	ssyncset.done $0x0  }
0xb5: {  	[sflag:s9] =	ssyncadd.s32 $0xFFFFE000  }
0xb6: {  	_ =	swait.ge [sflag:s10], $0x400  }
0xb7: {  	[sflag:s10] =	ssyncset.done $0x0  }
0xb8: {  	[sflag:s10] =	ssyncadd.s32 $0xFFFFFC00  }
0xb9: {  	[bflag:$0x0] =	sbarrier.arrive $0xFFFF  }
0xba: {  	s16 =	rddreg [dreg:$0xc]  }
0xbb: {  	[hbm:s16], [sflag:s21] =	dma.local [spmem:s22], $0x13C0  }
0xbc: {  	_ =	swait.ge [sflag:s17], $0x13C0  }
0xbd: {  	[sflag:s17] =	ssyncset.done $0x0  }
0xbe: {  	s30 =	rddreg [dreg:$0xd];
	[sflag:s17] =	ssyncadd.s32 $0xFFFFEC40  }
0xbf: {  	[hbm:s30], [sflag:s21] =	dma.local [spmem:s23], $0x278  }
0xc0: {  	_ =	swait.ge [sflag:s17], $0x278  }
0xc1: {  	s11 =	sadd.s32 $0x1, s11;
	s31 =	rddreg [dreg:$0xe]  }
0xc2: {  	p0 =	sne.s32 s11, s31  }
.Ltmp2:
0xc3: {  	_ = 	snop;
	(pc) =	sbr.rel @p0 .LBB2_1-.Ltmp2, $3  }
0xc4: {  	_ =	sdelay $0x1  }
0xc5: {  	[sflag:s17] =	ssyncset.done $0x0  }
0xc6: {  	[sflag:s17] =	ssyncadd.s32 $0xFFFFFD88  }
0xc7: {  	_ =	sfence.sel $0x180000  }
0xc8: {  	[bflag:$0x0] =	sbarrier.arrive $0xFFFF  }
0xc9: {  	_ =	strace $0x90000047  }
0xca: {  	s0 =	stileid.u32;
	[bflag:$0x2] =	sbarrier.arrive $0xFFFF  }
0xcb: {  	p0 =	sne.s32 s0, $0x0;
	s0 =	rddreg [dreg:$0x4]  }
0xcc: {  	s0 =	sadd.s32 @!p0 $0x100000, s0  }
0xcd: {  	[sflag:s0] =	ssyncadd.tile.s32 @!p0 $0x1;
	_ =	shalt  }
.Lfunc_end2:
_tile_overlayer_lowered:
.L_overlay_start_2:
0xce: {  	(tag) =	ssettag $0x2  }
0xcf: {  	s0 =	rddreg [dreg:$0x0];
	s2 =	stileid.u32  }
0xd0: {  	s1 =	rddreg [dreg:$0x1];
	p0 =	sne.s32 s2, $0x0  }
0xd1: {  	s3 =	rddreg [dreg:$0x2];
	[bflag:$0x3] =	sbarrier.arrive $0xFFFF;
	s2 =	simm.s32 @!p0 $0x1C0D  }
0xd2: {  	[timem:s3], [sflag:s2] =	dma.local @!p0 [hbm:s0], s1  }
0xd3: {  	s0 =	simm.s32 @!p0 $0xD  }
0xd4: {  	_ =	swait.ge @!p0 [sflag:s0], s1  }
0xd5: {  	s1 =	ssub.s32 @!p0 $0x0, s1;
	[sflag:s0] =	ssyncset.done @!p0 $0x0  }
0xd6: {  	[sflag:s0] =	ssyncadd.s32 @!p0 s1  }
0xd7: {  	[bflag:$0x3] =	sbarrier.arrive $0xFFFF  }
0xd8: {  	_ =	shalt  }

// kernel: kernel.14.cloned.1.call-start
scs
__scs_entry_jumppad:
0x0: {  	(pc) =	sbr.rel $0x88, $3  }
0x1: {  	(tag) =	ssettag $0x0;
	lr =	simm.s32 $0x1  }
0x2: {  	[smem:$0x3F99] =	sst lr;
	_ =	strace $0xD0000000  }
0x3: {  	_ = 	snop  }
0x4: {  	_ = 	snop  }
0x5: {  	_ = 	snop  }
0x6: {  	_ = 	snop  }
0x7: {  	_ = 	snop  }
__scs_overlays_trampoline_lowered:
0x8: {  	[smem:$0x3FA8] =	sst s0  }
0x9: {  	[smem:$0x3FA9] =	sst s1  }
0xa: {  	[smem:$0x3FAA] =	sst s2  }
0xb: {  	[smem:$0x3FAB] =	sst s3  }
0xc: {  	[smem:$0x3FAC] =	sst s4  }
0xd: {  	[smem:$0x3FAD] =	sst s5  }
0xe: {  	[smem:$0x3FAE] =	sst s6  }
0xf: {  	[smem:$0x3FAF] =	sst s7  }
0x10: {  	[smem:$0x3FB0] =	sst s8  }
0x11: {  	[smem:$0x3FB1] =	sst s9;
	s0 =	simm.s32 @!p0 $0x0  }
0x12: {  	s1 =	sld [smem:$0x3F97];
	s0 =	simm.s32 @p0 $0x1  }
0x13: {  	[smem:$0x3FB2] =	sst s0;
	s0 =	simm.s32 @!p1 $0x0  }
0x14: {  	s2 =	sld [smem:$0x3F96];
	s0 =	simm.s32 @p1 $0x1  }
0x15: {  	[smem:$0x3FB3] =	sst s0;
	s0 =	simm.s32 @!p2 $0x0  }
0x16: {  	s3 =	sld [smem:$0x3FDB];
	s0 =	simm.s32 @p2 $0x1  }
0x17: {  	s4 =	simm.s32 $0x1BF5;
	[smem:$0x3FB5] =	sst s0  }
0x18: {  	s0 =	sld [smem:$0x3F98];
	_ =	swait.ge [sflag:s4], $0x0  }
0x19: {  	s7 =	sld [smem:$0x3F99]  }
0x1a: {  	s8 =	sadd.s32 $0xFFFFE003, lr  }
0x1b: {  	s9 =	sadd.s32 $0xFFFFFEF7, lr;
	s5 =	simm.s32 $0xFFFFFFFF;
	p2 =	slt.u32 s8, $0xFFFFF086  }
0x1c: {  	p1 =	slt.u32 s9, $0xF7A;
	s5 =	simm.s32 @!p2 $0x0  }
0x1d: {  	s5 =	simm.s32 @p1 $0x1;
	p0 =	seq.s32 s7, s2  }
0x1e: {  	s7 =	smul.u32 @!p0 $0xF7A, s2;
	p2 =	seq.s32 @!p0 s5, $0x0  }
0x1f: {  	s9 =	smul.u32 $0xF7A, s1;
	s8 =	simm.s32 @!p0 $0x1BF5;
	p2 =	por !p2, p0  }
0x20: {  	[sflag:s8] =	ssyncset.s32 @!p0 $0xFFFFF086;
	s6 =	sadd.s32 @!p0 s3, s7;
	s7 =	simm.s32 @!p0 $0x108  }
0x21: {  	s3 =	sadd.s32 s3, s9;
	s6 =	sadd.s32 @!p0 $0x88, s6;
	s7 =	simm.s32 @p2 $0x1082  }
0x22: {  	[simem:s7], [sflag:s8] =	dma.local @!p0 [hbm:s6], $0xF7A  }
0x23: {  	s9 =	sor.u32 $0xD0000000, s2;
	s6 =	simm.s32 $0x108;
	_ =	swait.ge @!p0 [sflag:s8], $0x0  }
0x24: {  	s3 =	sadd.s32 $0x88, s3;
	s6 =	simm.s32 @!p1 $0x1082;
	[sflag:s4] =	ssyncset.s32 $0xFFFFF086  }
0x25: {  	[simem:s6], [sflag:s4] =	dma.local [hbm:s3], $0xF7A  }
0x26: {  	[smem:$0x3F99] =	sst s1;
	(tag) =	ssettag s2;
	_ =	strace s9  }
0x27: {  	s1 =	sld [smem:$0x3FA9]  }
0x28: {  	s2 =	sld [smem:$0x3FAA]  }
0x29: {  	s4 =	sld [smem:$0x3FAC]  }
0x2a: {  	p0 =	seq.s32 s5, $0x0;
	s5 =	sld [smem:$0x3FAD]  }
0x2b: {  	s6 =	sld [smem:$0x3FAE]  }
0x2c: {  	s7 =	sld [smem:$0x3FAF]  }
0x2d: {  	s3 =	simm.s32 $0x108;
	s8 =	sld [smem:$0x3FB0]  }
0x2e: {  	s3 =	simm.s32 @!p0 $0x1082;
	s9 =	sld [smem:$0x3FB1]  }
0x2f: {  	lr =	sadd.s32 s0, s3;
	s0 =	sld [smem:$0x3FA8]  }
0x30: {  	s3 =	sld [smem:$0x3FAB]  }
0x31: {  	[smem:$0x3FB4] =	sst s10  }
0x32: {  	s10 =	sld [smem:$0x3FB2];
	_ =	sdelay $0x3  }
0x33: {  	p0 =	seq.s32 s10, $0x1;
	s10 =	sld [smem:$0x3FB4];
	_ =	sdelay $0x3  }
0x34: {  	[smem:$0x3FB4] =	sst s10  }
0x35: {  	s10 =	sld [smem:$0x3FB3];
	_ =	sdelay $0x3  }
0x36: {  	p1 =	seq.s32 s10, $0x1;
	s10 =	sld [smem:$0x3FB4];
	_ =	sdelay $0x3  }
0x37: {  	[smem:$0x3FB4] =	sst s10  }
0x38: {  	s10 =	sld [smem:$0x3FB5]  }
0x39: {  	_ = 	snop;
	(pc) =	sbr.ind lr, $3  }
0x3a: {  	_ = 	snop  }
0x3b: {  	_ = 	snop  }
0x3c: {  	p2 =	seq.s32 s10, $0x1;
	s10 =	sld [smem:$0x3FB4]  }
0x3d: {  	_ =	shalt  }
0x3e: {  	_ =	shalt  }
0x3f: {  	_ =	shalt  }
0x40: {  	_ =	shalt  }
0x41: {  	_ =	shalt  }
0x42: {  	_ =	shalt  }
0x43: {  	_ =	shalt  }
0x44: {  	_ =	shalt  }
0x45: {  	_ =	shalt  }
0x46: {  	_ =	shalt  }
0x47: {  	_ =	shalt  }
0x48: {  	_ =	shalt  }
0x49: {  	_ =	shalt  }
0x4a: {  	_ =	shalt  }
0x4b: {  	_ =	shalt  }
0x4c: {  	_ =	shalt  }
0x4d: {  	_ =	shalt  }
0x4e: {  	_ =	shalt  }
0x4f: {  	_ =	shalt  }
0x50: {  	_ =	shalt  }
0x51: {  	_ =	shalt  }
0x52: {  	_ =	shalt  }
0x53: {  	_ =	shalt  }
0x54: {  	_ =	shalt  }
0x55: {  	_ =	shalt  }
0x56: {  	_ =	shalt  }
0x57: {  	_ =	shalt  }
0x58: {  	_ =	shalt  }
0x59: {  	_ =	shalt  }
0x5a: {  	_ =	shalt  }
0x5b: {  	_ =	shalt  }
0x5c: {  	_ =	shalt  }
0x5d: {  	_ =	shalt  }
0x5e: {  	_ =	shalt  }
0x5f: {  	_ =	shalt  }
0x60: {  	_ =	shalt  }
0x61: {  	_ =	shalt  }
0x62: {  	_ =	shalt  }
0x63: {  	_ =	shalt  }
0x64: {  	_ =	shalt  }
0x65: {  	_ =	shalt  }
0x66: {  	_ =	shalt  }
0x67: {  	_ =	shalt  }
0x68: {  	_ =	shalt  }
0x69: {  	_ =	shalt  }
0x6a: {  	_ =	shalt  }
0x6b: {  	_ =	shalt  }
0x6c: {  	_ =	shalt  }
0x6d: {  	_ =	shalt  }
0x6e: {  	_ =	shalt  }
0x6f: {  	_ =	shalt  }
0x70: {  	_ =	shalt  }
0x71: {  	_ =	shalt  }
0x72: {  	_ =	shalt  }
0x73: {  	_ =	shalt  }
0x74: {  	_ =	shalt  }
0x75: {  	_ =	shalt  }
0x76: {  	_ =	shalt  }
0x77: {  	_ =	shalt  }
0x78: {  	_ =	shalt  }
0x79: {  	_ =	shalt  }
0x7a: {  	_ =	shalt  }
0x7b: {  	_ =	shalt  }
0x7c: {  	_ =	shalt  }
0x7d: {  	_ =	shalt  }
0x7e: {  	_ =	shalt  }
0x7f: {  	_ =	shalt  }
0x80: {  	_ =	shalt  }
0x81: {  	_ =	shalt  }
0x82: {  	_ =	shalt  }
0x83: {  	_ =	shalt  }
0x84: {  	_ =	shalt  }
0x85: {  	_ =	shalt  }
0x86: {  	_ =	shalt  }
0x87: {  	_ =	shalt  }
.Lfunc_end0:
.L_simem_size_0:
called_computation.1_lowered:
.L_overlay_start_0:
0x88: {  	s2 =	sld [smem:$0x3FD9]  }
0x89: {  	s3 =	sld [smem:$0x3FFE];
	_ =	sdelay $0x1  }
0x8a: {  	s1 =	srdreg.scid  }
0x8b: {  	s0 =	sand.u32 $0x1, s1  }
0x8c: {  	s17 =	sshll.u32 s0, $0xA;
	s2 =	sadd.s32 s3, s2  }
0x8d: {  	s2 =	sadd.s32 s2, s17  }
0x8e: {  	[smem:$0x3FC0] =	sst s2  }
0x8f: {  	_ = 	snop  }
0x90: {  	(tm) =	ssettm $0x1  }
0x91: {  	s18 =	sld [smem:$0x3FFB];
	_ =	sdelay $0x3  }
0x92: {  	_ =	strace s18  }
0x93: {  	s2 =	sld [smem:$0x3FFC];
	_ =	sdelay $0x3  }
0x94: {  	_ =	strace s2  }
0x95: {  	s2 =	sld [smem:$0x3FFD];
	_ =	sdelay $0x3  }
0x96: {  	_ =	strace s2  }
0x97: {  	_ =	strace $0x8FFFFFFF  }
0x98: {  	s19 =	sld [smem:$0x3FDB];
	_ =	sdelay $0x1  }
0x99: {  	s20 =	simm.s32 $_scs_section_size  }
0x9a: {  	s4 =	simm.s32 $_size__tile_overlayer_lowered;
	s5 =	simm.s32 $_tile_overlayer_lowered  }
0x9b: {  	s6 =	simm.s32 $0x1BFF;
	s21 =	sshll.u32 s5, $0x1;
	s3 =	sadd.s32 s20, s19  }
0x9c: {  	s22 =	simm.s32 $0x0;
	s4 =	sshll.u32 s4, $0x1;
	s5 =	sadd.s32 s21, s3  }
0x9d: {  	[timem:s22], [sflag:s6] =	dma.local [hbm:s5], s4  }
0x9e: {  	_ =	swait.ge [sflag:s6], s4  }
0x9f: {  	s4 =	ssub.s32 $0x0, s4;
	[sflag:s6] =	ssyncset.done $0x0  }
0xa0: {  	[sflag:s6] =	ssyncadd.s32 s4;
	_ =	sdelay $0x1  }
0xa1: {  	s23 =	simm.s32 $0x1B8B  }
0xa2: {  	_ =	swait.ge [sflag:s23], $0x1  }
0xa3: {  	[sflag:s23] =	ssyncset.done $0x0  }
0xa4: {  	[sflag:s23] =	ssyncadd.s32 $0xFFFFFFFF  }
0xa5: {  	s4 =	sld [smem:$0x0]  }
0xa6: {  	s5 =	sand.u32 $0xFFFFFFFE, s1  }
0xa7: {  	p0 =	sne.s32 s1, s5  }
0xa8: {  	s5 =	sshll.u32 @p0 s5, $0xE  }
0xa9: {  	s5 =	sadd.s32 @p0 $0x11B8D, s5;
	s6 =	sshll.u32 @p0 s4, $0x11  }
0xaa: {  	s5 =	sor.u32 @p0 s6, s5  }
0xab: {  	[sflag:s5] =	ssyncadd.remote.s32 @p0 $0x1;
	_ =	sdelay $0x1  }
0xac: {  	s5 =	simm.s32 @p0 $0x1B8D  }
0xad: {  	_ =	swait.eq @p0 [sflag:s5], $0x1  }
0xae: {  	[sflag:s5] =	ssyncadd.s32 @p0 $0xFFFFFFFF  }
0xaf: {  	s6 =	sshll.u32 @!p0 s1, $0xE  }
0xb0: {  	s6 =	sor.u32 @!p0 $0x4000, s6;
	s5 =	simm.s32 @!p0 $0x1B8D  }
0xb1: {  	s4 =	sshll.u32 @!p0 s4, $0x11;
	s6 =	sadd.s32 @!p0 $0x11B8D, s6;
	_ =	swait.eq @!p0 [sflag:s5], $0x1  }
0xb2: {  	s4 =	sor.u32 @!p0 s4, s6;
	[sflag:s5] =	ssyncadd.s32 @!p0 $0xFFFFFFFF  }
0xb3: {  	s25 =	simm.s32 $0x1B8E;
	s24 =	sld [smem:$0x3FFE];
	[sflag:s4] =	ssyncadd.remote.s32 @!p0 $0x1  }
0xb4: {  	s26 =	simm.s32 $execute0_lowered;
	[smem:$0x3FD2] =	sst s25  }
0xb5: {  	s5 =	sshll.u32 s26, $0x1;
	_ =	strace $0x80000049;
	[dreg:$0x1] =	wrdreg $0xFFFFFFFF  }
0xb6: {  	s28 =	simm.s32 $_size_execute0_lowered;
	s3 =	sadd.s32 s3, s5;
	[dreg:$0x0] =	wrdreg $0x0  }
0xb7: {  	s5 =	sshll.u32 s28, $0x1;
	[dreg:$0x2] =	wrdreg s3  }
0xb8: {  	[dreg:$0x3] =	wrdreg s5  }
0xb9: {  	[dreg:$0x4] =	wrdreg $0xC0  }
0xba: {  	_ =	task [dreg:s22], $0x5FFFF  }
0xbb: {  	[dreg:$0x1] =	wrdreg $0xFFFFFFFF  }
0xbc: {  	[dreg:$0x0] =	wrdreg $0x60  }
0xbd: {  	[dreg:$0x2] =	wrdreg s24  }
0xbe: {  	[dreg:$0x3] =	wrdreg $0x100000  }
0xbf: {  	[dreg:$0x4] =	wrdreg $0xA  }
0xc0: {  	_ =	task.clear_ibuf [dreg:s22], $0x5FFFF;
	_ =	strace $0x90000049  }
0xc1: {  	s29 =	simm.s32 $0xA;
	_ =	strace $0x8000004B  }
0xc2: {  	_ =	swait.ge [sflag:s29], $0x1  }
0xc3: {  	[sflag:s29] =	ssyncadd.s32 $0xFFFFFFFF  }
0xc4: {  	_ =	strace $0x9000004B  }
0xc5: {  	_ =	sfence  }
0xc6: {  	s30 =	sld [smem:$0x0];
	_ =	sdelay $0x2  }
0xc7: {  	s31 =	sshll.u32 s1, $0xD;
	s1 =	sshrl.u32 s1, $0x2  }
0xc8: {  	s4 =	sand.u32 $0x4000, s31;
	s1 =	sadd.s32 s1, s30  }
0xc9: {  	s0 =	sor.u32 s4, s0;
	s1 =	sshll.u32 s1, $0x11  }
0xca: {  	s0 =	sor.u32 s1, s0  }
0xcb: {  	s0 =	sadd.s32 $0x8F2B, s0  }
0xcc: {  	[sflag:s0] =	ssyncadd.remote.s32 $0x1  }
0xcd: {  	_ =	sfence.sel $0xFFFF  }
0xce: {  	[dreg:$0x0] =	wrdreg $0xFFFFFFFF;
	(pc) =	sbr.abs _section_cstart, $3  }
0xcf: {  	[dreg:$0x1] =	wrdreg $0xFFFFFFFF  }
0xd0: {  	_ =	task.clear_ibuf [dreg:s22], $0x2FFFF;
	_ =	strace $0x9FFFFFFF  }
0xd1: {  	(tm) =	ssettm $0x7FFFFFFF  }
tec
execute0_lowered:
.L_overlay_start_1:
0x0: {  	(tag) =	ssettag $0x1  }
0x1: {  	s0 =	rddreg [dreg:$0x0]  }
0x2: {  	s1 =	rddreg [dreg:$0x1];
	s3 =	simm.s32 $0x0  }
0x3: {  	s2 =	srdreg.scid;
	s10 =	stileid.u32;
	s14 =	simm.s32 $0x8000  }
0x4: {  	s15 =	simm.s32 $0xA000;
	s18 =	simm.s32 $0x1;
	s20 =	simm.s32 $0xC000  }
0x5: {  	s21 =	simm.s32 $0x2;
	s28 =	simm.s32 $0x5;
	s30 =	simm.s32 $0x4  }
0x6: {  	s19 =	simm.s32 $0x7;
	[smem:$0x7FF] =	sst s3;
	s2 =	sand.u32 $0x1, s2  }
0x7: {  	s4 =	sshll.u32 s10, $0x9;
	s7 =	smul.u32 $0x9E00, s10;
	s5 =	sshll.u32 s10, $0xB  }
0x8: {  	s31 =	sshll.u32 s10, $0x6;
	p0 =	seq.s32 s2, $0x0;
	s6 =	sor.u32 $0x8000, s4  }
0x9: {  	s8 =	smul.u32 $0x9E000, s2;
	_ =	strace $0x8000004A;
	s4 =	sadd.s32 $0x6DA00, s0  }
0xa: {  	s2 =	ssub.s32 $0x2, s2;
	s16 =	sor.u32 $0x1C09, s31;
	s6 =	smov.u32 @p0 s5  }
0xb: {  	s22 =	sshrl.u32 s7, $0x3;
	s26 =	sshrl.u32 s2, $0x1;
	s5 =	simm.s32 $0x80  }
0xc: {  	s9 =	sadd.s32 s6, s0;
	s23 =	sadd.s32 s7, s8;
	s24 =	sadd.s32 s22, s0  }
0xd: {  	s2 =	ssub.s32 s2, s26;
	s6 =	simm.s32 $0x80;
	s5 =	simm.s32 @!p0 $0x20  }
0xe: {  	s7 =	sadd.s32 s7, s1;
	s22 =	simm.s32 $0x8;
	s26 =	simm.s32 $0x0  }
0xf: {  	s25 =	sshrl.u32 s23, $0x3;
	s11 =	sadd.s32 $0x20800, s9;
	s9 =	sadd.s32 $0x16200, s9  }
0x10: {  	s8 =	sadd.s32 $0x2AE00, s24;
	s29 =	sshrl.u32 s5, $0x2;
	[dreg:$0x3] =	wrdreg s11  }
0x11: {  	s17 =	sshrl.u32 s7, $0x3;
	s24 =	simm.s32 $0xE000;
	[dreg:$0x4] =	wrdreg s9  }
0x12: {  	s23 =	simm.s32 $0x9;
	s0 =	sadd.s32 s25, s0;
	[dreg:$0x5] =	wrdreg s8  }
0x13: {  	s11 =	smax.u32 s2, $0x1;
	s12 =	sadd.s32 $0xFFFFFFFF, s29;
	s0 =	sadd.s32 $0x81400, s0  }
0x14: {  	s25 =	simm.s32 $0x3;
	[dreg:$0x6] =	wrdreg s0;
	s0 =	simm.s32 $0x6  }
.LBB2_1:
0x15: {  	s2 =	rddreg [dreg:$0x3]  }
0x16: {  	[tilespmem:s3], [sflag:$0x9] =	stream.linear.gather [hbm4b:s2+s3], $0x4000, $0x38;
	[tilespmem:$0x19E00] =	vst v63  }
0x17: {  	_ =	swait.ge [sflag:s23], $0x4000  }
0x18: {  	[sflag:s23] =	ssyncset.done $0x0  }
0x19: {  	s7 =	simm.s32 $0x4000;
	s9 =	rddreg [dreg:$0x4];
	[sflag:s23] =	ssyncadd.s32 $0xFFFFC000  }
0x1a: {  	[tilespmem:s7], [sflag:$0x9] =	stream.linear.gather [hbm4b:s9+s3], $0x4000, $0x38;
	[tilespmem:$0x19E00] =	vst v63  }
0x1b: {  	_ =	swait.ge [sflag:s23], $0x4000  }
0x1c: {  	[sflag:s23] =	ssyncset.done $0x0  }
0x1d: {  	[sflag:s23] =	ssyncadd.s32 $0xFFFFC000  }
0x1e: {  	[tilespmem:s14], [sflag:$0x1] =	stream.indirect.gather [hbm4b:s4+s6], $0x40, s3, s6, $0xb8;
	[tilespmem:$0x19E00] =	vst v63  }
0x1f: {  	s10 =	rddreg [dreg:$0x5]  }
0x20: {  	[tilespmem:s15], [sflag:$0x2] =	stream.indirect.gather [hbm4b:s4+s6], $0x40, s6, s6, $0xb8;
	[tilespmem:$0x19E00] =	vst v63  }
0x21: {  	[spmem:s17], [sflag:s16] =	dma.local [hbm:s10], $0x13C0  }
0x22: {  	_ =	swait.ge [sflag:s23], $0x13C0  }
0x23: {  	[sflag:s23] =	ssyncset.done $0x0  }
0x24: {  	[sflag:s23] =	ssyncadd.s32 $0xFFFFEC40  }
0x25: {  	[bflag:$0x0] =	sbarrier.arrive $0xFFFF  }
0x26: {  	_ =	swait.ge [sflag:s18], $0x2000  }
0x27: {  	[sflag:s18] =	ssyncset.done $0x0  }
0x28: {  	[sflag:s18] =	ssyncadd.s32 $0xFFFFE000  }
0x29: {  	[spmem:s1] =	stream.indirect.scatter.add.f32 [tilespmem:s14], [sflag:$0x5], $0x40, s7, s6, $0xb8;
	[tilespmem:$0x19E00] =	vst v63  }
0x2a: {  	s13 =	simm.s32 $0x100  }
0x2b: {  	[tilespmem:s20], [sflag:$0x3] =	stream.indirect.gather [hbm4b:s4+s6], $0x40, s13, s6, $0xb8;
	[tilespmem:$0x19E00] =	vst v63  }
0x2c: {  	_ =	swait.ge [sflag:s21], $0x2000  }
0x2d: {  	[sflag:s21] =	ssyncset.done $0x0  }
0x2e: {  	s7 =	simm.s32 $0x4080;
	[sflag:s21] =	ssyncadd.s32 $0xFFFFE000  }
0x2f: {  	[spmem:s1] =	stream.indirect.scatter.add.f32 [tilespmem:s15], [sflag:$0x6], $0x40, s7, s6, $0xb8;
	[tilespmem:$0x19E00] =	vst v63  }
0x30: {  	s8 =	simm.s32 $0x180  }
0x31: {  	[tilespmem:s24], [sflag:$0x4] =	stream.indirect.gather [hbm4b:s4+s6], $0x40, s8, s6, $0xb8;
	[tilespmem:$0x19E00] =	vst v63  }
0x32: {  	_ =	swait.ge [sflag:s25], $0x2000  }
0x33: {  	[sflag:s25] =	ssyncset.done $0x0  }
0x34: {  	s9 =	simm.s32 $0x4100;
	[sflag:s25] =	ssyncadd.s32 $0xFFFFE000  }
0x35: {  	[spmem:s1] =	stream.indirect.scatter.add.f32 [tilespmem:s20], [sflag:$0x7], $0x40, s9, s6, $0xb8;
	[tilespmem:$0x19E00] =	vst v63  }
0x36: {  	_ =	swait.ge [sflag:s28], $0x2000  }
0x37: {  	[sflag:s28] =	ssyncset.done $0x0  }
0x38: {  	s10 =	simm.s32 $0x200;
	[sflag:s28] =	ssyncadd.s32 $0xFFFFE000  }
0x39: {  	[tilespmem:s14], [sflag:$0x1] =	stream.indirect.gather [hbm4b:s4+s6], $0x40, s10, s6, $0xb8;
	[tilespmem:$0x19E00] =	vst v63  }
0x3a: {  	_ =	swait.ge [sflag:s30], $0x2000  }
0x3b: {  	[sflag:s30] =	ssyncset.done $0x0  }
0x3c: {  	s13 =	simm.s32 $0x4180;
	[sflag:s30] =	ssyncadd.s32 $0xFFFFE000  }
0x3d: {  	[spmem:s1] =	stream.indirect.scatter.add.f32 [tilespmem:s24], [sflag:$0x8], $0x40, s13, s6, $0xb8;
	[tilespmem:$0x19E00] =	vst v63  }
0x3e: {  	_ =	swait.ge [sflag:s0], $0x2000  }
0x3f: {  	[sflag:s0] =	ssyncset.done $0x0  }
0x40: {  	s7 =	simm.s32 $0x280;
	[sflag:s0] =	ssyncadd.s32 $0xFFFFE000  }
0x41: {  	[tilespmem:s15], [sflag:$0x2] =	stream.indirect.gather [hbm4b:s4+s6], $0x40, s7, s6, $0xb8;
	[tilespmem:$0x19E00] =	vst v63  }
0x42: {  	_ =	swait.ge [sflag:s18], $0x2000  }
0x43: {  	p0 =	sle.u32 s5, $0x6;
	[sflag:s18] =	ssyncset.done $0x0  }
0x44: {  	s8 =	simm.s32 $0x4200;
	s7 =	simm.s32 @!p0 $0x7;
	[sflag:s18] =	ssyncadd.s32 $0xFFFFE000  }
0x45: {  	[spmem:s1] =	stream.indirect.scatter.add.f32 [tilespmem:s14], [sflag:$0x5], $0x40, s8, s6, $0xb8;
	[tilespmem:$0x19E00] =	vst v63  }
0x46: {  	_ =	swait.ge @!p0 [sflag:s7], $0x2000  }
0x47: {  	s2 =	simm.s32 @!p0 $0x300;
	[sflag:s7] =	ssyncset.done @!p0 $0x0  }
0x48: {  	s9 =	simm.s32 @!p0 $0xC000;
	s8 =	simm.s32 @!p0 $0x80;
	[sflag:s7] =	ssyncadd.s32 @!p0 $0xFFFFE000  }
0x49: {  	[tilespmem:s9], [sflag:$0x3] =	stream.indirect.gather @!p0 [hbm4b:s4+s8], $0x40, s2, s8, $0xb8;
	[tilespmem:$0x19E00] =	vst v63  }
0x4a: {  	_ =	swait.ge [sflag:s21], $0x2000  }
0x4b: {  	p0 =	sle.u32 s5, $0x7;
	[sflag:s21] =	ssyncset.done $0x0  }
0x4c: {  	s9 =	simm.s32 $0x4280;
	s7 =	simm.s32 @!p0 $0x8;
	[sflag:s21] =	ssyncadd.s32 $0xFFFFE000  }
0x4d: {  	[spmem:s1] =	stream.indirect.scatter.add.f32 [tilespmem:s15], [sflag:$0x6], $0x40, s9, s6, $0xb8;
	[tilespmem:$0x19E00] =	vst v63  }
0x4e: {  	_ =	swait.ge @!p0 [sflag:s7], $0x2000  }
0x4f: {  	s2 =	simm.s32 @!p0 $0x380;
	[sflag:s7] =	ssyncset.done @!p0 $0x0  }
0x50: {  	s8 =	simm.s32 @!p0 $0x80;
	s9 =	simm.s32 @!p0 $0xE000;
	[sflag:s7] =	ssyncadd.s32 @!p0 $0xFFFFE000  }
0x51: {  	[tilespmem:s9], [sflag:$0x4] =	stream.indirect.gather @!p0 [hbm4b:s4+s8], $0x40, s2, s8, $0xb8;
	[tilespmem:$0x19E00] =	vst v63  }
0x52: {  	_ =	swait.ge [sflag:s25], $0x2000  }
0x53: {  	p0 =	sle.u32 s5, $0x8;
	[sflag:s25] =	ssyncset.done $0x0  }
0x54: {  	s10 =	simm.s32 $0x4300;
	s7 =	simm.s32 @!p0 $0x5;
	[sflag:s25] =	ssyncadd.s32 $0xFFFFE000  }
0x55: {  	[spmem:s1] =	stream.indirect.scatter.add.f32 [tilespmem:s20], [sflag:$0x7], $0x40, s10, s6, $0xb8;
	[tilespmem:$0x19E00] =	vst v63  }
0x56: {  	_ =	swait.ge @!p0 [sflag:s7], $0x2000  }
0x57: {  	s29 =	sadd.s32 $0xFFFFFFFF, s12;
	s2 =	simm.s32 @!p0 $0x400;
	[sflag:s7] =	ssyncset.done @!p0 $0x0  }
0x58: {  	s8 =	simm.s32 @!p0 $0x80;
	s9 =	simm.s32 @!p0 $0x8000;
	[sflag:s7] =	ssyncadd.s32 @!p0 $0xFFFFE000  }
0x59: {  	[tilespmem:s9], [sflag:$0x1] =	stream.indirect.gather @!p0 [hbm4b:s4+s8], $0x40, s2, s8, $0xb8;
	[tilespmem:$0x19E00] =	vst v63  }
0x5a: {  	p1 =	sle.u32 s5, $0x9;
	p0 =	sne.s32 s29, $0x0;
	_ =	swait.ge [sflag:s30], $0x2000  }
.Ltmp0:
0x5b: {  	s31 =	simm.s32 $0xD;
	[sflag:s30] =	ssyncset.done $0x0;
	(pc) =	sbr.rel @!p0 .LBB2_3-.Ltmp0, $4  }
0x5c: {  	s13 =	simm.s32 $0x4380;
	s7 =	simm.s32 @!p1 $0x6;
	[sflag:s30] =	ssyncadd.s32 $0xFFFFE000  }
0x5d: {  	[spmem:s1] =	stream.indirect.scatter.add.f32 [tilespmem:s24], [sflag:$0x8], $0x40, s13, s6, $0xb8;
	[tilespmem:$0x19E00] =	vst v63  }
0x5e: {  	s8 =	simm.s32 @!p1 $0x480;
	s9 =	simm.s32 @!p1 $0x80;
	_ =	swait.ge @!p1 [sflag:s7], $0x2000  }
0x5f: {  	s2 =	simm.s32 $0x0;
	s13 =	simm.s32 @!p1 $0xA000;
	[sflag:s7] =	ssyncset.done @!p1 $0x0  }
.LBB2_2:
0x60: {  	s29 =	sadd.s32 $0xFFFFFFFF, s29;
	[sflag:s7] =	ssyncadd.s32 @!p1 $0xFFFFE000;
	s2 =	sadd.s32 $0x800, s2  }
0x61: {  	[tilespmem:s13], [sflag:$0x2] =	stream.indirect.gather @!p1 [hbm4b:s4+s9], $0x40, s8, s9, $0xb8;
	[tilespmem:$0x19E00] =	vst v63  }
0x62: {  	s7 =	sshra.s32 s2, $0x2;
	s8 =	sadd.s32 $0xFFFFFFFD, s31;
	_ =	swait.ge [sflag:s18], $0x2000  }
0x63: {  	s9 =	sadd.s32 $0x4200, s7;
	p1 =	sge.u32 s8, s5;
	[sflag:s18] =	ssyncset.done $0x0  }
0x64: {  	s8 =	simm.s32 @!p1 $0x7;
	s13 =	sshra.s32 @!p1 s2, $0x2;
	[sflag:s18] =	ssyncadd.s32 $0xFFFFE000  }
0x65: {  	[spmem:s1] =	stream.indirect.scatter.add.f32 [tilespmem:s14], [sflag:$0x5], $0x40, s9, s6, $0xb8;
	[tilespmem:$0x19E00] =	vst v63  }
0x66: {  	p0 =	sne.s32 s29, $0x0;
	s9 =	sadd.s32 @!p1 $0x300, s13;
	_ =	swait.ge @!p1 [sflag:s8], $0x2000  }
0x67: {  	s10 =	simm.s32 @!p1 $0xC000;
	s13 =	simm.s32 @!p1 $0x80;
	[sflag:s8] =	ssyncset.done @!p1 $0x0  }
0x68: {  	[sflag:s8] =	ssyncadd.s32 @!p1 $0xFFFFE000  }
0x69: {  	[tilespmem:s10], [sflag:$0x3] =	stream.indirect.gather @!p1 [hbm4b:s4+s13], $0x40, s9, s13, $0xb8;
	[tilespmem:$0x19E00] =	vst v63  }
0x6a: {  	s8 =	sadd.s32 $0xFFFFFFFE, s31;
	_ =	swait.ge [sflag:s21], $0x2000  }
0x6b: {  	s9 =	sadd.s32 $0x4280, s7;
	p1 =	sge.u32 s8, s5;
	[sflag:s21] =	ssyncset.done $0x0  }
0x6c: {  	s8 =	simm.s32 @!p1 $0x8;
	s10 =	sshra.s32 @!p1 s2, $0x2;
	[sflag:s21] =	ssyncadd.s32 $0xFFFFE000  }
0x6d: {  	[spmem:s1] =	stream.indirect.scatter.add.f32 [tilespmem:s15], [sflag:$0x6], $0x40, s9, s6, $0xb8;
	[tilespmem:$0x19E00] =	vst v63  }
0x6e: {  	s9 =	sadd.s32 @!p1 $0x380, s10;
	_ =	swait.ge @!p1 [sflag:s8], $0x2000  }
0x6f: {  	s13 =	simm.s32 @!p1 $0xE000;
	s10 =	simm.s32 @!p1 $0x80;
	[sflag:s8] =	ssyncset.done @!p1 $0x0  }
0x70: {  	[sflag:s8] =	ssyncadd.s32 @!p1 $0xFFFFE000  }
0x71: {  	[tilespmem:s13], [sflag:$0x4] =	stream.indirect.gather @!p1 [hbm4b:s4+s10], $0x40, s9, s10, $0xb8;
	[tilespmem:$0x19E00] =	vst v63  }
0x72: {  	s8 =	sadd.s32 $0xFFFFFFFF, s31;
	_ =	swait.ge [sflag:s25], $0x2000  }
0x73: {  	s9 =	sadd.s32 $0x4300, s7;
	p1 =	sge.u32 s8, s5;
	[sflag:s25] =	ssyncset.done $0x0  }
0x74: {  	s8 =	simm.s32 @!p1 $0x5;
	s10 =	sshra.s32 @!p1 s2, $0x2;
	[sflag:s25] =	ssyncadd.s32 $0xFFFFE000  }
0x75: {  	[spmem:s1] =	stream.indirect.scatter.add.f32 [tilespmem:s20], [sflag:$0x7], $0x40, s9, s6, $0xb8;
	[tilespmem:$0x19E00] =	vst v63  }
0x76: {  	s9 =	sadd.s32 @!p1 $0x400, s10;
	_ =	swait.ge @!p1 [sflag:s8], $0x2000  }
0x77: {  	s13 =	simm.s32 @!p1 $0x8000;
	s10 =	simm.s32 @!p1 $0x80;
	[sflag:s8] =	ssyncset.done @!p1 $0x0  }
0x78: {  	[sflag:s8] =	ssyncadd.s32 @!p1 $0xFFFFE000  }
0x79: {  	[tilespmem:s13], [sflag:$0x1] =	stream.indirect.gather @!p1 [hbm4b:s4+s10], $0x40, s9, s10, $0xb8;
	[tilespmem:$0x19E00] =	vst v63  }
0x7a: {  	p1 =	sge.u32 s31, s5;
	_ =	swait.ge [sflag:s30], $0x2000  }
.Ltmp1:
0x7b: {  	s8 =	sadd.s32 $0x4380, s7;
	[sflag:s30] =	ssyncset.done $0x0;
	(pc) =	sbr.rel @p0 .LBB2_2-.Ltmp1, $4  }
0x7c: {  	s7 =	simm.s32 @!p1 $0x6;
	s9 =	sshra.s32 @!p1 s2, $0x2;
	[sflag:s30] =	ssyncadd.s32 $0xFFFFE000  }
0x7d: {  	[spmem:s1] =	stream.indirect.scatter.add.f32 [tilespmem:s24], [sflag:$0x8], $0x40, s8, s6, $0xb8;
	[tilespmem:$0x19E00] =	vst v63  }
0x7e: {  	s31 =	sadd.s32 $0x4, s31;
	s8 =	sadd.s32 @!p1 $0x480, s9;
	_ =	swait.ge @!p1 [sflag:s7], $0x2000  }
0x7f: {  	s13 =	simm.s32 @!p1 $0xA000;
	s9 =	simm.s32 @!p1 $0x80;
	[sflag:s7] =	ssyncset.done @!p1 $0x0  }
.LBB2_3:
0x80: {  	[sflag:s7] =	ssyncadd.s32 @!p1 $0xFFFFE000  }
0x81: {  	[tilespmem:s13], [sflag:$0x2] =	stream.indirect.gather @!p1 [hbm4b:s4+s9], $0x40, s8, s9, $0xb8;
	[tilespmem:$0x19E00] =	vst v63  }
0x82: {  	_ =	swait.ge [sflag:s28], $0x2000  }
0x83: {  	[sflag:s28] =	ssyncset.done $0x0  }
0x84: {  	[sflag:s28] =	ssyncadd.s32 $0xFFFFE000  }
0x85: {  	_ =	swait.ge [sflag:s0], $0x2000  }
0x86: {  	[sflag:s0] =	ssyncset.done $0x0  }
0x87: {  	[sflag:s0] =	ssyncadd.s32 $0xFFFFE000  }
0x88: {  	_ =	swait.ge [sflag:s19], $0x2000  }
0x89: {  	[sflag:s19] =	ssyncset.done $0x0  }
0x8a: {  	[sflag:s19] =	ssyncadd.s32 $0xFFFFE000  }
0x8b: {  	_ =	swait.ge [sflag:s22], $0x2000  }
0x8c: {  	[sflag:s22] =	ssyncset.done $0x0  }
0x8d: {  	s26 =	sadd.s32 $0x1, s26;
	[sflag:s22] =	ssyncadd.s32 $0xFFFFE000  }
0x8e: {  	p0 =	sne.s32 s26, s11;
	[bflag:$0x0] =	sbarrier.arrive $0xFFFF  }
.Ltmp2:
0x8f: {  	s2 =	rddreg [dreg:$0x6];
	(pc) =	sbr.rel @p0 .LBB2_1-.Ltmp2, $4  }
0x90: {  	[hbm:s2], [sflag:s16] =	dma.local [spmem:s17], $0x13C0  }
0x91: {  	_ =	swait.ge [sflag:s23], $0x13C0  }
0x92: {  	[sflag:s23] =	ssyncset.done $0x0  }
0x93: {  	[sflag:s23] =	ssyncadd.s32 $0xFFFFEC40  }
0x94: {  	_ =	sfence.sel $0x180000  }
0x95: {  	[bflag:$0x0] =	sbarrier.arrive $0xFFFF  }
0x96: {  	_ =	strace $0x9000004A  }
0x97: {  	s0 =	stileid.u32;
	[bflag:$0x2] =	sbarrier.arrive $0xFFFF  }
0x98: {  	p0 =	sne.s32 s0, $0x0;
	s0 =	rddreg [dreg:$0x2]  }
0x99: {  	s0 =	sadd.s32 @!p0 $0x100000, s0  }
0x9a: {  	[sflag:s0] =	ssyncadd.tile.s32 @!p0 $0x1;
	_ =	shalt  }
.Lfunc_end2:
_tile_overlayer_lowered:
.L_overlay_start_2:
0x9b: {  	(tag) =	ssettag $0x2  }
0x9c: {  	s0 =	rddreg [dreg:$0x0];
	s2 =	stileid.u32  }
0x9d: {  	s1 =	rddreg [dreg:$0x1];
	p0 =	sne.s32 s2, $0x0  }
0x9e: {  	s3 =	rddreg [dreg:$0x2];
	[bflag:$0x3] =	sbarrier.arrive $0xFFFF;
	s2 =	simm.s32 @!p0 $0x1C09  }
0x9f: {  	[timem:s3], [sflag:s2] =	dma.local @!p0 [hbm:s0], s1  }
0xa0: {  	s0 =	simm.s32 @!p0 $0x9  }
0xa1: {  	_ =	swait.ge @!p0 [sflag:s0], s1  }
0xa2: {  	s1 =	ssub.s32 @!p0 $0x0, s1;
	[sflag:s0] =	ssyncset.done @!p0 $0x0  }
0xa3: {  	[sflag:s0] =	ssyncadd.s32 @!p0 s1  }
0xa4: {  	[bflag:$0x3] =	sbarrier.arrive $0xFFFF  }
0xa5: {  	_ =	shalt  }

// kernel: kernel.17.cloned.1.call-start
scs
__scs_entry_jumppad:
0x0: {  	(pc) =	sbr.rel $0x88, $3  }
0x1: {  	(tag) =	ssettag $0x0;
	lr =	simm.s32 $0x1  }
0x2: {  	[smem:$0x3F99] =	sst lr;
	_ =	strace $0xD0000000  }
0x3: {  	_ = 	snop  }
0x4: {  	_ = 	snop  }
0x5: {  	_ = 	snop  }
0x6: {  	_ = 	snop  }
0x7: {  	_ = 	snop  }
__scs_overlays_trampoline_lowered:
0x8: {  	[smem:$0x3FA8] =	sst s0  }
0x9: {  	[smem:$0x3FA9] =	sst s1  }
0xa: {  	[smem:$0x3FAA] =	sst s2  }
0xb: {  	[smem:$0x3FAB] =	sst s3  }
0xc: {  	[smem:$0x3FAC] =	sst s4  }
0xd: {  	[smem:$0x3FAD] =	sst s5  }
0xe: {  	[smem:$0x3FAE] =	sst s6  }
0xf: {  	[smem:$0x3FAF] =	sst s7  }
0x10: {  	[smem:$0x3FB0] =	sst s8  }
0x11: {  	[smem:$0x3FB1] =	sst s9;
	s0 =	simm.s32 @!p0 $0x0  }
0x12: {  	s1 =	sld [smem:$0x3F97];
	s0 =	simm.s32 @p0 $0x1  }
0x13: {  	[smem:$0x3FB2] =	sst s0;
	s0 =	simm.s32 @!p1 $0x0  }
0x14: {  	s2 =	sld [smem:$0x3F96];
	s0 =	simm.s32 @p1 $0x1  }
0x15: {  	[smem:$0x3FB3] =	sst s0;
	s0 =	simm.s32 @!p2 $0x0  }
0x16: {  	s3 =	sld [smem:$0x3FDB];
	s0 =	simm.s32 @p2 $0x1  }
0x17: {  	s4 =	simm.s32 $0x1BF5;
	[smem:$0x3FB5] =	sst s0  }
0x18: {  	s0 =	sld [smem:$0x3F98];
	_ =	swait.ge [sflag:s4], $0x0  }
0x19: {  	s7 =	sld [smem:$0x3F99]  }
0x1a: {  	s8 =	sadd.s32 $0xFFFFE003, lr  }
0x1b: {  	s9 =	sadd.s32 $0xFFFFFEF7, lr;
	s5 =	simm.s32 $0xFFFFFFFF;
	p2 =	slt.u32 s8, $0xFFFFF086  }
0x1c: {  	p1 =	slt.u32 s9, $0xF7A;
	s5 =	simm.s32 @!p2 $0x0  }
0x1d: {  	s5 =	simm.s32 @p1 $0x1;
	p0 =	seq.s32 s7, s2  }
0x1e: {  	s7 =	smul.u32 @!p0 $0xF7A, s2;
	p2 =	seq.s32 @!p0 s5, $0x0  }
0x1f: {  	s9 =	smul.u32 $0xF7A, s1;
	s8 =	simm.s32 @!p0 $0x1BF5;
	p2 =	por !p2, p0  }
0x20: {  	[sflag:s8] =	ssyncset.s32 @!p0 $0xFFFFF086;
	s6 =	sadd.s32 @!p0 s3, s7;
	s7 =	simm.s32 @!p0 $0x108  }
0x21: {  	s3 =	sadd.s32 s3, s9;
	s6 =	sadd.s32 @!p0 $0x88, s6;
	s7 =	simm.s32 @p2 $0x1082  }
0x22: {  	[simem:s7], [sflag:s8] =	dma.local @!p0 [hbm:s6], $0xF7A  }
0x23: {  	s9 =	sor.u32 $0xD0000000, s2;
	s6 =	simm.s32 $0x108;
	_ =	swait.ge @!p0 [sflag:s8], $0x0  }
0x24: {  	s3 =	sadd.s32 $0x88, s3;
	s6 =	simm.s32 @!p1 $0x1082;
	[sflag:s4] =	ssyncset.s32 $0xFFFFF086  }
0x25: {  	[simem:s6], [sflag:s4] =	dma.local [hbm:s3], $0xF7A  }
0x26: {  	[smem:$0x3F99] =	sst s1;
	(tag) =	ssettag s2;
	_ =	strace s9  }
0x27: {  	s1 =	sld [smem:$0x3FA9]  }
0x28: {  	s2 =	sld [smem:$0x3FAA]  }
0x29: {  	s4 =	sld [smem:$0x3FAC]  }
0x2a: {  	p0 =	seq.s32 s5, $0x0;
	s5 =	sld [smem:$0x3FAD]  }
0x2b: {  	s6 =	sld [smem:$0x3FAE]  }
0x2c: {  	s7 =	sld [smem:$0x3FAF]  }
0x2d: {  	s3 =	simm.s32 $0x108;
	s8 =	sld [smem:$0x3FB0]  }
0x2e: {  	s3 =	simm.s32 @!p0 $0x1082;
	s9 =	sld [smem:$0x3FB1]  }
0x2f: {  	lr =	sadd.s32 s0, s3;
	s0 =	sld [smem:$0x3FA8]  }
0x30: {  	s3 =	sld [smem:$0x3FAB]  }
0x31: {  	[smem:$0x3FB4] =	sst s10  }
0x32: {  	s10 =	sld [smem:$0x3FB2];
	_ =	sdelay $0x3  }
0x33: {  	p0 =	seq.s32 s10, $0x1;
	s10 =	sld [smem:$0x3FB4];
	_ =	sdelay $0x3  }
0x34: {  	[smem:$0x3FB4] =	sst s10  }
0x35: {  	s10 =	sld [smem:$0x3FB3];
	_ =	sdelay $0x3  }
0x36: {  	p1 =	seq.s32 s10, $0x1;
	s10 =	sld [smem:$0x3FB4];
	_ =	sdelay $0x3  }
0x37: {  	[smem:$0x3FB4] =	sst s10  }
0x38: {  	s10 =	sld [smem:$0x3FB5]  }
0x39: {  	_ = 	snop;
	(pc) =	sbr.ind lr, $3  }
0x3a: {  	_ = 	snop  }
0x3b: {  	_ = 	snop  }
0x3c: {  	p2 =	seq.s32 s10, $0x1;
	s10 =	sld [smem:$0x3FB4]  }
0x3d: {  	_ =	shalt  }
0x3e: {  	_ =	shalt  }
0x3f: {  	_ =	shalt  }
0x40: {  	_ =	shalt  }
0x41: {  	_ =	shalt  }
0x42: {  	_ =	shalt  }
0x43: {  	_ =	shalt  }
0x44: {  	_ =	shalt  }
0x45: {  	_ =	shalt  }
0x46: {  	_ =	shalt  }
0x47: {  	_ =	shalt  }
0x48: {  	_ =	shalt  }
0x49: {  	_ =	shalt  }
0x4a: {  	_ =	shalt  }
0x4b: {  	_ =	shalt  }
0x4c: {  	_ =	shalt  }
0x4d: {  	_ =	shalt  }
0x4e: {  	_ =	shalt  }
0x4f: {  	_ =	shalt  }
0x50: {  	_ =	shalt  }
0x51: {  	_ =	shalt  }
0x52: {  	_ =	shalt  }
0x53: {  	_ =	shalt  }
0x54: {  	_ =	shalt  }
0x55: {  	_ =	shalt  }
0x56: {  	_ =	shalt  }
0x57: {  	_ =	shalt  }
0x58: {  	_ =	shalt  }
0x59: {  	_ =	shalt  }
0x5a: {  	_ =	shalt  }
0x5b: {  	_ =	shalt  }
0x5c: {  	_ =	shalt  }
0x5d: {  	_ =	shalt  }
0x5e: {  	_ =	shalt  }
0x5f: {  	_ =	shalt  }
0x60: {  	_ =	shalt  }
0x61: {  	_ =	shalt  }
0x62: {  	_ =	shalt  }
0x63: {  	_ =	shalt  }
0x64: {  	_ =	shalt  }
0x65: {  	_ =	shalt  }
0x66: {  	_ =	shalt  }
0x67: {  	_ =	shalt  }
0x68: {  	_ =	shalt  }
0x69: {  	_ =	shalt  }
0x6a: {  	_ =	shalt  }
0x6b: {  	_ =	shalt  }
0x6c: {  	_ =	shalt  }
0x6d: {  	_ =	shalt  }
0x6e: {  	_ =	shalt  }
0x6f: {  	_ =	shalt  }
0x70: {  	_ =	shalt  }
0x71: {  	_ =	shalt  }
0x72: {  	_ =	shalt  }
0x73: {  	_ =	shalt  }
0x74: {  	_ =	shalt  }
0x75: {  	_ =	shalt  }
0x76: {  	_ =	shalt  }
0x77: {  	_ =	shalt  }
0x78: {  	_ =	shalt  }
0x79: {  	_ =	shalt  }
0x7a: {  	_ =	shalt  }
0x7b: {  	_ =	shalt  }
0x7c: {  	_ =	shalt  }
0x7d: {  	_ =	shalt  }
0x7e: {  	_ =	shalt  }
0x7f: {  	_ =	shalt  }
0x80: {  	_ =	shalt  }
0x81: {  	_ =	shalt  }
0x82: {  	_ =	shalt  }
0x83: {  	_ =	shalt  }
0x84: {  	_ =	shalt  }
0x85: {  	_ =	shalt  }
0x86: {  	_ =	shalt  }
0x87: {  	_ =	shalt  }
.Lfunc_end0:
.L_simem_size_0:
called_computation.2_lowered:
.L_overlay_start_0:
0x88: {  	s2 =	sld [smem:$0x3FD9]  }
0x89: {  	s3 =	sld [smem:$0x3FFE];
	_ =	sdelay $0x1  }
0x8a: {  	s1 =	srdreg.scid  }
0x8b: {  	s0 =	sand.u32 $0x1, s1  }
0x8c: {  	s16 =	sshll.u32 s0, $0xA;
	s2 =	sadd.s32 s3, s2  }
0x8d: {  	s2 =	sadd.s32 s2, s16  }
0x8e: {  	[smem:$0x3FC0] =	sst s2  }
0x8f: {  	_ = 	snop  }
0x90: {  	(tm) =	ssettm $0x1  }
0x91: {  	s17 =	sld [smem:$0x3FFB];
	_ =	sdelay $0x3  }
0x92: {  	_ =	strace s17  }
0x93: {  	s2 =	sld [smem:$0x3FFC];
	_ =	sdelay $0x3  }
0x94: {  	_ =	strace s2  }
0x95: {  	s2 =	sld [smem:$0x3FFD];
	_ =	sdelay $0x3  }
0x96: {  	_ =	strace s2  }
0x97: {  	_ =	strace $0x8FFFFFFF  }
0x98: {  	s18 =	sld [smem:$0x3FDB];
	_ =	sdelay $0x1  }
0x99: {  	s19 =	simm.s32 $_scs_section_size  }
0x9a: {  	s4 =	simm.s32 $_size__tile_overlayer_lowered;
	s5 =	simm.s32 $_tile_overlayer_lowered  }
0x9b: {  	s22 =	simm.s32 $0x1BFF;
	s21 =	sshll.u32 s5, $0x1;
	s2 =	sadd.s32 s19, s18  }
0x9c: {  	s6 =	simm.s32 $0x0;
	s20 =	sshll.u32 s4, $0x1;
	s4 =	sadd.s32 s21, s2  }
0x9d: {  	[timem:s6], [sflag:s22] =	dma.local [hbm:s4], s20  }
0x9e: {  	_ =	swait.ge [sflag:s22], s20  }
0x9f: {  	s3 =	ssub.s32 $0x0, s20;
	[sflag:s22] =	ssyncset.done $0x0  }
0xa0: {  	[sflag:s22] =	ssyncadd.s32 s3;
	_ =	sdelay $0x1  }
0xa1: {  	s23 =	simm.s32 $0x1B8B  }
0xa2: {  	_ =	swait.ge [sflag:s23], $0x1  }
0xa3: {  	[sflag:s23] =	ssyncset.done $0x0  }
0xa4: {  	s25 =	simm.s32 $0x1B8E;
	s24 =	sld [smem:$0x3FFE];
	[sflag:s23] =	ssyncadd.s32 $0xFFFFFFFF  }
0xa5: {  	s26 =	simm.s32 $execute0_lowered;
	[smem:$0x3FD2] =	sst s25  }
0xa6: {  	s4 =	sshll.u32 s26, $0x1;
	_ =	strace $0x8000004C;
	[dreg:$0x1] =	wrdreg $0xFFFFFFFF  }
0xa7: {  	s28 =	simm.s32 $_size_execute0_lowered;
	s2 =	sadd.s32 s2, s4;
	[dreg:$0x0] =	wrdreg $0x0  }
0xa8: {  	s4 =	sshll.u32 s28, $0x1;
	[dreg:$0x2] =	wrdreg s2  }
0xa9: {  	[dreg:$0x3] =	wrdreg s4  }
0xaa: {  	[dreg:$0x4] =	wrdreg $0xC0  }
0xab: {  	_ =	task [dreg:s6], $0x5FFFF  }
0xac: {  	[dreg:$0x1] =	wrdreg $0xFFFFFFFF  }
0xad: {  	[dreg:$0x0] =	wrdreg $0x60  }
0xae: {  	[dreg:$0x2] =	wrdreg s24  }
0xaf: {  	[dreg:$0x3] =	wrdreg $0x100000  }
0xb0: {  	[dreg:$0x4] =	wrdreg $0x9  }
0xb1: {  	_ =	task.clear_ibuf [dreg:s6], $0x5FFFF;
	_ =	strace $0x9000004C  }
0xb2: {  	s29 =	simm.s32 $0x9;
	_ =	strace $0x8000004E  }
0xb3: {  	_ =	swait.ge [sflag:s29], $0x1  }
0xb4: {  	[sflag:s29] =	ssyncadd.s32 $0xFFFFFFFF  }
0xb5: {  	_ =	strace $0x9000004E  }
0xb6: {  	_ =	sfence  }
0xb7: {  	s30 =	sld [smem:$0x0];
	_ =	sdelay $0x2  }
0xb8: {  	s31 =	sshll.u32 s1, $0xD;
	s1 =	sshrl.u32 s1, $0x2  }
0xb9: {  	s3 =	sand.u32 $0x4000, s31;
	s1 =	sadd.s32 s1, s30  }
0xba: {  	s0 =	sor.u32 s3, s0;
	s1 =	sshll.u32 s1, $0x11  }
0xbb: {  	s0 =	sor.u32 s1, s0  }
0xbc: {  	s0 =	sadd.s32 $0x8F2B, s0  }
0xbd: {  	[sflag:s0] =	ssyncadd.remote.s32 $0x1  }
0xbe: {  	_ =	sfence.sel $0xFFFF  }
0xbf: {  	[dreg:$0x0] =	wrdreg $0xFFFFFFFF;
	(pc) =	sbr.abs _section_cstart, $3  }
0xc0: {  	[dreg:$0x1] =	wrdreg $0xFFFFFFFF  }
0xc1: {  	_ =	task.clear_ibuf [dreg:s6], $0x2FFFF;
	_ =	strace $0x9FFFFFFF  }
0xc2: {  	(tm) =	ssettm $0x7FFFFFFF  }
0xc3: {  	_ =	shalt  }
tec
execute0_lowered:
.L_overlay_start_1:
0x0: {  	(tag) =	ssettag $0x1  }
0x1: {  	s0 =	rddreg [dreg:$0x0]  }
0x2: {  	s1 =	rddreg [dreg:$0x1];
	s3 =	simm.s32 $0x0  }
0x3: {  	s2 =	srdreg.scid;
	s10 =	stileid.u32;
	s14 =	simm.s32 $0x8000  }
0x4: {  	s15 =	simm.s32 $0xA000;
	s18 =	simm.s32 $0x1;
	s20 =	simm.s32 $0xC000  }
0x5: {  	s21 =	simm.s32 $0x2;
	s28 =	simm.s32 $0x5;
	s30 =	simm.s32 $0x4  }
0x6: {  	s19 =	simm.s32 $0x7;
	[smem:$0x7FF] =	sst s3;
	s2 =	sand.u32 $0x1, s2  }
0x7: {  	s4 =	sshll.u32 s10, $0x9;
	s7 =	smul.u32 $0x9E00, s10;
	s5 =	sshll.u32 s10, $0xB  }
0x8: {  	s31 =	sshll.u32 s10, $0x6;
	p0 =	seq.s32 s2, $0x0;
	s6 =	sor.u32 $0x8000, s4  }
0x9: {  	s8 =	smul.u32 $0x9E000, s2;
	_ =	strace $0x8000004D;
	s4 =	sadd.s32 $0x8DA00, s0  }
0xa: {  	s2 =	ssub.s32 $0x2, s2;
	s16 =	sor.u32 $0x1C09, s31;
	s6 =	smov.u32 @p0 s5  }
0xb: {  	s22 =	sshrl.u32 s7, $0x3;
	s26 =	sshrl.u32 s2, $0x1;
	s5 =	simm.s32 $0x80  }
0xc: {  	s9 =	sadd.s32 s6, s0;
	s23 =	sadd.s32 s7, s8;
	s24 =	sadd.s32 s22, s0  }
0xd: {  	s2 =	ssub.s32 s2, s26;
	s6 =	simm.s32 $0x80;
	s5 =	simm.s32 @!p0 $0x20  }
0xe: {  	s7 =	sadd.s32 s7, s1;
	s22 =	simm.s32 $0x8;
	s26 =	simm.s32 $0x0  }
0xf: {  	s25 =	sshrl.u32 s23, $0x3;
	s11 =	sadd.s32 $0x20800, s9;
	s9 =	sadd.s32 $0x16200, s9  }
0x10: {  	s8 =	sadd.s32 $0x2AE00, s24;
	s29 =	sshrl.u32 s5, $0x2;
	[dreg:$0x3] =	wrdreg s11  }
0x11: {  	s17 =	sshrl.u32 s7, $0x3;
	s24 =	simm.s32 $0xE000;
	[dreg:$0x4] =	wrdreg s9  }
0x12: {  	s23 =	simm.s32 $0x9;
	s0 =	sadd.s32 s25, s0;
	[dreg:$0x5] =	wrdreg s8  }
0x13: {  	s11 =	smax.u32 s2, $0x1;
	s12 =	sadd.s32 $0xFFFFFFFF, s29;
	s0 =	sadd.s32 $0xA1600, s0  }
0x14: {  	s25 =	simm.s32 $0x3;
	[dreg:$0x6] =	wrdreg s0;
	s0 =	simm.s32 $0x6  }
.LBB2_1:
0x15: {  	s2 =	rddreg [dreg:$0x3]  }
0x16: {  	[tilespmem:s3], [sflag:$0x9] =	stream.linear.gather [hbm4b:s2+s3], $0x4000, $0x38;
	[tilespmem:$0x19E00] =	vst v63  }
0x17: {  	_ =	swait.ge [sflag:s23], $0x4000  }
0x18: {  	[sflag:s23] =	ssyncset.done $0x0  }
0x19: {  	s7 =	simm.s32 $0x4000;
	s9 =	rddreg [dreg:$0x4];
	[sflag:s23] =	ssyncadd.s32 $0xFFFFC000  }
0x1a: {  	[tilespmem:s7], [sflag:$0x9] =	stream.linear.gather [hbm4b:s9+s3], $0x4000, $0x38;
	[tilespmem:$0x19E00] =	vst v63  }
0x1b: {  	_ =	swait.ge [sflag:s23], $0x4000  }
0x1c: {  	[sflag:s23] =	ssyncset.done $0x0  }
0x1d: {  	[sflag:s23] =	ssyncadd.s32 $0xFFFFC000  }
0x1e: {  	[tilespmem:s14], [sflag:$0x1] =	stream.indirect.gather [hbm4b:s4+s6], $0x40, s3, s6, $0xb8;
	[tilespmem:$0x19E00] =	vst v63  }
0x1f: {  	s10 =	rddreg [dreg:$0x5]  }
0x20: {  	[tilespmem:s15], [sflag:$0x2] =	stream.indirect.gather [hbm4b:s4+s6], $0x40, s6, s6, $0xb8;
	[tilespmem:$0x19E00] =	vst v63  }
0x21: {  	[spmem:s17], [sflag:s16] =	dma.local [hbm:s10], $0x13C0  }
0x22: {  	_ =	swait.ge [sflag:s23], $0x13C0  }
0x23: {  	[sflag:s23] =	ssyncset.done $0x0  }
0x24: {  	[sflag:s23] =	ssyncadd.s32 $0xFFFFEC40  }
0x25: {  	[bflag:$0x0] =	sbarrier.arrive $0xFFFF  }
0x26: {  	_ =	swait.ge [sflag:s18], $0x2000  }
0x27: {  	[sflag:s18] =	ssyncset.done $0x0  }
0x28: {  	[sflag:s18] =	ssyncadd.s32 $0xFFFFE000  }
0x29: {  	[spmem:s1] =	stream.indirect.scatter.add.f32 [tilespmem:s14], [sflag:$0x5], $0x40, s7, s6, $0xb8;
	[tilespmem:$0x19E00] =	vst v63  }
0x2a: {  	s13 =	simm.s32 $0x100  }
0x2b: {  	[tilespmem:s20], [sflag:$0x3] =	stream.indirect.gather [hbm4b:s4+s6], $0x40, s13, s6, $0xb8;
	[tilespmem:$0x19E00] =	vst v63  }
0x2c: {  	_ =	swait.ge [sflag:s21], $0x2000  }
0x2d: {  	[sflag:s21] =	ssyncset.done $0x0  }
0x2e: {  	s7 =	simm.s32 $0x4080;
	[sflag:s21] =	ssyncadd.s32 $0xFFFFE000  }
0x2f: {  	[spmem:s1] =	stream.indirect.scatter.add.f32 [tilespmem:s15], [sflag:$0x6], $0x40, s7, s6, $0xb8;
	[tilespmem:$0x19E00] =	vst v63  }
0x30: {  	s8 =	simm.s32 $0x180  }
0x31: {  	[tilespmem:s24], [sflag:$0x4] =	stream.indirect.gather [hbm4b:s4+s6], $0x40, s8, s6, $0xb8;
	[tilespmem:$0x19E00] =	vst v63  }
0x32: {  	_ =	swait.ge [sflag:s25], $0x2000  }
0x33: {  	[sflag:s25] =	ssyncset.done $0x0  }
0x34: {  	s9 =	simm.s32 $0x4100;
	[sflag:s25] =	ssyncadd.s32 $0xFFFFE000  }
0x35: {  	[spmem:s1] =	stream.indirect.scatter.add.f32 [tilespmem:s20], [sflag:$0x7], $0x40, s9, s6, $0xb8;
	[tilespmem:$0x19E00] =	vst v63  }
0x36: {  	_ =	swait.ge [sflag:s28], $0x2000  }
0x37: {  	[sflag:s28] =	ssyncset.done $0x0  }
0x38: {  	s10 =	simm.s32 $0x200;
	[sflag:s28] =	ssyncadd.s32 $0xFFFFE000  }
0x39: {  	[tilespmem:s14], [sflag:$0x1] =	stream.indirect.gather [hbm4b:s4+s6], $0x40, s10, s6, $0xb8;
	[tilespmem:$0x19E00] =	vst v63  }
0x3a: {  	_ =	swait.ge [sflag:s30], $0x2000  }
0x3b: {  	[sflag:s30] =	ssyncset.done $0x0  }
0x3c: {  	s13 =	simm.s32 $0x4180;
	[sflag:s30] =	ssyncadd.s32 $0xFFFFE000  }
0x3d: {  	[spmem:s1] =	stream.indirect.scatter.add.f32 [tilespmem:s24], [sflag:$0x8], $0x40, s13, s6, $0xb8;
	[tilespmem:$0x19E00] =	vst v63  }
0x3e: {  	_ =	swait.ge [sflag:s0], $0x2000  }
0x3f: {  	[sflag:s0] =	ssyncset.done $0x0  }
0x40: {  	s7 =	simm.s32 $0x280;
	[sflag:s0] =	ssyncadd.s32 $0xFFFFE000  }
0x41: {  	[tilespmem:s15], [sflag:$0x2] =	stream.indirect.gather [hbm4b:s4+s6], $0x40, s7, s6, $0xb8;
	[tilespmem:$0x19E00] =	vst v63  }
0x42: {  	_ =	swait.ge [sflag:s18], $0x2000  }
0x43: {  	p0 =	sle.u32 s5, $0x6;
	[sflag:s18] =	ssyncset.done $0x0  }
0x44: {  	s8 =	simm.s32 $0x4200;
	s7 =	simm.s32 @!p0 $0x7;
	[sflag:s18] =	ssyncadd.s32 $0xFFFFE000  }
0x45: {  	[spmem:s1] =	stream.indirect.scatter.add.f32 [tilespmem:s14], [sflag:$0x5], $0x40, s8, s6, $0xb8;
	[tilespmem:$0x19E00] =	vst v63  }
0x46: {  	_ =	swait.ge @!p0 [sflag:s7], $0x2000  }
0x47: {  	s2 =	simm.s32 @!p0 $0x300;
	[sflag:s7] =	ssyncset.done @!p0 $0x0  }
0x48: {  	s9 =	simm.s32 @!p0 $0xC000;
	s8 =	simm.s32 @!p0 $0x80;
	[sflag:s7] =	ssyncadd.s32 @!p0 $0xFFFFE000  }
0x49: {  	[tilespmem:s9], [sflag:$0x3] =	stream.indirect.gather @!p0 [hbm4b:s4+s8], $0x40, s2, s8, $0xb8;
	[tilespmem:$0x19E00] =	vst v63  }
0x4a: {  	_ =	swait.ge [sflag:s21], $0x2000  }
0x4b: {  	p0 =	sle.u32 s5, $0x7;
	[sflag:s21] =	ssyncset.done $0x0  }
0x4c: {  	s9 =	simm.s32 $0x4280;
	s7 =	simm.s32 @!p0 $0x8;
	[sflag:s21] =	ssyncadd.s32 $0xFFFFE000  }
0x4d: {  	[spmem:s1] =	stream.indirect.scatter.add.f32 [tilespmem:s15], [sflag:$0x6], $0x40, s9, s6, $0xb8;
	[tilespmem:$0x19E00] =	vst v63  }
0x4e: {  	_ =	swait.ge @!p0 [sflag:s7], $0x2000  }
0x4f: {  	s2 =	simm.s32 @!p0 $0x380;
	[sflag:s7] =	ssyncset.done @!p0 $0x0  }
0x50: {  	s8 =	simm.s32 @!p0 $0x80;
	s9 =	simm.s32 @!p0 $0xE000;
	[sflag:s7] =	ssyncadd.s32 @!p0 $0xFFFFE000  }
0x51: {  	[tilespmem:s9], [sflag:$0x4] =	stream.indirect.gather @!p0 [hbm4b:s4+s8], $0x40, s2, s8, $0xb8;
	[tilespmem:$0x19E00] =	vst v63  }
0x52: {  	_ =	swait.ge [sflag:s25], $0x2000  }
0x53: {  	p0 =	sle.u32 s5, $0x8;
	[sflag:s25] =	ssyncset.done $0x0  }
0x54: {  	s10 =	simm.s32 $0x4300;
	s7 =	simm.s32 @!p0 $0x5;
	[sflag:s25] =	ssyncadd.s32 $0xFFFFE000  }
0x55: {  	[spmem:s1] =	stream.indirect.scatter.add.f32 [tilespmem:s20], [sflag:$0x7], $0x40, s10, s6, $0xb8;
	[tilespmem:$0x19E00] =	vst v63  }
0x56: {  	_ =	swait.ge @!p0 [sflag:s7], $0x2000  }
0x57: {  	s29 =	sadd.s32 $0xFFFFFFFF, s12;
	s2 =	simm.s32 @!p0 $0x400;
	[sflag:s7] =	ssyncset.done @!p0 $0x0  }
0x58: {  	s8 =	simm.s32 @!p0 $0x80;
	s9 =	simm.s32 @!p0 $0x8000;
	[sflag:s7] =	ssyncadd.s32 @!p0 $0xFFFFE000  }
0x59: {  	[tilespmem:s9], [sflag:$0x1] =	stream.indirect.gather @!p0 [hbm4b:s4+s8], $0x40, s2, s8, $0xb8;
	[tilespmem:$0x19E00] =	vst v63  }
0x5a: {  	p1 =	sle.u32 s5, $0x9;
	p0 =	sne.s32 s29, $0x0;
	_ =	swait.ge [sflag:s30], $0x2000  }
.Ltmp0:
0x5b: {  	s31 =	simm.s32 $0xD;
	[sflag:s30] =	ssyncset.done $0x0;
	(pc) =	sbr.rel @!p0 .LBB2_3-.Ltmp0, $4  }
0x5c: {  	s13 =	simm.s32 $0x4380;
	s7 =	simm.s32 @!p1 $0x6;
	[sflag:s30] =	ssyncadd.s32 $0xFFFFE000  }
0x5d: {  	[spmem:s1] =	stream.indirect.scatter.add.f32 [tilespmem:s24], [sflag:$0x8], $0x40, s13, s6, $0xb8;
	[tilespmem:$0x19E00] =	vst v63  }
0x5e: {  	s8 =	simm.s32 @!p1 $0x480;
	s9 =	simm.s32 @!p1 $0x80;
	_ =	swait.ge @!p1 [sflag:s7], $0x2000  }
0x5f: {  	s2 =	simm.s32 $0x0;
	s13 =	simm.s32 @!p1 $0xA000;
	[sflag:s7] =	ssyncset.done @!p1 $0x0  }
.LBB2_2:
0x60: {  	s29 =	sadd.s32 $0xFFFFFFFF, s29;
	[sflag:s7] =	ssyncadd.s32 @!p1 $0xFFFFE000;
	s2 =	sadd.s32 $0x800, s2  }
0x61: {  	[tilespmem:s13], [sflag:$0x2] =	stream.indirect.gather @!p1 [hbm4b:s4+s9], $0x40, s8, s9, $0xb8;
	[tilespmem:$0x19E00] =	vst v63  }
0x62: {  	s7 =	sshra.s32 s2, $0x2;
	s8 =	sadd.s32 $0xFFFFFFFD, s31;
	_ =	swait.ge [sflag:s18], $0x2000  }
0x63: {  	s9 =	sadd.s32 $0x4200, s7;
	p1 =	sge.u32 s8, s5;
	[sflag:s18] =	ssyncset.done $0x0  }
0x64: {  	s8 =	simm.s32 @!p1 $0x7;
	s13 =	sshra.s32 @!p1 s2, $0x2;
	[sflag:s18] =	ssyncadd.s32 $0xFFFFE000  }
0x65: {  	[spmem:s1] =	stream.indirect.scatter.add.f32 [tilespmem:s14], [sflag:$0x5], $0x40, s9, s6, $0xb8;
	[tilespmem:$0x19E00] =	vst v63  }
0x66: {  	p0 =	sne.s32 s29, $0x0;
	s9 =	sadd.s32 @!p1 $0x300, s13;
	_ =	swait.ge @!p1 [sflag:s8], $0x2000  }
0x67: {  	s10 =	simm.s32 @!p1 $0xC000;
	s13 =	simm.s32 @!p1 $0x80;
	[sflag:s8] =	ssyncset.done @!p1 $0x0  }
0x68: {  	[sflag:s8] =	ssyncadd.s32 @!p1 $0xFFFFE000  }
0x69: {  	[tilespmem:s10], [sflag:$0x3] =	stream.indirect.gather @!p1 [hbm4b:s4+s13], $0x40, s9, s13, $0xb8;
	[tilespmem:$0x19E00] =	vst v63  }
0x6a: {  	s8 =	sadd.s32 $0xFFFFFFFE, s31;
	_ =	swait.ge [sflag:s21], $0x2000  }
0x6b: {  	s9 =	sadd.s32 $0x4280, s7;
	p1 =	sge.u32 s8, s5;
	[sflag:s21] =	ssyncset.done $0x0  }
0x6c: {  	s8 =	simm.s32 @!p1 $0x8;
	s10 =	sshra.s32 @!p1 s2, $0x2;
	[sflag:s21] =	ssyncadd.s32 $0xFFFFE000  }
0x6d: {  	[spmem:s1] =	stream.indirect.scatter.add.f32 [tilespmem:s15], [sflag:$0x6], $0x40, s9, s6, $0xb8;
	[tilespmem:$0x19E00] =	vst v63  }
0x6e: {  	s9 =	sadd.s32 @!p1 $0x380, s10;
	_ =	swait.ge @!p1 [sflag:s8], $0x2000  }
0x6f: {  	s13 =	simm.s32 @!p1 $0xE000;
	s10 =	simm.s32 @!p1 $0x80;
	[sflag:s8] =	ssyncset.done @!p1 $0x0  }
0x70: {  	[sflag:s8] =	ssyncadd.s32 @!p1 $0xFFFFE000  }
0x71: {  	[tilespmem:s13], [sflag:$0x4] =	stream.indirect.gather @!p1 [hbm4b:s4+s10], $0x40, s9, s10, $0xb8;
	[tilespmem:$0x19E00] =	vst v63  }
0x72: {  	s8 =	sadd.s32 $0xFFFFFFFF, s31;
	_ =	swait.ge [sflag:s25], $0x2000  }
0x73: {  	s9 =	sadd.s32 $0x4300, s7;
	p1 =	sge.u32 s8, s5;
	[sflag:s25] =	ssyncset.done $0x0  }
0x74: {  	s8 =	simm.s32 @!p1 $0x5;
	s10 =	sshra.s32 @!p1 s2, $0x2;
	[sflag:s25] =	ssyncadd.s32 $0xFFFFE000  }
0x75: {  	[spmem:s1] =	stream.indirect.scatter.add.f32 [tilespmem:s20], [sflag:$0x7], $0x40, s9, s6, $0xb8;
	[tilespmem:$0x19E00] =	vst v63  }
0x76: {  	s9 =	sadd.s32 @!p1 $0x400, s10;
	_ =	swait.ge @!p1 [sflag:s8], $0x2000  }
0x77: {  	s13 =	simm.s32 @!p1 $0x8000;
	s10 =	simm.s32 @!p1 $0x80;
	[sflag:s8] =	ssyncset.done @!p1 $0x0  }
0x78: {  	[sflag:s8] =	ssyncadd.s32 @!p1 $0xFFFFE000  }
0x79: {  	[tilespmem:s13], [sflag:$0x1] =	stream.indirect.gather @!p1 [hbm4b:s4+s10], $0x40, s9, s10, $0xb8;
	[tilespmem:$0x19E00] =	vst v63  }
0x7a: {  	p1 =	sge.u32 s31, s5;
	_ =	swait.ge [sflag:s30], $0x2000  }
.Ltmp1:
0x7b: {  	s8 =	sadd.s32 $0x4380, s7;
	[sflag:s30] =	ssyncset.done $0x0;
	(pc) =	sbr.rel @p0 .LBB2_2-.Ltmp1, $4  }
0x7c: {  	s7 =	simm.s32 @!p1 $0x6;
	s9 =	sshra.s32 @!p1 s2, $0x2;
	[sflag:s30] =	ssyncadd.s32 $0xFFFFE000  }
0x7d: {  	[spmem:s1] =	stream.indirect.scatter.add.f32 [tilespmem:s24], [sflag:$0x8], $0x40, s8, s6, $0xb8;
	[tilespmem:$0x19E00] =	vst v63  }
0x7e: {  	s31 =	sadd.s32 $0x4, s31;
	s8 =	sadd.s32 @!p1 $0x480, s9;
	_ =	swait.ge @!p1 [sflag:s7], $0x2000  }
0x7f: {  	s13 =	simm.s32 @!p1 $0xA000;
	s9 =	simm.s32 @!p1 $0x80;
	[sflag:s7] =	ssyncset.done @!p1 $0x0  }
.LBB2_3:
0x80: {  	[sflag:s7] =	ssyncadd.s32 @!p1 $0xFFFFE000  }
0x81: {  	[tilespmem:s13], [sflag:$0x2] =	stream.indirect.gather @!p1 [hbm4b:s4+s9], $0x40, s8, s9, $0xb8;
	[tilespmem:$0x19E00] =	vst v63  }
0x82: {  	_ =	swait.ge [sflag:s28], $0x2000  }
0x83: {  	[sflag:s28] =	ssyncset.done $0x0  }
0x84: {  	[sflag:s28] =	ssyncadd.s32 $0xFFFFE000  }
0x85: {  	_ =	swait.ge [sflag:s0], $0x2000  }
0x86: {  	[sflag:s0] =	ssyncset.done $0x0  }
0x87: {  	[sflag:s0] =	ssyncadd.s32 $0xFFFFE000  }
0x88: {  	_ =	swait.ge [sflag:s19], $0x2000  }
0x89: {  	[sflag:s19] =	ssyncset.done $0x0  }
0x8a: {  	[sflag:s19] =	ssyncadd.s32 $0xFFFFE000  }
0x8b: {  	_ =	swait.ge [sflag:s22], $0x2000  }
0x8c: {  	[sflag:s22] =	ssyncset.done $0x0  }
0x8d: {  	s26 =	sadd.s32 $0x1, s26;
	[sflag:s22] =	ssyncadd.s32 $0xFFFFE000  }
0x8e: {  	p0 =	sne.s32 s26, s11;
	[bflag:$0x0] =	sbarrier.arrive $0xFFFF  }
.Ltmp2:
0x8f: {  	s2 =	rddreg [dreg:$0x6];
	(pc) =	sbr.rel @p0 .LBB2_1-.Ltmp2, $4  }
0x90: {  	[hbm:s2], [sflag:s16] =	dma.local [spmem:s17], $0x13C0  }
0x91: {  	_ =	swait.ge [sflag:s23], $0x13C0  }
0x92: {  	[sflag:s23] =	ssyncset.done $0x0  }
0x93: {  	[sflag:s23] =	ssyncadd.s32 $0xFFFFEC40  }
0x94: {  	_ =	sfence.sel $0x180000  }
0x95: {  	[bflag:$0x0] =	sbarrier.arrive $0xFFFF  }
0x96: {  	_ =	strace $0x9000004D  }
0x97: {  	s0 =	stileid.u32;
	[bflag:$0x2] =	sbarrier.arrive $0xFFFF  }
0x98: {  	p0 =	sne.s32 s0, $0x0;
	s0 =	rddreg [dreg:$0x2]  }
0x99: {  	s0 =	sadd.s32 @!p0 $0x100000, s0  }
0x9a: {  	[sflag:s0] =	ssyncadd.tile.s32 @!p0 $0x1;
	_ =	shalt  }
.Lfunc_end2:
_tile_overlayer_lowered:
.L_overlay_start_2:
0x9b: {  	(tag) =	ssettag $0x2  }
0x9c: {  	s0 =	rddreg [dreg:$0x0];
	s2 =	stileid.u32  }
0x9d: {  	s1 =	rddreg [dreg:$0x1];
	p0 =	sne.s32 s2, $0x0  }
0x9e: {  	s3 =	rddreg [dreg:$0x2];
	[bflag:$0x3] =	sbarrier.arrive $0xFFFF;
	s2 =	simm.s32 @!p0 $0x1C09  }
0x9f: {  	[timem:s3], [sflag:s2] =	dma.local @!p0 [hbm:s0], s1  }
0xa0: {  	s0 =	simm.s32 @!p0 $0x9  }
0xa1: {  	_ =	swait.ge @!p0 [sflag:s0], s1  }
0xa2: {  	s1 =	ssub.s32 @!p0 $0x0, s1;
	[sflag:s0] =	ssyncset.done @!p0 $0x0  }
0xa3: {  	[sflag:s0] =	ssyncadd.s32 @!p0 s1  }
0xa4: {  	[bflag:$0x3] =	sbarrier.arrive $0xFFFF  }
0xa5: {  	_ =	shalt  }

// kernel: kernel.20.cloned.1.call-start
scs
__scs_entry_jumppad:
0x0: {  	(pc) =	sbr.rel $0x88, $3  }
0x1: {  	(tag) =	ssettag $0x0;
	lr =	simm.s32 $0x1  }
0x2: {  	[smem:$0x3F99] =	sst lr;
	_ =	strace $0xD0000000  }
0x3: {  	_ = 	snop  }
0x4: {  	_ = 	snop  }
0x5: {  	_ = 	snop  }
0x6: {  	_ = 	snop  }
0x7: {  	_ = 	snop  }
__scs_overlays_trampoline_lowered:
0x8: {  	[smem:$0x3FA8] =	sst s0  }
0x9: {  	[smem:$0x3FA9] =	sst s1  }
0xa: {  	[smem:$0x3FAA] =	sst s2  }
0xb: {  	[smem:$0x3FAB] =	sst s3  }
0xc: {  	[smem:$0x3FAC] =	sst s4  }
0xd: {  	[smem:$0x3FAD] =	sst s5  }
0xe: {  	[smem:$0x3FAE] =	sst s6  }
0xf: {  	[smem:$0x3FAF] =	sst s7  }
0x10: {  	[smem:$0x3FB0] =	sst s8  }
0x11: {  	[smem:$0x3FB1] =	sst s9;
	s0 =	simm.s32 @!p0 $0x0  }
0x12: {  	s1 =	sld [smem:$0x3F97];
	s0 =	simm.s32 @p0 $0x1  }
0x13: {  	[smem:$0x3FB2] =	sst s0;
	s0 =	simm.s32 @!p1 $0x0  }
0x14: {  	s2 =	sld [smem:$0x3F96];
	s0 =	simm.s32 @p1 $0x1  }
0x15: {  	[smem:$0x3FB3] =	sst s0;
	s0 =	simm.s32 @!p2 $0x0  }
0x16: {  	s3 =	sld [smem:$0x3FDB];
	s0 =	simm.s32 @p2 $0x1  }
0x17: {  	s4 =	simm.s32 $0x1BF5;
	[smem:$0x3FB5] =	sst s0  }
0x18: {  	s0 =	sld [smem:$0x3F98];
	_ =	swait.ge [sflag:s4], $0x0  }
0x19: {  	s7 =	sld [smem:$0x3F99]  }
0x1a: {  	s8 =	sadd.s32 $0xFFFFE003, lr  }
0x1b: {  	s9 =	sadd.s32 $0xFFFFFEF7, lr;
	s5 =	simm.s32 $0xFFFFFFFF;
	p2 =	slt.u32 s8, $0xFFFFF086  }
0x1c: {  	p1 =	slt.u32 s9, $0xF7A;
	s5 =	simm.s32 @!p2 $0x0  }
0x1d: {  	s5 =	simm.s32 @p1 $0x1;
	p0 =	seq.s32 s7, s2  }
0x1e: {  	s7 =	smul.u32 @!p0 $0xF7A, s2;
	p2 =	seq.s32 @!p0 s5, $0x0  }
0x1f: {  	s9 =	smul.u32 $0xF7A, s1;
	s8 =	simm.s32 @!p0 $0x1BF5;
	p2 =	por !p2, p0  }
0x20: {  	[sflag:s8] =	ssyncset.s32 @!p0 $0xFFFFF086;
	s6 =	sadd.s32 @!p0 s3, s7;
	s7 =	simm.s32 @!p0 $0x108  }
0x21: {  	s3 =	sadd.s32 s3, s9;
	s6 =	sadd.s32 @!p0 $0x88, s6;
	s7 =	simm.s32 @p2 $0x1082  }
0x22: {  	[simem:s7], [sflag:s8] =	dma.local @!p0 [hbm:s6], $0xF7A  }
0x23: {  	s9 =	sor.u32 $0xD0000000, s2;
	s6 =	simm.s32 $0x108;
	_ =	swait.ge @!p0 [sflag:s8], $0x0  }
0x24: {  	s3 =	sadd.s32 $0x88, s3;
	s6 =	simm.s32 @!p1 $0x1082;
	[sflag:s4] =	ssyncset.s32 $0xFFFFF086  }
0x25: {  	[simem:s6], [sflag:s4] =	dma.local [hbm:s3], $0xF7A  }
0x26: {  	[smem:$0x3F99] =	sst s1;
	(tag) =	ssettag s2;
	_ =	strace s9  }
0x27: {  	s1 =	sld [smem:$0x3FA9]  }
0x28: {  	s2 =	sld [smem:$0x3FAA]  }
0x29: {  	s4 =	sld [smem:$0x3FAC]  }
0x2a: {  	p0 =	seq.s32 s5, $0x0;
	s5 =	sld [smem:$0x3FAD]  }
0x2b: {  	s6 =	sld [smem:$0x3FAE]  }
0x2c: {  	s7 =	sld [smem:$0x3FAF]  }
0x2d: {  	s3 =	simm.s32 $0x108;
	s8 =	sld [smem:$0x3FB0]  }
0x2e: {  	s3 =	simm.s32 @!p0 $0x1082;
	s9 =	sld [smem:$0x3FB1]  }
0x2f: {  	lr =	sadd.s32 s0, s3;
	s0 =	sld [smem:$0x3FA8]  }
0x30: {  	s3 =	sld [smem:$0x3FAB]  }
0x31: {  	[smem:$0x3FB4] =	sst s10  }
0x32: {  	s10 =	sld [smem:$0x3FB2];
	_ =	sdelay $0x3  }
0x33: {  	p0 =	seq.s32 s10, $0x1;
	s10 =	sld [smem:$0x3FB4];
	_ =	sdelay $0x3  }
0x34: {  	[smem:$0x3FB4] =	sst s10  }
0x35: {  	s10 =	sld [smem:$0x3FB3];
	_ =	sdelay $0x3  }
0x36: {  	p1 =	seq.s32 s10, $0x1;
	s10 =	sld [smem:$0x3FB4];
	_ =	sdelay $0x3  }
0x37: {  	[smem:$0x3FB4] =	sst s10  }
0x38: {  	s10 =	sld [smem:$0x3FB5]  }
0x39: {  	_ = 	snop;
	(pc) =	sbr.ind lr, $3  }
0x3a: {  	_ = 	snop  }
0x3b: {  	_ = 	snop  }
0x3c: {  	p2 =	seq.s32 s10, $0x1;
	s10 =	sld [smem:$0x3FB4]  }
0x3d: {  	_ =	shalt  }
0x3e: {  	_ =	shalt  }
0x3f: {  	_ =	shalt  }
0x40: {  	_ =	shalt  }
0x41: {  	_ =	shalt  }
0x42: {  	_ =	shalt  }
0x43: {  	_ =	shalt  }
0x44: {  	_ =	shalt  }
0x45: {  	_ =	shalt  }
0x46: {  	_ =	shalt  }
0x47: {  	_ =	shalt  }
0x48: {  	_ =	shalt  }
0x49: {  	_ =	shalt  }
0x4a: {  	_ =	shalt  }
0x4b: {  	_ =	shalt  }
0x4c: {  	_ =	shalt  }
0x4d: {  	_ =	shalt  }
0x4e: {  	_ =	shalt  }
0x4f: {  	_ =	shalt  }
0x50: {  	_ =	shalt  }
0x51: {  	_ =	shalt  }
0x52: {  	_ =	shalt  }
0x53: {  	_ =	shalt  }
0x54: {  	_ =	shalt  }
0x55: {  	_ =	shalt  }
0x56: {  	_ =	shalt  }
0x57: {  	_ =	shalt  }
0x58: {  	_ =	shalt  }
0x59: {  	_ =	shalt  }
0x5a: {  	_ =	shalt  }
0x5b: {  	_ =	shalt  }
0x5c: {  	_ =	shalt  }
0x5d: {  	_ =	shalt  }
0x5e: {  	_ =	shalt  }
0x5f: {  	_ =	shalt  }
0x60: {  	_ =	shalt  }
0x61: {  	_ =	shalt  }
0x62: {  	_ =	shalt  }
0x63: {  	_ =	shalt  }
0x64: {  	_ =	shalt  }
0x65: {  	_ =	shalt  }
0x66: {  	_ =	shalt  }
0x67: {  	_ =	shalt  }
0x68: {  	_ =	shalt  }
0x69: {  	_ =	shalt  }
0x6a: {  	_ =	shalt  }
0x6b: {  	_ =	shalt  }
0x6c: {  	_ =	shalt  }
0x6d: {  	_ =	shalt  }
0x6e: {  	_ =	shalt  }
0x6f: {  	_ =	shalt  }
0x70: {  	_ =	shalt  }
0x71: {  	_ =	shalt  }
0x72: {  	_ =	shalt  }
0x73: {  	_ =	shalt  }
0x74: {  	_ =	shalt  }
0x75: {  	_ =	shalt  }
0x76: {  	_ =	shalt  }
0x77: {  	_ =	shalt  }
0x78: {  	_ =	shalt  }
0x79: {  	_ =	shalt  }
0x7a: {  	_ =	shalt  }
0x7b: {  	_ =	shalt  }
0x7c: {  	_ =	shalt  }
0x7d: {  	_ =	shalt  }
0x7e: {  	_ =	shalt  }
0x7f: {  	_ =	shalt  }
0x80: {  	_ =	shalt  }
0x81: {  	_ =	shalt  }
0x82: {  	_ =	shalt  }
0x83: {  	_ =	shalt  }
0x84: {  	_ =	shalt  }
0x85: {  	_ =	shalt  }
0x86: {  	_ =	shalt  }
0x87: {  	_ =	shalt  }
.Lfunc_end0:
.L_simem_size_0:
called_computation.3_lowered:
.L_overlay_start_0:
0x88: {  	s2 =	sld [smem:$0x3FD9]  }
0x89: {  	s3 =	sld [smem:$0x3FFE];
	_ =	sdelay $0x1  }
0x8a: {  	s1 =	srdreg.scid  }
0x8b: {  	s0 =	sand.u32 $0x1, s1  }
0x8c: {  	s16 =	sshll.u32 s0, $0xA;
	s2 =	sadd.s32 s3, s2  }
0x8d: {  	s2 =	sadd.s32 s2, s16  }
0x8e: {  	[smem:$0x3FC0] =	sst s2  }
0x8f: {  	_ = 	snop  }
0x90: {  	(tm) =	ssettm $0x1  }
0x91: {  	s17 =	sld [smem:$0x3FFB];
	_ =	sdelay $0x3  }
0x92: {  	_ =	strace s17  }
0x93: {  	s2 =	sld [smem:$0x3FFC];
	_ =	sdelay $0x3  }
0x94: {  	_ =	strace s2  }
0x95: {  	s2 =	sld [smem:$0x3FFD];
	_ =	sdelay $0x3  }
0x96: {  	_ =	strace s2  }
0x97: {  	_ =	strace $0x8FFFFFFF  }
0x98: {  	s18 =	sld [smem:$0x3FDB];
	_ =	sdelay $0x1  }
0x99: {  	s19 =	simm.s32 $_scs_section_size  }
0x9a: {  	s4 =	simm.s32 $_size__tile_overlayer_lowered;
	s5 =	simm.s32 $_tile_overlayer_lowered  }
0x9b: {  	s22 =	simm.s32 $0x1BFF;
	s21 =	sshll.u32 s5, $0x1;
	s2 =	sadd.s32 s19, s18  }
0x9c: {  	s6 =	simm.s32 $0x0;
	s20 =	sshll.u32 s4, $0x1;
	s4 =	sadd.s32 s21, s2  }
0x9d: {  	[timem:s6], [sflag:s22] =	dma.local [hbm:s4], s20  }
0x9e: {  	_ =	swait.ge [sflag:s22], s20  }
0x9f: {  	s3 =	ssub.s32 $0x0, s20;
	[sflag:s22] =	ssyncset.done $0x0  }
0xa0: {  	[sflag:s22] =	ssyncadd.s32 s3;
	_ =	sdelay $0x1  }
0xa1: {  	s23 =	simm.s32 $0x1B8B  }
0xa2: {  	_ =	swait.ge [sflag:s23], $0x1  }
0xa3: {  	[sflag:s23] =	ssyncset.done $0x0  }
0xa4: {  	s25 =	simm.s32 $0x1B8E;
	s24 =	sld [smem:$0x3FFE];
	[sflag:s23] =	ssyncadd.s32 $0xFFFFFFFF  }
0xa5: {  	s26 =	simm.s32 $execute0_lowered;
	[smem:$0x3FD2] =	sst s25  }
0xa6: {  	s4 =	sshll.u32 s26, $0x1;
	_ =	strace $0x8000004F;
	[dreg:$0x1] =	wrdreg $0xFFFFFFFF  }
0xa7: {  	s28 =	simm.s32 $_size_execute0_lowered;
	s2 =	sadd.s32 s2, s4;
	[dreg:$0x0] =	wrdreg $0x0  }
0xa8: {  	s4 =	sshll.u32 s28, $0x1;
	[dreg:$0x2] =	wrdreg s2  }
0xa9: {  	[dreg:$0x3] =	wrdreg s4  }
0xaa: {  	[dreg:$0x4] =	wrdreg $0xC0  }
0xab: {  	_ =	task [dreg:s6], $0x5FFFF  }
0xac: {  	[dreg:$0x1] =	wrdreg $0xFFFFFFFF  }
0xad: {  	[dreg:$0x0] =	wrdreg $0x60  }
0xae: {  	[dreg:$0x2] =	wrdreg s24  }
0xaf: {  	[dreg:$0x3] =	wrdreg $0x100000  }
0xb0: {  	[dreg:$0x4] =	wrdreg $0x9  }
0xb1: {  	_ =	task.clear_ibuf [dreg:s6], $0x5FFFF;
	_ =	strace $0x9000004F  }
0xb2: {  	s29 =	simm.s32 $0x9;
	_ =	strace $0x80000051  }
0xb3: {  	_ =	swait.ge [sflag:s29], $0x1  }
0xb4: {  	[sflag:s29] =	ssyncadd.s32 $0xFFFFFFFF  }
0xb5: {  	_ =	strace $0x90000051  }
0xb6: {  	_ =	sfence  }
0xb7: {  	s30 =	sld [smem:$0x0];
	_ =	sdelay $0x2  }
0xb8: {  	s31 =	sshll.u32 s1, $0xD;
	s1 =	sshrl.u32 s1, $0x2  }
0xb9: {  	s3 =	sand.u32 $0x4000, s31;
	s1 =	sadd.s32 s1, s30  }
0xba: {  	s0 =	sor.u32 s3, s0;
	s1 =	sshll.u32 s1, $0x11  }
0xbb: {  	s0 =	sor.u32 s1, s0  }
0xbc: {  	s0 =	sadd.s32 $0x8F2B, s0  }
0xbd: {  	[sflag:s0] =	ssyncadd.remote.s32 $0x1  }
0xbe: {  	_ =	sfence.sel $0xFFFF  }
0xbf: {  	[dreg:$0x0] =	wrdreg $0xFFFFFFFF;
	(pc) =	sbr.abs _section_cstart, $3  }
0xc0: {  	[dreg:$0x1] =	wrdreg $0xFFFFFFFF  }
0xc1: {  	_ =	task.clear_ibuf [dreg:s6], $0x2FFFF;
	_ =	strace $0x9FFFFFFF  }
0xc2: {  	(tm) =	ssettm $0x7FFFFFFF  }
0xc3: {  	_ =	shalt  }
tec
execute0_lowered:
.L_overlay_start_1:
0x0: {  	(tag) =	ssettag $0x1  }
0x1: {  	s0 =	rddreg [dreg:$0x0]  }
0x2: {  	s1 =	rddreg [dreg:$0x1];
	s3 =	simm.s32 $0x0  }
0x3: {  	s2 =	srdreg.scid;
	s10 =	stileid.u32;
	s14 =	simm.s32 $0x8000  }
0x4: {  	s15 =	simm.s32 $0xA000;
	s18 =	simm.s32 $0x1;
	s20 =	simm.s32 $0xC000  }
0x5: {  	s21 =	simm.s32 $0x2;
	s28 =	simm.s32 $0x5;
	s30 =	simm.s32 $0x4  }
0x6: {  	s19 =	simm.s32 $0x7;
	[smem:$0x7FF] =	sst s3;
	s2 =	sand.u32 $0x1, s2  }
0x7: {  	s4 =	sshll.u32 s10, $0x9;
	s7 =	smul.u32 $0x9E00, s10;
	s5 =	sshll.u32 s10, $0xB  }
0x8: {  	s31 =	sshll.u32 s10, $0x6;
	p0 =	seq.s32 s2, $0x0;
	s6 =	sor.u32 $0x8000, s4  }
0x9: {  	s8 =	smul.u32 $0x9E000, s2;
	_ =	strace $0x80000050;
	s4 =	sadd.s32 $0x3EA00, s0  }
0xa: {  	s2 =	ssub.s32 $0x2, s2;
	s16 =	sor.u32 $0x1C09, s31;
	s6 =	smov.u32 @p0 s5  }
0xb: {  	s22 =	sshrl.u32 s7, $0x3;
	s26 =	sshrl.u32 s2, $0x1;
	s5 =	simm.s32 $0x80  }
0xc: {  	s9 =	sadd.s32 s6, s0;
	s23 =	sadd.s32 s7, s8;
	s24 =	sadd.s32 s22, s0  }
0xd: {  	s2 =	ssub.s32 s2, s26;
	s6 =	simm.s32 $0x80;
	s5 =	simm.s32 @!p0 $0x20  }
0xe: {  	s7 =	sadd.s32 s7, s1;
	s22 =	simm.s32 $0x8;
	s26 =	simm.s32 $0x0  }
0xf: {  	s25 =	sshrl.u32 s23, $0x3;
	s11 =	sadd.s32 $0x20800, s9;
	s9 =	sadd.s32 $0x16200, s9  }
0x10: {  	s8 =	sadd.s32 $0x2AE00, s24;
	s29 =	sshrl.u32 s5, $0x2;
	[dreg:$0x3] =	wrdreg s11  }
0x11: {  	s17 =	sshrl.u32 s7, $0x3;
	s24 =	simm.s32 $0xE000;
	[dreg:$0x4] =	wrdreg s9  }
0x12: {  	s23 =	simm.s32 $0x9;
	s0 =	sadd.s32 s25, s0;
	[dreg:$0x5] =	wrdreg s8  }
0x13: {  	s11 =	smax.u32 s2, $0x1;
	s12 =	sadd.s32 $0xFFFFFFFF, s29;
	s0 =	sadd.s32 $0x8DA00, s0  }
0x14: {  	s25 =	simm.s32 $0x3;
	[dreg:$0x6] =	wrdreg s0;
	s0 =	simm.s32 $0x6  }
.LBB2_1:
0x15: {  	s2 =	rddreg [dreg:$0x3]  }
0x16: {  	[tilespmem:s3], [sflag:$0x9] =	stream.linear.gather [hbm4b:s2+s3], $0x4000, $0x38;
	[tilespmem:$0x19E00] =	vst v63  }
0x17: {  	_ =	swait.ge [sflag:s23], $0x4000  }
0x18: {  	[sflag:s23] =	ssyncset.done $0x0  }
0x19: {  	s7 =	simm.s32 $0x4000;
	s9 =	rddreg [dreg:$0x4];
	[sflag:s23] =	ssyncadd.s32 $0xFFFFC000  }
0x1a: {  	[tilespmem:s7], [sflag:$0x9] =	stream.linear.gather [hbm4b:s9+s3], $0x4000, $0x38;
	[tilespmem:$0x19E00] =	vst v63  }
0x1b: {  	_ =	swait.ge [sflag:s23], $0x4000  }
0x1c: {  	[sflag:s23] =	ssyncset.done $0x0  }
0x1d: {  	[sflag:s23] =	ssyncadd.s32 $0xFFFFC000  }
0x1e: {  	[tilespmem:s14], [sflag:$0x1] =	stream.indirect.gather [hbm4b:s4+s6], $0x40, s3, s6, $0xb8;
	[tilespmem:$0x19E00] =	vst v63  }
0x1f: {  	s10 =	rddreg [dreg:$0x5]  }
0x20: {  	[tilespmem:s15], [sflag:$0x2] =	stream.indirect.gather [hbm4b:s4+s6], $0x40, s6, s6, $0xb8;
	[tilespmem:$0x19E00] =	vst v63  }
0x21: {  	[spmem:s17], [sflag:s16] =	dma.local [hbm:s10], $0x13C0  }
0x22: {  	_ =	swait.ge [sflag:s23], $0x13C0  }
0x23: {  	[sflag:s23] =	ssyncset.done $0x0  }
0x24: {  	[sflag:s23] =	ssyncadd.s32 $0xFFFFEC40  }
0x25: {  	[bflag:$0x0] =	sbarrier.arrive $0xFFFF  }
0x26: {  	_ =	swait.ge [sflag:s18], $0x2000  }
0x27: {  	[sflag:s18] =	ssyncset.done $0x0  }
0x28: {  	[sflag:s18] =	ssyncadd.s32 $0xFFFFE000  }
0x29: {  	[spmem:s1] =	stream.indirect.scatter.add.f32 [tilespmem:s14], [sflag:$0x5], $0x40, s7, s6, $0xb8;
	[tilespmem:$0x19E00] =	vst v63  }
0x2a: {  	s13 =	simm.s32 $0x100  }
0x2b: {  	[tilespmem:s20], [sflag:$0x3] =	stream.indirect.gather [hbm4b:s4+s6], $0x40, s13, s6, $0xb8;
	[tilespmem:$0x19E00] =	vst v63  }
0x2c: {  	_ =	swait.ge [sflag:s21], $0x2000  }
0x2d: {  	[sflag:s21] =	ssyncset.done $0x0  }
0x2e: {  	s7 =	simm.s32 $0x4080;
	[sflag:s21] =	ssyncadd.s32 $0xFFFFE000  }
0x2f: {  	[spmem:s1] =	stream.indirect.scatter.add.f32 [tilespmem:s15], [sflag:$0x6], $0x40, s7, s6, $0xb8;
	[tilespmem:$0x19E00] =	vst v63  }
0x30: {  	s8 =	simm.s32 $0x180  }
0x31: {  	[tilespmem:s24], [sflag:$0x4] =	stream.indirect.gather [hbm4b:s4+s6], $0x40, s8, s6, $0xb8;
	[tilespmem:$0x19E00] =	vst v63  }
0x32: {  	_ =	swait.ge [sflag:s25], $0x2000  }
0x33: {  	[sflag:s25] =	ssyncset.done $0x0  }
0x34: {  	s9 =	simm.s32 $0x4100;
	[sflag:s25] =	ssyncadd.s32 $0xFFFFE000  }
0x35: {  	[spmem:s1] =	stream.indirect.scatter.add.f32 [tilespmem:s20], [sflag:$0x7], $0x40, s9, s6, $0xb8;
	[tilespmem:$0x19E00] =	vst v63  }
0x36: {  	_ =	swait.ge [sflag:s28], $0x2000  }
0x37: {  	[sflag:s28] =	ssyncset.done $0x0  }
0x38: {  	s10 =	simm.s32 $0x200;
	[sflag:s28] =	ssyncadd.s32 $0xFFFFE000  }
0x39: {  	[tilespmem:s14], [sflag:$0x1] =	stream.indirect.gather [hbm4b:s4+s6], $0x40, s10, s6, $0xb8;
	[tilespmem:$0x19E00] =	vst v63  }
0x3a: {  	_ =	swait.ge [sflag:s30], $0x2000  }
0x3b: {  	[sflag:s30] =	ssyncset.done $0x0  }
0x3c: {  	s13 =	simm.s32 $0x4180;
	[sflag:s30] =	ssyncadd.s32 $0xFFFFE000  }
0x3d: {  	[spmem:s1] =	stream.indirect.scatter.add.f32 [tilespmem:s24], [sflag:$0x8], $0x40, s13, s6, $0xb8;
	[tilespmem:$0x19E00] =	vst v63  }
0x3e: {  	_ =	swait.ge [sflag:s0], $0x2000  }
0x3f: {  	[sflag:s0] =	ssyncset.done $0x0  }
0x40: {  	s7 =	simm.s32 $0x280;
	[sflag:s0] =	ssyncadd.s32 $0xFFFFE000  }
0x41: {  	[tilespmem:s15], [sflag:$0x2] =	stream.indirect.gather [hbm4b:s4+s6], $0x40, s7, s6, $0xb8;
	[tilespmem:$0x19E00] =	vst v63  }
0x42: {  	_ =	swait.ge [sflag:s18], $0x2000  }
0x43: {  	p0 =	sle.u32 s5, $0x6;
	[sflag:s18] =	ssyncset.done $0x0  }
0x44: {  	s8 =	simm.s32 $0x4200;
	s7 =	simm.s32 @!p0 $0x7;
	[sflag:s18] =	ssyncadd.s32 $0xFFFFE000  }
0x45: {  	[spmem:s1] =	stream.indirect.scatter.add.f32 [tilespmem:s14], [sflag:$0x5], $0x40, s8, s6, $0xb8;
	[tilespmem:$0x19E00] =	vst v63  }
0x46: {  	_ =	swait.ge @!p0 [sflag:s7], $0x2000  }
0x47: {  	s2 =	simm.s32 @!p0 $0x300;
	[sflag:s7] =	ssyncset.done @!p0 $0x0  }
0x48: {  	s9 =	simm.s32 @!p0 $0xC000;
	s8 =	simm.s32 @!p0 $0x80;
	[sflag:s7] =	ssyncadd.s32 @!p0 $0xFFFFE000  }
0x49: {  	[tilespmem:s9], [sflag:$0x3] =	stream.indirect.gather @!p0 [hbm4b:s4+s8], $0x40, s2, s8, $0xb8;
	[tilespmem:$0x19E00] =	vst v63  }
0x4a: {  	_ =	swait.ge [sflag:s21], $0x2000  }
0x4b: {  	p0 =	sle.u32 s5, $0x7;
	[sflag:s21] =	ssyncset.done $0x0  }
0x4c: {  	s9 =	simm.s32 $0x4280;
	s7 =	simm.s32 @!p0 $0x8;
	[sflag:s21] =	ssyncadd.s32 $0xFFFFE000  }
0x4d: {  	[spmem:s1] =	stream.indirect.scatter.add.f32 [tilespmem:s15], [sflag:$0x6], $0x40, s9, s6, $0xb8;
	[tilespmem:$0x19E00] =	vst v63  }
0x4e: {  	_ =	swait.ge @!p0 [sflag:s7], $0x2000  }
0x4f: {  	s2 =	simm.s32 @!p0 $0x380;
	[sflag:s7] =	ssyncset.done @!p0 $0x0  }
0x50: {  	s8 =	simm.s32 @!p0 $0x80;
	s9 =	simm.s32 @!p0 $0xE000;
	[sflag:s7] =	ssyncadd.s32 @!p0 $0xFFFFE000  }
0x51: {  	[tilespmem:s9], [sflag:$0x4] =	stream.indirect.gather @!p0 [hbm4b:s4+s8], $0x40, s2, s8, $0xb8;
	[tilespmem:$0x19E00] =	vst v63  }
0x52: {  	_ =	swait.ge [sflag:s25], $0x2000  }
0x53: {  	p0 =	sle.u32 s5, $0x8;
	[sflag:s25] =	ssyncset.done $0x0  }
0x54: {  	s10 =	simm.s32 $0x4300;
	s7 =	simm.s32 @!p0 $0x5;
	[sflag:s25] =	ssyncadd.s32 $0xFFFFE000  }
0x55: {  	[spmem:s1] =	stream.indirect.scatter.add.f32 [tilespmem:s20], [sflag:$0x7], $0x40, s10, s6, $0xb8;
	[tilespmem:$0x19E00] =	vst v63  }
0x56: {  	_ =	swait.ge @!p0 [sflag:s7], $0x2000  }
0x57: {  	s29 =	sadd.s32 $0xFFFFFFFF, s12;
	s2 =	simm.s32 @!p0 $0x400;
	[sflag:s7] =	ssyncset.done @!p0 $0x0  }
0x58: {  	s8 =	simm.s32 @!p0 $0x80;
	s9 =	simm.s32 @!p0 $0x8000;
	[sflag:s7] =	ssyncadd.s32 @!p0 $0xFFFFE000  }
0x59: {  	[tilespmem:s9], [sflag:$0x1] =	stream.indirect.gather @!p0 [hbm4b:s4+s8], $0x40, s2, s8, $0xb8;
	[tilespmem:$0x19E00] =	vst v63  }
0x5a: {  	p1 =	sle.u32 s5, $0x9;
	p0 =	sne.s32 s29, $0x0;
	_ =	swait.ge [sflag:s30], $0x2000  }
.Ltmp0:
0x5b: {  	s31 =	simm.s32 $0xD;
	[sflag:s30] =	ssyncset.done $0x0;
	(pc) =	sbr.rel @!p0 .LBB2_3-.Ltmp0, $4  }
0x5c: {  	s13 =	simm.s32 $0x4380;
	s7 =	simm.s32 @!p1 $0x6;
	[sflag:s30] =	ssyncadd.s32 $0xFFFFE000  }
0x5d: {  	[spmem:s1] =	stream.indirect.scatter.add.f32 [tilespmem:s24], [sflag:$0x8], $0x40, s13, s6, $0xb8;
	[tilespmem:$0x19E00] =	vst v63  }
0x5e: {  	s8 =	simm.s32 @!p1 $0x480;
	s9 =	simm.s32 @!p1 $0x80;
	_ =	swait.ge @!p1 [sflag:s7], $0x2000  }
0x5f: {  	s2 =	simm.s32 $0x0;
	s13 =	simm.s32 @!p1 $0xA000;
	[sflag:s7] =	ssyncset.done @!p1 $0x0  }
.LBB2_2:
0x60: {  	s29 =	sadd.s32 $0xFFFFFFFF, s29;
	[sflag:s7] =	ssyncadd.s32 @!p1 $0xFFFFE000;
	s2 =	sadd.s32 $0x800, s2  }
0x61: {  	[tilespmem:s13], [sflag:$0x2] =	stream.indirect.gather @!p1 [hbm4b:s4+s9], $0x40, s8, s9, $0xb8;
	[tilespmem:$0x19E00] =	vst v63  }
0x62: {  	s7 =	sshra.s32 s2, $0x2;
	s8 =	sadd.s32 $0xFFFFFFFD, s31;
	_ =	swait.ge [sflag:s18], $0x2000  }
0x63: {  	s9 =	sadd.s32 $0x4200, s7;
	p1 =	sge.u32 s8, s5;
	[sflag:s18] =	ssyncset.done $0x0  }
0x64: {  	s8 =	simm.s32 @!p1 $0x7;
	s13 =	sshra.s32 @!p1 s2, $0x2;
	[sflag:s18] =	ssyncadd.s32 $0xFFFFE000  }
0x65: {  	[spmem:s1] =	stream.indirect.scatter.add.f32 [tilespmem:s14], [sflag:$0x5], $0x40, s9, s6, $0xb8;
	[tilespmem:$0x19E00] =	vst v63  }
0x66: {  	p0 =	sne.s32 s29, $0x0;
	s9 =	sadd.s32 @!p1 $0x300, s13;
	_ =	swait.ge @!p1 [sflag:s8], $0x2000  }
0x67: {  	s10 =	simm.s32 @!p1 $0xC000;
	s13 =	simm.s32 @!p1 $0x80;
	[sflag:s8] =	ssyncset.done @!p1 $0x0  }
0x68: {  	[sflag:s8] =	ssyncadd.s32 @!p1 $0xFFFFE000  }
0x69: {  	[tilespmem:s10], [sflag:$0x3] =	stream.indirect.gather @!p1 [hbm4b:s4+s13], $0x40, s9, s13, $0xb8;
	[tilespmem:$0x19E00] =	vst v63  }
0x6a: {  	s8 =	sadd.s32 $0xFFFFFFFE, s31;
	_ =	swait.ge [sflag:s21], $0x2000  }
0x6b: {  	s9 =	sadd.s32 $0x4280, s7;
	p1 =	sge.u32 s8, s5;
	[sflag:s21] =	ssyncset.done $0x0  }
0x6c: {  	s8 =	simm.s32 @!p1 $0x8;
	s10 =	sshra.s32 @!p1 s2, $0x2;
	[sflag:s21] =	ssyncadd.s32 $0xFFFFE000  }
0x6d: {  	[spmem:s1] =	stream.indirect.scatter.add.f32 [tilespmem:s15], [sflag:$0x6], $0x40, s9, s6, $0xb8;
	[tilespmem:$0x19E00] =	vst v63  }
0x6e: {  	s9 =	sadd.s32 @!p1 $0x380, s10;
	_ =	swait.ge @!p1 [sflag:s8], $0x2000  }
0x6f: {  	s13 =	simm.s32 @!p1 $0xE000;
	s10 =	simm.s32 @!p1 $0x80;
	[sflag:s8] =	ssyncset.done @!p1 $0x0  }
0x70: {  	[sflag:s8] =	ssyncadd.s32 @!p1 $0xFFFFE000  }
0x71: {  	[tilespmem:s13], [sflag:$0x4] =	stream.indirect.gather @!p1 [hbm4b:s4+s10], $0x40, s9, s10, $0xb8;
	[tilespmem:$0x19E00] =	vst v63  }
0x72: {  	s8 =	sadd.s32 $0xFFFFFFFF, s31;
	_ =	swait.ge [sflag:s25], $0x2000  }
0x73: {  	s9 =	sadd.s32 $0x4300, s7;
	p1 =	sge.u32 s8, s5;
	[sflag:s25] =	ssyncset.done $0x0  }
0x74: {  	s8 =	simm.s32 @!p1 $0x5;
	s10 =	sshra.s32 @!p1 s2, $0x2;
	[sflag:s25] =	ssyncadd.s32 $0xFFFFE000  }
0x75: {  	[spmem:s1] =	stream.indirect.scatter.add.f32 [tilespmem:s20], [sflag:$0x7], $0x40, s9, s6, $0xb8;
	[tilespmem:$0x19E00] =	vst v63  }
0x76: {  	s9 =	sadd.s32 @!p1 $0x400, s10;
	_ =	swait.ge @!p1 [sflag:s8], $0x2000  }
0x77: {  	s13 =	simm.s32 @!p1 $0x8000;
	s10 =	simm.s32 @!p1 $0x80;
	[sflag:s8] =	ssyncset.done @!p1 $0x0  }
0x78: {  	[sflag:s8] =	ssyncadd.s32 @!p1 $0xFFFFE000  }
0x79: {  	[tilespmem:s13], [sflag:$0x1] =	stream.indirect.gather @!p1 [hbm4b:s4+s10], $0x40, s9, s10, $0xb8;
	[tilespmem:$0x19E00] =	vst v63  }
0x7a: {  	p1 =	sge.u32 s31, s5;
	_ =	swait.ge [sflag:s30], $0x2000  }
.Ltmp1:
0x7b: {  	s8 =	sadd.s32 $0x4380, s7;
	[sflag:s30] =	ssyncset.done $0x0;
	(pc) =	sbr.rel @p0 .LBB2_2-.Ltmp1, $4  }
0x7c: {  	s7 =	simm.s32 @!p1 $0x6;
	s9 =	sshra.s32 @!p1 s2, $0x2;
	[sflag:s30] =	ssyncadd.s32 $0xFFFFE000  }
0x7d: {  	[spmem:s1] =	stream.indirect.scatter.add.f32 [tilespmem:s24], [sflag:$0x8], $0x40, s8, s6, $0xb8;
	[tilespmem:$0x19E00] =	vst v63  }
0x7e: {  	s31 =	sadd.s32 $0x4, s31;
	s8 =	sadd.s32 @!p1 $0x480, s9;
	_ =	swait.ge @!p1 [sflag:s7], $0x2000  }
0x7f: {  	s13 =	simm.s32 @!p1 $0xA000;
	s9 =	simm.s32 @!p1 $0x80;
	[sflag:s7] =	ssyncset.done @!p1 $0x0  }
.LBB2_3:
0x80: {  	[sflag:s7] =	ssyncadd.s32 @!p1 $0xFFFFE000  }
0x81: {  	[tilespmem:s13], [sflag:$0x2] =	stream.indirect.gather @!p1 [hbm4b:s4+s9], $0x40, s8, s9, $0xb8;
	[tilespmem:$0x19E00] =	vst v63  }
0x82: {  	_ =	swait.ge [sflag:s28], $0x2000  }
0x83: {  	[sflag:s28] =	ssyncset.done $0x0  }
0x84: {  	[sflag:s28] =	ssyncadd.s32 $0xFFFFE000  }
0x85: {  	_ =	swait.ge [sflag:s0], $0x2000  }
0x86: {  	[sflag:s0] =	ssyncset.done $0x0  }
0x87: {  	[sflag:s0] =	ssyncadd.s32 $0xFFFFE000  }
0x88: {  	_ =	swait.ge [sflag:s19], $0x2000  }
0x89: {  	[sflag:s19] =	ssyncset.done $0x0  }
0x8a: {  	[sflag:s19] =	ssyncadd.s32 $0xFFFFE000  }
0x8b: {  	_ =	swait.ge [sflag:s22], $0x2000  }
0x8c: {  	[sflag:s22] =	ssyncset.done $0x0  }
0x8d: {  	s26 =	sadd.s32 $0x1, s26;
	[sflag:s22] =	ssyncadd.s32 $0xFFFFE000  }
0x8e: {  	p0 =	sne.s32 s26, s11;
	[bflag:$0x0] =	sbarrier.arrive $0xFFFF  }
.Ltmp2:
0x8f: {  	s2 =	rddreg [dreg:$0x6];
	(pc) =	sbr.rel @p0 .LBB2_1-.Ltmp2, $4  }
0x90: {  	[hbm:s2], [sflag:s16] =	dma.local [spmem:s17], $0x13C0  }
0x91: {  	_ =	swait.ge [sflag:s23], $0x13C0  }
0x92: {  	[sflag:s23] =	ssyncset.done $0x0  }
0x93: {  	[sflag:s23] =	ssyncadd.s32 $0xFFFFEC40  }
0x94: {  	_ =	sfence.sel $0x180000  }
0x95: {  	[bflag:$0x0] =	sbarrier.arrive $0xFFFF  }
0x96: {  	_ =	strace $0x90000050  }
0x97: {  	s0 =	stileid.u32;
	[bflag:$0x2] =	sbarrier.arrive $0xFFFF  }
0x98: {  	p0 =	sne.s32 s0, $0x0;
	s0 =	rddreg [dreg:$0x2]  }
0x99: {  	s0 =	sadd.s32 @!p0 $0x100000, s0  }
0x9a: {  	[sflag:s0] =	ssyncadd.tile.s32 @!p0 $0x1;
	_ =	shalt  }
.Lfunc_end2:
_tile_overlayer_lowered:
.L_overlay_start_2:
0x9b: {  	(tag) =	ssettag $0x2  }
0x9c: {  	s0 =	rddreg [dreg:$0x0];
	s2 =	stileid.u32  }
0x9d: {  	s1 =	rddreg [dreg:$0x1];
	p0 =	sne.s32 s2, $0x0  }
0x9e: {  	s3 =	rddreg [dreg:$0x2];
	[bflag:$0x3] =	sbarrier.arrive $0xFFFF;
	s2 =	simm.s32 @!p0 $0x1C09  }
0x9f: {  	[timem:s3], [sflag:s2] =	dma.local @!p0 [hbm:s0], s1  }
0xa0: {  	s0 =	simm.s32 @!p0 $0x9  }
0xa1: {  	_ =	swait.ge @!p0 [sflag:s0], s1  }
0xa2: {  	s1 =	ssub.s32 @!p0 $0x0, s1;
	[sflag:s0] =	ssyncset.done @!p0 $0x0  }
0xa3: {  	[sflag:s0] =	ssyncadd.s32 @!p0 s1  }
0xa4: {  	[bflag:$0x3] =	sbarrier.arrive $0xFFFF  }
0xa5: {  	_ =	shalt  }

</sc_bundles>
